<compile_context>
chip_gen: v7x
topology: tpu7x:2x2x1
jax: 0.10.2.dev20260603
libtpu: 0.0.44.dev20260713+nightly
codegen_flags: <defaults>
</compile_context>

<pallas_src>
import functools

import jax
import jax.numpy as jnp
from jax import lax
from jax.experimental import pallas as pl
from jax.experimental.pallas import tpu as pltpu
from jax.experimental.pallas import tpu_sc as plsc

B = 100000
V = 87
D = 256
C = 80
NC = 2
NS = 16
NW = NC * NS
NCHUNKS = B // C
NLOC = 40
BPAD = NW * NLOC * C

LANES = 16
COLB = D // LANES
GPC = C // LANES
NBUF = 4


TSLICE = V * D // NS


def _body(at_no_hbm, table_hbm, out_hbm, table_sh, table_v, idx_v, rows_v,
          base_sm, sem_i, sem_s):
    c = lax.axis_index("c")
    s = lax.axis_index("s")
    wid = s * NC + c
    chunk0 = 39 * wid + jnp.minimum(wid, 2)
    nloc = jnp.where(wid < 2, NLOC, NLOC - 1)
    aligned0 = (chunk0 // 8) * 8
    off = chunk0 - aligned0

    h_idx = pltpu.async_copy(at_no_hbm.at[pl.ds(aligned0, NLOC + 8)], idx_v, sem_i)
    pltpu.sync_copy(
        table_hbm.at[pl.ds(s * TSLICE, TSLICE)],
        table_v.at[pl.ds(s * TSLICE, TSLICE)],
    )
    pltpu.sync_copy(
        table_v.at[pl.ds(s * TSLICE, TSLICE)],
        table_sh.at[pl.ds(s * TSLICE, TSLICE)],
    )
    plsc.subcore_barrier()
    pltpu.sync_copy(table_sh, table_v)
    h_idx.wait()

    def construct_chunk(j, b):
        for q in range(GPC):
            vec = idx_v[off + j, pl.ds(q * LANES, LANES)] * D
            for r in range(LANES):
                base_sm[q * LANES + r] = vec[r]

        @plsc.parallel_loop(0, C, unroll=8)
        def _(i):
            base = base_sm[i]
            for k in range(COLB):
                rows_v[b, i, pl.ds(k * LANES, LANES)] = table_v[
                    pl.ds(base + k * LANES, LANES)
                ]

    def group(g, carry):
        for b in range(NBUF):
            j = g * NBUF + b
            cid = chunk0 + j

            @pl.when(j < nloc)
            def _():
                @pl.when(g > 0)
                def _():
                    pltpu.make_async_copy(
                        rows_v.at[b], out_hbm.at[pl.ds(0, C)], sem_s.at[b]
                    ).wait()

                construct_chunk(j, b)
                pltpu.async_copy(
                    rows_v.at[b], out_hbm.at[pl.ds(cid * C, C)], sem_s.at[b]
                )
        return carry

    lax.fori_loop(0, NLOC // NBUF, group, 0)

    for b in range(NBUF):
        pltpu.make_async_copy(
            rows_v.at[b], out_hbm.at[pl.ds(0, C)], sem_s.at[b]
        ).wait()


def kernel(at_no, embed_ten):
    at_no_p = jnp.concatenate(
        [at_no, jnp.zeros((BPAD - B,), dtype=at_no.dtype)]
    ).reshape(NW * NLOC, C)
    mesh = plsc.VectorSubcoreMesh(core_axis_name="c", subcore_axis_name="s")
    k = functools.partial(
        pl.kernel,
        mesh=mesh,
        compiler_params=pltpu.CompilerParams(needs_layout_passes=False),
        out_type=jax.ShapeDtypeStruct((B, D), jnp.float32),
        scratch_types=[
            pltpu.VMEM_SHARED((V * D,), jnp.float32),
            pltpu.VMEM((V * D,), jnp.float32),
            pltpu.VMEM((NLOC + 8, C), jnp.int32),
            pltpu.VMEM((NBUF, C, D), jnp.float32),
            pltpu.SMEM((C,), jnp.int32),
            pltpu.SemaphoreType.DMA,
            pltpu.SemaphoreType.DMA((NBUF,)),
        ],
    )(_body)
    return k(at_no_p, embed_ten.reshape(V * D))

# --- scband reference (transcript-rebuilt; emitter-appended) ---
"""Pipeline reference for scband-int2c1e-embedding-25108378812471 (READ-ONLY COPY).

The authoritative reference and input builder live on the scoring server;
editing this copy changes nothing except your own understanding.
"""

import jax, jax.numpy as jnp
import numpy as np

NUM_ELEMENTS = 87   # elements supported by gfn2-xtb basis (H..Rn)
EMBED_DIM = 256     # dim produced by get_embedding_tensor('gfn2-xtb', 'aux28')
N_ATOMS = 100000


def setup_inputs(seed: int = 0) -> dict:
    key = jax.random.key(seed)
    k_idx, k_tab = jax.random.split(key)
    at_no = jax.random.randint(k_idx, (N_ATOMS,), 0, NUM_ELEMENTS, dtype=jnp.int64 if jax.config.read('jax_enable_x64') else jnp.int32)
    at_no = at_no.astype(jnp.int32)
    # embed_ten is a fixed (registered buffer) precomputed 2-center-1-electron
    # integral table; emulate it with a random tensor of the right shape.
    embed_ten = jax.random.normal(k_tab, (NUM_ELEMENTS, EMBED_DIM), dtype=jnp.float32)
    return {"at_no": at_no, "embed_ten": embed_ten}


def reference(at_no, embed_ten):
    # forward: return self.embed_ten[at_no]
    return jnp.take(embed_ten, at_no, axis=0)

if __name__ == "__main__":
    import jax
    _d = setup_inputs()
    print(jax.jit(kernel)(*tuple(_d.values())))

</pallas_src>

<mosaic_0001>
#map = affine_map<(d0, d1) -> (0, 0)>
#map1 = affine_map<(d0, d1) -> (0)>
module attributes {stable_mosaic.version = 14 : i64} {
  func.func @_body(%arg0: i32, %arg1: i32, %arg2: memref<1280x80xi32, #tpu.memory_space<hbm>>, %arg3: memref<22272xf32, #tpu.memory_space<hbm>>, %arg4: memref<100000x256xf32, #tpu.memory_space<hbm>>, %arg5: memref<22272xf32, #tpu.memory_space<vmem_shared>>, %arg6: memref<22272xf32, #tpu.memory_space<vmem>>, %arg7: memref<48x80xi32, #tpu.memory_space<vmem>>, %arg8: memref<4x80x256xf32, #tpu.memory_space<vmem>>, %arg9: memref<80xi32, #tpu.memory_space<smem>>, %arg10: memref<!tpu.dma_semaphore, #tpu.memory_space<semaphore_mem>>, %arg11: memref<4x!tpu.dma_semaphore, #tpu.memory_space<semaphore_mem>>) attributes {dimension_semantics = [#tpu.dimension_semantics<core_parallel>, #tpu.dimension_semantics<subcore_parallel>], iteration_bounds = array<i64: 2, 16>, scalar_prefetch = 0 : i64, scratch_operands = 7 : i64, tpu.core_type = #tpu.core_type<sc_vector_subcore>, window_params = [{transform_indices = #map}, {transform_indices = #map1}, {transform_indices = #map}]} {
    %mul3A = arith.constant 2 : i32
    %mul3A_0 = arith.muli %arg1, %mul3A : i32
    %add3A = arith.addi %mul3A_0, %arg0 : i32
    %mul3A_1 = arith.constant 39 : i32
    %mul3A_2 = arith.muli %mul3A_1, %add3A : i32
    %min3A = arith.constant 2 : i32
    %min3A_3 = arith.minsi %add3A, %min3A : i32
    %add3A_4 = arith.addi %mul3A_2, %min3A_3 : i32
    %lt3A = arith.constant 2 : i32
    %lt3A_5 = arith.cmpi slt, %add3A, %lt3A : i32
    %jit3A = arith.constant 40 : i32
    %jit3A_6 = arith.constant 39 : i32
    %select_n3A = arith.select %lt3A_5, %jit3A, %jit3A_6 : i32
    %jit3A_7 = arith.constant 8 : i32
    %div3A = arith.divsi %add3A_4, %jit3A_7 : i32
    %sign3A = arith.constant 0 : i32
    %sign3A_8 = arith.cmpi sgt, %add3A_4, %sign3A : i32
    %sign3A_9 = arith.extui %sign3A_8 : i1 to i32
    %sign3A_10 = arith.constant 0 : i32
    %sign3A_11 = arith.cmpi slt, %add3A_4, %sign3A_10 : i32
    %sign3A_12 = arith.extui %sign3A_11 : i1 to i32
    %sign3A_13 = arith.subi %sign3A_9, %sign3A_12 : i32
    %sign3A_14 = arith.constant 0 : i32
    %sign3A_15 = arith.cmpi sgt, %jit3A_7, %sign3A_14 : i32
    %sign3A_16 = arith.extui %sign3A_15 : i1 to i32
    %sign3A_17 = arith.constant 0 : i32
    %sign3A_18 = arith.cmpi slt, %jit3A_7, %sign3A_17 : i32
    %sign3A_19 = arith.extui %sign3A_18 : i1 to i32
    %sign3A_20 = arith.subi %sign3A_16, %sign3A_19 : i32
    %ne3A = arith.cmpi ne, %sign3A_13, %sign3A_20 : i32
    %rem3A = arith.remsi %add3A_4, %jit3A_7 : i32
    %ne3A_21 = arith.constant 0 : i32
    %ne3A_22 = arith.cmpi ne, %rem3A, %ne3A_21 : i32
    %and3A = arith.andi %ne3A, %ne3A_22 : i1
    %sub3A = arith.constant 1 : i32
    %sub3A_23 = arith.subi %div3A, %sub3A : i32
    %select_n3A_24 = arith.select %and3A, %sub3A_23, %div3A : i32
    %mul3A_25 = arith.constant 8 : i32
    %mul3A_26 = arith.muli %select_n3A_24, %mul3A_25 : i32
    %sub3A_27 = arith.subi %add3A_4, %mul3A_26 : i32
    %dma_start3A = arith.constant 0 : i32
    %dma_start3A_28 = tpu.memref_slice %arg2[%mul3A_26, %dma_start3A] : memref<1280x80xi32, #tpu.memory_space<hbm>> -> memref<48x80xi32, #tpu.memory_space<hbm>>
    %dma_start3A_29 = arith.constant 0 : i32
    %dma_start3A_30 = tpu.memref_slice %arg2[%mul3A_26, %dma_start3A_29] : memref<1280x80xi32, #tpu.memory_space<hbm>> -> memref<48x80xi32, #tpu.memory_space<hbm>>
    tpu.enqueue_dma source(%dma_start3A_30 : memref<48x80xi32, #tpu.memory_space<hbm>>) target(%arg7 : memref<48x80xi32, #tpu.memory_space<vmem>>) target_semaphore(%arg10 : memref<!tpu.dma_semaphore, #tpu.memory_space<semaphore_mem>>)
    %mul3A_31 = arith.constant 1392 : i32
    %mul3A_32 = arith.muli %arg1, %mul3A_31 : i32
    %mul3A_33 = arith.constant 1392 : i32
    %mul3A_34 = arith.muli %arg1, %mul3A_33 : i32
    "tpu.region"() ({
      %run_scoped3A = tpu.sem_alloc : memref<!tpu.dma_semaphore, #tpu.memory_space<semaphore_mem>>
      %dma_start3A_119 = tpu.memref_slice %arg6[%mul3A_34] : memref<22272xf32, #tpu.memory_space<vmem>> -> memref<1392xf32, #tpu.memory_space<vmem>>
      %dma_start3A_120 = tpu.memref_slice %arg3[%mul3A_32] : memref<22272xf32, #tpu.memory_space<hbm>> -> memref<1392xf32, #tpu.memory_space<hbm>>
      %dma_start3A_121 = tpu.memref_slice %arg6[%mul3A_34] : memref<22272xf32, #tpu.memory_space<vmem>> -> memref<1392xf32, #tpu.memory_space<vmem>>
      %dma_start3A_122 = tpu.memref_slice %arg3[%mul3A_32] : memref<22272xf32, #tpu.memory_space<hbm>> -> memref<1392xf32, #tpu.memory_space<hbm>>
      tpu.enqueue_dma source(%dma_start3A_122 : memref<1392xf32, #tpu.memory_space<hbm>>) target(%dma_start3A_121 : memref<1392xf32, #tpu.memory_space<vmem>>) target_semaphore(%run_scoped3A : memref<!tpu.dma_semaphore, #tpu.memory_space<semaphore_mem>>)
      %dma_wait3A_123 = tpu.memref_slice %arg6[%mul3A_34] : memref<22272xf32, #tpu.memory_space<vmem>> -> memref<1392xf32, #tpu.memory_space<vmem>>
      %dma_wait3A_124 = tpu.memref_slice %arg3[%mul3A_32] : memref<22272xf32, #tpu.memory_space<hbm>> -> memref<1392xf32, #tpu.memory_space<hbm>>
      %dma_wait3A_125 = tpu.memref_slice %arg6[%mul3A_34] : memref<22272xf32, #tpu.memory_space<vmem>> -> memref<1392xf32, #tpu.memory_space<vmem>>
      %dma_wait3A_126 = tpu.memref_slice %arg3[%mul3A_32] : memref<22272xf32, #tpu.memory_space<hbm>> -> memref<1392xf32, #tpu.memory_space<hbm>>
      tpu.wait_dma2 semaphore(%run_scoped3A : memref<!tpu.dma_semaphore, #tpu.memory_space<semaphore_mem>>) src(%dma_wait3A_126 : memref<1392xf32, #tpu.memory_space<hbm>>) dst(%dma_wait3A_125 : memref<1392xf32, #tpu.memory_space<vmem>>)
      tpu.yield
    }) : () -> ()
    %mul3A_35 = arith.constant 1392 : i32
    %mul3A_36 = arith.muli %arg1, %mul3A_35 : i32
    %mul3A_37 = arith.constant 1392 : i32
    %mul3A_38 = arith.muli %arg1, %mul3A_37 : i32
    "tpu.region"() ({
      %run_scoped3A = tpu.sem_alloc : memref<!tpu.dma_semaphore, #tpu.memory_space<semaphore_mem>>
      %dma_start3A_119 = tpu.memref_slice %arg6[%mul3A_36] : memref<22272xf32, #tpu.memory_space<vmem>> -> memref<1392xf32, #tpu.memory_space<vmem>>
      %dma_start3A_120 = tpu.memref_slice %arg5[%mul3A_38] : memref<22272xf32, #tpu.memory_space<vmem_shared>> -> memref<1392xf32, #tpu.memory_space<vmem_shared>>
      %dma_start3A_121 = tpu.memref_slice %arg5[%mul3A_38] : memref<22272xf32, #tpu.memory_space<vmem_shared>> -> memref<1392xf32, #tpu.memory_space<vmem_shared>>
      %dma_start3A_122 = tpu.memref_slice %arg6[%mul3A_36] : memref<22272xf32, #tpu.memory_space<vmem>> -> memref<1392xf32, #tpu.memory_space<vmem>>
      tpu.enqueue_dma source(%dma_start3A_122 : memref<1392xf32, #tpu.memory_space<vmem>>) target(%dma_start3A_121 : memref<1392xf32, #tpu.memory_space<vmem_shared>>) target_semaphore(%run_scoped3A : memref<!tpu.dma_semaphore, #tpu.memory_space<semaphore_mem>>)
      %dma_wait3A_123 = tpu.memref_slice %arg6[%mul3A_36] : memref<22272xf32, #tpu.memory_space<vmem>> -> memref<1392xf32, #tpu.memory_space<vmem>>
      %dma_wait3A_124 = tpu.memref_slice %arg5[%mul3A_38] : memref<22272xf32, #tpu.memory_space<vmem_shared>> -> memref<1392xf32, #tpu.memory_space<vmem_shared>>
      %dma_wait3A_125 = tpu.memref_slice %arg5[%mul3A_38] : memref<22272xf32, #tpu.memory_space<vmem_shared>> -> memref<1392xf32, #tpu.memory_space<vmem_shared>>
      %dma_wait3A_126 = tpu.memref_slice %arg6[%mul3A_36] : memref<22272xf32, #tpu.memory_space<vmem>> -> memref<1392xf32, #tpu.memory_space<vmem>>
      tpu.wait_dma2 semaphore(%run_scoped3A : memref<!tpu.dma_semaphore, #tpu.memory_space<semaphore_mem>>) src(%dma_wait3A_126 : memref<1392xf32, #tpu.memory_space<vmem>>) dst(%dma_wait3A_125 : memref<1392xf32, #tpu.memory_space<vmem_shared>>)
      tpu.yield
    }) : () -> ()
    %barrier3A = arith.constant 0 : index
    tpu.barrier barrier_id(%barrier3A)
    "tpu.region"() ({
      %run_scoped3A = tpu.sem_alloc : memref<!tpu.dma_semaphore, #tpu.memory_space<semaphore_mem>>
      tpu.enqueue_dma source(%arg5 : memref<22272xf32, #tpu.memory_space<vmem_shared>>) target(%arg6 : memref<22272xf32, #tpu.memory_space<vmem>>) target_semaphore(%run_scoped3A : memref<!tpu.dma_semaphore, #tpu.memory_space<semaphore_mem>>)
      tpu.wait_dma2 semaphore(%run_scoped3A : memref<!tpu.dma_semaphore, #tpu.memory_space<semaphore_mem>>) src(%arg5 : memref<22272xf32, #tpu.memory_space<vmem_shared>>) dst(%arg6 : memref<22272xf32, #tpu.memory_space<vmem>>)
      tpu.yield
    }) : () -> ()
    %dma_wait3A = arith.constant 0 : i32
    %dma_wait3A_39 = tpu.memref_slice %arg2[%mul3A_26, %dma_wait3A] : memref<1280x80xi32, #tpu.memory_space<hbm>> -> memref<48x80xi32, #tpu.memory_space<hbm>>
    %dma_wait3A_40 = arith.constant 0 : i32
    %dma_wait3A_41 = tpu.memref_slice %arg2[%mul3A_26, %dma_wait3A_40] : memref<1280x80xi32, #tpu.memory_space<hbm>> -> memref<48x80xi32, #tpu.memory_space<hbm>>
    tpu.wait_dma2 semaphore(%arg10 : memref<!tpu.dma_semaphore, #tpu.memory_space<semaphore_mem>>) src(%dma_wait3A_41 : memref<48x80xi32, #tpu.memory_space<hbm>>) dst(%arg7 : memref<48x80xi32, #tpu.memory_space<vmem>>)
    %scan3A = arith.constant 0 : i32
    %scan3A_42 = arith.constant 0 : i32
    %scan3A_43 = arith.constant 10 : i32
    %scan3A_44 = arith.addi %scan3A_42, %scan3A_43 : i32
    %scan3A_45 = arith.constant 1 : i32
    scf.for %scan3A_119 = %scan3A_42 to %scan3A_44 step %scan3A_45  : i32 {
      %mul3A_120 = arith.constant 4 : i32
      %mul3A_121 = arith.muli %scan3A_119, %mul3A_120 : i32
      %add3A_122 = arith.constant 0 : i32
      %add3A_123 = arith.addi %mul3A_121, %add3A_122 : i32
      %add3A_124 = arith.addi %add3A_4, %add3A_123 : i32
      %lt3A_125 = arith.cmpi slt, %add3A_123, %select_n3A : i32
      %convert_element_type3A = arith.extui %lt3A_125 : i1 to i32
      %cond3A = arith.constant 0 : i32
      %cond3A_126 = arith.cmpi ne, %convert_element_type3A, %cond3A : i32
      scf.if %cond3A_126 {
        %gt3A = arith.constant 0 : i32
        %gt3A_154 = arith.cmpi sgt, %scan3A_119, %gt3A : i32
        %convert_element_type3A_155 = arith.extui %gt3A_154 : i1 to i32
        %cond3A_156 = arith.constant 0 : i32
        %cond3A_157 = arith.cmpi ne, %convert_element_type3A_155, %cond3A_156 : i32
        scf.if %cond3A_157 {
          %dma_wait3A_609 = arith.constant 0 : i32
          %dma_wait3A_610 = arith.constant 0 : i32
          %dma_wait3A_611 = arith.constant 0 : i32
          %dma_wait3A_612 = arith.constant 0 : i32
          %dma_wait3A_613 = tpu.memref_slice %arg8[%dma_wait3A_609, %dma_wait3A_611, %dma_wait3A_612] : memref<4x80x256xf32, #tpu.memory_space<vmem>> -> memref<1x80x256xf32, #tpu.memory_space<vmem>>
          %dma_wait3A_614 = tpu.memref_squeeze %dma_wait3A_613 : memref<1x80x256xf32, #tpu.memory_space<vmem>> -> memref<80x256xf32, #tpu.memory_space<vmem>>
          %dma_wait3A_615 = arith.constant 0 : i32
          %dma_wait3A_616 = arith.constant 0 : i32
          %dma_wait3A_617 = tpu.memref_slice %arg4[%dma_wait3A_615, %dma_wait3A_616] : memref<100000x256xf32, #tpu.memory_space<hbm>> -> memref<80x256xf32, #tpu.memory_space<hbm>>
          %dma_wait3A_618 = tpu.memref_slice %arg11[%dma_wait3A_610] : memref<4x!tpu.dma_semaphore, #tpu.memory_space<semaphore_mem>> -> memref<1x!tpu.dma_semaphore, #tpu.memory_space<semaphore_mem>>
          %dma_wait3A_619 = tpu.memref_squeeze %dma_wait3A_618 : memref<1x!tpu.dma_semaphore, #tpu.memory_space<semaphore_mem>> -> memref<!tpu.dma_semaphore, #tpu.memory_space<semaphore_mem>>
          %dma_wait3A_620 = arith.constant 0 : i32
          %dma_wait3A_621 = arith.constant 0 : i32
          %dma_wait3A_622 = tpu.memref_slice %arg4[%dma_wait3A_620, %dma_wait3A_621] : memref<100000x256xf32, #tpu.memory_space<hbm>> -> memref<80x256xf32, #tpu.memory_space<hbm>>
          %dma_wait3A_623 = arith.constant 0 : i32
          %dma_wait3A_624 = arith.constant 0 : i32
          %dma_wait3A_625 = tpu.memref_slice %arg8[%dma_wait3A_609, %dma_wait3A_623, %dma_wait3A_624] : memref<4x80x256xf32, #tpu.memory_space<vmem>> -> memref<1x80x256xf32, #tpu.memory_space<vmem>>
          %dma_wait3A_626 = tpu.memref_squeeze %dma_wait3A_625 : memref<1x80x256xf32, #tpu.memory_space<vmem>> -> memref<80x256xf32, #tpu.memory_space<vmem>>
          tpu.wait_dma2 semaphore(%dma_wait3A_619 : memref<!tpu.dma_semaphore, #tpu.memory_space<semaphore_mem>>) src(%dma_wait3A_626 : memref<80x256xf32, #tpu.memory_space<vmem>>) dst(%dma_wait3A_622 : memref<80x256xf32, #tpu.memory_space<hbm>>)
        } else {
        }
        %add3A_158 = arith.addi %sub3A_27, %add3A_123 : i32
        %get3A = arith.index_cast %add3A_158 : i32 to index
        %get3A_159 = arith.constant 0 : index
        %get3A_160 = tpu.vector_load %arg7[%get3A, %get3A_159] {strides = array<i32>} : memref<48x80xi32, #tpu.memory_space<vmem>>, vector<16xi32>,
        %mul3A_161 = arith.constant 256 : i32
        %mul3A_162 = vector.broadcast %mul3A_161 : i32 to vector<16xi32>
        %mul3A_163 = arith.muli %get3A_160, %mul3A_162 : vector<16xi32>
        %slice3A = vector.extract_strided_slice %mul3A_163 {offsets = [0], sizes = [1], strides = [1]} : vector<16xi32> to vector<1xi32>
        %squeeze3A = vector.extract %slice3A[0] : i32 from vector<1xi32>
        %swap3A = arith.constant 0 : i32
        %swap3A_164 = arith.index_cast %swap3A : i32 to index
        %swap3A_165 = memref.load %arg9[%swap3A_164] : memref<80xi32, #tpu.memory_space<smem>>
        memref.store %squeeze3A, %arg9[%swap3A_164] : memref<80xi32, #tpu.memory_space<smem>>
        %slice3A_166 = vector.extract_strided_slice %mul3A_163 {offsets = [1], sizes = [1], strides = [1]} : vector<16xi32> to vector<1xi32>
        %squeeze3A_167 = vector.extract %slice3A_166[0] : i32 from vector<1xi32>
        %swap3A_168 = arith.constant 1 : i32
        %swap3A_169 = arith.index_cast %swap3A_168 : i32 to index
        %swap3A_170 = memref.load %arg9[%swap3A_169] : memref<80xi32, #tpu.memory_space<smem>>
        memref.store %squeeze3A_167, %arg9[%swap3A_169] : memref<80xi32, #tpu.memory_space<smem>>
        %slice3A_171 = vector.extract_strided_slice %mul3A_163 {offsets = [2], sizes = [1], strides = [1]} : vector<16xi32> to vector<1xi32>
        %squeeze3A_172 = vector.extract %slice3A_171[0] : i32 from vector<1xi32>
        %swap3A_173 = arith.constant 2 : i32
        %swap3A_174 = arith.index_cast %swap3A_173 : i32 to index
        %swap3A_175 = memref.load %arg9[%swap3A_174] : memref<80xi32, #tpu.memory_space<smem>>
        memref.store %squeeze3A_172, %arg9[%swap3A_174] : memref<80xi32, #tpu.memory_space<smem>>
        %slice3A_176 = vector.extract_strided_slice %mul3A_163 {offsets = [3], sizes = [1], strides = [1]} : vector<16xi32> to vector<1xi32>
        %squeeze3A_177 = vector.extract %slice3A_176[0] : i32 from vector<1xi32>
        %swap3A_178 = arith.constant 3 : i32
        %swap3A_179 = arith.index_cast %swap3A_178 : i32 to index
        %swap3A_180 = memref.load %arg9[%swap3A_179] : memref<80xi32, #tpu.memory_space<smem>>
        memref.store %squeeze3A_177, %arg9[%swap3A_179] : memref<80xi32, #tpu.memory_space<smem>>
        %slice3A_181 = vector.extract_strided_slice %mul3A_163 {offsets = [4], sizes = [1], strides = [1]} : vector<16xi32> to vector<1xi32>
        %squeeze3A_182 = vector.extract %slice3A_181[0] : i32 from vector<1xi32>
        %swap3A_183 = arith.constant 4 : i32
        %swap3A_184 = arith.index_cast %swap3A_183 : i32 to index
        %swap3A_185 = memref.load %arg9[%swap3A_184] : memref<80xi32, #tpu.memory_space<smem>>
        memref.store %squeeze3A_182, %arg9[%swap3A_184] : memref<80xi32, #tpu.memory_space<smem>>
        %slice3A_186 = vector.extract_strided_slice %mul3A_163 {offsets = [5], sizes = [1], strides = [1]} : vector<16xi32> to vector<1xi32>
        %squeeze3A_187 = vector.extract %slice3A_186[0] : i32 from vector<1xi32>
        %swap3A_188 = arith.constant 5 : i32
        %swap3A_189 = arith.index_cast %swap3A_188 : i32 to index
        %swap3A_190 = memref.load %arg9[%swap3A_189] : memref<80xi32, #tpu.memory_space<smem>>
        memref.store %squeeze3A_187, %arg9[%swap3A_189] : memref<80xi32, #tpu.memory_space<smem>>
        %slice3A_191 = vector.extract_strided_slice %mul3A_163 {offsets = [6], sizes = [1], strides = [1]} : vector<16xi32> to vector<1xi32>
        %squeeze3A_192 = vector.extract %slice3A_191[0] : i32 from vector<1xi32>
        %swap3A_193 = arith.constant 6 : i32
        %swap3A_194 = arith.index_cast %swap3A_193 : i32 to index
        %swap3A_195 = memref.load %arg9[%swap3A_194] : memref<80xi32, #tpu.memory_space<smem>>
        memref.store %squeeze3A_192, %arg9[%swap3A_194] : memref<80xi32, #tpu.memory_space<smem>>
        %slice3A_196 = vector.extract_strided_slice %mul3A_163 {offsets = [7], sizes = [1], strides = [1]} : vector<16xi32> to vector<1xi32>
        %squeeze3A_197 = vector.extract %slice3A_196[0] : i32 from vector<1xi32>
        %swap3A_198 = arith.constant 7 : i32
        %swap3A_199 = arith.index_cast %swap3A_198 : i32 to index
        %swap3A_200 = memref.load %arg9[%swap3A_199] : memref<80xi32, #tpu.memory_space<smem>>
        memref.store %squeeze3A_197, %arg9[%swap3A_199] : memref<80xi32, #tpu.memory_space<smem>>
        %slice3A_201 = vector.extract_strided_slice %mul3A_163 {offsets = [8], sizes = [1], strides = [1]} : vector<16xi32> to vector<1xi32>
        %squeeze3A_202 = vector.extract %slice3A_201[0] : i32 from vector<1xi32>
        %swap3A_203 = arith.constant 8 : i32
        %swap3A_204 = arith.index_cast %swap3A_203 : i32 to index
        %swap3A_205 = memref.load %arg9[%swap3A_204] : memref<80xi32, #tpu.memory_space<smem>>
        memref.store %squeeze3A_202, %arg9[%swap3A_204] : memref<80xi32, #tpu.memory_space<smem>>
        %slice3A_206 = vector.extract_strided_slice %mul3A_163 {offsets = [9], sizes = [1], strides = [1]} : vector<16xi32> to vector<1xi32>
        %squeeze3A_207 = vector.extract %slice3A_206[0] : i32 from vector<1xi32>
        %swap3A_208 = arith.constant 9 : i32
        %swap3A_209 = arith.index_cast %swap3A_208 : i32 to index
        %swap3A_210 = memref.load %arg9[%swap3A_209] : memref<80xi32, #tpu.memory_space<smem>>
        memref.store %squeeze3A_207, %arg9[%swap3A_209] : memref<80xi32, #tpu.memory_space<smem>>
        %slice3A_211 = vector.extract_strided_slice %mul3A_163 {offsets = [10], sizes = [1], strides = [1]} : vector<16xi32> to vector<1xi32>
        %squeeze3A_212 = vector.extract %slice3A_211[0] : i32 from vector<1xi32>
        %swap3A_213 = arith.constant 10 : i32
        %swap3A_214 = arith.index_cast %swap3A_213 : i32 to index
        %swap3A_215 = memref.load %arg9[%swap3A_214] : memref<80xi32, #tpu.memory_space<smem>>
        memref.store %squeeze3A_212, %arg9[%swap3A_214] : memref<80xi32, #tpu.memory_space<smem>>
        %slice3A_216 = vector.extract_strided_slice %mul3A_163 {offsets = [11], sizes = [1], strides = [1]} : vector<16xi32> to vector<1xi32>
        %squeeze3A_217 = vector.extract %slice3A_216[0] : i32 from vector<1xi32>
        %swap3A_218 = arith.constant 11 : i32
        %swap3A_219 = arith.index_cast %swap3A_218 : i32 to index
        %swap3A_220 = memref.load %arg9[%swap3A_219] : memref<80xi32, #tpu.memory_space<smem>>
        memref.store %squeeze3A_217, %arg9[%swap3A_219] : memref<80xi32, #tpu.memory_space<smem>>
        %slice3A_221 = vector.extract_strided_slice %mul3A_163 {offsets = [12], sizes = [1], strides = [1]} : vector<16xi32> to vector<1xi32>
        %squeeze3A_222 = vector.extract %slice3A_221[0] : i32 from vector<1xi32>
        %swap3A_223 = arith.constant 12 : i32
        %swap3A_224 = arith.index_cast %swap3A_223 : i32 to index
        %swap3A_225 = memref.load %arg9[%swap3A_224] : memref<80xi32, #tpu.memory_space<smem>>
        memref.store %squeeze3A_222, %arg9[%swap3A_224] : memref<80xi32, #tpu.memory_space<smem>>
        %slice3A_226 = vector.extract_strided_slice %mul3A_163 {offsets = [13], sizes = [1], strides = [1]} : vector<16xi32> to vector<1xi32>
        %squeeze3A_227 = vector.extract %slice3A_226[0] : i32 from vector<1xi32>
        %swap3A_228 = arith.constant 13 : i32
        %swap3A_229 = arith.index_cast %swap3A_228 : i32 to index
        %swap3A_230 = memref.load %arg9[%swap3A_229] : memref<80xi32, #tpu.memory_space<smem>>
        memref.store %squeeze3A_227, %arg9[%swap3A_229] : memref<80xi32, #tpu.memory_space<smem>>
        %slice3A_231 = vector.extract_strided_slice %mul3A_163 {offsets = [14], sizes = [1], strides = [1]} : vector<16xi32> to vector<1xi32>
        %squeeze3A_232 = vector.extract %slice3A_231[0] : i32 from vector<1xi32>
        %swap3A_233 = arith.constant 14 : i32
        %swap3A_234 = arith.index_cast %swap3A_233 : i32 to index
        %swap3A_235 = memref.load %arg9[%swap3A_234] : memref<80xi32, #tpu.memory_space<smem>>
        memref.store %squeeze3A_232, %arg9[%swap3A_234] : memref<80xi32, #tpu.memory_space<smem>>
        %slice3A_236 = vector.extract_strided_slice %mul3A_163 {offsets = [15], sizes = [1], strides = [1]} : vector<16xi32> to vector<1xi32>
        %squeeze3A_237 = vector.extract %slice3A_236[0] : i32 from vector<1xi32>
        %swap3A_238 = arith.constant 15 : i32
        %swap3A_239 = arith.index_cast %swap3A_238 : i32 to index
        %swap3A_240 = memref.load %arg9[%swap3A_239] : memref<80xi32, #tpu.memory_space<smem>>
        memref.store %squeeze3A_237, %arg9[%swap3A_239] : memref<80xi32, #tpu.memory_space<smem>>
        %add3A_241 = arith.addi %sub3A_27, %add3A_123 : i32
        %get3A_242 = arith.index_cast %add3A_241 : i32 to index
        %get3A_243 = arith.constant 16 : index
        %get3A_244 = tpu.vector_load %arg7[%get3A_242, %get3A_243] {strides = array<i32>} : memref<48x80xi32, #tpu.memory_space<vmem>>, vector<16xi32>,
        %mul3A_245 = arith.constant 256 : i32
        %mul3A_246 = vector.broadcast %mul3A_245 : i32 to vector<16xi32>
        %mul3A_247 = arith.muli %get3A_244, %mul3A_246 : vector<16xi32>
        %slice3A_248 = vector.extract_strided_slice %mul3A_247 {offsets = [0], sizes = [1], strides = [1]} : vector<16xi32> to vector<1xi32>
        %squeeze3A_249 = vector.extract %slice3A_248[0] : i32 from vector<1xi32>
        %swap3A_250 = arith.constant 16 : i32
        %swap3A_251 = arith.index_cast %swap3A_250 : i32 to index
        %swap3A_252 = memref.load %arg9[%swap3A_251] : memref<80xi32, #tpu.memory_space<smem>>
        memref.store %squeeze3A_249, %arg9[%swap3A_251] : memref<80xi32, #tpu.memory_space<smem>>
        %slice3A_253 = vector.extract_strided_slice %mul3A_247 {offsets = [1], sizes = [1], strides = [1]} : vector<16xi32> to vector<1xi32>
        %squeeze3A_254 = vector.extract %slice3A_253[0] : i32 from vector<1xi32>
        %swap3A_255 = arith.constant 17 : i32
        %swap3A_256 = arith.index_cast %swap3A_255 : i32 to index
        %swap3A_257 = memref.load %arg9[%swap3A_256] : memref<80xi32, #tpu.memory_space<smem>>
        memref.store %squeeze3A_254, %arg9[%swap3A_256] : memref<80xi32, #tpu.memory_space<smem>>
        %slice3A_258 = vector.extract_strided_slice %mul3A_247 {offsets = [2], sizes = [1], strides = [1]} : vector<16xi32> to vector<1xi32>
        %squeeze3A_259 = vector.extract %slice3A_258[0] : i32 from vector<1xi32>
        %swap3A_260 = arith.constant 18 : i32
        %swap3A_261 = arith.index_cast %swap3A_260 : i32 to index
        %swap3A_262 = memref.load %arg9[%swap3A_261] : memref<80xi32, #tpu.memory_space<smem>>
        memref.store %squeeze3A_259, %arg9[%swap3A_261] : memref<80xi32, #tpu.memory_space<smem>>
        %slice3A_263 = vector.extract_strided_slice %mul3A_247 {offsets = [3], sizes = [1], strides = [1]} : vector<16xi32> to vector<1xi32>
        %squeeze3A_264 = vector.extract %slice3A_263[0] : i32 from vector<1xi32>
        %swap3A_265 = arith.constant 19 : i32
        %swap3A_266 = arith.index_cast %swap3A_265 : i32 to index
        %swap3A_267 = memref.load %arg9[%swap3A_266] : memref<80xi32, #tpu.memory_space<smem>>
        memref.store %squeeze3A_264, %arg9[%swap3A_266] : memref<80xi32, #tpu.memory_space<smem>>
        %slice3A_268 = vector.extract_strided_slice %mul3A_247 {offsets = [4], sizes = [1], strides = [1]} : vector<16xi32> to vector<1xi32>
        %squeeze3A_269 = vector.extract %slice3A_268[0] : i32 from vector<1xi32>
        %swap3A_270 = arith.constant 20 : i32
        %swap3A_271 = arith.index_cast %swap3A_270 : i32 to index
        %swap3A_272 = memref.load %arg9[%swap3A_271] : memref<80xi32, #tpu.memory_space<smem>>
        memref.store %squeeze3A_269, %arg9[%swap3A_271] : memref<80xi32, #tpu.memory_space<smem>>
        %slice3A_273 = vector.extract_strided_slice %mul3A_247 {offsets = [5], sizes = [1], strides = [1]} : vector<16xi32> to vector<1xi32>
        %squeeze3A_274 = vector.extract %slice3A_273[0] : i32 from vector<1xi32>
        %swap3A_275 = arith.constant 21 : i32
        %swap3A_276 = arith.index_cast %swap3A_275 : i32 to index
        %swap3A_277 = memref.load %arg9[%swap3A_276] : memref<80xi32, #tpu.memory_space<smem>>
        memref.store %squeeze3A_274, %arg9[%swap3A_276] : memref<80xi32, #tpu.memory_space<smem>>
        %slice3A_278 = vector.extract_strided_slice %mul3A_247 {offsets = [6], sizes = [1], strides = [1]} : vector<16xi32> to vector<1xi32>
        %squeeze3A_279 = vector.extract %slice3A_278[0] : i32 from vector<1xi32>
        %swap3A_280 = arith.constant 22 : i32
        %swap3A_281 = arith.index_cast %swap3A_280 : i32 to index
        %swap3A_282 = memref.load %arg9[%swap3A_281] : memref<80xi32, #tpu.memory_space<smem>>
        memref.store %squeeze3A_279, %arg9[%swap3A_281] : memref<80xi32, #tpu.memory_space<smem>>
        %slice3A_283 = vector.extract_strided_slice %mul3A_247 {offsets = [7], sizes = [1], strides = [1]} : vector<16xi32> to vector<1xi32>
        %squeeze3A_284 = vector.extract %slice3A_283[0] : i32 from vector<1xi32>
        %swap3A_285 = arith.constant 23 : i32
        %swap3A_286 = arith.index_cast %swap3A_285 : i32 to index
        %swap3A_287 = memref.load %arg9[%swap3A_286] : memref<80xi32, #tpu.memory_space<smem>>
        memref.store %squeeze3A_284, %arg9[%swap3A_286] : memref<80xi32, #tpu.memory_space<smem>>
        %slice3A_288 = vector.extract_strided_slice %mul3A_247 {offsets = [8], sizes = [1], strides = [1]} : vector<16xi32> to vector<1xi32>
        %squeeze3A_289 = vector.extract %slice3A_288[0] : i32 from vector<1xi32>
        %swap3A_290 = arith.constant 24 : i32
        %swap3A_291 = arith.index_cast %swap3A_290 : i32 to index
        %swap3A_292 = memref.load %arg9[%swap3A_291] : memref<80xi32, #tpu.memory_space<smem>>
        memref.store %squeeze3A_289, %arg9[%swap3A_291] : memref<80xi32, #tpu.memory_space<smem>>
        %slice3A_293 = vector.extract_strided_slice %mul3A_247 {offsets = [9], sizes = [1], strides = [1]} : vector<16xi32> to vector<1xi32>
        %squeeze3A_294 = vector.extract %slice3A_293[0] : i32 from vector<1xi32>
        %swap3A_295 = arith.constant 25 : i32
        %swap3A_296 = arith.index_cast %swap3A_295 : i32 to index
        %swap3A_297 = memref.load %arg9[%swap3A_296] : memref<80xi32, #tpu.memory_space<smem>>
        memref.store %squeeze3A_294, %arg9[%swap3A_296] : memref<80xi32, #tpu.memory_space<smem>>
        %slice3A_298 = vector.extract_strided_slice %mul3A_247 {offsets = [10], sizes = [1], strides = [1]} : vector<16xi32> to vector<1xi32>
        %squeeze3A_299 = vector.extract %slice3A_298[0] : i32 from vector<1xi32>
        %swap3A_300 = arith.constant 26 : i32
        %swap3A_301 = arith.index_cast %swap3A_300 : i32 to index
        %swap3A_302 = memref.load %arg9[%swap3A_301] : memref<80xi32, #tpu.memory_space<smem>>
        memref.store %squeeze3A_299, %arg9[%swap3A_301] : memref<80xi32, #tpu.memory_space<smem>>
        %slice3A_303 = vector.extract_strided_slice %mul3A_247 {offsets = [11], sizes = [1], strides = [1]} : vector<16xi32> to vector<1xi32>
        %squeeze3A_304 = vector.extract %slice3A_303[0] : i32 from vector<1xi32>
        %swap3A_305 = arith.constant 27 : i32
        %swap3A_306 = arith.index_cast %swap3A_305 : i32 to index
        %swap3A_307 = memref.load %arg9[%swap3A_306] : memref<80xi32, #tpu.memory_space<smem>>
        memref.store %squeeze3A_304, %arg9[%swap3A_306] : memref<80xi32, #tpu.memory_space<smem>>
        %slice3A_308 = vector.extract_strided_slice %mul3A_247 {offsets = [12], sizes = [1], strides = [1]} : vector<16xi32> to vector<1xi32>
        %squeeze3A_309 = vector.extract %slice3A_308[0] : i32 from vector<1xi32>
        %swap3A_310 = arith.constant 28 : i32
        %swap3A_311 = arith.index_cast %swap3A_310 : i32 to index
        %swap3A_312 = memref.load %arg9[%swap3A_311] : memref<80xi32, #tpu.memory_space<smem>>
        memref.store %squeeze3A_309, %arg9[%swap3A_311] : memref<80xi32, #tpu.memory_space<smem>>
        %slice3A_313 = vector.extract_strided_slice %mul3A_247 {offsets = [13], sizes = [1], strides = [1]} : vector<16xi32> to vector<1xi32>
        %squeeze3A_314 = vector.extract %slice3A_313[0] : i32 from vector<1xi32>
        %swap3A_315 = arith.constant 29 : i32
        %swap3A_316 = arith.index_cast %swap3A_315 : i32 to index
        %swap3A_317 = memref.load %arg9[%swap3A_316] : memref<80xi32, #tpu.memory_space<smem>>
        memref.store %squeeze3A_314, %arg9[%swap3A_316] : memref<80xi32, #tpu.memory_space<smem>>
        %slice3A_318 = vector.extract_strided_slice %mul3A_247 {offsets = [14], sizes = [1], strides = [1]} : vector<16xi32> to vector<1xi32>
        %squeeze3A_319 = vector.extract %slice3A_318[0] : i32 from vector<1xi32>
        %swap3A_320 = arith.constant 30 : i32
        %swap3A_321 = arith.index_cast %swap3A_320 : i32 to index
        %swap3A_322 = memref.load %arg9[%swap3A_321] : memref<80xi32, #tpu.memory_space<smem>>
        memref.store %squeeze3A_319, %arg9[%swap3A_321] : memref<80xi32, #tpu.memory_space<smem>>
        %slice3A_323 = vector.extract_strided_slice %mul3A_247 {offsets = [15], sizes = [1], strides = [1]} : vector<16xi32> to vector<1xi32>
        %squeeze3A_324 = vector.extract %slice3A_323[0] : i32 from vector<1xi32>
        %swap3A_325 = arith.constant 31 : i32
        %swap3A_326 = arith.index_cast %swap3A_325 : i32 to index
        %swap3A_327 = memref.load %arg9[%swap3A_326] : memref<80xi32, #tpu.memory_space<smem>>
        memref.store %squeeze3A_324, %arg9[%swap3A_326] : memref<80xi32, #tpu.memory_space<smem>>
        %add3A_328 = arith.addi %sub3A_27, %add3A_123 : i32
        %get3A_329 = arith.index_cast %add3A_328 : i32 to index
        %get3A_330 = arith.constant 32 : index
        %get3A_331 = tpu.vector_load %arg7[%get3A_329, %get3A_330] {strides = array<i32>} : memref<48x80xi32, #tpu.memory_space<vmem>>, vector<16xi32>,
        %mul3A_332 = arith.constant 256 : i32
        %mul3A_333 = vector.broadcast %mul3A_332 : i32 to vector<16xi32>
        %mul3A_334 = arith.muli %get3A_331, %mul3A_333 : vector<16xi32>
        %slice3A_335 = vector.extract_strided_slice %mul3A_334 {offsets = [0], sizes = [1], strides = [1]} : vector<16xi32> to vector<1xi32>
        %squeeze3A_336 = vector.extract %slice3A_335[0] : i32 from vector<1xi32>
        %swap3A_337 = arith.constant 32 : i32
        %swap3A_338 = arith.index_cast %swap3A_337 : i32 to index
        %swap3A_339 = memref.load %arg9[%swap3A_338] : memref<80xi32, #tpu.memory_space<smem>>
        memref.store %squeeze3A_336, %arg9[%swap3A_338] : memref<80xi32, #tpu.memory_space<smem>>
        %slice3A_340 = vector.extract_strided_slice %mul3A_334 {offsets = [1], sizes = [1], strides = [1]} : vector<16xi32> to vector<1xi32>
        %squeeze3A_341 = vector.extract %slice3A_340[0] : i32 from vector<1xi32>
        %swap3A_342 = arith.constant 33 : i32
        %swap3A_343 = arith.index_cast %swap3A_342 : i32 to index
        %swap3A_344 = memref.load %arg9[%swap3A_343] : memref<80xi32, #tpu.memory_space<smem>>
        memref.store %squeeze3A_341, %arg9[%swap3A_343] : memref<80xi32, #tpu.memory_space<smem>>
        %slice3A_345 = vector.extract_strided_slice %mul3A_334 {offsets = [2], sizes = [1], strides = [1]} : vector<16xi32> to vector<1xi32>
        %squeeze3A_346 = vector.extract %slice3A_345[0] : i32 from vector<1xi32>
        %swap3A_347 = arith.constant 34 : i32
        %swap3A_348 = arith.index_cast %swap3A_347 : i32 to index
        %swap3A_349 = memref.load %arg9[%swap3A_348] : memref<80xi32, #tpu.memory_space<smem>>
        memref.store %squeeze3A_346, %arg9[%swap3A_348] : memref<80xi32, #tpu.memory_space<smem>>
        %slice3A_350 = vector.extract_strided_slice %mul3A_334 {offsets = [3], sizes = [1], strides = [1]} : vector<16xi32> to vector<1xi32>
        %squeeze3A_351 = vector.extract %slice3A_350[0] : i32 from vector<1xi32>
        %swap3A_352 = arith.constant 35 : i32
        %swap3A_353 = arith.index_cast %swap3A_352 : i32 to index
        %swap3A_354 = memref.load %arg9[%swap3A_353] : memref<80xi32, #tpu.memory_space<smem>>
        memref.store %squeeze3A_351, %arg9[%swap3A_353] : memref<80xi32, #tpu.memory_space<smem>>
        %slice3A_355 = vector.extract_strided_slice %mul3A_334 {offsets = [4], sizes = [1], strides = [1]} : vector<16xi32> to vector<1xi32>
        %squeeze3A_356 = vector.extract %slice3A_355[0] : i32 from vector<1xi32>
        %swap3A_357 = arith.constant 36 : i32
        %swap3A_358 = arith.index_cast %swap3A_357 : i32 to index
        %swap3A_359 = memref.load %arg9[%swap3A_358] : memref<80xi32, #tpu.memory_space<smem>>
        memref.store %squeeze3A_356, %arg9[%swap3A_358] : memref<80xi32, #tpu.memory_space<smem>>
        %slice3A_360 = vector.extract_strided_slice %mul3A_334 {offsets = [5], sizes = [1], strides = [1]} : vector<16xi32> to vector<1xi32>
        %squeeze3A_361 = vector.extract %slice3A_360[0] : i32 from vector<1xi32>
        %swap3A_362 = arith.constant 37 : i32
        %swap3A_363 = arith.index_cast %swap3A_362 : i32 to index
        %swap3A_364 = memref.load %arg9[%swap3A_363] : memref<80xi32, #tpu.memory_space<smem>>
        memref.store %squeeze3A_361, %arg9[%swap3A_363] : memref<80xi32, #tpu.memory_space<smem>>
        %slice3A_365 = vector.extract_strided_slice %mul3A_334 {offsets = [6], sizes = [1], strides = [1]} : vector<16xi32> to vector<1xi32>
        %squeeze3A_366 = vector.extract %slice3A_365[0] : i32 from vector<1xi32>
        %swap3A_367 = arith.constant 38 : i32
        %swap3A_368 = arith.index_cast %swap3A_367 : i32 to index
        %swap3A_369 = memref.load %arg9[%swap3A_368] : memref<80xi32, #tpu.memory_space<smem>>
        memref.store %squeeze3A_366, %arg9[%swap3A_368] : memref<80xi32, #tpu.memory_space<smem>>
        %slice3A_370 = vector.extract_strided_slice %mul3A_334 {offsets = [7], sizes = [1], strides = [1]} : vector<16xi32> to vector<1xi32>
        %squeeze3A_371 = vector.extract %slice3A_370[0] : i32 from vector<1xi32>
        %swap3A_372 = arith.constant 39 : i32
        %swap3A_373 = arith.index_cast %swap3A_372 : i32 to index
        %swap3A_374 = memref.load %arg9[%swap3A_373] : memref<80xi32, #tpu.memory_space<smem>>
        memref.store %squeeze3A_371, %arg9[%swap3A_373] : memref<80xi32, #tpu.memory_space<smem>>
        %slice3A_375 = vector.extract_strided_slice %mul3A_334 {offsets = [8], sizes = [1], strides = [1]} : vector<16xi32> to vector<1xi32>
        %squeeze3A_376 = vector.extract %slice3A_375[0] : i32 from vector<1xi32>
        %swap3A_377 = arith.constant 40 : i32
        %swap3A_378 = arith.index_cast %swap3A_377 : i32 to index
        %swap3A_379 = memref.load %arg9[%swap3A_378] : memref<80xi32, #tpu.memory_space<smem>>
        memref.store %squeeze3A_376, %arg9[%swap3A_378] : memref<80xi32, #tpu.memory_space<smem>>
        %slice3A_380 = vector.extract_strided_slice %mul3A_334 {offsets = [9], sizes = [1], strides = [1]} : vector<16xi32> to vector<1xi32>
        %squeeze3A_381 = vector.extract %slice3A_380[0] : i32 from vector<1xi32>
        %swap3A_382 = arith.constant 41 : i32
        %swap3A_383 = arith.index_cast %swap3A_382 : i32 to index
        %swap3A_384 = memref.load %arg9[%swap3A_383] : memref<80xi32, #tpu.memory_space<smem>>
        memref.store %squeeze3A_381, %arg9[%swap3A_383] : memref<80xi32, #tpu.memory_space<smem>>
        %slice3A_385 = vector.extract_strided_slice %mul3A_334 {offsets = [10], sizes = [1], strides = [1]} : vector<16xi32> to vector<1xi32>
        %squeeze3A_386 = vector.extract %slice3A_385[0] : i32 from vector<1xi32>
        %swap3A_387 = arith.constant 42 : i32
        %swap3A_388 = arith.index_cast %swap3A_387 : i32 to index
        %swap3A_389 = memref.load %arg9[%swap3A_388] : memref<80xi32, #tpu.memory_space<smem>>
        memref.store %squeeze3A_386, %arg9[%swap3A_388] : memref<80xi32, #tpu.memory_space<smem>>
        %slice3A_390 = vector.extract_strided_slice %mul3A_334 {offsets = [11], sizes = [1], strides = [1]} : vector<16xi32> to vector<1xi32>
        %squeeze3A_391 = vector.extract %slice3A_390[0] : i32 from vector<1xi32>
        %swap3A_392 = arith.constant 43 : i32
        %swap3A_393 = arith.index_cast %swap3A_392 : i32 to index
        %swap3A_394 = memref.load %arg9[%swap3A_393] : memref<80xi32, #tpu.memory_space<smem>>
        memref.store %squeeze3A_391, %arg9[%swap3A_393] : memref<80xi32, #tpu.memory_space<smem>>
        %slice3A_395 = vector.extract_strided_slice %mul3A_334 {offsets = [12], sizes = [1], strides = [1]} : vector<16xi32> to vector<1xi32>
        %squeeze3A_396 = vector.extract %slice3A_395[0] : i32 from vector<1xi32>
        %swap3A_397 = arith.constant 44 : i32
        %swap3A_398 = arith.index_cast %swap3A_397 : i32 to index
        %swap3A_399 = memref.load %arg9[%swap3A_398] : memref<80xi32, #tpu.memory_space<smem>>
        memref.store %squeeze3A_396, %arg9[%swap3A_398] : memref<80xi32, #tpu.memory_space<smem>>
        %slice3A_400 = vector.extract_strided_slice %mul3A_334 {offsets = [13], sizes = [1], strides = [1]} : vector<16xi32> to vector<1xi32>
        %squeeze3A_401 = vector.extract %slice3A_400[0] : i32 from vector<1xi32>
        %swap3A_402 = arith.constant 45 : i32
        %swap3A_403 = arith.index_cast %swap3A_402 : i32 to index
        %swap3A_404 = memref.load %arg9[%swap3A_403] : memref<80xi32, #tpu.memory_space<smem>>
        memref.store %squeeze3A_401, %arg9[%swap3A_403] : memref<80xi32, #tpu.memory_space<smem>>
        %slice3A_405 = vector.extract_strided_slice %mul3A_334 {offsets = [14], sizes = [1], strides = [1]} : vector<16xi32> to vector<1xi32>
        %squeeze3A_406 = vector.extract %slice3A_405[0] : i32 from vector<1xi32>
        %swap3A_407 = arith.constant 46 : i32
        %swap3A_408 = arith.index_cast %swap3A_407 : i32 to index
        %swap3A_409 = memref.load %arg9[%swap3A_408] : memref<80xi32, #tpu.memory_space<smem>>
        memref.store %squeeze3A_406, %arg9[%swap3A_408] : memref<80xi32, #tpu.memory_space<smem>>
        %slice3A_410 = vector.extract_strided_slice %mul3A_334 {offsets = [15], sizes = [1], strides = [1]} : vector<16xi32> to vector<1xi32>
        %squeeze3A_411 = vector.extract %slice3A_410[0] : i32 from vector<1xi32>
        %swap3A_412 = arith.constant 47 : i32
        %swap3A_413 = arith.index_cast %swap3A_412 : i32 to index
        %swap3A_414 = memref.load %arg9[%swap3A_413] : memref<80xi32, #tpu.memory_space<smem>>
        memref.store %squeeze3A_411, %arg9[%swap3A_413] : memref<80xi32, #tpu.memory_space<smem>>
        %add3A_415 = arith.addi %sub3A_27, %add3A_123 : i32
        %get3A_416 = arith.index_cast %add3A_415 : i32 to index
        %get3A_417 = arith.constant 48 : index
        %get3A_418 = tpu.vector_load %arg7[%get3A_416, %get3A_417] {strides = array<i32>} : memref<48x80xi32, #tpu.memory_space<vmem>>, vector<16xi32>,
        %mul3A_419 = arith.constant 256 : i32
        %mul3A_420 = vector.broadcast %mul3A_419 : i32 to vector<16xi32>
        %mul3A_421 = arith.muli %get3A_418, %mul3A_420 : vector<16xi32>
        %slice3A_422 = vector.extract_strided_slice %mul3A_421 {offsets = [0], sizes = [1], strides = [1]} : vector<16xi32> to vector<1xi32>
        %squeeze3A_423 = vector.extract %slice3A_422[0] : i32 from vector<1xi32>
        %swap3A_424 = arith.constant 48 : i32
        %swap3A_425 = arith.index_cast %swap3A_424 : i32 to index
        %swap3A_426 = memref.load %arg9[%swap3A_425] : memref<80xi32, #tpu.memory_space<smem>>
        memref.store %squeeze3A_423, %arg9[%swap3A_425] : memref<80xi32, #tpu.memory_space<smem>>
        %slice3A_427 = vector.extract_strided_slice %mul3A_421 {offsets = [1], sizes = [1], strides = [1]} : vector<16xi32> to vector<1xi32>
        %squeeze3A_428 = vector.extract %slice3A_427[0] : i32 from vector<1xi32>
        %swap3A_429 = arith.constant 49 : i32
        %swap3A_430 = arith.index_cast %swap3A_429 : i32 to index
        %swap3A_431 = memref.load %arg9[%swap3A_430] : memref<80xi32, #tpu.memory_space<smem>>
        memref.store %squeeze3A_428, %arg9[%swap3A_430] : memref<80xi32, #tpu.memory_space<smem>>
        %slice3A_432 = vector.extract_strided_slice %mul3A_421 {offsets = [2], sizes = [1], strides = [1]} : vector<16xi32> to vector<1xi32>
        %squeeze3A_433 = vector.extract %slice3A_432[0] : i32 from vector<1xi32>
        %swap3A_434 = arith.constant 50 : i32
        %swap3A_435 = arith.index_cast %swap3A_434 : i32 to index
        %swap3A_436 = memref.load %arg9[%swap3A_435] : memref<80xi32, #tpu.memory_space<smem>>
        memref.store %squeeze3A_433, %arg9[%swap3A_435] : memref<80xi32, #tpu.memory_space<smem>>
        %slice3A_437 = vector.extract_strided_slice %mul3A_421 {offsets = [3], sizes = [1], strides = [1]} : vector<16xi32> to vector<1xi32>
        %squeeze3A_438 = vector.extract %slice3A_437[0] : i32 from vector<1xi32>
        %swap3A_439 = arith.constant 51 : i32
        %swap3A_440 = arith.index_cast %swap3A_439 : i32 to index
        %swap3A_441 = memref.load %arg9[%swap3A_440] : memref<80xi32, #tpu.memory_space<smem>>
        memref.store %squeeze3A_438, %arg9[%swap3A_440] : memref<80xi32, #tpu.memory_space<smem>>
        %slice3A_442 = vector.extract_strided_slice %mul3A_421 {offsets = [4], sizes = [1], strides = [1]} : vector<16xi32> to vector<1xi32>
        %squeeze3A_443 = vector.extract %slice3A_442[0] : i32 from vector<1xi32>
        %swap3A_444 = arith.constant 52 : i32
        %swap3A_445 = arith.index_cast %swap3A_444 : i32 to index
        %swap3A_446 = memref.load %arg9[%swap3A_445] : memref<80xi32, #tpu.memory_space<smem>>
        memref.store %squeeze3A_443, %arg9[%swap3A_445] : memref<80xi32, #tpu.memory_space<smem>>
        %slice3A_447 = vector.extract_strided_slice %mul3A_421 {offsets = [5], sizes = [1], strides = [1]} : vector<16xi32> to vector<1xi32>
        %squeeze3A_448 = vector.extract %slice3A_447[0] : i32 from vector<1xi32>
        %swap3A_449 = arith.constant 53 : i32
        %swap3A_450 = arith.index_cast %swap3A_449 : i32 to index
        %swap3A_451 = memref.load %arg9[%swap3A_450] : memref<80xi32, #tpu.memory_space<smem>>
        memref.store %squeeze3A_448, %arg9[%swap3A_450] : memref<80xi32, #tpu.memory_space<smem>>
        %slice3A_452 = vector.extract_strided_slice %mul3A_421 {offsets = [6], sizes = [1], strides = [1]} : vector<16xi32> to vector<1xi32>
        %squeeze3A_453 = vector.extract %slice3A_452[0] : i32 from vector<1xi32>
        %swap3A_454 = arith.constant 54 : i32
        %swap3A_455 = arith.index_cast %swap3A_454 : i32 to index
        %swap3A_456 = memref.load %arg9[%swap3A_455] : memref<80xi32, #tpu.memory_space<smem>>
        memref.store %squeeze3A_453, %arg9[%swap3A_455] : memref<80xi32, #tpu.memory_space<smem>>
        %slice3A_457 = vector.extract_strided_slice %mul3A_421 {offsets = [7], sizes = [1], strides = [1]} : vector<16xi32> to vector<1xi32>
        %squeeze3A_458 = vector.extract %slice3A_457[0] : i32 from vector<1xi32>
        %swap3A_459 = arith.constant 55 : i32
        %swap3A_460 = arith.index_cast %swap3A_459 : i32 to index
        %swap3A_461 = memref.load %arg9[%swap3A_460] : memref<80xi32, #tpu.memory_space<smem>>
        memref.store %squeeze3A_458, %arg9[%swap3A_460] : memref<80xi32, #tpu.memory_space<smem>>
        %slice3A_462 = vector.extract_strided_slice %mul3A_421 {offsets = [8], sizes = [1], strides = [1]} : vector<16xi32> to vector<1xi32>
        %squeeze3A_463 = vector.extract %slice3A_462[0] : i32 from vector<1xi32>
        %swap3A_464 = arith.constant 56 : i32
        %swap3A_465 = arith.index_cast %swap3A_464 : i32 to index
        %swap3A_466 = memref.load %arg9[%swap3A_465] : memref<80xi32, #tpu.memory_space<smem>>
        memref.store %squeeze3A_463, %arg9[%swap3A_465] : memref<80xi32, #tpu.memory_space<smem>>
        %slice3A_467 = vector.extract_strided_slice %mul3A_421 {offsets = [9], sizes = [1], strides = [1]} : vector<16xi32> to vector<1xi32>
        %squeeze3A_468 = vector.extract %slice3A_467[0] : i32 from vector<1xi32>
        %swap3A_469 = arith.constant 57 : i32
        %swap3A_470 = arith.index_cast %swap3A_469 : i32 to index
        %swap3A_471 = memref.load %arg9[%swap3A_470] : memref<80xi32, #tpu.memory_space<smem>>
        memref.store %squeeze3A_468, %arg9[%swap3A_470] : memref<80xi32, #tpu.memory_space<smem>>
        %slice3A_472 = vector.extract_strided_slice %mul3A_421 {offsets = [10], sizes = [1], strides = [1]} : vector<16xi32> to vector<1xi32>
        %squeeze3A_473 = vector.extract %slice3A_472[0] : i32 from vector<1xi32>
        %swap3A_474 = arith.constant 58 : i32
        %swap3A_475 = arith.index_cast %swap3A_474 : i32 to index
        %swap3A_476 = memref.load %arg9[%swap3A_475] : memref<80xi32, #tpu.memory_space<smem>>
        memref.store %squeeze3A_473, %arg9[%swap3A_475] : memref<80xi32, #tpu.memory_space<smem>>
        %slice3A_477 = vector.extract_strided_slice %mul3A_421 {offsets = [11], sizes = [1], strides = [1]} : vector<16xi32> to vector<1xi32>
        %squeeze3A_478 = vector.extract %slice3A_477[0] : i32 from vector<1xi32>
        %swap3A_479 = arith.constant 59 : i32
        %swap3A_480 = arith.index_cast %swap3A_479 : i32 to index
        %swap3A_481 = memref.load %arg9[%swap3A_480] : memref<80xi32, #tpu.memory_space<smem>>
        memref.store %squeeze3A_478, %arg9[%swap3A_480] : memref<80xi32, #tpu.memory_space<smem>>
        %slice3A_482 = vector.extract_strided_slice %mul3A_421 {offsets = [12], sizes = [1], strides = [1]} : vector<16xi32> to vector<1xi32>
        %squeeze3A_483 = vector.extract %slice3A_482[0] : i32 from vector<1xi32>
        %swap3A_484 = arith.constant 60 : i32
        %swap3A_485 = arith.index_cast %swap3A_484 : i32 to index
        %swap3A_486 = memref.load %arg9[%swap3A_485] : memref<80xi32, #tpu.memory_space<smem>>
        memref.store %squeeze3A_483, %arg9[%swap3A_485] : memref<80xi32, #tpu.memory_space<smem>>
        %slice3A_487 = vector.extract_strided_slice %mul3A_421 {offsets = [13], sizes = [1], strides = [1]} : vector<16xi32> to vector<1xi32>
        %squeeze3A_488 = vector.extract %slice3A_487[0] : i32 from vector<1xi32>
        %swap3A_489 = arith.constant 61 : i32
        %swap3A_490 = arith.index_cast %swap3A_489 : i32 to index
        %swap3A_491 = memref.load %arg9[%swap3A_490] : memref<80xi32, #tpu.memory_space<smem>>
        memref.store %squeeze3A_488, %arg9[%swap3A_490] : memref<80xi32, #tpu.memory_space<smem>>
        %slice3A_492 = vector.extract_strided_slice %mul3A_421 {offsets = [14], sizes = [1], strides = [1]} : vector<16xi32> to vector<1xi32>
        %squeeze3A_493 = vector.extract %slice3A_492[0] : i32 from vector<1xi32>
        %swap3A_494 = arith.constant 62 : i32
        %swap3A_495 = arith.index_cast %swap3A_494 : i32 to index
        %swap3A_496 = memref.load %arg9[%swap3A_495] : memref<80xi32, #tpu.memory_space<smem>>
        memref.store %squeeze3A_493, %arg9[%swap3A_495] : memref<80xi32, #tpu.memory_space<smem>>
        %slice3A_497 = vector.extract_strided_slice %mul3A_421 {offsets = [15], sizes = [1], strides = [1]} : vector<16xi32> to vector<1xi32>
        %squeeze3A_498 = vector.extract %slice3A_497[0] : i32 from vector<1xi32>
        %swap3A_499 = arith.constant 63 : i32
        %swap3A_500 = arith.index_cast %swap3A_499 : i32 to index
        %swap3A_501 = memref.load %arg9[%swap3A_500] : memref<80xi32, #tpu.memory_space<smem>>
        memref.store %squeeze3A_498, %arg9[%swap3A_500] : memref<80xi32, #tpu.memory_space<smem>>
        %add3A_502 = arith.addi %sub3A_27, %add3A_123 : i32
        %get3A_503 = arith.index_cast %add3A_502 : i32 to index
        %get3A_504 = arith.constant 64 : index
        %get3A_505 = tpu.vector_load %arg7[%get3A_503, %get3A_504] {strides = array<i32>} : memref<48x80xi32, #tpu.memory_space<vmem>>, vector<16xi32>,
        %mul3A_506 = arith.constant 256 : i32
        %mul3A_507 = vector.broadcast %mul3A_506 : i32 to vector<16xi32>
        %mul3A_508 = arith.muli %get3A_505, %mul3A_507 : vector<16xi32>
        %slice3A_509 = vector.extract_strided_slice %mul3A_508 {offsets = [0], sizes = [1], strides = [1]} : vector<16xi32> to vector<1xi32>
        %squeeze3A_510 = vector.extract %slice3A_509[0] : i32 from vector<1xi32>
        %swap3A_511 = arith.constant 64 : i32
        %swap3A_512 = arith.index_cast %swap3A_511 : i32 to index
        %swap3A_513 = memref.load %arg9[%swap3A_512] : memref<80xi32, #tpu.memory_space<smem>>
        memref.store %squeeze3A_510, %arg9[%swap3A_512] : memref<80xi32, #tpu.memory_space<smem>>
        %slice3A_514 = vector.extract_strided_slice %mul3A_508 {offsets = [1], sizes = [1], strides = [1]} : vector<16xi32> to vector<1xi32>
        %squeeze3A_515 = vector.extract %slice3A_514[0] : i32 from vector<1xi32>
        %swap3A_516 = arith.constant 65 : i32
        %swap3A_517 = arith.index_cast %swap3A_516 : i32 to index
        %swap3A_518 = memref.load %arg9[%swap3A_517] : memref<80xi32, #tpu.memory_space<smem>>
        memref.store %squeeze3A_515, %arg9[%swap3A_517] : memref<80xi32, #tpu.memory_space<smem>>
        %slice3A_519 = vector.extract_strided_slice %mul3A_508 {offsets = [2], sizes = [1], strides = [1]} : vector<16xi32> to vector<1xi32>
        %squeeze3A_520 = vector.extract %slice3A_519[0] : i32 from vector<1xi32>
        %swap3A_521 = arith.constant 66 : i32
        %swap3A_522 = arith.index_cast %swap3A_521 : i32 to index
        %swap3A_523 = memref.load %arg9[%swap3A_522] : memref<80xi32, #tpu.memory_space<smem>>
        memref.store %squeeze3A_520, %arg9[%swap3A_522] : memref<80xi32, #tpu.memory_space<smem>>
        %slice3A_524 = vector.extract_strided_slice %mul3A_508 {offsets = [3], sizes = [1], strides = [1]} : vector<16xi32> to vector<1xi32>
        %squeeze3A_525 = vector.extract %slice3A_524[0] : i32 from vector<1xi32>
        %swap3A_526 = arith.constant 67 : i32
        %swap3A_527 = arith.index_cast %swap3A_526 : i32 to index
        %swap3A_528 = memref.load %arg9[%swap3A_527] : memref<80xi32, #tpu.memory_space<smem>>
        memref.store %squeeze3A_525, %arg9[%swap3A_527] : memref<80xi32, #tpu.memory_space<smem>>
        %slice3A_529 = vector.extract_strided_slice %mul3A_508 {offsets = [4], sizes = [1], strides = [1]} : vector<16xi32> to vector<1xi32>
        %squeeze3A_530 = vector.extract %slice3A_529[0] : i32 from vector<1xi32>
        %swap3A_531 = arith.constant 68 : i32
        %swap3A_532 = arith.index_cast %swap3A_531 : i32 to index
        %swap3A_533 = memref.load %arg9[%swap3A_532] : memref<80xi32, #tpu.memory_space<smem>>
        memref.store %squeeze3A_530, %arg9[%swap3A_532] : memref<80xi32, #tpu.memory_space<smem>>
        %slice3A_534 = vector.extract_strided_slice %mul3A_508 {offsets = [5], sizes = [1], strides = [1]} : vector<16xi32> to vector<1xi32>
        %squeeze3A_535 = vector.extract %slice3A_534[0] : i32 from vector<1xi32>
        %swap3A_536 = arith.constant 69 : i32
        %swap3A_537 = arith.index_cast %swap3A_536 : i32 to index
        %swap3A_538 = memref.load %arg9[%swap3A_537] : memref<80xi32, #tpu.memory_space<smem>>
        memref.store %squeeze3A_535, %arg9[%swap3A_537] : memref<80xi32, #tpu.memory_space<smem>>
        %slice3A_539 = vector.extract_strided_slice %mul3A_508 {offsets = [6], sizes = [1], strides = [1]} : vector<16xi32> to vector<1xi32>
        %squeeze3A_540 = vector.extract %slice3A_539[0] : i32 from vector<1xi32>
        %swap3A_541 = arith.constant 70 : i32
        %swap3A_542 = arith.index_cast %swap3A_541 : i32 to index
        %swap3A_543 = memref.load %arg9[%swap3A_542] : memref<80xi32, #tpu.memory_space<smem>>
        memref.store %squeeze3A_540, %arg9[%swap3A_542] : memref<80xi32, #tpu.memory_space<smem>>
        %slice3A_544 = vector.extract_strided_slice %mul3A_508 {offsets = [7], sizes = [1], strides = [1]} : vector<16xi32> to vector<1xi32>
        %squeeze3A_545 = vector.extract %slice3A_544[0] : i32 from vector<1xi32>
        %swap3A_546 = arith.constant 71 : i32
        %swap3A_547 = arith.index_cast %swap3A_546 : i32 to index
        %swap3A_548 = memref.load %arg9[%swap3A_547] : memref<80xi32, #tpu.memory_space<smem>>
        memref.store %squeeze3A_545, %arg9[%swap3A_547] : memref<80xi32, #tpu.memory_space<smem>>
        %slice3A_549 = vector.extract_strided_slice %mul3A_508 {offsets = [8], sizes = [1], strides = [1]} : vector<16xi32> to vector<1xi32>
        %squeeze3A_550 = vector.extract %slice3A_549[0] : i32 from vector<1xi32>
        %swap3A_551 = arith.constant 72 : i32
        %swap3A_552 = arith.index_cast %swap3A_551 : i32 to index
        %swap3A_553 = memref.load %arg9[%swap3A_552] : memref<80xi32, #tpu.memory_space<smem>>
        memref.store %squeeze3A_550, %arg9[%swap3A_552] : memref<80xi32, #tpu.memory_space<smem>>
        %slice3A_554 = vector.extract_strided_slice %mul3A_508 {offsets = [9], sizes = [1], strides = [1]} : vector<16xi32> to vector<1xi32>
        %squeeze3A_555 = vector.extract %slice3A_554[0] : i32 from vector<1xi32>
        %swap3A_556 = arith.constant 73 : i32
        %swap3A_557 = arith.index_cast %swap3A_556 : i32 to index
        %swap3A_558 = memref.load %arg9[%swap3A_557] : memref<80xi32, #tpu.memory_space<smem>>
        memref.store %squeeze3A_555, %arg9[%swap3A_557] : memref<80xi32, #tpu.memory_space<smem>>
        %slice3A_559 = vector.extract_strided_slice %mul3A_508 {offsets = [10], sizes = [1], strides = [1]} : vector<16xi32> to vector<1xi32>
        %squeeze3A_560 = vector.extract %slice3A_559[0] : i32 from vector<1xi32>
        %swap3A_561 = arith.constant 74 : i32
        %swap3A_562 = arith.index_cast %swap3A_561 : i32 to index
        %swap3A_563 = memref.load %arg9[%swap3A_562] : memref<80xi32, #tpu.memory_space<smem>>
        memref.store %squeeze3A_560, %arg9[%swap3A_562] : memref<80xi32, #tpu.memory_space<smem>>
        %slice3A_564 = vector.extract_strided_slice %mul3A_508 {offsets = [11], sizes = [1], strides = [1]} : vector<16xi32> to vector<1xi32>
        %squeeze3A_565 = vector.extract %slice3A_564[0] : i32 from vector<1xi32>
        %swap3A_566 = arith.constant 75 : i32
        %swap3A_567 = arith.index_cast %swap3A_566 : i32 to index
        %swap3A_568 = memref.load %arg9[%swap3A_567] : memref<80xi32, #tpu.memory_space<smem>>
        memref.store %squeeze3A_565, %arg9[%swap3A_567] : memref<80xi32, #tpu.memory_space<smem>>
        %slice3A_569 = vector.extract_strided_slice %mul3A_508 {offsets = [12], sizes = [1], strides = [1]} : vector<16xi32> to vector<1xi32>
        %squeeze3A_570 = vector.extract %slice3A_569[0] : i32 from vector<1xi32>
        %swap3A_571 = arith.constant 76 : i32
        %swap3A_572 = arith.index_cast %swap3A_571 : i32 to index
        %swap3A_573 = memref.load %arg9[%swap3A_572] : memref<80xi32, #tpu.memory_space<smem>>
        memref.store %squeeze3A_570, %arg9[%swap3A_572] : memref<80xi32, #tpu.memory_space<smem>>
        %slice3A_574 = vector.extract_strided_slice %mul3A_508 {offsets = [13], sizes = [1], strides = [1]} : vector<16xi32> to vector<1xi32>
        %squeeze3A_575 = vector.extract %slice3A_574[0] : i32 from vector<1xi32>
        %swap3A_576 = arith.constant 77 : i32
        %swap3A_577 = arith.index_cast %swap3A_576 : i32 to index
        %swap3A_578 = memref.load %arg9[%swap3A_577] : memref<80xi32, #tpu.memory_space<smem>>
        memref.store %squeeze3A_575, %arg9[%swap3A_577] : memref<80xi32, #tpu.memory_space<smem>>
        %slice3A_579 = vector.extract_strided_slice %mul3A_508 {offsets = [14], sizes = [1], strides = [1]} : vector<16xi32> to vector<1xi32>
        %squeeze3A_580 = vector.extract %slice3A_579[0] : i32 from vector<1xi32>
        %swap3A_581 = arith.constant 78 : i32
        %swap3A_582 = arith.index_cast %swap3A_581 : i32 to index
        %swap3A_583 = memref.load %arg9[%swap3A_582] : memref<80xi32, #tpu.memory_space<smem>>
        memref.store %squeeze3A_580, %arg9[%swap3A_582] : memref<80xi32, #tpu.memory_space<smem>>
        %slice3A_584 = vector.extract_strided_slice %mul3A_508 {offsets = [15], sizes = [1], strides = [1]} : vector<16xi32> to vector<1xi32>
        %squeeze3A_585 = vector.extract %slice3A_584[0] : i32 from vector<1xi32>
        %swap3A_586 = arith.constant 79 : i32
        %swap3A_587 = arith.index_cast %swap3A_586 : i32 to index
        %swap3A_588 = memref.load %arg9[%swap3A_587] : memref<80xi32, #tpu.memory_space<smem>>
        memref.store %squeeze3A_585, %arg9[%swap3A_587] : memref<80xi32, #tpu.memory_space<smem>>
        %parallel_loop3A = arith.constant 0 : i32
        %parallel_loop3A_589 = arith.constant 80 : i32
        %parallel_loop3A_590 = arith.constant 1 : i32
        scf.for %parallel_loop3A_609 = %parallel_loop3A to %parallel_loop3A_589 step %parallel_loop3A_590  : i32 {
          %parallel_loop3A_610 = arith.index_cast %parallel_loop3A_609 : i32 to index
          %parallel_loop3A_611 = memref.load %arg9[%parallel_loop3A_610] : memref<80xi32, #tpu.memory_space<smem>>
          %parallel_loop3A_612 = arith.constant 0 : i32
          %parallel_loop3A_613 = arith.addi %parallel_loop3A_611, %parallel_loop3A_612 : i32
          %parallel_loop3A_614 = arith.index_cast %parallel_loop3A_613 : i32 to index
          %parallel_loop3A_615 = tpu.vector_load %arg6[%parallel_loop3A_614] {strides = array<i32>} : memref<22272xf32, #tpu.memory_space<vmem>>, vector<16xf32>,
          %parallel_loop3A_616 = arith.constant 0 : i32
          %parallel_loop3A_617 = arith.index_cast %parallel_loop3A_616 : i32 to index
          %parallel_loop3A_618 = arith.index_cast %parallel_loop3A_609 : i32 to index
          %parallel_loop3A_619 = arith.constant 0 : index
          %parallel_loop3A_620 = tpu.vector_load %arg8[%parallel_loop3A_617, %parallel_loop3A_618, %parallel_loop3A_619] {strides = array<i32>} : memref<4x80x256xf32, #tpu.memory_space<vmem>>, vector<16xf32>,
          tpu.vector_store %arg8[%parallel_loop3A_617, %parallel_loop3A_618, %parallel_loop3A_619], %parallel_loop3A_615 {strides = array<i32>} : memref<4x80x256xf32, #tpu.memory_space<vmem>>, vector<16xf32>,
          %parallel_loop3A_621 = arith.constant 16 : i32
          %parallel_loop3A_622 = arith.addi %parallel_loop3A_611, %parallel_loop3A_621 : i32
          %parallel_loop3A_623 = arith.index_cast %parallel_loop3A_622 : i32 to index
          %parallel_loop3A_624 = tpu.vector_load %arg6[%parallel_loop3A_623] {strides = array<i32>} : memref<22272xf32, #tpu.memory_space<vmem>>, vector<16xf32>,
          %parallel_loop3A_625 = arith.constant 0 : i32
          %parallel_loop3A_626 = arith.index_cast %parallel_loop3A_625 : i32 to index
          %parallel_loop3A_627 = arith.index_cast %parallel_loop3A_609 : i32 to index
          %parallel_loop3A_628 = arith.constant 16 : index
          %parallel_loop3A_629 = tpu.vector_load %arg8[%parallel_loop3A_626, %parallel_loop3A_627, %parallel_loop3A_628] {strides = array<i32>} : memref<4x80x256xf32, #tpu.memory_space<vmem>>, vector<16xf32>,
          tpu.vector_store %arg8[%parallel_loop3A_626, %parallel_loop3A_627, %parallel_loop3A_628], %parallel_loop3A_624 {strides = array<i32>} : memref<4x80x256xf32, #tpu.memory_space<vmem>>, vector<16xf32>,
          %parallel_loop3A_630 = arith.constant 32 : i32
          %parallel_loop3A_631 = arith.addi %parallel_loop3A_611, %parallel_loop3A_630 : i32
          %parallel_loop3A_632 = arith.index_cast %parallel_loop3A_631 : i32 to index
          %parallel_loop3A_633 = tpu.vector_load %arg6[%parallel_loop3A_632] {strides = array<i32>} : memref<22272xf32, #tpu.memory_space<vmem>>, vector<16xf32>,
          %parallel_loop3A_634 = arith.constant 0 : i32
          %parallel_loop3A_635 = arith.index_cast %parallel_loop3A_634 : i32 to index
          %parallel_loop3A_636 = arith.index_cast %parallel_loop3A_609 : i32 to index
          %parallel_loop3A_637 = arith.constant 32 : index
          %parallel_loop3A_638 = tpu.vector_load %arg8[%parallel_loop3A_635, %parallel_loop3A_636, %parallel_loop3A_637] {strides = array<i32>} : memref<4x80x256xf32, #tpu.memory_space<vmem>>, vector<16xf32>,
          tpu.vector_store %arg8[%parallel_loop3A_635, %parallel_loop3A_636, %parallel_loop3A_637], %parallel_loop3A_633 {strides = array<i32>} : memref<4x80x256xf32, #tpu.memory_space<vmem>>, vector<16xf32>,
          %parallel_loop3A_639 = arith.constant 48 : i32
          %parallel_loop3A_640 = arith.addi %parallel_loop3A_611, %parallel_loop3A_639 : i32
          %parallel_loop3A_641 = arith.index_cast %parallel_loop3A_640 : i32 to index
          %parallel_loop3A_642 = tpu.vector_load %arg6[%parallel_loop3A_641] {strides = array<i32>} : memref<22272xf32, #tpu.memory_space<vmem>>, vector<16xf32>,
          %parallel_loop3A_643 = arith.constant 0 : i32
          %parallel_loop3A_644 = arith.index_cast %parallel_loop3A_643 : i32 to index
          %parallel_loop3A_645 = arith.index_cast %parallel_loop3A_609 : i32 to index
          %parallel_loop3A_646 = arith.constant 48 : index
          %parallel_loop3A_647 = tpu.vector_load %arg8[%parallel_loop3A_644, %parallel_loop3A_645, %parallel_loop3A_646] {strides = array<i32>} : memref<4x80x256xf32, #tpu.memory_space<vmem>>, vector<16xf32>,
          tpu.vector_store %arg8[%parallel_loop3A_644, %parallel_loop3A_645, %parallel_loop3A_646], %parallel_loop3A_642 {strides = array<i32>} : memref<4x80x256xf32, #tpu.memory_space<vmem>>, vector<16xf32>,
          %parallel_loop3A_648 = arith.constant 64 : i32
          %parallel_loop3A_649 = arith.addi %parallel_loop3A_611, %parallel_loop3A_648 : i32
          %parallel_loop3A_650 = arith.index_cast %parallel_loop3A_649 : i32 to index
          %parallel_loop3A_651 = tpu.vector_load %arg6[%parallel_loop3A_650] {strides = array<i32>} : memref<22272xf32, #tpu.memory_space<vmem>>, vector<16xf32>,
          %parallel_loop3A_652 = arith.constant 0 : i32
          %parallel_loop3A_653 = arith.index_cast %parallel_loop3A_652 : i32 to index
          %parallel_loop3A_654 = arith.index_cast %parallel_loop3A_609 : i32 to index
          %parallel_loop3A_655 = arith.constant 64 : index
          %parallel_loop3A_656 = tpu.vector_load %arg8[%parallel_loop3A_653, %parallel_loop3A_654, %parallel_loop3A_655] {strides = array<i32>} : memref<4x80x256xf32, #tpu.memory_space<vmem>>, vector<16xf32>,
          tpu.vector_store %arg8[%parallel_loop3A_653, %parallel_loop3A_654, %parallel_loop3A_655], %parallel_loop3A_651 {strides = array<i32>} : memref<4x80x256xf32, #tpu.memory_space<vmem>>, vector<16xf32>,
          %parallel_loop3A_657 = arith.constant 80 : i32
          %parallel_loop3A_658 = arith.addi %parallel_loop3A_611, %parallel_loop3A_657 : i32
          %parallel_loop3A_659 = arith.index_cast %parallel_loop3A_658 : i32 to index
          %parallel_loop3A_660 = tpu.vector_load %arg6[%parallel_loop3A_659] {strides = array<i32>} : memref<22272xf32, #tpu.memory_space<vmem>>, vector<16xf32>,
          %parallel_loop3A_661 = arith.constant 0 : i32
          %parallel_loop3A_662 = arith.index_cast %parallel_loop3A_661 : i32 to index
          %parallel_loop3A_663 = arith.index_cast %parallel_loop3A_609 : i32 to index
          %parallel_loop3A_664 = arith.constant 80 : index
          %parallel_loop3A_665 = tpu.vector_load %arg8[%parallel_loop3A_662, %parallel_loop3A_663, %parallel_loop3A_664] {strides = array<i32>} : memref<4x80x256xf32, #tpu.memory_space<vmem>>, vector<16xf32>,
          tpu.vector_store %arg8[%parallel_loop3A_662, %parallel_loop3A_663, %parallel_loop3A_664], %parallel_loop3A_660 {strides = array<i32>} : memref<4x80x256xf32, #tpu.memory_space<vmem>>, vector<16xf32>,
          %parallel_loop3A_666 = arith.constant 96 : i32
          %parallel_loop3A_667 = arith.addi %parallel_loop3A_611, %parallel_loop3A_666 : i32
          %parallel_loop3A_668 = arith.index_cast %parallel_loop3A_667 : i32 to index
          %parallel_loop3A_669 = tpu.vector_load %arg6[%parallel_loop3A_668] {strides = array<i32>} : memref<22272xf32, #tpu.memory_space<vmem>>, vector<16xf32>,
          %parallel_loop3A_670 = arith.constant 0 : i32
          %parallel_loop3A_671 = arith.index_cast %parallel_loop3A_670 : i32 to index
          %parallel_loop3A_672 = arith.index_cast %parallel_loop3A_609 : i32 to index
          %parallel_loop3A_673 = arith.constant 96 : index
          %parallel_loop3A_674 = tpu.vector_load %arg8[%parallel_loop3A_671, %parallel_loop3A_672, %parallel_loop3A_673] {strides = array<i32>} : memref<4x80x256xf32, #tpu.memory_space<vmem>>, vector<16xf32>,
          tpu.vector_store %arg8[%parallel_loop3A_671, %parallel_loop3A_672, %parallel_loop3A_673], %parallel_loop3A_669 {strides = array<i32>} : memref<4x80x256xf32, #tpu.memory_space<vmem>>, vector<16xf32>,
          %parallel_loop3A_675 = arith.constant 112 : i32
          %parallel_loop3A_676 = arith.addi %parallel_loop3A_611, %parallel_loop3A_675 : i32
          %parallel_loop3A_677 = arith.index_cast %parallel_loop3A_676 : i32 to index
          %parallel_loop3A_678 = tpu.vector_load %arg6[%parallel_loop3A_677] {strides = array<i32>} : memref<22272xf32, #tpu.memory_space<vmem>>, vector<16xf32>,
          %parallel_loop3A_679 = arith.constant 0 : i32
          %parallel_loop3A_680 = arith.index_cast %parallel_loop3A_679 : i32 to index
          %parallel_loop3A_681 = arith.index_cast %parallel_loop3A_609 : i32 to index
          %parallel_loop3A_682 = arith.constant 112 : index
          %parallel_loop3A_683 = tpu.vector_load %arg8[%parallel_loop3A_680, %parallel_loop3A_681, %parallel_loop3A_682] {strides = array<i32>} : memref<4x80x256xf32, #tpu.memory_space<vmem>>, vector<16xf32>,
          tpu.vector_store %arg8[%parallel_loop3A_680, %parallel_loop3A_681, %parallel_loop3A_682], %parallel_loop3A_678 {strides = array<i32>} : memref<4x80x256xf32, #tpu.memory_space<vmem>>, vector<16xf32>,
          %parallel_loop3A_684 = arith.constant 128 : i32
          %parallel_loop3A_685 = arith.addi %parallel_loop3A_611, %parallel_loop3A_684 : i32
          %parallel_loop3A_686 = arith.index_cast %parallel_loop3A_685 : i32 to index
          %parallel_loop3A_687 = tpu.vector_load %arg6[%parallel_loop3A_686] {strides = array<i32>} : memref<22272xf32, #tpu.memory_space<vmem>>, vector<16xf32>,
          %parallel_loop3A_688 = arith.constant 0 : i32
          %parallel_loop3A_689 = arith.index_cast %parallel_loop3A_688 : i32 to index
          %parallel_loop3A_690 = arith.index_cast %parallel_loop3A_609 : i32 to index
          %parallel_loop3A_691 = arith.constant 128 : index
          %parallel_loop3A_692 = tpu.vector_load %arg8[%parallel_loop3A_689, %parallel_loop3A_690, %parallel_loop3A_691] {strides = array<i32>} : memref<4x80x256xf32, #tpu.memory_space<vmem>>, vector<16xf32>,
          tpu.vector_store %arg8[%parallel_loop3A_689, %parallel_loop3A_690, %parallel_loop3A_691], %parallel_loop3A_687 {strides = array<i32>} : memref<4x80x256xf32, #tpu.memory_space<vmem>>, vector<16xf32>,
          %parallel_loop3A_693 = arith.constant 144 : i32
          %parallel_loop3A_694 = arith.addi %parallel_loop3A_611, %parallel_loop3A_693 : i32
          %parallel_loop3A_695 = arith.index_cast %parallel_loop3A_694 : i32 to index
          %parallel_loop3A_696 = tpu.vector_load %arg6[%parallel_loop3A_695] {strides = array<i32>} : memref<22272xf32, #tpu.memory_space<vmem>>, vector<16xf32>,
          %parallel_loop3A_697 = arith.constant 0 : i32
          %parallel_loop3A_698 = arith.index_cast %parallel_loop3A_697 : i32 to index
          %parallel_loop3A_699 = arith.index_cast %parallel_loop3A_609 : i32 to index
          %parallel_loop3A_700 = arith.constant 144 : index
          %parallel_loop3A_701 = tpu.vector_load %arg8[%parallel_loop3A_698, %parallel_loop3A_699, %parallel_loop3A_700] {strides = array<i32>} : memref<4x80x256xf32, #tpu.memory_space<vmem>>, vector<16xf32>,
          tpu.vector_store %arg8[%parallel_loop3A_698, %parallel_loop3A_699, %parallel_loop3A_700], %parallel_loop3A_696 {strides = array<i32>} : memref<4x80x256xf32, #tpu.memory_space<vmem>>, vector<16xf32>,
          %parallel_loop3A_702 = arith.constant 160 : i32
          %parallel_loop3A_703 = arith.addi %parallel_loop3A_611, %parallel_loop3A_702 : i32
          %parallel_loop3A_704 = arith.index_cast %parallel_loop3A_703 : i32 to index
          %parallel_loop3A_705 = tpu.vector_load %arg6[%parallel_loop3A_704] {strides = array<i32>} : memref<22272xf32, #tpu.memory_space<vmem>>, vector<16xf32>,
          %parallel_loop3A_706 = arith.constant 0 : i32
          %parallel_loop3A_707 = arith.index_cast %parallel_loop3A_706 : i32 to index
          %parallel_loop3A_708 = arith.index_cast %parallel_loop3A_609 : i32 to index
          %parallel_loop3A_709 = arith.constant 160 : index
          %parallel_loop3A_710 = tpu.vector_load %arg8[%parallel_loop3A_707, %parallel_loop3A_708, %parallel_loop3A_709] {strides = array<i32>} : memref<4x80x256xf32, #tpu.memory_space<vmem>>, vector<16xf32>,
          tpu.vector_store %arg8[%parallel_loop3A_707, %parallel_loop3A_708, %parallel_loop3A_709], %parallel_loop3A_705 {strides = array<i32>} : memref<4x80x256xf32, #tpu.memory_space<vmem>>, vector<16xf32>,
          %parallel_loop3A_711 = arith.constant 176 : i32
          %parallel_loop3A_712 = arith.addi %parallel_loop3A_611, %parallel_loop3A_711 : i32
          %parallel_loop3A_713 = arith.index_cast %parallel_loop3A_712 : i32 to index
          %parallel_loop3A_714 = tpu.vector_load %arg6[%parallel_loop3A_713] {strides = array<i32>} : memref<22272xf32, #tpu.memory_space<vmem>>, vector<16xf32>,
          %parallel_loop3A_715 = arith.constant 0 : i32
          %parallel_loop3A_716 = arith.index_cast %parallel_loop3A_715 : i32 to index
          %parallel_loop3A_717 = arith.index_cast %parallel_loop3A_609 : i32 to index
          %parallel_loop3A_718 = arith.constant 176 : index
          %parallel_loop3A_719 = tpu.vector_load %arg8[%parallel_loop3A_716, %parallel_loop3A_717, %parallel_loop3A_718] {strides = array<i32>} : memref<4x80x256xf32, #tpu.memory_space<vmem>>, vector<16xf32>,
          tpu.vector_store %arg8[%parallel_loop3A_716, %parallel_loop3A_717, %parallel_loop3A_718], %parallel_loop3A_714 {strides = array<i32>} : memref<4x80x256xf32, #tpu.memory_space<vmem>>, vector<16xf32>,
          %parallel_loop3A_720 = arith.constant 192 : i32
          %parallel_loop3A_721 = arith.addi %parallel_loop3A_611, %parallel_loop3A_720 : i32
          %parallel_loop3A_722 = arith.index_cast %parallel_loop3A_721 : i32 to index
          %parallel_loop3A_723 = tpu.vector_load %arg6[%parallel_loop3A_722] {strides = array<i32>} : memref<22272xf32, #tpu.memory_space<vmem>>, vector<16xf32>,
          %parallel_loop3A_724 = arith.constant 0 : i32
          %parallel_loop3A_725 = arith.index_cast %parallel_loop3A_724 : i32 to index
          %parallel_loop3A_726 = arith.index_cast %parallel_loop3A_609 : i32 to index
          %parallel_loop3A_727 = arith.constant 192 : index
          %parallel_loop3A_728 = tpu.vector_load %arg8[%parallel_loop3A_725, %parallel_loop3A_726, %parallel_loop3A_727] {strides = array<i32>} : memref<4x80x256xf32, #tpu.memory_space<vmem>>, vector<16xf32>,
          tpu.vector_store %arg8[%parallel_loop3A_725, %parallel_loop3A_726, %parallel_loop3A_727], %parallel_loop3A_723 {strides = array<i32>} : memref<4x80x256xf32, #tpu.memory_space<vmem>>, vector<16xf32>,
          %parallel_loop3A_729 = arith.constant 208 : i32
          %parallel_loop3A_730 = arith.addi %parallel_loop3A_611, %parallel_loop3A_729 : i32
          %parallel_loop3A_731 = arith.index_cast %parallel_loop3A_730 : i32 to index
          %parallel_loop3A_732 = tpu.vector_load %arg6[%parallel_loop3A_731] {strides = array<i32>} : memref<22272xf32, #tpu.memory_space<vmem>>, vector<16xf32>,
          %parallel_loop3A_733 = arith.constant 0 : i32
          %parallel_loop3A_734 = arith.index_cast %parallel_loop3A_733 : i32 to index
          %parallel_loop3A_735 = arith.index_cast %parallel_loop3A_609 : i32 to index
          %parallel_loop3A_736 = arith.constant 208 : index
          %parallel_loop3A_737 = tpu.vector_load %arg8[%parallel_loop3A_734, %parallel_loop3A_735, %parallel_loop3A_736] {strides = array<i32>} : memref<4x80x256xf32, #tpu.memory_space<vmem>>, vector<16xf32>,
          tpu.vector_store %arg8[%parallel_loop3A_734, %parallel_loop3A_735, %parallel_loop3A_736], %parallel_loop3A_732 {strides = array<i32>} : memref<4x80x256xf32, #tpu.memory_space<vmem>>, vector<16xf32>,
          %parallel_loop3A_738 = arith.constant 224 : i32
          %parallel_loop3A_739 = arith.addi %parallel_loop3A_611, %parallel_loop3A_738 : i32
          %parallel_loop3A_740 = arith.index_cast %parallel_loop3A_739 : i32 to index
          %parallel_loop3A_741 = tpu.vector_load %arg6[%parallel_loop3A_740] {strides = array<i32>} : memref<22272xf32, #tpu.memory_space<vmem>>, vector<16xf32>,
          %parallel_loop3A_742 = arith.constant 0 : i32
          %parallel_loop3A_743 = arith.index_cast %parallel_loop3A_742 : i32 to index
          %parallel_loop3A_744 = arith.index_cast %parallel_loop3A_609 : i32 to index
          %parallel_loop3A_745 = arith.constant 224 : index
          %parallel_loop3A_746 = tpu.vector_load %arg8[%parallel_loop3A_743, %parallel_loop3A_744, %parallel_loop3A_745] {strides = array<i32>} : memref<4x80x256xf32, #tpu.memory_space<vmem>>, vector<16xf32>,
          tpu.vector_store %arg8[%parallel_loop3A_743, %parallel_loop3A_744, %parallel_loop3A_745], %parallel_loop3A_741 {strides = array<i32>} : memref<4x80x256xf32, #tpu.memory_space<vmem>>, vector<16xf32>,
          %parallel_loop3A_747 = arith.constant 240 : i32
          %parallel_loop3A_748 = arith.addi %parallel_loop3A_611, %parallel_loop3A_747 : i32
          %parallel_loop3A_749 = arith.index_cast %parallel_loop3A_748 : i32 to index
          %parallel_loop3A_750 = tpu.vector_load %arg6[%parallel_loop3A_749] {strides = array<i32>} : memref<22272xf32, #tpu.memory_space<vmem>>, vector<16xf32>,
          %parallel_loop3A_751 = arith.constant 0 : i32
          %parallel_loop3A_752 = arith.index_cast %parallel_loop3A_751 : i32 to index
          %parallel_loop3A_753 = arith.index_cast %parallel_loop3A_609 : i32 to index
          %parallel_loop3A_754 = arith.constant 240 : index
          %parallel_loop3A_755 = tpu.vector_load %arg8[%parallel_loop3A_752, %parallel_loop3A_753, %parallel_loop3A_754] {strides = array<i32>} : memref<4x80x256xf32, #tpu.memory_space<vmem>>, vector<16xf32>,
          tpu.vector_store %arg8[%parallel_loop3A_752, %parallel_loop3A_753, %parallel_loop3A_754], %parallel_loop3A_750 {strides = array<i32>} : memref<4x80x256xf32, #tpu.memory_space<vmem>>, vector<16xf32>,
        } {sc.loop_unroll_factor = 8 : i64, sc.parallel_access}
        %mul3A_591 = arith.constant 80 : i32
        %mul3A_592 = arith.muli %add3A_124, %mul3A_591 : i32
        %dma_start3A_593 = arith.constant 0 : i32
        %dma_start3A_594 = arith.constant 0 : i32
        %dma_start3A_595 = arith.constant 0 : i32
        %dma_start3A_596 = arith.constant 0 : i32
        %dma_start3A_597 = tpu.memref_slice %arg8[%dma_start3A_593, %dma_start3A_595, %dma_start3A_596] : memref<4x80x256xf32, #tpu.memory_space<vmem>> -> memref<1x80x256xf32, #tpu.memory_space<vmem>>
        %dma_start3A_598 = tpu.memref_squeeze %dma_start3A_597 : memref<1x80x256xf32, #tpu.memory_space<vmem>> -> memref<80x256xf32, #tpu.memory_space<vmem>>
        %dma_start3A_599 = arith.constant 0 : i32
        %dma_start3A_600 = tpu.memref_slice %arg4[%mul3A_592, %dma_start3A_599] : memref<100000x256xf32, #tpu.memory_space<hbm>> -> memref<80x256xf32, #tpu.memory_space<hbm>>
        %dma_start3A_601 = tpu.memref_slice %arg11[%dma_start3A_594] : memref<4x!tpu.dma_semaphore, #tpu.memory_space<semaphore_mem>> -> memref<1x!tpu.dma_semaphore, #tpu.memory_space<semaphore_mem>>
        %dma_start3A_602 = tpu.memref_squeeze %dma_start3A_601 : memref<1x!tpu.dma_semaphore, #tpu.memory_space<semaphore_mem>> -> memref<!tpu.dma_semaphore, #tpu.memory_space<semaphore_mem>>
        %dma_start3A_603 = arith.constant 0 : i32
        %dma_start3A_604 = tpu.memref_slice %arg4[%mul3A_592, %dma_start3A_603] : memref<100000x256xf32, #tpu.memory_space<hbm>> -> memref<80x256xf32, #tpu.memory_space<hbm>>
        %dma_start3A_605 = arith.constant 0 : i32
        %dma_start3A_606 = arith.constant 0 : i32
        %dma_start3A_607 = tpu.memref_slice %arg8[%dma_start3A_593, %dma_start3A_605, %dma_start3A_606] : memref<4x80x256xf32, #tpu.memory_space<vmem>> -> memref<1x80x256xf32, #tpu.memory_space<vmem>>
        %dma_start3A_608 = tpu.memref_squeeze %dma_start3A_607 : memref<1x80x256xf32, #tpu.memory_space<vmem>> -> memref<80x256xf32, #tpu.memory_space<vmem>>
        tpu.enqueue_dma source(%dma_start3A_608 : memref<80x256xf32, #tpu.memory_space<vmem>>) target(%dma_start3A_604 : memref<80x256xf32, #tpu.memory_space<hbm>>) target_semaphore(%dma_start3A_602 : memref<!tpu.dma_semaphore, #tpu.memory_space<semaphore_mem>>)
      } else {
      }
      %mul3A_127 = arith.constant 4 : i32
      %mul3A_128 = arith.muli %scan3A_119, %mul3A_127 : i32
      %add3A_129 = arith.constant 1 : i32
      %add3A_130 = arith.addi %mul3A_128, %add3A_129 : i32
      %add3A_131 = arith.addi %add3A_4, %add3A_130 : i32
      %lt3A_132 = arith.cmpi slt, %add3A_130, %select_n3A : i32
      %convert_element_type3A_133 = arith.extui %lt3A_132 : i1 to i32
      %cond3A_134 = arith.constant 0 : i32
      %cond3A_135 = arith.cmpi ne, %convert_element_type3A_133, %cond3A_134 : i32
      scf.if %cond3A_135 {
        %gt3A = arith.constant 0 : i32
        %gt3A_154 = arith.cmpi sgt, %scan3A_119, %gt3A : i32
        %convert_element_type3A_155 = arith.extui %gt3A_154 : i1 to i32
        %cond3A_156 = arith.constant 0 : i32
        %cond3A_157 = arith.cmpi ne, %convert_element_type3A_155, %cond3A_156 : i32
        scf.if %cond3A_157 {
          %dma_wait3A_609 = arith.constant 1 : i32
          %dma_wait3A_610 = arith.constant 1 : i32
          %dma_wait3A_611 = arith.constant 0 : i32
          %dma_wait3A_612 = arith.constant 0 : i32
          %dma_wait3A_613 = tpu.memref_slice %arg8[%dma_wait3A_609, %dma_wait3A_611, %dma_wait3A_612] : memref<4x80x256xf32, #tpu.memory_space<vmem>> -> memref<1x80x256xf32, #tpu.memory_space<vmem>>
          %dma_wait3A_614 = tpu.memref_squeeze %dma_wait3A_613 : memref<1x80x256xf32, #tpu.memory_space<vmem>> -> memref<80x256xf32, #tpu.memory_space<vmem>>
          %dma_wait3A_615 = arith.constant 0 : i32
          %dma_wait3A_616 = arith.constant 0 : i32
          %dma_wait3A_617 = tpu.memref_slice %arg4[%dma_wait3A_615, %dma_wait3A_616] : memref<100000x256xf32, #tpu.memory_space<hbm>> -> memref<80x256xf32, #tpu.memory_space<hbm>>
          %dma_wait3A_618 = tpu.memref_slice %arg11[%dma_wait3A_610] : memref<4x!tpu.dma_semaphore, #tpu.memory_space<semaphore_mem>> -> memref<1x!tpu.dma_semaphore, #tpu.memory_space<semaphore_mem>>
          %dma_wait3A_619 = tpu.memref_squeeze %dma_wait3A_618 : memref<1x!tpu.dma_semaphore, #tpu.memory_space<semaphore_mem>> -> memref<!tpu.dma_semaphore, #tpu.memory_space<semaphore_mem>>
          %dma_wait3A_620 = arith.constant 0 : i32
          %dma_wait3A_621 = arith.constant 0 : i32
          %dma_wait3A_622 = tpu.memref_slice %arg4[%dma_wait3A_620, %dma_wait3A_621] : memref<100000x256xf32, #tpu.memory_space<hbm>> -> memref<80x256xf32, #tpu.memory_space<hbm>>
          %dma_wait3A_623 = arith.constant 0 : i32
          %dma_wait3A_624 = arith.constant 0 : i32
          %dma_wait3A_625 = tpu.memref_slice %arg8[%dma_wait3A_609, %dma_wait3A_623, %dma_wait3A_624] : memref<4x80x256xf32, #tpu.memory_space<vmem>> -> memref<1x80x256xf32, #tpu.memory_space<vmem>>
          %dma_wait3A_626 = tpu.memref_squeeze %dma_wait3A_625 : memref<1x80x256xf32, #tpu.memory_space<vmem>> -> memref<80x256xf32, #tpu.memory_space<vmem>>
          tpu.wait_dma2 semaphore(%dma_wait3A_619 : memref<!tpu.dma_semaphore, #tpu.memory_space<semaphore_mem>>) src(%dma_wait3A_626 : memref<80x256xf32, #tpu.memory_space<vmem>>) dst(%dma_wait3A_622 : memref<80x256xf32, #tpu.memory_space<hbm>>)
        } else {
        }
        %add3A_158 = arith.addi %sub3A_27, %add3A_130 : i32
        %get3A = arith.index_cast %add3A_158 : i32 to index
        %get3A_159 = arith.constant 0 : index
        %get3A_160 = tpu.vector_load %arg7[%get3A, %get3A_159] {strides = array<i32>} : memref<48x80xi32, #tpu.memory_space<vmem>>, vector<16xi32>,
        %mul3A_161 = arith.constant 256 : i32
        %mul3A_162 = vector.broadcast %mul3A_161 : i32 to vector<16xi32>
        %mul3A_163 = arith.muli %get3A_160, %mul3A_162 : vector<16xi32>
        %slice3A = vector.extract_strided_slice %mul3A_163 {offsets = [0], sizes = [1], strides = [1]} : vector<16xi32> to vector<1xi32>
        %squeeze3A = vector.extract %slice3A[0] : i32 from vector<1xi32>
        %swap3A = arith.constant 0 : i32
        %swap3A_164 = arith.index_cast %swap3A : i32 to index
        %swap3A_165 = memref.load %arg9[%swap3A_164] : memref<80xi32, #tpu.memory_space<smem>>
        memref.store %squeeze3A, %arg9[%swap3A_164] : memref<80xi32, #tpu.memory_space<smem>>
        %slice3A_166 = vector.extract_strided_slice %mul3A_163 {offsets = [1], sizes = [1], strides = [1]} : vector<16xi32> to vector<1xi32>
        %squeeze3A_167 = vector.extract %slice3A_166[0] : i32 from vector<1xi32>
        %swap3A_168 = arith.constant 1 : i32
        %swap3A_169 = arith.index_cast %swap3A_168 : i32 to index
        %swap3A_170 = memref.load %arg9[%swap3A_169] : memref<80xi32, #tpu.memory_space<smem>>
        memref.store %squeeze3A_167, %arg9[%swap3A_169] : memref<80xi32, #tpu.memory_space<smem>>
        %slice3A_171 = vector.extract_strided_slice %mul3A_163 {offsets = [2], sizes = [1], strides = [1]} : vector<16xi32> to vector<1xi32>
        %squeeze3A_172 = vector.extract %slice3A_171[0] : i32 from vector<1xi32>
        %swap3A_173 = arith.constant 2 : i32
        %swap3A_174 = arith.index_cast %swap3A_173 : i32 to index
        %swap3A_175 = memref.load %arg9[%swap3A_174] : memref<80xi32, #tpu.memory_space<smem>>
        memref.store %squeeze3A_172, %arg9[%swap3A_174] : memref<80xi32, #tpu.memory_space<smem>>
        %slice3A_176 = vector.extract_strided_slice %mul3A_163 {offsets = [3], sizes = [1], strides = [1]} : vector<16xi32> to vector<1xi32>
        %squeeze3A_177 = vector.extract %slice3A_176[0] : i32 from vector<1xi32>
        %swap3A_178 = arith.constant 3 : i32
        %swap3A_179 = arith.index_cast %swap3A_178 : i32 to index
        %swap3A_180 = memref.load %arg9[%swap3A_179] : memref<80xi32, #tpu.memory_space<smem>>
        memref.store %squeeze3A_177, %arg9[%swap3A_179] : memref<80xi32, #tpu.memory_space<smem>>
        %slice3A_181 = vector.extract_strided_slice %mul3A_163 {offsets = [4], sizes = [1], strides = [1]} : vector<16xi32> to vector<1xi32>
        %squeeze3A_182 = vector.extract %slice3A_181[0] : i32 from vector<1xi32>
        %swap3A_183 = arith.constant 4 : i32
        %swap3A_184 = arith.index_cast %swap3A_183 : i32 to index
        %swap3A_185 = memref.load %arg9[%swap3A_184] : memref<80xi32, #tpu.memory_space<smem>>
        memref.store %squeeze3A_182, %arg9[%swap3A_184] : memref<80xi32, #tpu.memory_space<smem>>
        %slice3A_186 = vector.extract_strided_slice %mul3A_163 {offsets = [5], sizes = [1], strides = [1]} : vector<16xi32> to vector<1xi32>
        %squeeze3A_187 = vector.extract %slice3A_186[0] : i32 from vector<1xi32>
        %swap3A_188 = arith.constant 5 : i32
        %swap3A_189 = arith.index_cast %swap3A_188 : i32 to index
        %swap3A_190 = memref.load %arg9[%swap3A_189] : memref<80xi32, #tpu.memory_space<smem>>
        memref.store %squeeze3A_187, %arg9[%swap3A_189] : memref<80xi32, #tpu.memory_space<smem>>
        %slice3A_191 = vector.extract_strided_slice %mul3A_163 {offsets = [6], sizes = [1], strides = [1]} : vector<16xi32> to vector<1xi32>
        %squeeze3A_192 = vector.extract %slice3A_191[0] : i32 from vector<1xi32>
        %swap3A_193 = arith.constant 6 : i32
        %swap3A_194 = arith.index_cast %swap3A_193 : i32 to index
        %swap3A_195 = memref.load %arg9[%swap3A_194] : memref<80xi32, #tpu.memory_space<smem>>
        memref.store %squeeze3A_192, %arg9[%swap3A_194] : memref<80xi32, #tpu.memory_space<smem>>
        %slice3A_196 = vector.extract_strided_slice %mul3A_163 {offsets = [7], sizes = [1], strides = [1]} : vector<16xi32> to vector<1xi32>
        %squeeze3A_197 = vector.extract %slice3A_196[0] : i32 from vector<1xi32>
        %swap3A_198 = arith.constant 7 : i32
        %swap3A_199 = arith.index_cast %swap3A_198 : i32 to index
        %swap3A_200 = memref.load %arg9[%swap3A_199] : memref<80xi32, #tpu.memory_space<smem>>
        memref.store %squeeze3A_197, %arg9[%swap3A_199] : memref<80xi32, #tpu.memory_space<smem>>
        %slice3A_201 = vector.extract_strided_slice %mul3A_163 {offsets = [8], sizes = [1], strides = [1]} : vector<16xi32> to vector<1xi32>
        %squeeze3A_202 = vector.extract %slice3A_201[0] : i32 from vector<1xi32>
        %swap3A_203 = arith.constant 8 : i32
        %swap3A_204 = arith.index_cast %swap3A_203 : i32 to index
        %swap3A_205 = memref.load %arg9[%swap3A_204] : memref<80xi32, #tpu.memory_space<smem>>
        memref.store %squeeze3A_202, %arg9[%swap3A_204] : memref<80xi32, #tpu.memory_space<smem>>
        %slice3A_206 = vector.extract_strided_slice %mul3A_163 {offsets = [9], sizes = [1], strides = [1]} : vector<16xi32> to vector<1xi32>
        %squeeze3A_207 = vector.extract %slice3A_206[0] : i32 from vector<1xi32>
        %swap3A_208 = arith.constant 9 : i32
        %swap3A_209 = arith.index_cast %swap3A_208 : i32 to index
        %swap3A_210 = memref.load %arg9[%swap3A_209] : memref<80xi32, #tpu.memory_space<smem>>
        memref.store %squeeze3A_207, %arg9[%swap3A_209] : memref<80xi32, #tpu.memory_space<smem>>
        %slice3A_211 = vector.extract_strided_slice %mul3A_163 {offsets = [10], sizes = [1], strides = [1]} : vector<16xi32> to vector<1xi32>
        %squeeze3A_212 = vector.extract %slice3A_211[0] : i32 from vector<1xi32>
        %swap3A_213 = arith.constant 10 : i32
        %swap3A_214 = arith.index_cast %swap3A_213 : i32 to index
        %swap3A_215 = memref.load %arg9[%swap3A_214] : memref<80xi32, #tpu.memory_space<smem>>
        memref.store %squeeze3A_212, %arg9[%swap3A_214] : memref<80xi32, #tpu.memory_space<smem>>
        %slice3A_216 = vector.extract_strided_slice %mul3A_163 {offsets = [11], sizes = [1], strides = [1]} : vector<16xi32> to vector<1xi32>
        %squeeze3A_217 = vector.extract %slice3A_216[0] : i32 from vector<1xi32>
        %swap3A_218 = arith.constant 11 : i32
        %swap3A_219 = arith.index_cast %swap3A_218 : i32 to index
        %swap3A_220 = memref.load %arg9[%swap3A_219] : memref<80xi32, #tpu.memory_space<smem>>
        memref.store %squeeze3A_217, %arg9[%swap3A_219] : memref<80xi32, #tpu.memory_space<smem>>
        %slice3A_221 = vector.extract_strided_slice %mul3A_163 {offsets = [12], sizes = [1], strides = [1]} : vector<16xi32> to vector<1xi32>
        %squeeze3A_222 = vector.extract %slice3A_221[0] : i32 from vector<1xi32>
        %swap3A_223 = arith.constant 12 : i32
        %swap3A_224 = arith.index_cast %swap3A_223 : i32 to index
        %swap3A_225 = memref.load %arg9[%swap3A_224] : memref<80xi32, #tpu.memory_space<smem>>
        memref.store %squeeze3A_222, %arg9[%swap3A_224] : memref<80xi32, #tpu.memory_space<smem>>
        %slice3A_226 = vector.extract_strided_slice %mul3A_163 {offsets = [13], sizes = [1], strides = [1]} : vector<16xi32> to vector<1xi32>
        %squeeze3A_227 = vector.extract %slice3A_226[0] : i32 from vector<1xi32>
        %swap3A_228 = arith.constant 13 : i32
        %swap3A_229 = arith.index_cast %swap3A_228 : i32 to index
        %swap3A_230 = memref.load %arg9[%swap3A_229] : memref<80xi32, #tpu.memory_space<smem>>
        memref.store %squeeze3A_227, %arg9[%swap3A_229] : memref<80xi32, #tpu.memory_space<smem>>
        %slice3A_231 = vector.extract_strided_slice %mul3A_163 {offsets = [14], sizes = [1], strides = [1]} : vector<16xi32> to vector<1xi32>
        %squeeze3A_232 = vector.extract %slice3A_231[0] : i32 from vector<1xi32>
        %swap3A_233 = arith.constant 14 : i32
        %swap3A_234 = arith.index_cast %swap3A_233 : i32 to index
        %swap3A_235 = memref.load %arg9[%swap3A_234] : memref<80xi32, #tpu.memory_space<smem>>
        memref.store %squeeze3A_232, %arg9[%swap3A_234] : memref<80xi32, #tpu.memory_space<smem>>
        %slice3A_236 = vector.extract_strided_slice %mul3A_163 {offsets = [15], sizes = [1], strides = [1]} : vector<16xi32> to vector<1xi32>
        %squeeze3A_237 = vector.extract %slice3A_236[0] : i32 from vector<1xi32>
        %swap3A_238 = arith.constant 15 : i32
        %swap3A_239 = arith.index_cast %swap3A_238 : i32 to index
        %swap3A_240 = memref.load %arg9[%swap3A_239] : memref<80xi32, #tpu.memory_space<smem>>
        memref.store %squeeze3A_237, %arg9[%swap3A_239] : memref<80xi32, #tpu.memory_space<smem>>
        %add3A_241 = arith.addi %sub3A_27, %add3A_130 : i32
        %get3A_242 = arith.index_cast %add3A_241 : i32 to index
        %get3A_243 = arith.constant 16 : index
        %get3A_244 = tpu.vector_load %arg7[%get3A_242, %get3A_243] {strides = array<i32>} : memref<48x80xi32, #tpu.memory_space<vmem>>, vector<16xi32>,
        %mul3A_245 = arith.constant 256 : i32
        %mul3A_246 = vector.broadcast %mul3A_245 : i32 to vector<16xi32>
        %mul3A_247 = arith.muli %get3A_244, %mul3A_246 : vector<16xi32>
        %slice3A_248 = vector.extract_strided_slice %mul3A_247 {offsets = [0], sizes = [1], strides = [1]} : vector<16xi32> to vector<1xi32>
        %squeeze3A_249 = vector.extract %slice3A_248[0] : i32 from vector<1xi32>
        %swap3A_250 = arith.constant 16 : i32
        %swap3A_251 = arith.index_cast %swap3A_250 : i32 to index
        %swap3A_252 = memref.load %arg9[%swap3A_251] : memref<80xi32, #tpu.memory_space<smem>>
        memref.store %squeeze3A_249, %arg9[%swap3A_251] : memref<80xi32, #tpu.memory_space<smem>>
        %slice3A_253 = vector.extract_strided_slice %mul3A_247 {offsets = [1], sizes = [1], strides = [1]} : vector<16xi32> to vector<1xi32>
        %squeeze3A_254 = vector.extract %slice3A_253[0] : i32 from vector<1xi32>
        %swap3A_255 = arith.constant 17 : i32
        %swap3A_256 = arith.index_cast %swap3A_255 : i32 to index
        %swap3A_257 = memref.load %arg9[%swap3A_256] : memref<80xi32, #tpu.memory_space<smem>>
        memref.store %squeeze3A_254, %arg9[%swap3A_256] : memref<80xi32, #tpu.memory_space<smem>>
        %slice3A_258 = vector.extract_strided_slice %mul3A_247 {offsets = [2], sizes = [1], strides = [1]} : vector<16xi32> to vector<1xi32>
        %squeeze3A_259 = vector.extract %slice3A_258[0] : i32 from vector<1xi32>
        %swap3A_260 = arith.constant 18 : i32
        %swap3A_261 = arith.index_cast %swap3A_260 : i32 to index
        %swap3A_262 = memref.load %arg9[%swap3A_261] : memref<80xi32, #tpu.memory_space<smem>>
        memref.store %squeeze3A_259, %arg9[%swap3A_261] : memref<80xi32, #tpu.memory_space<smem>>
        %slice3A_263 = vector.extract_strided_slice %mul3A_247 {offsets = [3], sizes = [1], strides = [1]} : vector<16xi32> to vector<1xi32>
        %squeeze3A_264 = vector.extract %slice3A_263[0] : i32 from vector<1xi32>
        %swap3A_265 = arith.constant 19 : i32
        %swap3A_266 = arith.index_cast %swap3A_265 : i32 to index
        %swap3A_267 = memref.load %arg9[%swap3A_266] : memref<80xi32, #tpu.memory_space<smem>>
        memref.store %squeeze3A_264, %arg9[%swap3A_266] : memref<80xi32, #tpu.memory_space<smem>>
        %slice3A_268 = vector.extract_strided_slice %mul3A_247 {offsets = [4], sizes = [1], strides = [1]} : vector<16xi32> to vector<1xi32>
        %squeeze3A_269 = vector.extract %slice3A_268[0] : i32 from vector<1xi32>
        %swap3A_270 = arith.constant 20 : i32
        %swap3A_271 = arith.index_cast %swap3A_270 : i32 to index
        %swap3A_272 = memref.load %arg9[%swap3A_271] : memref<80xi32, #tpu.memory_space<smem>>
        memref.store %squeeze3A_269, %arg9[%swap3A_271] : memref<80xi32, #tpu.memory_space<smem>>
        %slice3A_273 = vector.extract_strided_slice %mul3A_247 {offsets = [5], sizes = [1], strides = [1]} : vector<16xi32> to vector<1xi32>
        %squeeze3A_274 = vector.extract %slice3A_273[0] : i32 from vector<1xi32>
        %swap3A_275 = arith.constant 21 : i32
        %swap3A_276 = arith.index_cast %swap3A_275 : i32 to index
        %swap3A_277 = memref.load %arg9[%swap3A_276] : memref<80xi32, #tpu.memory_space<smem>>
        memref.store %squeeze3A_274, %arg9[%swap3A_276] : memref<80xi32, #tpu.memory_space<smem>>
        %slice3A_278 = vector.extract_strided_slice %mul3A_247 {offsets = [6], sizes = [1], strides = [1]} : vector<16xi32> to vector<1xi32>
        %squeeze3A_279 = vector.extract %slice3A_278[0] : i32 from vector<1xi32>
        %swap3A_280 = arith.constant 22 : i32
        %swap3A_281 = arith.index_cast %swap3A_280 : i32 to index
        %swap3A_282 = memref.load %arg9[%swap3A_281] : memref<80xi32, #tpu.memory_space<smem>>
        memref.store %squeeze3A_279, %arg9[%swap3A_281] : memref<80xi32, #tpu.memory_space<smem>>
        %slice3A_283 = vector.extract_strided_slice %mul3A_247 {offsets = [7], sizes = [1], strides = [1]} : vector<16xi32> to vector<1xi32>
        %squeeze3A_284 = vector.extract %slice3A_283[0] : i32 from vector<1xi32>
        %swap3A_285 = arith.constant 23 : i32
        %swap3A_286 = arith.index_cast %swap3A_285 : i32 to index
        %swap3A_287 = memref.load %arg9[%swap3A_286] : memref<80xi32, #tpu.memory_space<smem>>
        memref.store %squeeze3A_284, %arg9[%swap3A_286] : memref<80xi32, #tpu.memory_space<smem>>
        %slice3A_288 = vector.extract_strided_slice %mul3A_247 {offsets = [8], sizes = [1], strides = [1]} : vector<16xi32> to vector<1xi32>
        %squeeze3A_289 = vector.extract %slice3A_288[0] : i32 from vector<1xi32>
        %swap3A_290 = arith.constant 24 : i32
        %swap3A_291 = arith.index_cast %swap3A_290 : i32 to index
        %swap3A_292 = memref.load %arg9[%swap3A_291] : memref<80xi32, #tpu.memory_space<smem>>
        memref.store %squeeze3A_289, %arg9[%swap3A_291] : memref<80xi32, #tpu.memory_space<smem>>
        %slice3A_293 = vector.extract_strided_slice %mul3A_247 {offsets = [9], sizes = [1], strides = [1]} : vector<16xi32> to vector<1xi32>
        %squeeze3A_294 = vector.extract %slice3A_293[0] : i32 from vector<1xi32>
        %swap3A_295 = arith.constant 25 : i32
        %swap3A_296 = arith.index_cast %swap3A_295 : i32 to index
        %swap3A_297 = memref.load %arg9[%swap3A_296] : memref<80xi32, #tpu.memory_space<smem>>
        memref.store %squeeze3A_294, %arg9[%swap3A_296] : memref<80xi32, #tpu.memory_space<smem>>
        %slice3A_298 = vector.extract_strided_slice %mul3A_247 {offsets = [10], sizes = [1], strides = [1]} : vector<16xi32> to vector<1xi32>
        %squeeze3A_299 = vector.extract %slice3A_298[0] : i32 from vector<1xi32>
        %swap3A_300 = arith.constant 26 : i32
        %swap3A_301 = arith.index_cast %swap3A_300 : i32 to index
        %swap3A_302 = memref.load %arg9[%swap3A_301] : memref<80xi32, #tpu.memory_space<smem>>
        memref.store %squeeze3A_299, %arg9[%swap3A_301] : memref<80xi32, #tpu.memory_space<smem>>
        %slice3A_303 = vector.extract_strided_slice %mul3A_247 {offsets = [11], sizes = [1], strides = [1]} : vector<16xi32> to vector<1xi32>
        %squeeze3A_304 = vector.extract %slice3A_303[0] : i32 from vector<1xi32>
        %swap3A_305 = arith.constant 27 : i32
        %swap3A_306 = arith.index_cast %swap3A_305 : i32 to index
        %swap3A_307 = memref.load %arg9[%swap3A_306] : memref<80xi32, #tpu.memory_space<smem>>
        memref.store %squeeze3A_304, %arg9[%swap3A_306] : memref<80xi32, #tpu.memory_space<smem>>
        %slice3A_308 = vector.extract_strided_slice %mul3A_247 {offsets = [12], sizes = [1], strides = [1]} : vector<16xi32> to vector<1xi32>
        %squeeze3A_309 = vector.extract %slice3A_308[0] : i32 from vector<1xi32>
        %swap3A_310 = arith.constant 28 : i32
        %swap3A_311 = arith.index_cast %swap3A_310 : i32 to index
        %swap3A_312 = memref.load %arg9[%swap3A_311] : memref<80xi32, #tpu.memory_space<smem>>
        memref.store %squeeze3A_309, %arg9[%swap3A_311] : memref<80xi32, #tpu.memory_space<smem>>
        %slice3A_313 = vector.extract_strided_slice %mul3A_247 {offsets = [13], sizes = [1], strides = [1]} : vector<16xi32> to vector<1xi32>
        %squeeze3A_314 = vector.extract %slice3A_313[0] : i32 from vector<1xi32>
        %swap3A_315 = arith.constant 29 : i32
        %swap3A_316 = arith.index_cast %swap3A_315 : i32 to index
        %swap3A_317 = memref.load %arg9[%swap3A_316] : memref<80xi32, #tpu.memory_space<smem>>
        memref.store %squeeze3A_314, %arg9[%swap3A_316] : memref<80xi32, #tpu.memory_space<smem>>
        %slice3A_318 = vector.extract_strided_slice %mul3A_247 {offsets = [14], sizes = [1], strides = [1]} : vector<16xi32> to vector<1xi32>
        %squeeze3A_319 = vector.extract %slice3A_318[0] : i32 from vector<1xi32>
        %swap3A_320 = arith.constant 30 : i32
        %swap3A_321 = arith.index_cast %swap3A_320 : i32 to index
        %swap3A_322 = memref.load %arg9[%swap3A_321] : memref<80xi32, #tpu.memory_space<smem>>
        memref.store %squeeze3A_319, %arg9[%swap3A_321] : memref<80xi32, #tpu.memory_space<smem>>
        %slice3A_323 = vector.extract_strided_slice %mul3A_247 {offsets = [15], sizes = [1], strides = [1]} : vector<16xi32> to vector<1xi32>
        %squeeze3A_324 = vector.extract %slice3A_323[0] : i32 from vector<1xi32>
        %swap3A_325 = arith.constant 31 : i32
        %swap3A_326 = arith.index_cast %swap3A_325 : i32 to index
        %swap3A_327 = memref.load %arg9[%swap3A_326] : memref<80xi32, #tpu.memory_space<smem>>
        memref.store %squeeze3A_324, %arg9[%swap3A_326] : memref<80xi32, #tpu.memory_space<smem>>
        %add3A_328 = arith.addi %sub3A_27, %add3A_130 : i32
        %get3A_329 = arith.index_cast %add3A_328 : i32 to index
        %get3A_330 = arith.constant 32 : index
        %get3A_331 = tpu.vector_load %arg7[%get3A_329, %get3A_330] {strides = array<i32>} : memref<48x80xi32, #tpu.memory_space<vmem>>, vector<16xi32>,
        %mul3A_332 = arith.constant 256 : i32
        %mul3A_333 = vector.broadcast %mul3A_332 : i32 to vector<16xi32>
        %mul3A_334 = arith.muli %get3A_331, %mul3A_333 : vector<16xi32>
        %slice3A_335 = vector.extract_strided_slice %mul3A_334 {offsets = [0], sizes = [1], strides = [1]} : vector<16xi32> to vector<1xi32>
        %squeeze3A_336 = vector.extract %slice3A_335[0] : i32 from vector<1xi32>
        %swap3A_337 = arith.constant 32 : i32
        %swap3A_338 = arith.index_cast %swap3A_337 : i32 to index
        %swap3A_339 = memref.load %arg9[%swap3A_338] : memref<80xi32, #tpu.memory_space<smem>>
        memref.store %squeeze3A_336, %arg9[%swap3A_338] : memref<80xi32, #tpu.memory_space<smem>>
        %slice3A_340 = vector.extract_strided_slice %mul3A_334 {offsets = [1], sizes = [1], strides = [1]} : vector<16xi32> to vector<1xi32>
        %squeeze3A_341 = vector.extract %slice3A_340[0] : i32 from vector<1xi32>
        %swap3A_342 = arith.constant 33 : i32
        %swap3A_343 = arith.index_cast %swap3A_342 : i32 to index
        %swap3A_344 = memref.load %arg9[%swap3A_343] : memref<80xi32, #tpu.memory_space<smem>>
        memref.store %squeeze3A_341, %arg9[%swap3A_343] : memref<80xi32, #tpu.memory_space<smem>>
        %slice3A_345 = vector.extract_strided_slice %mul3A_334 {offsets = [2], sizes = [1], strides = [1]} : vector<16xi32> to vector<1xi32>
        %squeeze3A_346 = vector.extract %slice3A_345[0] : i32 from vector<1xi32>
        %swap3A_347 = arith.constant 34 : i32
        %swap3A_348 = arith.index_cast %swap3A_347 : i32 to index
        %swap3A_349 = memref.load %arg9[%swap3A_348] : memref<80xi32, #tpu.memory_space<smem>>
        memref.store %squeeze3A_346, %arg9[%swap3A_348] : memref<80xi32, #tpu.memory_space<smem>>
        %slice3A_350 = vector.extract_strided_slice %mul3A_334 {offsets = [3], sizes = [1], strides = [1]} : vector<16xi32> to vector<1xi32>
        %squeeze3A_351 = vector.extract %slice3A_350[0] : i32 from vector<1xi32>
        %swap3A_352 = arith.constant 35 : i32
        %swap3A_353 = arith.index_cast %swap3A_352 : i32 to index
        %swap3A_354 = memref.load %arg9[%swap3A_353] : memref<80xi32, #tpu.memory_space<smem>>
        memref.store %squeeze3A_351, %arg9[%swap3A_353] : memref<80xi32, #tpu.memory_space<smem>>
        %slice3A_355 = vector.extract_strided_slice %mul3A_334 {offsets = [4], sizes = [1], strides = [1]} : vector<16xi32> to vector<1xi32>
        %squeeze3A_356 = vector.extract %slice3A_355[0] : i32 from vector<1xi32>
        %swap3A_357 = arith.constant 36 : i32
        %swap3A_358 = arith.index_cast %swap3A_357 : i32 to index
        %swap3A_359 = memref.load %arg9[%swap3A_358] : memref<80xi32, #tpu.memory_space<smem>>
        memref.store %squeeze3A_356, %arg9[%swap3A_358] : memref<80xi32, #tpu.memory_space<smem>>
        %slice3A_360 = vector.extract_strided_slice %mul3A_334 {offsets = [5], sizes = [1], strides = [1]} : vector<16xi32> to vector<1xi32>
        %squeeze3A_361 = vector.extract %slice3A_360[0] : i32 from vector<1xi32>
        %swap3A_362 = arith.constant 37 : i32
        %swap3A_363 = arith.index_cast %swap3A_362 : i32 to index
        %swap3A_364 = memref.load %arg9[%swap3A_363] : memref<80xi32, #tpu.memory_space<smem>>
        memref.store %squeeze3A_361, %arg9[%swap3A_363] : memref<80xi32, #tpu.memory_space<smem>>
        %slice3A_365 = vector.extract_strided_slice %mul3A_334 {offsets = [6], sizes = [1], strides = [1]} : vector<16xi32> to vector<1xi32>
        %squeeze3A_366 = vector.extract %slice3A_365[0] : i32 from vector<1xi32>
        %swap3A_367 = arith.constant 38 : i32
        %swap3A_368 = arith.index_cast %swap3A_367 : i32 to index
        %swap3A_369 = memref.load %arg9[%swap3A_368] : memref<80xi32, #tpu.memory_space<smem>>
        memref.store %squeeze3A_366, %arg9[%swap3A_368] : memref<80xi32, #tpu.memory_space<smem>>
        %slice3A_370 = vector.extract_strided_slice %mul3A_334 {offsets = [7], sizes = [1], strides = [1]} : vector<16xi32> to vector<1xi32>
        %squeeze3A_371 = vector.extract %slice3A_370[0] : i32 from vector<1xi32>
        %swap3A_372 = arith.constant 39 : i32
        %swap3A_373 = arith.index_cast %swap3A_372 : i32 to index
        %swap3A_374 = memref.load %arg9[%swap3A_373] : memref<80xi32, #tpu.memory_space<smem>>
        memref.store %squeeze3A_371, %arg9[%swap3A_373] : memref<80xi32, #tpu.memory_space<smem>>
        %slice3A_375 = vector.extract_strided_slice %mul3A_334 {offsets = [8], sizes = [1], strides = [1]} : vector<16xi32> to vector<1xi32>
        %squeeze3A_376 = vector.extract %slice3A_375[0] : i32 from vector<1xi32>
        %swap3A_377 = arith.constant 40 : i32
        %swap3A_378 = arith.index_cast %swap3A_377 : i32 to index
        %swap3A_379 = memref.load %arg9[%swap3A_378] : memref<80xi32, #tpu.memory_space<smem>>
        memref.store %squeeze3A_376, %arg9[%swap3A_378] : memref<80xi32, #tpu.memory_space<smem>>
        %slice3A_380 = vector.extract_strided_slice %mul3A_334 {offsets = [9], sizes = [1], strides = [1]} : vector<16xi32> to vector<1xi32>
        %squeeze3A_381 = vector.extract %slice3A_380[0] : i32 from vector<1xi32>
        %swap3A_382 = arith.constant 41 : i32
        %swap3A_383 = arith.index_cast %swap3A_382 : i32 to index
        %swap3A_384 = memref.load %arg9[%swap3A_383] : memref<80xi32, #tpu.memory_space<smem>>
        memref.store %squeeze3A_381, %arg9[%swap3A_383] : memref<80xi32, #tpu.memory_space<smem>>
        %slice3A_385 = vector.extract_strided_slice %mul3A_334 {offsets = [10], sizes = [1], strides = [1]} : vector<16xi32> to vector<1xi32>
        %squeeze3A_386 = vector.extract %slice3A_385[0] : i32 from vector<1xi32>
        %swap3A_387 = arith.constant 42 : i32
        %swap3A_388 = arith.index_cast %swap3A_387 : i32 to index
        %swap3A_389 = memref.load %arg9[%swap3A_388] : memref<80xi32, #tpu.memory_space<smem>>
        memref.store %squeeze3A_386, %arg9[%swap3A_388] : memref<80xi32, #tpu.memory_space<smem>>
        %slice3A_390 = vector.extract_strided_slice %mul3A_334 {offsets = [11], sizes = [1], strides = [1]} : vector<16xi32> to vector<1xi32>
        %squeeze3A_391 = vector.extract %slice3A_390[0] : i32 from vector<1xi32>
        %swap3A_392 = arith.constant 43 : i32
        %swap3A_393 = arith.index_cast %swap3A_392 : i32 to index
        %swap3A_394 = memref.load %arg9[%swap3A_393] : memref<80xi32, #tpu.memory_space<smem>>
        memref.store %squeeze3A_391, %arg9[%swap3A_393] : memref<80xi32, #tpu.memory_space<smem>>
        %slice3A_395 = vector.extract_strided_slice %mul3A_334 {offsets = [12], sizes = [1], strides = [1]} : vector<16xi32> to vector<1xi32>
        %squeeze3A_396 = vector.extract %slice3A_395[0] : i32 from vector<1xi32>
        %swap3A_397 = arith.constant 44 : i32
        %swap3A_398 = arith.index_cast %swap3A_397 : i32 to index
        %swap3A_399 = memref.load %arg9[%swap3A_398] : memref<80xi32, #tpu.memory_space<smem>>
        memref.store %squeeze3A_396, %arg9[%swap3A_398] : memref<80xi32, #tpu.memory_space<smem>>
        %slice3A_400 = vector.extract_strided_slice %mul3A_334 {offsets = [13], sizes = [1], strides = [1]} : vector<16xi32> to vector<1xi32>
        %squeeze3A_401 = vector.extract %slice3A_400[0] : i32 from vector<1xi32>
        %swap3A_402 = arith.constant 45 : i32
        %swap3A_403 = arith.index_cast %swap3A_402 : i32 to index
        %swap3A_404 = memref.load %arg9[%swap3A_403] : memref<80xi32, #tpu.memory_space<smem>>
        memref.store %squeeze3A_401, %arg9[%swap3A_403] : memref<80xi32, #tpu.memory_space<smem>>
        %slice3A_405 = vector.extract_strided_slice %mul3A_334 {offsets = [14], sizes = [1], strides = [1]} : vector<16xi32> to vector<1xi32>
        %squeeze3A_406 = vector.extract %slice3A_405[0] : i32 from vector<1xi32>
        %swap3A_407 = arith.constant 46 : i32
        %swap3A_408 = arith.index_cast %swap3A_407 : i32 to index
        %swap3A_409 = memref.load %arg9[%swap3A_408] : memref<80xi32, #tpu.memory_space<smem>>
        memref.store %squeeze3A_406, %arg9[%swap3A_408] : memref<80xi32, #tpu.memory_space<smem>>
        %slice3A_410 = vector.extract_strided_slice %mul3A_334 {offsets = [15], sizes = [1], strides = [1]} : vector<16xi32> to vector<1xi32>
        %squeeze3A_411 = vector.extract %slice3A_410[0] : i32 from vector<1xi32>
        %swap3A_412 = arith.constant 47 : i32
        %swap3A_413 = arith.index_cast %swap3A_412 : i32 to index
        %swap3A_414 = memref.load %arg9[%swap3A_413] : memref<80xi32, #tpu.memory_space<smem>>
        memref.store %squeeze3A_411, %arg9[%swap3A_413] : memref<80xi32, #tpu.memory_space<smem>>
        %add3A_415 = arith.addi %sub3A_27, %add3A_130 : i32
        %get3A_416 = arith.index_cast %add3A_415 : i32 to index
        %get3A_417 = arith.constant 48 : index
        %get3A_418 = tpu.vector_load %arg7[%get3A_416, %get3A_417] {strides = array<i32>} : memref<48x80xi32, #tpu.memory_space<vmem>>, vector<16xi32>,
        %mul3A_419 = arith.constant 256 : i32
        %mul3A_420 = vector.broadcast %mul3A_419 : i32 to vector<16xi32>
        %mul3A_421 = arith.muli %get3A_418, %mul3A_420 : vector<16xi32>
        %slice3A_422 = vector.extract_strided_slice %mul3A_421 {offsets = [0], sizes = [1], strides = [1]} : vector<16xi32> to vector<1xi32>
        %squeeze3A_423 = vector.extract %slice3A_422[0] : i32 from vector<1xi32>
        %swap3A_424 = arith.constant 48 : i32
        %swap3A_425 = arith.index_cast %swap3A_424 : i32 to index
        %swap3A_426 = memref.load %arg9[%swap3A_425] : memref<80xi32, #tpu.memory_space<smem>>
        memref.store %squeeze3A_423, %arg9[%swap3A_425] : memref<80xi32, #tpu.memory_space<smem>>
        %slice3A_427 = vector.extract_strided_slice %mul3A_421 {offsets = [1], sizes = [1], strides = [1]} : vector<16xi32> to vector<1xi32>
        %squeeze3A_428 = vector.extract %slice3A_427[0] : i32 from vector<1xi32>
        %swap3A_429 = arith.constant 49 : i32
        %swap3A_430 = arith.index_cast %swap3A_429 : i32 to index
        %swap3A_431 = memref.load %arg9[%swap3A_430] : memref<80xi32, #tpu.memory_space<smem>>
        memref.store %squeeze3A_428, %arg9[%swap3A_430] : memref<80xi32, #tpu.memory_space<smem>>
        %slice3A_432 = vector.extract_strided_slice %mul3A_421 {offsets = [2], sizes = [1], strides = [1]} : vector<16xi32> to vector<1xi32>
        %squeeze3A_433 = vector.extract %slice3A_432[0] : i32 from vector<1xi32>
        %swap3A_434 = arith.constant 50 : i32
        %swap3A_435 = arith.index_cast %swap3A_434 : i32 to index
        %swap3A_436 = memref.load %arg9[%swap3A_435] : memref<80xi32, #tpu.memory_space<smem>>
        memref.store %squeeze3A_433, %arg9[%swap3A_435] : memref<80xi32, #tpu.memory_space<smem>>
        %slice3A_437 = vector.extract_strided_slice %mul3A_421 {offsets = [3], sizes = [1], strides = [1]} : vector<16xi32> to vector<1xi32>
        %squeeze3A_438 = vector.extract %slice3A_437[0] : i32 from vector<1xi32>
        %swap3A_439 = arith.constant 51 : i32
        %swap3A_440 = arith.index_cast %swap3A_439 : i32 to index
        %swap3A_441 = memref.load %arg9[%swap3A_440] : memref<80xi32, #tpu.memory_space<smem>>
        memref.store %squeeze3A_438, %arg9[%swap3A_440] : memref<80xi32, #tpu.memory_space<smem>>
        %slice3A_442 = vector.extract_strided_slice %mul3A_421 {offsets = [4], sizes = [1], strides = [1]} : vector<16xi32> to vector<1xi32>
        %squeeze3A_443 = vector.extract %slice3A_442[0] : i32 from vector<1xi32>
        %swap3A_444 = arith.constant 52 : i32
        %swap3A_445 = arith.index_cast %swap3A_444 : i32 to index
        %swap3A_446 = memref.load %arg9[%swap3A_445] : memref<80xi32, #tpu.memory_space<smem>>
        memref.store %squeeze3A_443, %arg9[%swap3A_445] : memref<80xi32, #tpu.memory_space<smem>>
        %slice3A_447 = vector.extract_strided_slice %mul3A_421 {offsets = [5], sizes = [1], strides = [1]} : vector<16xi32> to vector<1xi32>
        %squeeze3A_448 = vector.extract %slice3A_447[0] : i32 from vector<1xi32>
        %swap3A_449 = arith.constant 53 : i32
        %swap3A_450 = arith.index_cast %swap3A_449 : i32 to index
        %swap3A_451 = memref.load %arg9[%swap3A_450] : memref<80xi32, #tpu.memory_space<smem>>
        memref.store %squeeze3A_448, %arg9[%swap3A_450] : memref<80xi32, #tpu.memory_space<smem>>
        %slice3A_452 = vector.extract_strided_slice %mul3A_421 {offsets = [6], sizes = [1], strides = [1]} : vector<16xi32> to vector<1xi32>
        %squeeze3A_453 = vector.extract %slice3A_452[0] : i32 from vector<1xi32>
        %swap3A_454 = arith.constant 54 : i32
        %swap3A_455 = arith.index_cast %swap3A_454 : i32 to index
        %swap3A_456 = memref.load %arg9[%swap3A_455] : memref<80xi32, #tpu.memory_space<smem>>
        memref.store %squeeze3A_453, %arg9[%swap3A_455] : memref<80xi32, #tpu.memory_space<smem>>
        %slice3A_457 = vector.extract_strided_slice %mul3A_421 {offsets = [7], sizes = [1], strides = [1]} : vector<16xi32> to vector<1xi32>
        %squeeze3A_458 = vector.extract %slice3A_457[0] : i32 from vector<1xi32>
        %swap3A_459 = arith.constant 55 : i32
        %swap3A_460 = arith.index_cast %swap3A_459 : i32 to index
        %swap3A_461 = memref.load %arg9[%swap3A_460] : memref<80xi32, #tpu.memory_space<smem>>
        memref.store %squeeze3A_458, %arg9[%swap3A_460] : memref<80xi32, #tpu.memory_space<smem>>
        %slice3A_462 = vector.extract_strided_slice %mul3A_421 {offsets = [8], sizes = [1], strides = [1]} : vector<16xi32> to vector<1xi32>
        %squeeze3A_463 = vector.extract %slice3A_462[0] : i32 from vector<1xi32>
        %swap3A_464 = arith.constant 56 : i32
        %swap3A_465 = arith.index_cast %swap3A_464 : i32 to index
        %swap3A_466 = memref.load %arg9[%swap3A_465] : memref<80xi32, #tpu.memory_space<smem>>
        memref.store %squeeze3A_463, %arg9[%swap3A_465] : memref<80xi32, #tpu.memory_space<smem>>
        %slice3A_467 = vector.extract_strided_slice %mul3A_421 {offsets = [9], sizes = [1], strides = [1]} : vector<16xi32> to vector<1xi32>
        %squeeze3A_468 = vector.extract %slice3A_467[0] : i32 from vector<1xi32>
        %swap3A_469 = arith.constant 57 : i32
        %swap3A_470 = arith.index_cast %swap3A_469 : i32 to index
        %swap3A_471 = memref.load %arg9[%swap3A_470] : memref<80xi32, #tpu.memory_space<smem>>
        memref.store %squeeze3A_468, %arg9[%swap3A_470] : memref<80xi32, #tpu.memory_space<smem>>
        %slice3A_472 = vector.extract_strided_slice %mul3A_421 {offsets = [10], sizes = [1], strides = [1]} : vector<16xi32> to vector<1xi32>
        %squeeze3A_473 = vector.extract %slice3A_472[0] : i32 from vector<1xi32>
        %swap3A_474 = arith.constant 58 : i32
        %swap3A_475 = arith.index_cast %swap3A_474 : i32 to index
        %swap3A_476 = memref.load %arg9[%swap3A_475] : memref<80xi32, #tpu.memory_space<smem>>
        memref.store %squeeze3A_473, %arg9[%swap3A_475] : memref<80xi32, #tpu.memory_space<smem>>
        %slice3A_477 = vector.extract_strided_slice %mul3A_421 {offsets = [11], sizes = [1], strides = [1]} : vector<16xi32> to vector<1xi32>
        %squeeze3A_478 = vector.extract %slice3A_477[0] : i32 from vector<1xi32>
        %swap3A_479 = arith.constant 59 : i32
        %swap3A_480 = arith.index_cast %swap3A_479 : i32 to index
        %swap3A_481 = memref.load %arg9[%swap3A_480] : memref<80xi32, #tpu.memory_space<smem>>
        memref.store %squeeze3A_478, %arg9[%swap3A_480] : memref<80xi32, #tpu.memory_space<smem>>
        %slice3A_482 = vector.extract_strided_slice %mul3A_421 {offsets = [12], sizes = [1], strides = [1]} : vector<16xi32> to vector<1xi32>
        %squeeze3A_483 = vector.extract %slice3A_482[0] : i32 from vector<1xi32>
        %swap3A_484 = arith.constant 60 : i32
        %swap3A_485 = arith.index_cast %swap3A_484 : i32 to index
        %swap3A_486 = memref.load %arg9[%swap3A_485] : memref<80xi32, #tpu.memory_space<smem>>
        memref.store %squeeze3A_483, %arg9[%swap3A_485] : memref<80xi32, #tpu.memory_space<smem>>
        %slice3A_487 = vector.extract_strided_slice %mul3A_421 {offsets = [13], sizes = [1], strides = [1]} : vector<16xi32> to vector<1xi32>
        %squeeze3A_488 = vector.extract %slice3A_487[0] : i32 from vector<1xi32>
        %swap3A_489 = arith.constant 61 : i32
        %swap3A_490 = arith.index_cast %swap3A_489 : i32 to index
        %swap3A_491 = memref.load %arg9[%swap3A_490] : memref<80xi32, #tpu.memory_space<smem>>
        memref.store %squeeze3A_488, %arg9[%swap3A_490] : memref<80xi32, #tpu.memory_space<smem>>
        %slice3A_492 = vector.extract_strided_slice %mul3A_421 {offsets = [14], sizes = [1], strides = [1]} : vector<16xi32> to vector<1xi32>
        %squeeze3A_493 = vector.extract %slice3A_492[0] : i32 from vector<1xi32>
        %swap3A_494 = arith.constant 62 : i32
        %swap3A_495 = arith.index_cast %swap3A_494 : i32 to index
        %swap3A_496 = memref.load %arg9[%swap3A_495] : memref<80xi32, #tpu.memory_space<smem>>
        memref.store %squeeze3A_493, %arg9[%swap3A_495] : memref<80xi32, #tpu.memory_space<smem>>
        %slice3A_497 = vector.extract_strided_slice %mul3A_421 {offsets = [15], sizes = [1], strides = [1]} : vector<16xi32> to vector<1xi32>
        %squeeze3A_498 = vector.extract %slice3A_497[0] : i32 from vector<1xi32>
        %swap3A_499 = arith.constant 63 : i32
        %swap3A_500 = arith.index_cast %swap3A_499 : i32 to index
        %swap3A_501 = memref.load %arg9[%swap3A_500] : memref<80xi32, #tpu.memory_space<smem>>
        memref.store %squeeze3A_498, %arg9[%swap3A_500] : memref<80xi32, #tpu.memory_space<smem>>
        %add3A_502 = arith.addi %sub3A_27, %add3A_130 : i32
        %get3A_503 = arith.index_cast %add3A_502 : i32 to index
        %get3A_504 = arith.constant 64 : index
        %get3A_505 = tpu.vector_load %arg7[%get3A_503, %get3A_504] {strides = array<i32>} : memref<48x80xi32, #tpu.memory_space<vmem>>, vector<16xi32>,
        %mul3A_506 = arith.constant 256 : i32
        %mul3A_507 = vector.broadcast %mul3A_506 : i32 to vector<16xi32>
        %mul3A_508 = arith.muli %get3A_505, %mul3A_507 : vector<16xi32>
        %slice3A_509 = vector.extract_strided_slice %mul3A_508 {offsets = [0], sizes = [1], strides = [1]} : vector<16xi32> to vector<1xi32>
        %squeeze3A_510 = vector.extract %slice3A_509[0] : i32 from vector<1xi32>
        %swap3A_511 = arith.constant 64 : i32
        %swap3A_512 = arith.index_cast %swap3A_511 : i32 to index
        %swap3A_513 = memref.load %arg9[%swap3A_512] : memref<80xi32, #tpu.memory_space<smem>>
        memref.store %squeeze3A_510, %arg9[%swap3A_512] : memref<80xi32, #tpu.memory_space<smem>>
        %slice3A_514 = vector.extract_strided_slice %mul3A_508 {offsets = [1], sizes = [1], strides = [1]} : vector<16xi32> to vector<1xi32>
        %squeeze3A_515 = vector.extract %slice3A_514[0] : i32 from vector<1xi32>
        %swap3A_516 = arith.constant 65 : i32
        %swap3A_517 = arith.index_cast %swap3A_516 : i32 to index
        %swap3A_518 = memref.load %arg9[%swap3A_517] : memref<80xi32, #tpu.memory_space<smem>>
        memref.store %squeeze3A_515, %arg9[%swap3A_517] : memref<80xi32, #tpu.memory_space<smem>>
        %slice3A_519 = vector.extract_strided_slice %mul3A_508 {offsets = [2], sizes = [1], strides = [1]} : vector<16xi32> to vector<1xi32>
        %squeeze3A_520 = vector.extract %slice3A_519[0] : i32 from vector<1xi32>
        %swap3A_521 = arith.constant 66 : i32
        %swap3A_522 = arith.index_cast %swap3A_521 : i32 to index
        %swap3A_523 = memref.load %arg9[%swap3A_522] : memref<80xi32, #tpu.memory_space<smem>>
        memref.store %squeeze3A_520, %arg9[%swap3A_522] : memref<80xi32, #tpu.memory_space<smem>>
        %slice3A_524 = vector.extract_strided_slice %mul3A_508 {offsets = [3], sizes = [1], strides = [1]} : vector<16xi32> to vector<1xi32>
        %squeeze3A_525 = vector.extract %slice3A_524[0] : i32 from vector<1xi32>
        %swap3A_526 = arith.constant 67 : i32
        %swap3A_527 = arith.index_cast %swap3A_526 : i32 to index
        %swap3A_528 = memref.load %arg9[%swap3A_527] : memref<80xi32, #tpu.memory_space<smem>>
        memref.store %squeeze3A_525, %arg9[%swap3A_527] : memref<80xi32, #tpu.memory_space<smem>>
        %slice3A_529 = vector.extract_strided_slice %mul3A_508 {offsets = [4], sizes = [1], strides = [1]} : vector<16xi32> to vector<1xi32>
        %squeeze3A_530 = vector.extract %slice3A_529[0] : i32 from vector<1xi32>
        %swap3A_531 = arith.constant 68 : i32
        %swap3A_532 = arith.index_cast %swap3A_531 : i32 to index
        %swap3A_533 = memref.load %arg9[%swap3A_532] : memref<80xi32, #tpu.memory_space<smem>>
        memref.store %squeeze3A_530, %arg9[%swap3A_532] : memref<80xi32, #tpu.memory_space<smem>>
        %slice3A_534 = vector.extract_strided_slice %mul3A_508 {offsets = [5], sizes = [1], strides = [1]} : vector<16xi32> to vector<1xi32>
        %squeeze3A_535 = vector.extract %slice3A_534[0] : i32 from vector<1xi32>
        %swap3A_536 = arith.constant 69 : i32
        %swap3A_537 = arith.index_cast %swap3A_536 : i32 to index
        %swap3A_538 = memref.load %arg9[%swap3A_537] : memref<80xi32, #tpu.memory_space<smem>>
        memref.store %squeeze3A_535, %arg9[%swap3A_537] : memref<80xi32, #tpu.memory_space<smem>>
        %slice3A_539 = vector.extract_strided_slice %mul3A_508 {offsets = [6], sizes = [1], strides = [1]} : vector<16xi32> to vector<1xi32>
        %squeeze3A_540 = vector.extract %slice3A_539[0] : i32 from vector<1xi32>
        %swap3A_541 = arith.constant 70 : i32
        %swap3A_542 = arith.index_cast %swap3A_541 : i32 to index
        %swap3A_543 = memref.load %arg9[%swap3A_542] : memref<80xi32, #tpu.memory_space<smem>>
        memref.store %squeeze3A_540, %arg9[%swap3A_542] : memref<80xi32, #tpu.memory_space<smem>>
        %slice3A_544 = vector.extract_strided_slice %mul3A_508 {offsets = [7], sizes = [1], strides = [1]} : vector<16xi32> to vector<1xi32>
        %squeeze3A_545 = vector.extract %slice3A_544[0] : i32 from vector<1xi32>
        %swap3A_546 = arith.constant 71 : i32
        %swap3A_547 = arith.index_cast %swap3A_546 : i32 to index
        %swap3A_548 = memref.load %arg9[%swap3A_547] : memref<80xi32, #tpu.memory_space<smem>>
        memref.store %squeeze3A_545, %arg9[%swap3A_547] : memref<80xi32, #tpu.memory_space<smem>>
        %slice3A_549 = vector.extract_strided_slice %mul3A_508 {offsets = [8], sizes = [1], strides = [1]} : vector<16xi32> to vector<1xi32>
        %squeeze3A_550 = vector.extract %slice3A_549[0] : i32 from vector<1xi32>
        %swap3A_551 = arith.constant 72 : i32
        %swap3A_552 = arith.index_cast %swap3A_551 : i32 to index
        %swap3A_553 = memref.load %arg9[%swap3A_552] : memref<80xi32, #tpu.memory_space<smem>>
        memref.store %squeeze3A_550, %arg9[%swap3A_552] : memref<80xi32, #tpu.memory_space<smem>>
        %slice3A_554 = vector.extract_strided_slice %mul3A_508 {offsets = [9], sizes = [1], strides = [1]} : vector<16xi32> to vector<1xi32>
        %squeeze3A_555 = vector.extract %slice3A_554[0] : i32 from vector<1xi32>
        %swap3A_556 = arith.constant 73 : i32
        %swap3A_557 = arith.index_cast %swap3A_556 : i32 to index
        %swap3A_558 = memref.load %arg9[%swap3A_557] : memref<80xi32, #tpu.memory_space<smem>>
        memref.store %squeeze3A_555, %arg9[%swap3A_557] : memref<80xi32, #tpu.memory_space<smem>>
        %slice3A_559 = vector.extract_strided_slice %mul3A_508 {offsets = [10], sizes = [1], strides = [1]} : vector<16xi32> to vector<1xi32>
        %squeeze3A_560 = vector.extract %slice3A_559[0] : i32 from vector<1xi32>
        %swap3A_561 = arith.constant 74 : i32
        %swap3A_562 = arith.index_cast %swap3A_561 : i32 to index
        %swap3A_563 = memref.load %arg9[%swap3A_562] : memref<80xi32, #tpu.memory_space<smem>>
        memref.store %squeeze3A_560, %arg9[%swap3A_562] : memref<80xi32, #tpu.memory_space<smem>>
        %slice3A_564 = vector.extract_strided_slice %mul3A_508 {offsets = [11], sizes = [1], strides = [1]} : vector<16xi32> to vector<1xi32>
        %squeeze3A_565 = vector.extract %slice3A_564[0] : i32 from vector<1xi32>
        %swap3A_566 = arith.constant 75 : i32
        %swap3A_567 = arith.index_cast %swap3A_566 : i32 to index
        %swap3A_568 = memref.load %arg9[%swap3A_567] : memref<80xi32, #tpu.memory_space<smem>>
        memref.store %squeeze3A_565, %arg9[%swap3A_567] : memref<80xi32, #tpu.memory_space<smem>>
        %slice3A_569 = vector.extract_strided_slice %mul3A_508 {offsets = [12], sizes = [1], strides = [1]} : vector<16xi32> to vector<1xi32>
        %squeeze3A_570 = vector.extract %slice3A_569[0] : i32 from vector<1xi32>
        %swap3A_571 = arith.constant 76 : i32
        %swap3A_572 = arith.index_cast %swap3A_571 : i32 to index
        %swap3A_573 = memref.load %arg9[%swap3A_572] : memref<80xi32, #tpu.memory_space<smem>>
        memref.store %squeeze3A_570, %arg9[%swap3A_572] : memref<80xi32, #tpu.memory_space<smem>>
        %slice3A_574 = vector.extract_strided_slice %mul3A_508 {offsets = [13], sizes = [1], strides = [1]} : vector<16xi32> to vector<1xi32>
        %squeeze3A_575 = vector.extract %slice3A_574[0] : i32 from vector<1xi32>
        %swap3A_576 = arith.constant 77 : i32
        %swap3A_577 = arith.index_cast %swap3A_576 : i32 to index
        %swap3A_578 = memref.load %arg9[%swap3A_577] : memref<80xi32, #tpu.memory_space<smem>>
        memref.store %squeeze3A_575, %arg9[%swap3A_577] : memref<80xi32, #tpu.memory_space<smem>>
        %slice3A_579 = vector.extract_strided_slice %mul3A_508 {offsets = [14], sizes = [1], strides = [1]} : vector<16xi32> to vector<1xi32>
        %squeeze3A_580 = vector.extract %slice3A_579[0] : i32 from vector<1xi32>
        %swap3A_581 = arith.constant 78 : i32
        %swap3A_582 = arith.index_cast %swap3A_581 : i32 to index
        %swap3A_583 = memref.load %arg9[%swap3A_582] : memref<80xi32, #tpu.memory_space<smem>>
        memref.store %squeeze3A_580, %arg9[%swap3A_582] : memref<80xi32, #tpu.memory_space<smem>>
        %slice3A_584 = vector.extract_strided_slice %mul3A_508 {offsets = [15], sizes = [1], strides = [1]} : vector<16xi32> to vector<1xi32>
        %squeeze3A_585 = vector.extract %slice3A_584[0] : i32 from vector<1xi32>
        %swap3A_586 = arith.constant 79 : i32
        %swap3A_587 = arith.index_cast %swap3A_586 : i32 to index
        %swap3A_588 = memref.load %arg9[%swap3A_587] : memref<80xi32, #tpu.memory_space<smem>>
        memref.store %squeeze3A_585, %arg9[%swap3A_587] : memref<80xi32, #tpu.memory_space<smem>>
        %parallel_loop3A = arith.constant 0 : i32
        %parallel_loop3A_589 = arith.constant 80 : i32
        %parallel_loop3A_590 = arith.constant 1 : i32
        scf.for %parallel_loop3A_609 = %parallel_loop3A to %parallel_loop3A_589 step %parallel_loop3A_590  : i32 {
          %parallel_loop3A_610 = arith.index_cast %parallel_loop3A_609 : i32 to index
          %parallel_loop3A_611 = memref.load %arg9[%parallel_loop3A_610] : memref<80xi32, #tpu.memory_space<smem>>
          %parallel_loop3A_612 = arith.constant 0 : i32
          %parallel_loop3A_613 = arith.addi %parallel_loop3A_611, %parallel_loop3A_612 : i32
          %parallel_loop3A_614 = arith.index_cast %parallel_loop3A_613 : i32 to index
          %parallel_loop3A_615 = tpu.vector_load %arg6[%parallel_loop3A_614] {strides = array<i32>} : memref<22272xf32, #tpu.memory_space<vmem>>, vector<16xf32>,
          %parallel_loop3A_616 = arith.constant 1 : i32
          %parallel_loop3A_617 = arith.index_cast %parallel_loop3A_616 : i32 to index
          %parallel_loop3A_618 = arith.index_cast %parallel_loop3A_609 : i32 to index
          %parallel_loop3A_619 = arith.constant 0 : index
          %parallel_loop3A_620 = tpu.vector_load %arg8[%parallel_loop3A_617, %parallel_loop3A_618, %parallel_loop3A_619] {strides = array<i32>} : memref<4x80x256xf32, #tpu.memory_space<vmem>>, vector<16xf32>,
          tpu.vector_store %arg8[%parallel_loop3A_617, %parallel_loop3A_618, %parallel_loop3A_619], %parallel_loop3A_615 {strides = array<i32>} : memref<4x80x256xf32, #tpu.memory_space<vmem>>, vector<16xf32>,
          %parallel_loop3A_621 = arith.constant 16 : i32
          %parallel_loop3A_622 = arith.addi %parallel_loop3A_611, %parallel_loop3A_621 : i32
          %parallel_loop3A_623 = arith.index_cast %parallel_loop3A_622 : i32 to index
          %parallel_loop3A_624 = tpu.vector_load %arg6[%parallel_loop3A_623] {strides = array<i32>} : memref<22272xf32, #tpu.memory_space<vmem>>, vector<16xf32>,
          %parallel_loop3A_625 = arith.constant 1 : i32
          %parallel_loop3A_626 = arith.index_cast %parallel_loop3A_625 : i32 to index
          %parallel_loop3A_627 = arith.index_cast %parallel_loop3A_609 : i32 to index
          %parallel_loop3A_628 = arith.constant 16 : index
          %parallel_loop3A_629 = tpu.vector_load %arg8[%parallel_loop3A_626, %parallel_loop3A_627, %parallel_loop3A_628] {strides = array<i32>} : memref<4x80x256xf32, #tpu.memory_space<vmem>>, vector<16xf32>,
          tpu.vector_store %arg8[%parallel_loop3A_626, %parallel_loop3A_627, %parallel_loop3A_628], %parallel_loop3A_624 {strides = array<i32>} : memref<4x80x256xf32, #tpu.memory_space<vmem>>, vector<16xf32>,
          %parallel_loop3A_630 = arith.constant 32 : i32
          %parallel_loop3A_631 = arith.addi %parallel_loop3A_611, %parallel_loop3A_630 : i32
          %parallel_loop3A_632 = arith.index_cast %parallel_loop3A_631 : i32 to index
          %parallel_loop3A_633 = tpu.vector_load %arg6[%parallel_loop3A_632] {strides = array<i32>} : memref<22272xf32, #tpu.memory_space<vmem>>, vector<16xf32>,
          %parallel_loop3A_634 = arith.constant 1 : i32
          %parallel_loop3A_635 = arith.index_cast %parallel_loop3A_634 : i32 to index
          %parallel_loop3A_636 = arith.index_cast %parallel_loop3A_609 : i32 to index
          %parallel_loop3A_637 = arith.constant 32 : index
          %parallel_loop3A_638 = tpu.vector_load %arg8[%parallel_loop3A_635, %parallel_loop3A_636, %parallel_loop3A_637] {strides = array<i32>} : memref<4x80x256xf32, #tpu.memory_space<vmem>>, vector<16xf32>,
          tpu.vector_store %arg8[%parallel_loop3A_635, %parallel_loop3A_636, %parallel_loop3A_637], %parallel_loop3A_633 {strides = array<i32>} : memref<4x80x256xf32, #tpu.memory_space<vmem>>, vector<16xf32>,
          %parallel_loop3A_639 = arith.constant 48 : i32
          %parallel_loop3A_640 = arith.addi %parallel_loop3A_611, %parallel_loop3A_639 : i32
          %parallel_loop3A_641 = arith.index_cast %parallel_loop3A_640 : i32 to index
          %parallel_loop3A_642 = tpu.vector_load %arg6[%parallel_loop3A_641] {strides = array<i32>} : memref<22272xf32, #tpu.memory_space<vmem>>, vector<16xf32>,
          %parallel_loop3A_643 = arith.constant 1 : i32
          %parallel_loop3A_644 = arith.index_cast %parallel_loop3A_643 : i32 to index
          %parallel_loop3A_645 = arith.index_cast %parallel_loop3A_609 : i32 to index
          %parallel_loop3A_646 = arith.constant 48 : index
          %parallel_loop3A_647 = tpu.vector_load %arg8[%parallel_loop3A_644, %parallel_loop3A_645, %parallel_loop3A_646] {strides = array<i32>} : memref<4x80x256xf32, #tpu.memory_space<vmem>>, vector<16xf32>,
          tpu.vector_store %arg8[%parallel_loop3A_644, %parallel_loop3A_645, %parallel_loop3A_646], %parallel_loop3A_642 {strides = array<i32>} : memref<4x80x256xf32, #tpu.memory_space<vmem>>, vector<16xf32>,
          %parallel_loop3A_648 = arith.constant 64 : i32
          %parallel_loop3A_649 = arith.addi %parallel_loop3A_611, %parallel_loop3A_648 : i32
          %parallel_loop3A_650 = arith.index_cast %parallel_loop3A_649 : i32 to index
          %parallel_loop3A_651 = tpu.vector_load %arg6[%parallel_loop3A_650] {strides = array<i32>} : memref<22272xf32, #tpu.memory_space<vmem>>, vector<16xf32>,
          %parallel_loop3A_652 = arith.constant 1 : i32
          %parallel_loop3A_653 = arith.index_cast %parallel_loop3A_652 : i32 to index
          %parallel_loop3A_654 = arith.index_cast %parallel_loop3A_609 : i32 to index
          %parallel_loop3A_655 = arith.constant 64 : index
          %parallel_loop3A_656 = tpu.vector_load %arg8[%parallel_loop3A_653, %parallel_loop3A_654, %parallel_loop3A_655] {strides = array<i32>} : memref<4x80x256xf32, #tpu.memory_space<vmem>>, vector<16xf32>,
          tpu.vector_store %arg8[%parallel_loop3A_653, %parallel_loop3A_654, %parallel_loop3A_655], %parallel_loop3A_651 {strides = array<i32>} : memref<4x80x256xf32, #tpu.memory_space<vmem>>, vector<16xf32>,
          %parallel_loop3A_657 = arith.constant 80 : i32
          %parallel_loop3A_658 = arith.addi %parallel_loop3A_611, %parallel_loop3A_657 : i32
          %parallel_loop3A_659 = arith.index_cast %parallel_loop3A_658 : i32 to index
          %parallel_loop3A_660 = tpu.vector_load %arg6[%parallel_loop3A_659] {strides = array<i32>} : memref<22272xf32, #tpu.memory_space<vmem>>, vector<16xf32>,
          %parallel_loop3A_661 = arith.constant 1 : i32
          %parallel_loop3A_662 = arith.index_cast %parallel_loop3A_661 : i32 to index
          %parallel_loop3A_663 = arith.index_cast %parallel_loop3A_609 : i32 to index
          %parallel_loop3A_664 = arith.constant 80 : index
          %parallel_loop3A_665 = tpu.vector_load %arg8[%parallel_loop3A_662, %parallel_loop3A_663, %parallel_loop3A_664] {strides = array<i32>} : memref<4x80x256xf32, #tpu.memory_space<vmem>>, vector<16xf32>,
          tpu.vector_store %arg8[%parallel_loop3A_662, %parallel_loop3A_663, %parallel_loop3A_664], %parallel_loop3A_660 {strides = array<i32>} : memref<4x80x256xf32, #tpu.memory_space<vmem>>, vector<16xf32>,
          %parallel_loop3A_666 = arith.constant 96 : i32
          %parallel_loop3A_667 = arith.addi %parallel_loop3A_611, %parallel_loop3A_666 : i32
          %parallel_loop3A_668 = arith.index_cast %parallel_loop3A_667 : i32 to index
          %parallel_loop3A_669 = tpu.vector_load %arg6[%parallel_loop3A_668] {strides = array<i32>} : memref<22272xf32, #tpu.memory_space<vmem>>, vector<16xf32>,
          %parallel_loop3A_670 = arith.constant 1 : i32
          %parallel_loop3A_671 = arith.index_cast %parallel_loop3A_670 : i32 to index
          %parallel_loop3A_672 = arith.index_cast %parallel_loop3A_609 : i32 to index
          %parallel_loop3A_673 = arith.constant 96 : index
          %parallel_loop3A_674 = tpu.vector_load %arg8[%parallel_loop3A_671, %parallel_loop3A_672, %parallel_loop3A_673] {strides = array<i32>} : memref<4x80x256xf32, #tpu.memory_space<vmem>>, vector<16xf32>,
          tpu.vector_store %arg8[%parallel_loop3A_671, %parallel_loop3A_672, %parallel_loop3A_673], %parallel_loop3A_669 {strides = array<i32>} : memref<4x80x256xf32, #tpu.memory_space<vmem>>, vector<16xf32>,
          %parallel_loop3A_675 = arith.constant 112 : i32
          %parallel_loop3A_676 = arith.addi %parallel_loop3A_611, %parallel_loop3A_675 : i32
          %parallel_loop3A_677 = arith.index_cast %parallel_loop3A_676 : i32 to index
          %parallel_loop3A_678 = tpu.vector_load %arg6[%parallel_loop3A_677] {strides = array<i32>} : memref<22272xf32, #tpu.memory_space<vmem>>, vector<16xf32>,
          %parallel_loop3A_679 = arith.constant 1 : i32
          %parallel_loop3A_680 = arith.index_cast %parallel_loop3A_679 : i32 to index
          %parallel_loop3A_681 = arith.index_cast %parallel_loop3A_609 : i32 to index
          %parallel_loop3A_682 = arith.constant 112 : index
          %parallel_loop3A_683 = tpu.vector_load %arg8[%parallel_loop3A_680, %parallel_loop3A_681, %parallel_loop3A_682] {strides = array<i32>} : memref<4x80x256xf32, #tpu.memory_space<vmem>>, vector<16xf32>,
          tpu.vector_store %arg8[%parallel_loop3A_680, %parallel_loop3A_681, %parallel_loop3A_682], %parallel_loop3A_678 {strides = array<i32>} : memref<4x80x256xf32, #tpu.memory_space<vmem>>, vector<16xf32>,
          %parallel_loop3A_684 = arith.constant 128 : i32
          %parallel_loop3A_685 = arith.addi %parallel_loop3A_611, %parallel_loop3A_684 : i32
          %parallel_loop3A_686 = arith.index_cast %parallel_loop3A_685 : i32 to index
          %parallel_loop3A_687 = tpu.vector_load %arg6[%parallel_loop3A_686] {strides = array<i32>} : memref<22272xf32, #tpu.memory_space<vmem>>, vector<16xf32>,
          %parallel_loop3A_688 = arith.constant 1 : i32
          %parallel_loop3A_689 = arith.index_cast %parallel_loop3A_688 : i32 to index
          %parallel_loop3A_690 = arith.index_cast %parallel_loop3A_609 : i32 to index
          %parallel_loop3A_691 = arith.constant 128 : index
          %parallel_loop3A_692 = tpu.vector_load %arg8[%parallel_loop3A_689, %parallel_loop3A_690, %parallel_loop3A_691] {strides = array<i32>} : memref<4x80x256xf32, #tpu.memory_space<vmem>>, vector<16xf32>,
          tpu.vector_store %arg8[%parallel_loop3A_689, %parallel_loop3A_690, %parallel_loop3A_691], %parallel_loop3A_687 {strides = array<i32>} : memref<4x80x256xf32, #tpu.memory_space<vmem>>, vector<16xf32>,
          %parallel_loop3A_693 = arith.constant 144 : i32
          %parallel_loop3A_694 = arith.addi %parallel_loop3A_611, %parallel_loop3A_693 : i32
          %parallel_loop3A_695 = arith.index_cast %parallel_loop3A_694 : i32 to index
          %parallel_loop3A_696 = tpu.vector_load %arg6[%parallel_loop3A_695] {strides = array<i32>} : memref<22272xf32, #tpu.memory_space<vmem>>, vector<16xf32>,
          %parallel_loop3A_697 = arith.constant 1 : i32
          %parallel_loop3A_698 = arith.index_cast %parallel_loop3A_697 : i32 to index
          %parallel_loop3A_699 = arith.index_cast %parallel_loop3A_609 : i32 to index
          %parallel_loop3A_700 = arith.constant 144 : index
          %parallel_loop3A_701 = tpu.vector_load %arg8[%parallel_loop3A_698, %parallel_loop3A_699, %parallel_loop3A_700] {strides = array<i32>} : memref<4x80x256xf32, #tpu.memory_space<vmem>>, vector<16xf32>,
          tpu.vector_store %arg8[%parallel_loop3A_698, %parallel_loop3A_699, %parallel_loop3A_700], %parallel_loop3A_696 {strides = array<i32>} : memref<4x80x256xf32, #tpu.memory_space<vmem>>, vector<16xf32>,
          %parallel_loop3A_702 = arith.constant 160 : i32
          %parallel_loop3A_703 = arith.addi %parallel_loop3A_611, %parallel_loop3A_702 : i32
          %parallel_loop3A_704 = arith.index_cast %parallel_loop3A_703 : i32 to index
          %parallel_loop3A_705 = tpu.vector_load %arg6[%parallel_loop3A_704] {strides = array<i32>} : memref<22272xf32, #tpu.memory_space<vmem>>, vector<16xf32>,
          %parallel_loop3A_706 = arith.constant 1 : i32
          %parallel_loop3A_707 = arith.index_cast %parallel_loop3A_706 : i32 to index
          %parallel_loop3A_708 = arith.index_cast %parallel_loop3A_609 : i32 to index
          %parallel_loop3A_709 = arith.constant 160 : index
          %parallel_loop3A_710 = tpu.vector_load %arg8[%parallel_loop3A_707, %parallel_loop3A_708, %parallel_loop3A_709] {strides = array<i32>} : memref<4x80x256xf32, #tpu.memory_space<vmem>>, vector<16xf32>,
          tpu.vector_store %arg8[%parallel_loop3A_707, %parallel_loop3A_708, %parallel_loop3A_709], %parallel_loop3A_705 {strides = array<i32>} : memref<4x80x256xf32, #tpu.memory_space<vmem>>, vector<16xf32>,
          %parallel_loop3A_711 = arith.constant 176 : i32
          %parallel_loop3A_712 = arith.addi %parallel_loop3A_611, %parallel_loop3A_711 : i32
          %parallel_loop3A_713 = arith.index_cast %parallel_loop3A_712 : i32 to index
          %parallel_loop3A_714 = tpu.vector_load %arg6[%parallel_loop3A_713] {strides = array<i32>} : memref<22272xf32, #tpu.memory_space<vmem>>, vector<16xf32>,
          %parallel_loop3A_715 = arith.constant 1 : i32
          %parallel_loop3A_716 = arith.index_cast %parallel_loop3A_715 : i32 to index
          %parallel_loop3A_717 = arith.index_cast %parallel_loop3A_609 : i32 to index
          %parallel_loop3A_718 = arith.constant 176 : index
          %parallel_loop3A_719 = tpu.vector_load %arg8[%parallel_loop3A_716, %parallel_loop3A_717, %parallel_loop3A_718] {strides = array<i32>} : memref<4x80x256xf32, #tpu.memory_space<vmem>>, vector<16xf32>,
          tpu.vector_store %arg8[%parallel_loop3A_716, %parallel_loop3A_717, %parallel_loop3A_718], %parallel_loop3A_714 {strides = array<i32>} : memref<4x80x256xf32, #tpu.memory_space<vmem>>, vector<16xf32>,
          %parallel_loop3A_720 = arith.constant 192 : i32
          %parallel_loop3A_721 = arith.addi %parallel_loop3A_611, %parallel_loop3A_720 : i32
          %parallel_loop3A_722 = arith.index_cast %parallel_loop3A_721 : i32 to index
          %parallel_loop3A_723 = tpu.vector_load %arg6[%parallel_loop3A_722] {strides = array<i32>} : memref<22272xf32, #tpu.memory_space<vmem>>, vector<16xf32>,
          %parallel_loop3A_724 = arith.constant 1 : i32
          %parallel_loop3A_725 = arith.index_cast %parallel_loop3A_724 : i32 to index
          %parallel_loop3A_726 = arith.index_cast %parallel_loop3A_609 : i32 to index
          %parallel_loop3A_727 = arith.constant 192 : index
          %parallel_loop3A_728 = tpu.vector_load %arg8[%parallel_loop3A_725, %parallel_loop3A_726, %parallel_loop3A_727] {strides = array<i32>} : memref<4x80x256xf32, #tpu.memory_space<vmem>>, vector<16xf32>,
          tpu.vector_store %arg8[%parallel_loop3A_725, %parallel_loop3A_726, %parallel_loop3A_727], %parallel_loop3A_723 {strides = array<i32>} : memref<4x80x256xf32, #tpu.memory_space<vmem>>, vector<16xf32>,
          %parallel_loop3A_729 = arith.constant 208 : i32
          %parallel_loop3A_730 = arith.addi %parallel_loop3A_611, %parallel_loop3A_729 : i32
          %parallel_loop3A_731 = arith.index_cast %parallel_loop3A_730 : i32 to index
          %parallel_loop3A_732 = tpu.vector_load %arg6[%parallel_loop3A_731] {strides = array<i32>} : memref<22272xf32, #tpu.memory_space<vmem>>, vector<16xf32>,
          %parallel_loop3A_733 = arith.constant 1 : i32
          %parallel_loop3A_734 = arith.index_cast %parallel_loop3A_733 : i32 to index
          %parallel_loop3A_735 = arith.index_cast %parallel_loop3A_609 : i32 to index
          %parallel_loop3A_736 = arith.constant 208 : index
          %parallel_loop3A_737 = tpu.vector_load %arg8[%parallel_loop3A_734, %parallel_loop3A_735, %parallel_loop3A_736] {strides = array<i32>} : memref<4x80x256xf32, #tpu.memory_space<vmem>>, vector<16xf32>,
          tpu.vector_store %arg8[%parallel_loop3A_734, %parallel_loop3A_735, %parallel_loop3A_736], %parallel_loop3A_732 {strides = array<i32>} : memref<4x80x256xf32, #tpu.memory_space<vmem>>, vector<16xf32>,
          %parallel_loop3A_738 = arith.constant 224 : i32
          %parallel_loop3A_739 = arith.addi %parallel_loop3A_611, %parallel_loop3A_738 : i32
          %parallel_loop3A_740 = arith.index_cast %parallel_loop3A_739 : i32 to index
          %parallel_loop3A_741 = tpu.vector_load %arg6[%parallel_loop3A_740] {strides = array<i32>} : memref<22272xf32, #tpu.memory_space<vmem>>, vector<16xf32>,
          %parallel_loop3A_742 = arith.constant 1 : i32
          %parallel_loop3A_743 = arith.index_cast %parallel_loop3A_742 : i32 to index
          %parallel_loop3A_744 = arith.index_cast %parallel_loop3A_609 : i32 to index
          %parallel_loop3A_745 = arith.constant 224 : index
          %parallel_loop3A_746 = tpu.vector_load %arg8[%parallel_loop3A_743, %parallel_loop3A_744, %parallel_loop3A_745] {strides = array<i32>} : memref<4x80x256xf32, #tpu.memory_space<vmem>>, vector<16xf32>,
          tpu.vector_store %arg8[%parallel_loop3A_743, %parallel_loop3A_744, %parallel_loop3A_745], %parallel_loop3A_741 {strides = array<i32>} : memref<4x80x256xf32, #tpu.memory_space<vmem>>, vector<16xf32>,
          %parallel_loop3A_747 = arith.constant 240 : i32
          %parallel_loop3A_748 = arith.addi %parallel_loop3A_611, %parallel_loop3A_747 : i32
          %parallel_loop3A_749 = arith.index_cast %parallel_loop3A_748 : i32 to index
          %parallel_loop3A_750 = tpu.vector_load %arg6[%parallel_loop3A_749] {strides = array<i32>} : memref<22272xf32, #tpu.memory_space<vmem>>, vector<16xf32>,
          %parallel_loop3A_751 = arith.constant 1 : i32
          %parallel_loop3A_752 = arith.index_cast %parallel_loop3A_751 : i32 to index
          %parallel_loop3A_753 = arith.index_cast %parallel_loop3A_609 : i32 to index
          %parallel_loop3A_754 = arith.constant 240 : index
          %parallel_loop3A_755 = tpu.vector_load %arg8[%parallel_loop3A_752, %parallel_loop3A_753, %parallel_loop3A_754] {strides = array<i32>} : memref<4x80x256xf32, #tpu.memory_space<vmem>>, vector<16xf32>,
          tpu.vector_store %arg8[%parallel_loop3A_752, %parallel_loop3A_753, %parallel_loop3A_754], %parallel_loop3A_750 {strides = array<i32>} : memref<4x80x256xf32, #tpu.memory_space<vmem>>, vector<16xf32>,
        } {sc.loop_unroll_factor = 8 : i64, sc.parallel_access}
        %mul3A_591 = arith.constant 80 : i32
        %mul3A_592 = arith.muli %add3A_131, %mul3A_591 : i32
        %dma_start3A_593 = arith.constant 1 : i32
        %dma_start3A_594 = arith.constant 1 : i32
        %dma_start3A_595 = arith.constant 0 : i32
        %dma_start3A_596 = arith.constant 0 : i32
        %dma_start3A_597 = tpu.memref_slice %arg8[%dma_start3A_593, %dma_start3A_595, %dma_start3A_596] : memref<4x80x256xf32, #tpu.memory_space<vmem>> -> memref<1x80x256xf32, #tpu.memory_space<vmem>>
        %dma_start3A_598 = tpu.memref_squeeze %dma_start3A_597 : memref<1x80x256xf32, #tpu.memory_space<vmem>> -> memref<80x256xf32, #tpu.memory_space<vmem>>
        %dma_start3A_599 = arith.constant 0 : i32
        %dma_start3A_600 = tpu.memref_slice %arg4[%mul3A_592, %dma_start3A_599] : memref<100000x256xf32, #tpu.memory_space<hbm>> -> memref<80x256xf32, #tpu.memory_space<hbm>>
        %dma_start3A_601 = tpu.memref_slice %arg11[%dma_start3A_594] : memref<4x!tpu.dma_semaphore, #tpu.memory_space<semaphore_mem>> -> memref<1x!tpu.dma_semaphore, #tpu.memory_space<semaphore_mem>>
        %dma_start3A_602 = tpu.memref_squeeze %dma_start3A_601 : memref<1x!tpu.dma_semaphore, #tpu.memory_space<semaphore_mem>> -> memref<!tpu.dma_semaphore, #tpu.memory_space<semaphore_mem>>
        %dma_start3A_603 = arith.constant 0 : i32
        %dma_start3A_604 = tpu.memref_slice %arg4[%mul3A_592, %dma_start3A_603] : memref<100000x256xf32, #tpu.memory_space<hbm>> -> memref<80x256xf32, #tpu.memory_space<hbm>>
        %dma_start3A_605 = arith.constant 0 : i32
        %dma_start3A_606 = arith.constant 0 : i32
        %dma_start3A_607 = tpu.memref_slice %arg8[%dma_start3A_593, %dma_start3A_605, %dma_start3A_606] : memref<4x80x256xf32, #tpu.memory_space<vmem>> -> memref<1x80x256xf32, #tpu.memory_space<vmem>>
        %dma_start3A_608 = tpu.memref_squeeze %dma_start3A_607 : memref<1x80x256xf32, #tpu.memory_space<vmem>> -> memref<80x256xf32, #tpu.memory_space<vmem>>
        tpu.enqueue_dma source(%dma_start3A_608 : memref<80x256xf32, #tpu.memory_space<vmem>>) target(%dma_start3A_604 : memref<80x256xf32, #tpu.memory_space<hbm>>) target_semaphore(%dma_start3A_602 : memref<!tpu.dma_semaphore, #tpu.memory_space<semaphore_mem>>)
      } else {
      }
      %mul3A_136 = arith.constant 4 : i32
      %mul3A_137 = arith.muli %scan3A_119, %mul3A_136 : i32
      %add3A_138 = arith.constant 2 : i32
      %add3A_139 = arith.addi %mul3A_137, %add3A_138 : i32
      %add3A_140 = arith.addi %add3A_4, %add3A_139 : i32
      %lt3A_141 = arith.cmpi slt, %add3A_139, %select_n3A : i32
      %convert_element_type3A_142 = arith.extui %lt3A_141 : i1 to i32
      %cond3A_143 = arith.constant 0 : i32
      %cond3A_144 = arith.cmpi ne, %convert_element_type3A_142, %cond3A_143 : i32
      scf.if %cond3A_144 {
        %gt3A = arith.constant 0 : i32
        %gt3A_154 = arith.cmpi sgt, %scan3A_119, %gt3A : i32
        %convert_element_type3A_155 = arith.extui %gt3A_154 : i1 to i32
        %cond3A_156 = arith.constant 0 : i32
        %cond3A_157 = arith.cmpi ne, %convert_element_type3A_155, %cond3A_156 : i32
        scf.if %cond3A_157 {
          %dma_wait3A_609 = arith.constant 2 : i32
          %dma_wait3A_610 = arith.constant 2 : i32
          %dma_wait3A_611 = arith.constant 0 : i32
          %dma_wait3A_612 = arith.constant 0 : i32
          %dma_wait3A_613 = tpu.memref_slice %arg8[%dma_wait3A_609, %dma_wait3A_611, %dma_wait3A_612] : memref<4x80x256xf32, #tpu.memory_space<vmem>> -> memref<1x80x256xf32, #tpu.memory_space<vmem>>
          %dma_wait3A_614 = tpu.memref_squeeze %dma_wait3A_613 : memref<1x80x256xf32, #tpu.memory_space<vmem>> -> memref<80x256xf32, #tpu.memory_space<vmem>>
          %dma_wait3A_615 = arith.constant 0 : i32
          %dma_wait3A_616 = arith.constant 0 : i32
          %dma_wait3A_617 = tpu.memref_slice %arg4[%dma_wait3A_615, %dma_wait3A_616] : memref<100000x256xf32, #tpu.memory_space<hbm>> -> memref<80x256xf32, #tpu.memory_space<hbm>>
          %dma_wait3A_618 = tpu.memref_slice %arg11[%dma_wait3A_610] : memref<4x!tpu.dma_semaphore, #tpu.memory_space<semaphore_mem>> -> memref<1x!tpu.dma_semaphore, #tpu.memory_space<semaphore_mem>>
          %dma_wait3A_619 = tpu.memref_squeeze %dma_wait3A_618 : memref<1x!tpu.dma_semaphore, #tpu.memory_space<semaphore_mem>> -> memref<!tpu.dma_semaphore, #tpu.memory_space<semaphore_mem>>
          %dma_wait3A_620 = arith.constant 0 : i32
          %dma_wait3A_621 = arith.constant 0 : i32
          %dma_wait3A_622 = tpu.memref_slice %arg4[%dma_wait3A_620, %dma_wait3A_621] : memref<100000x256xf32, #tpu.memory_space<hbm>> -> memref<80x256xf32, #tpu.memory_space<hbm>>
          %dma_wait3A_623 = arith.constant 0 : i32
          %dma_wait3A_624 = arith.constant 0 : i32
          %dma_wait3A_625 = tpu.memref_slice %arg8[%dma_wait3A_609, %dma_wait3A_623, %dma_wait3A_624] : memref<4x80x256xf32, #tpu.memory_space<vmem>> -> memref<1x80x256xf32, #tpu.memory_space<vmem>>
          %dma_wait3A_626 = tpu.memref_squeeze %dma_wait3A_625 : memref<1x80x256xf32, #tpu.memory_space<vmem>> -> memref<80x256xf32, #tpu.memory_space<vmem>>
          tpu.wait_dma2 semaphore(%dma_wait3A_619 : memref<!tpu.dma_semaphore, #tpu.memory_space<semaphore_mem>>) src(%dma_wait3A_626 : memref<80x256xf32, #tpu.memory_space<vmem>>) dst(%dma_wait3A_622 : memref<80x256xf32, #tpu.memory_space<hbm>>)
        } else {
        }
        %add3A_158 = arith.addi %sub3A_27, %add3A_139 : i32
        %get3A = arith.index_cast %add3A_158 : i32 to index
        %get3A_159 = arith.constant 0 : index
        %get3A_160 = tpu.vector_load %arg7[%get3A, %get3A_159] {strides = array<i32>} : memref<48x80xi32, #tpu.memory_space<vmem>>, vector<16xi32>,
        %mul3A_161 = arith.constant 256 : i32
        %mul3A_162 = vector.broadcast %mul3A_161 : i32 to vector<16xi32>
        %mul3A_163 = arith.muli %get3A_160, %mul3A_162 : vector<16xi32>
        %slice3A = vector.extract_strided_slice %mul3A_163 {offsets = [0], sizes = [1], strides = [1]} : vector<16xi32> to vector<1xi32>
        %squeeze3A = vector.extract %slice3A[0] : i32 from vector<1xi32>
        %swap3A = arith.constant 0 : i32
        %swap3A_164 = arith.index_cast %swap3A : i32 to index
        %swap3A_165 = memref.load %arg9[%swap3A_164] : memref<80xi32, #tpu.memory_space<smem>>
        memref.store %squeeze3A, %arg9[%swap3A_164] : memref<80xi32, #tpu.memory_space<smem>>
        %slice3A_166 = vector.extract_strided_slice %mul3A_163 {offsets = [1], sizes = [1], strides = [1]} : vector<16xi32> to vector<1xi32>
        %squeeze3A_167 = vector.extract %slice3A_166[0] : i32 from vector<1xi32>
        %swap3A_168 = arith.constant 1 : i32
        %swap3A_169 = arith.index_cast %swap3A_168 : i32 to index
        %swap3A_170 = memref.load %arg9[%swap3A_169] : memref<80xi32, #tpu.memory_space<smem>>
        memref.store %squeeze3A_167, %arg9[%swap3A_169] : memref<80xi32, #tpu.memory_space<smem>>
        %slice3A_171 = vector.extract_strided_slice %mul3A_163 {offsets = [2], sizes = [1], strides = [1]} : vector<16xi32> to vector<1xi32>
        %squeeze3A_172 = vector.extract %slice3A_171[0] : i32 from vector<1xi32>
        %swap3A_173 = arith.constant 2 : i32
        %swap3A_174 = arith.index_cast %swap3A_173 : i32 to index
        %swap3A_175 = memref.load %arg9[%swap3A_174] : memref<80xi32, #tpu.memory_space<smem>>
        memref.store %squeeze3A_172, %arg9[%swap3A_174] : memref<80xi32, #tpu.memory_space<smem>>
        %slice3A_176 = vector.extract_strided_slice %mul3A_163 {offsets = [3], sizes = [1], strides = [1]} : vector<16xi32> to vector<1xi32>
        %squeeze3A_177 = vector.extract %slice3A_176[0] : i32 from vector<1xi32>
        %swap3A_178 = arith.constant 3 : i32
        %swap3A_179 = arith.index_cast %swap3A_178 : i32 to index
        %swap3A_180 = memref.load %arg9[%swap3A_179] : memref<80xi32, #tpu.memory_space<smem>>
        memref.store %squeeze3A_177, %arg9[%swap3A_179] : memref<80xi32, #tpu.memory_space<smem>>
        %slice3A_181 = vector.extract_strided_slice %mul3A_163 {offsets = [4], sizes = [1], strides = [1]} : vector<16xi32> to vector<1xi32>
        %squeeze3A_182 = vector.extract %slice3A_181[0] : i32 from vector<1xi32>
        %swap3A_183 = arith.constant 4 : i32
        %swap3A_184 = arith.index_cast %swap3A_183 : i32 to index
        %swap3A_185 = memref.load %arg9[%swap3A_184] : memref<80xi32, #tpu.memory_space<smem>>
        memref.store %squeeze3A_182, %arg9[%swap3A_184] : memref<80xi32, #tpu.memory_space<smem>>
        %slice3A_186 = vector.extract_strided_slice %mul3A_163 {offsets = [5], sizes = [1], strides = [1]} : vector<16xi32> to vector<1xi32>
        %squeeze3A_187 = vector.extract %slice3A_186[0] : i32 from vector<1xi32>
        %swap3A_188 = arith.constant 5 : i32
        %swap3A_189 = arith.index_cast %swap3A_188 : i32 to index
        %swap3A_190 = memref.load %arg9[%swap3A_189] : memref<80xi32, #tpu.memory_space<smem>>
        memref.store %squeeze3A_187, %arg9[%swap3A_189] : memref<80xi32, #tpu.memory_space<smem>>
        %slice3A_191 = vector.extract_strided_slice %mul3A_163 {offsets = [6], sizes = [1], strides = [1]} : vector<16xi32> to vector<1xi32>
        %squeeze3A_192 = vector.extract %slice3A_191[0] : i32 from vector<1xi32>
        %swap3A_193 = arith.constant 6 : i32
        %swap3A_194 = arith.index_cast %swap3A_193 : i32 to index
        %swap3A_195 = memref.load %arg9[%swap3A_194] : memref<80xi32, #tpu.memory_space<smem>>
        memref.store %squeeze3A_192, %arg9[%swap3A_194] : memref<80xi32, #tpu.memory_space<smem>>
        %slice3A_196 = vector.extract_strided_slice %mul3A_163 {offsets = [7], sizes = [1], strides = [1]} : vector<16xi32> to vector<1xi32>
        %squeeze3A_197 = vector.extract %slice3A_196[0] : i32 from vector<1xi32>
        %swap3A_198 = arith.constant 7 : i32
        %swap3A_199 = arith.index_cast %swap3A_198 : i32 to index
        %swap3A_200 = memref.load %arg9[%swap3A_199] : memref<80xi32, #tpu.memory_space<smem>>
        memref.store %squeeze3A_197, %arg9[%swap3A_199] : memref<80xi32, #tpu.memory_space<smem>>
        %slice3A_201 = vector.extract_strided_slice %mul3A_163 {offsets = [8], sizes = [1], strides = [1]} : vector<16xi32> to vector<1xi32>
        %squeeze3A_202 = vector.extract %slice3A_201[0] : i32 from vector<1xi32>
        %swap3A_203 = arith.constant 8 : i32
        %swap3A_204 = arith.index_cast %swap3A_203 : i32 to index
        %swap3A_205 = memref.load %arg9[%swap3A_204] : memref<80xi32, #tpu.memory_space<smem>>
        memref.store %squeeze3A_202, %arg9[%swap3A_204] : memref<80xi32, #tpu.memory_space<smem>>
        %slice3A_206 = vector.extract_strided_slice %mul3A_163 {offsets = [9], sizes = [1], strides = [1]} : vector<16xi32> to vector<1xi32>
        %squeeze3A_207 = vector.extract %slice3A_206[0] : i32 from vector<1xi32>
        %swap3A_208 = arith.constant 9 : i32
        %swap3A_209 = arith.index_cast %swap3A_208 : i32 to index
        %swap3A_210 = memref.load %arg9[%swap3A_209] : memref<80xi32, #tpu.memory_space<smem>>
        memref.store %squeeze3A_207, %arg9[%swap3A_209] : memref<80xi32, #tpu.memory_space<smem>>
        %slice3A_211 = vector.extract_strided_slice %mul3A_163 {offsets = [10], sizes = [1], strides = [1]} : vector<16xi32> to vector<1xi32>
        %squeeze3A_212 = vector.extract %slice3A_211[0] : i32 from vector<1xi32>
        %swap3A_213 = arith.constant 10 : i32
        %swap3A_214 = arith.index_cast %swap3A_213 : i32 to index
        %swap3A_215 = memref.load %arg9[%swap3A_214] : memref<80xi32, #tpu.memory_space<smem>>
        memref.store %squeeze3A_212, %arg9[%swap3A_214] : memref<80xi32, #tpu.memory_space<smem>>
        %slice3A_216 = vector.extract_strided_slice %mul3A_163 {offsets = [11], sizes = [1], strides = [1]} : vector<16xi32> to vector<1xi32>
        %squeeze3A_217 = vector.extract %slice3A_216[0] : i32 from vector<1xi32>
        %swap3A_218 = arith.constant 11 : i32
        %swap3A_219 = arith.index_cast %swap3A_218 : i32 to index
        %swap3A_220 = memref.load %arg9[%swap3A_219] : memref<80xi32, #tpu.memory_space<smem>>
        memref.store %squeeze3A_217, %arg9[%swap3A_219] : memref<80xi32, #tpu.memory_space<smem>>
        %slice3A_221 = vector.extract_strided_slice %mul3A_163 {offsets = [12], sizes = [1], strides = [1]} : vector<16xi32> to vector<1xi32>
        %squeeze3A_222 = vector.extract %slice3A_221[0] : i32 from vector<1xi32>
        %swap3A_223 = arith.constant 12 : i32
        %swap3A_224 = arith.index_cast %swap3A_223 : i32 to index
        %swap3A_225 = memref.load %arg9[%swap3A_224] : memref<80xi32, #tpu.memory_space<smem>>
        memref.store %squeeze3A_222, %arg9[%swap3A_224] : memref<80xi32, #tpu.memory_space<smem>>
        %slice3A_226 = vector.extract_strided_slice %mul3A_163 {offsets = [13], sizes = [1], strides = [1]} : vector<16xi32> to vector<1xi32>
        %squeeze3A_227 = vector.extract %slice3A_226[0] : i32 from vector<1xi32>
        %swap3A_228 = arith.constant 13 : i32
        %swap3A_229 = arith.index_cast %swap3A_228 : i32 to index
        %swap3A_230 = memref.load %arg9[%swap3A_229] : memref<80xi32, #tpu.memory_space<smem>>
        memref.store %squeeze3A_227, %arg9[%swap3A_229] : memref<80xi32, #tpu.memory_space<smem>>
        %slice3A_231 = vector.extract_strided_slice %mul3A_163 {offsets = [14], sizes = [1], strides = [1]} : vector<16xi32> to vector<1xi32>
        %squeeze3A_232 = vector.extract %slice3A_231[0] : i32 from vector<1xi32>
        %swap3A_233 = arith.constant 14 : i32
        %swap3A_234 = arith.index_cast %swap3A_233 : i32 to index
        %swap3A_235 = memref.load %arg9[%swap3A_234] : memref<80xi32, #tpu.memory_space<smem>>
        memref.store %squeeze3A_232, %arg9[%swap3A_234] : memref<80xi32, #tpu.memory_space<smem>>
        %slice3A_236 = vector.extract_strided_slice %mul3A_163 {offsets = [15], sizes = [1], strides = [1]} : vector<16xi32> to vector<1xi32>
        %squeeze3A_237 = vector.extract %slice3A_236[0] : i32 from vector<1xi32>
        %swap3A_238 = arith.constant 15 : i32
        %swap3A_239 = arith.index_cast %swap3A_238 : i32 to index
        %swap3A_240 = memref.load %arg9[%swap3A_239] : memref<80xi32, #tpu.memory_space<smem>>
        memref.store %squeeze3A_237, %arg9[%swap3A_239] : memref<80xi32, #tpu.memory_space<smem>>
        %add3A_241 = arith.addi %sub3A_27, %add3A_139 : i32
        %get3A_242 = arith.index_cast %add3A_241 : i32 to index
        %get3A_243 = arith.constant 16 : index
        %get3A_244 = tpu.vector_load %arg7[%get3A_242, %get3A_243] {strides = array<i32>} : memref<48x80xi32, #tpu.memory_space<vmem>>, vector<16xi32>,
        %mul3A_245 = arith.constant 256 : i32
        %mul3A_246 = vector.broadcast %mul3A_245 : i32 to vector<16xi32>
        %mul3A_247 = arith.muli %get3A_244, %mul3A_246 : vector<16xi32>
        %slice3A_248 = vector.extract_strided_slice %mul3A_247 {offsets = [0], sizes = [1], strides = [1]} : vector<16xi32> to vector<1xi32>
        %squeeze3A_249 = vector.extract %slice3A_248[0] : i32 from vector<1xi32>
        %swap3A_250 = arith.constant 16 : i32
        %swap3A_251 = arith.index_cast %swap3A_250 : i32 to index
        %swap3A_252 = memref.load %arg9[%swap3A_251] : memref<80xi32, #tpu.memory_space<smem>>
        memref.store %squeeze3A_249, %arg9[%swap3A_251] : memref<80xi32, #tpu.memory_space<smem>>
        %slice3A_253 = vector.extract_strided_slice %mul3A_247 {offsets = [1], sizes = [1], strides = [1]} : vector<16xi32> to vector<1xi32>
        %squeeze3A_254 = vector.extract %slice3A_253[0] : i32 from vector<1xi32>
        %swap3A_255 = arith.constant 17 : i32
        %swap3A_256 = arith.index_cast %swap3A_255 : i32 to index
        %swap3A_257 = memref.load %arg9[%swap3A_256] : memref<80xi32, #tpu.memory_space<smem>>
        memref.store %squeeze3A_254, %arg9[%swap3A_256] : memref<80xi32, #tpu.memory_space<smem>>
        %slice3A_258 = vector.extract_strided_slice %mul3A_247 {offsets = [2], sizes = [1], strides = [1]} : vector<16xi32> to vector<1xi32>
        %squeeze3A_259 = vector.extract %slice3A_258[0] : i32 from vector<1xi32>
        %swap3A_260 = arith.constant 18 : i32
        %swap3A_261 = arith.index_cast %swap3A_260 : i32 to index
        %swap3A_262 = memref.load %arg9[%swap3A_261] : memref<80xi32, #tpu.memory_space<smem>>
        memref.store %squeeze3A_259, %arg9[%swap3A_261] : memref<80xi32, #tpu.memory_space<smem>>
        %slice3A_263 = vector.extract_strided_slice %mul3A_247 {offsets = [3], sizes = [1], strides = [1]} : vector<16xi32> to vector<1xi32>
        %squeeze3A_264 = vector.extract %slice3A_263[0] : i32 from vector<1xi32>
        %swap3A_265 = arith.constant 19 : i32
        %swap3A_266 = arith.index_cast %swap3A_265 : i32 to index
        %swap3A_267 = memref.load %arg9[%swap3A_266] : memref<80xi32, #tpu.memory_space<smem>>
        memref.store %squeeze3A_264, %arg9[%swap3A_266] : memref<80xi32, #tpu.memory_space<smem>>
        %slice3A_268 = vector.extract_strided_slice %mul3A_247 {offsets = [4], sizes = [1], strides = [1]} : vector<16xi32> to vector<1xi32>
        %squeeze3A_269 = vector.extract %slice3A_268[0] : i32 from vector<1xi32>
        %swap3A_270 = arith.constant 20 : i32
        %swap3A_271 = arith.index_cast %swap3A_270 : i32 to index
        %swap3A_272 = memref.load %arg9[%swap3A_271] : memref<80xi32, #tpu.memory_space<smem>>
        memref.store %squeeze3A_269, %arg9[%swap3A_271] : memref<80xi32, #tpu.memory_space<smem>>
        %slice3A_273 = vector.extract_strided_slice %mul3A_247 {offsets = [5], sizes = [1], strides = [1]} : vector<16xi32> to vector<1xi32>
        %squeeze3A_274 = vector.extract %slice3A_273[0] : i32 from vector<1xi32>
        %swap3A_275 = arith.constant 21 : i32
        %swap3A_276 = arith.index_cast %swap3A_275 : i32 to index
        %swap3A_277 = memref.load %arg9[%swap3A_276] : memref<80xi32, #tpu.memory_space<smem>>
        memref.store %squeeze3A_274, %arg9[%swap3A_276] : memref<80xi32, #tpu.memory_space<smem>>
        %slice3A_278 = vector.extract_strided_slice %mul3A_247 {offsets = [6], sizes = [1], strides = [1]} : vector<16xi32> to vector<1xi32>
        %squeeze3A_279 = vector.extract %slice3A_278[0] : i32 from vector<1xi32>
        %swap3A_280 = arith.constant 22 : i32
        %swap3A_281 = arith.index_cast %swap3A_280 : i32 to index
        %swap3A_282 = memref.load %arg9[%swap3A_281] : memref<80xi32, #tpu.memory_space<smem>>
        memref.store %squeeze3A_279, %arg9[%swap3A_281] : memref<80xi32, #tpu.memory_space<smem>>
        %slice3A_283 = vector.extract_strided_slice %mul3A_247 {offsets = [7], sizes = [1], strides = [1]} : vector<16xi32> to vector<1xi32>
        %squeeze3A_284 = vector.extract %slice3A_283[0] : i32 from vector<1xi32>
        %swap3A_285 = arith.constant 23 : i32
        %swap3A_286 = arith.index_cast %swap3A_285 : i32 to index
        %swap3A_287 = memref.load %arg9[%swap3A_286] : memref<80xi32, #tpu.memory_space<smem>>
        memref.store %squeeze3A_284, %arg9[%swap3A_286] : memref<80xi32, #tpu.memory_space<smem>>
        %slice3A_288 = vector.extract_strided_slice %mul3A_247 {offsets = [8], sizes = [1], strides = [1]} : vector<16xi32> to vector<1xi32>
        %squeeze3A_289 = vector.extract %slice3A_288[0] : i32 from vector<1xi32>
        %swap3A_290 = arith.constant 24 : i32
        %swap3A_291 = arith.index_cast %swap3A_290 : i32 to index
        %swap3A_292 = memref.load %arg9[%swap3A_291] : memref<80xi32, #tpu.memory_space<smem>>
        memref.store %squeeze3A_289, %arg9[%swap3A_291] : memref<80xi32, #tpu.memory_space<smem>>
        %slice3A_293 = vector.extract_strided_slice %mul3A_247 {offsets = [9], sizes = [1], strides = [1]} : vector<16xi32> to vector<1xi32>
        %squeeze3A_294 = vector.extract %slice3A_293[0] : i32 from vector<1xi32>
        %swap3A_295 = arith.constant 25 : i32
        %swap3A_296 = arith.index_cast %swap3A_295 : i32 to index
        %swap3A_297 = memref.load %arg9[%swap3A_296] : memref<80xi32, #tpu.memory_space<smem>>
        memref.store %squeeze3A_294, %arg9[%swap3A_296] : memref<80xi32, #tpu.memory_space<smem>>
        %slice3A_298 = vector.extract_strided_slice %mul3A_247 {offsets = [10], sizes = [1], strides = [1]} : vector<16xi32> to vector<1xi32>
        %squeeze3A_299 = vector.extract %slice3A_298[0] : i32 from vector<1xi32>
        %swap3A_300 = arith.constant 26 : i32
        %swap3A_301 = arith.index_cast %swap3A_300 : i32 to index
        %swap3A_302 = memref.load %arg9[%swap3A_301] : memref<80xi32, #tpu.memory_space<smem>>
        memref.store %squeeze3A_299, %arg9[%swap3A_301] : memref<80xi32, #tpu.memory_space<smem>>
        %slice3A_303 = vector.extract_strided_slice %mul3A_247 {offsets = [11], sizes = [1], strides = [1]} : vector<16xi32> to vector<1xi32>
        %squeeze3A_304 = vector.extract %slice3A_303[0] : i32 from vector<1xi32>
        %swap3A_305 = arith.constant 27 : i32
        %swap3A_306 = arith.index_cast %swap3A_305 : i32 to index
        %swap3A_307 = memref.load %arg9[%swap3A_306] : memref<80xi32, #tpu.memory_space<smem>>
        memref.store %squeeze3A_304, %arg9[%swap3A_306] : memref<80xi32, #tpu.memory_space<smem>>
        %slice3A_308 = vector.extract_strided_slice %mul3A_247 {offsets = [12], sizes = [1], strides = [1]} : vector<16xi32> to vector<1xi32>
        %squeeze3A_309 = vector.extract %slice3A_308[0] : i32 from vector<1xi32>
        %swap3A_310 = arith.constant 28 : i32
        %swap3A_311 = arith.index_cast %swap3A_310 : i32 to index
        %swap3A_312 = memref.load %arg9[%swap3A_311] : memref<80xi32, #tpu.memory_space<smem>>
        memref.store %squeeze3A_309, %arg9[%swap3A_311] : memref<80xi32, #tpu.memory_space<smem>>
        %slice3A_313 = vector.extract_strided_slice %mul3A_247 {offsets = [13], sizes = [1], strides = [1]} : vector<16xi32> to vector<1xi32>
        %squeeze3A_314 = vector.extract %slice3A_313[0] : i32 from vector<1xi32>
        %swap3A_315 = arith.constant 29 : i32
        %swap3A_316 = arith.index_cast %swap3A_315 : i32 to index
        %swap3A_317 = memref.load %arg9[%swap3A_316] : memref<80xi32, #tpu.memory_space<smem>>
        memref.store %squeeze3A_314, %arg9[%swap3A_316] : memref<80xi32, #tpu.memory_space<smem>>
        %slice3A_318 = vector.extract_strided_slice %mul3A_247 {offsets = [14], sizes = [1], strides = [1]} : vector<16xi32> to vector<1xi32>
        %squeeze3A_319 = vector.extract %slice3A_318[0] : i32 from vector<1xi32>
        %swap3A_320 = arith.constant 30 : i32
        %swap3A_321 = arith.index_cast %swap3A_320 : i32 to index
        %swap3A_322 = memref.load %arg9[%swap3A_321] : memref<80xi32, #tpu.memory_space<smem>>
        memref.store %squeeze3A_319, %arg9[%swap3A_321] : memref<80xi32, #tpu.memory_space<smem>>
        %slice3A_323 = vector.extract_strided_slice %mul3A_247 {offsets = [15], sizes = [1], strides = [1]} : vector<16xi32> to vector<1xi32>
        %squeeze3A_324 = vector.extract %slice3A_323[0] : i32 from vector<1xi32>
        %swap3A_325 = arith.constant 31 : i32
        %swap3A_326 = arith.index_cast %swap3A_325 : i32 to index
        %swap3A_327 = memref.load %arg9[%swap3A_326] : memref<80xi32, #tpu.memory_space<smem>>
        memref.store %squeeze3A_324, %arg9[%swap3A_326] : memref<80xi32, #tpu.memory_space<smem>>
        %add3A_328 = arith.addi %sub3A_27, %add3A_139 : i32
        %get3A_329 = arith.index_cast %add3A_328 : i32 to index
        %get3A_330 = arith.constant 32 : index
        %get3A_331 = tpu.vector_load %arg7[%get3A_329, %get3A_330] {strides = array<i32>} : memref<48x80xi32, #tpu.memory_space<vmem>>, vector<16xi32>,
        %mul3A_332 = arith.constant 256 : i32
        %mul3A_333 = vector.broadcast %mul3A_332 : i32 to vector<16xi32>
        %mul3A_334 = arith.muli %get3A_331, %mul3A_333 : vector<16xi32>
        %slice3A_335 = vector.extract_strided_slice %mul3A_334 {offsets = [0], sizes = [1], strides = [1]} : vector<16xi32> to vector<1xi32>
        %squeeze3A_336 = vector.extract %slice3A_335[0] : i32 from vector<1xi32>
        %swap3A_337 = arith.constant 32 : i32
        %swap3A_338 = arith.index_cast %swap3A_337 : i32 to index
        %swap3A_339 = memref.load %arg9[%swap3A_338] : memref<80xi32, #tpu.memory_space<smem>>
        memref.store %squeeze3A_336, %arg9[%swap3A_338] : memref<80xi32, #tpu.memory_space<smem>>
        %slice3A_340 = vector.extract_strided_slice %mul3A_334 {offsets = [1], sizes = [1], strides = [1]} : vector<16xi32> to vector<1xi32>
        %squeeze3A_341 = vector.extract %slice3A_340[0] : i32 from vector<1xi32>
        %swap3A_342 = arith.constant 33 : i32
        %swap3A_343 = arith.index_cast %swap3A_342 : i32 to index
        %swap3A_344 = memref.load %arg9[%swap3A_343] : memref<80xi32, #tpu.memory_space<smem>>
        memref.store %squeeze3A_341, %arg9[%swap3A_343] : memref<80xi32, #tpu.memory_space<smem>>
        %slice3A_345 = vector.extract_strided_slice %mul3A_334 {offsets = [2], sizes = [1], strides = [1]} : vector<16xi32> to vector<1xi32>
        %squeeze3A_346 = vector.extract %slice3A_345[0] : i32 from vector<1xi32>
        %swap3A_347 = arith.constant 34 : i32
        %swap3A_348 = arith.index_cast %swap3A_347 : i32 to index
        %swap3A_349 = memref.load %arg9[%swap3A_348] : memref<80xi32, #tpu.memory_space<smem>>
        memref.store %squeeze3A_346, %arg9[%swap3A_348] : memref<80xi32, #tpu.memory_space<smem>>
        %slice3A_350 = vector.extract_strided_slice %mul3A_334 {offsets = [3], sizes = [1], strides = [1]} : vector<16xi32> to vector<1xi32>
        %squeeze3A_351 = vector.extract %slice3A_350[0] : i32 from vector<1xi32>
        %swap3A_352 = arith.constant 35 : i32
        %swap3A_353 = arith.index_cast %swap3A_352 : i32 to index
        %swap3A_354 = memref.load %arg9[%swap3A_353] : memref<80xi32, #tpu.memory_space<smem>>
        memref.store %squeeze3A_351, %arg9[%swap3A_353] : memref<80xi32, #tpu.memory_space<smem>>
        %slice3A_355 = vector.extract_strided_slice %mul3A_334 {offsets = [4], sizes = [1], strides = [1]} : vector<16xi32> to vector<1xi32>
        %squeeze3A_356 = vector.extract %slice3A_355[0] : i32 from vector<1xi32>
        %swap3A_357 = arith.constant 36 : i32
        %swap3A_358 = arith.index_cast %swap3A_357 : i32 to index
        %swap3A_359 = memref.load %arg9[%swap3A_358] : memref<80xi32, #tpu.memory_space<smem>>
        memref.store %squeeze3A_356, %arg9[%swap3A_358] : memref<80xi32, #tpu.memory_space<smem>>
        %slice3A_360 = vector.extract_strided_slice %mul3A_334 {offsets = [5], sizes = [1], strides = [1]} : vector<16xi32> to vector<1xi32>
        %squeeze3A_361 = vector.extract %slice3A_360[0] : i32 from vector<1xi32>
        %swap3A_362 = arith.constant 37 : i32
        %swap3A_363 = arith.index_cast %swap3A_362 : i32 to index
        %swap3A_364 = memref.load %arg9[%swap3A_363] : memref<80xi32, #tpu.memory_space<smem>>
        memref.store %squeeze3A_361, %arg9[%swap3A_363] : memref<80xi32, #tpu.memory_space<smem>>
        %slice3A_365 = vector.extract_strided_slice %mul3A_334 {offsets = [6], sizes = [1], strides = [1]} : vector<16xi32> to vector<1xi32>
        %squeeze3A_366 = vector.extract %slice3A_365[0] : i32 from vector<1xi32>
        %swap3A_367 = arith.constant 38 : i32
        %swap3A_368 = arith.index_cast %swap3A_367 : i32 to index
        %swap3A_369 = memref.load %arg9[%swap3A_368] : memref<80xi32, #tpu.memory_space<smem>>
        memref.store %squeeze3A_366, %arg9[%swap3A_368] : memref<80xi32, #tpu.memory_space<smem>>
        %slice3A_370 = vector.extract_strided_slice %mul3A_334 {offsets = [7], sizes = [1], strides = [1]} : vector<16xi32> to vector<1xi32>
        %squeeze3A_371 = vector.extract %slice3A_370[0] : i32 from vector<1xi32>
        %swap3A_372 = arith.constant 39 : i32
        %swap3A_373 = arith.index_cast %swap3A_372 : i32 to index
        %swap3A_374 = memref.load %arg9[%swap3A_373] : memref<80xi32, #tpu.memory_space<smem>>
        memref.store %squeeze3A_371, %arg9[%swap3A_373] : memref<80xi32, #tpu.memory_space<smem>>
        %slice3A_375 = vector.extract_strided_slice %mul3A_334 {offsets = [8], sizes = [1], strides = [1]} : vector<16xi32> to vector<1xi32>
        %squeeze3A_376 = vector.extract %slice3A_375[0] : i32 from vector<1xi32>
        %swap3A_377 = arith.constant 40 : i32
        %swap3A_378 = arith.index_cast %swap3A_377 : i32 to index
        %swap3A_379 = memref.load %arg9[%swap3A_378] : memref<80xi32, #tpu.memory_space<smem>>
        memref.store %squeeze3A_376, %arg9[%swap3A_378] : memref<80xi32, #tpu.memory_space<smem>>
        %slice3A_380 = vector.extract_strided_slice %mul3A_334 {offsets = [9], sizes = [1], strides = [1]} : vector<16xi32> to vector<1xi32>
        %squeeze3A_381 = vector.extract %slice3A_380[0] : i32 from vector<1xi32>
        %swap3A_382 = arith.constant 41 : i32
        %swap3A_383 = arith.index_cast %swap3A_382 : i32 to index
        %swap3A_384 = memref.load %arg9[%swap3A_383] : memref<80xi32, #tpu.memory_space<smem>>
        memref.store %squeeze3A_381, %arg9[%swap3A_383] : memref<80xi32, #tpu.memory_space<smem>>
        %slice3A_385 = vector.extract_strided_slice %mul3A_334 {offsets = [10], sizes = [1], strides = [1]} : vector<16xi32> to vector<1xi32>
        %squeeze3A_386 = vector.extract %slice3A_385[0] : i32 from vector<1xi32>
        %swap3A_387 = arith.constant 42 : i32
        %swap3A_388 = arith.index_cast %swap3A_387 : i32 to index
        %swap3A_389 = memref.load %arg9[%swap3A_388] : memref<80xi32, #tpu.memory_space<smem>>
        memref.store %squeeze3A_386, %arg9[%swap3A_388] : memref<80xi32, #tpu.memory_space<smem>>
        %slice3A_390 = vector.extract_strided_slice %mul3A_334 {offsets = [11], sizes = [1], strides = [1]} : vector<16xi32> to vector<1xi32>
        %squeeze3A_391 = vector.extract %slice3A_390[0] : i32 from vector<1xi32>
        %swap3A_392 = arith.constant 43 : i32
        %swap3A_393 = arith.index_cast %swap3A_392 : i32 to index
        %swap3A_394 = memref.load %arg9[%swap3A_393] : memref<80xi32, #tpu.memory_space<smem>>
        memref.store %squeeze3A_391, %arg9[%swap3A_393] : memref<80xi32, #tpu.memory_space<smem>>
        %slice3A_395 = vector.extract_strided_slice %mul3A_334 {offsets = [12], sizes = [1], strides = [1]} : vector<16xi32> to vector<1xi32>
        %squeeze3A_396 = vector.extract %slice3A_395[0] : i32 from vector<1xi32>
        %swap3A_397 = arith.constant 44 : i32
        %swap3A_398 = arith.index_cast %swap3A_397 : i32 to index
        %swap3A_399 = memref.load %arg9[%swap3A_398] : memref<80xi32, #tpu.memory_space<smem>>
        memref.store %squeeze3A_396, %arg9[%swap3A_398] : memref<80xi32, #tpu.memory_space<smem>>
        %slice3A_400 = vector.extract_strided_slice %mul3A_334 {offsets = [13], sizes = [1], strides = [1]} : vector<16xi32> to vector<1xi32>
        %squeeze3A_401 = vector.extract %slice3A_400[0] : i32 from vector<1xi32>
        %swap3A_402 = arith.constant 45 : i32
        %swap3A_403 = arith.index_cast %swap3A_402 : i32 to index
        %swap3A_404 = memref.load %arg9[%swap3A_403] : memref<80xi32, #tpu.memory_space<smem>>
        memref.store %squeeze3A_401, %arg9[%swap3A_403] : memref<80xi32, #tpu.memory_space<smem>>
        %slice3A_405 = vector.extract_strided_slice %mul3A_334 {offsets = [14], sizes = [1], strides = [1]} : vector<16xi32> to vector<1xi32>
        %squeeze3A_406 = vector.extract %slice3A_405[0] : i32 from vector<1xi32>
        %swap3A_407 = arith.constant 46 : i32
        %swap3A_408 = arith.index_cast %swap3A_407 : i32 to index
        %swap3A_409 = memref.load %arg9[%swap3A_408] : memref<80xi32, #tpu.memory_space<smem>>
        memref.store %squeeze3A_406, %arg9[%swap3A_408] : memref<80xi32, #tpu.memory_space<smem>>
        %slice3A_410 = vector.extract_strided_slice %mul3A_334 {offsets = [15], sizes = [1], strides = [1]} : vector<16xi32> to vector<1xi32>
        %squeeze3A_411 = vector.extract %slice3A_410[0] : i32 from vector<1xi32>
        %swap3A_412 = arith.constant 47 : i32
        %swap3A_413 = arith.index_cast %swap3A_412 : i32 to index
        %swap3A_414 = memref.load %arg9[%swap3A_413] : memref<80xi32, #tpu.memory_space<smem>>
        memref.store %squeeze3A_411, %arg9[%swap3A_413] : memref<80xi32, #tpu.memory_space<smem>>
        %add3A_415 = arith.addi %sub3A_27, %add3A_139 : i32
        %get3A_416 = arith.index_cast %add3A_415 : i32 to index
        %get3A_417 = arith.constant 48 : index
        %get3A_418 = tpu.vector_load %arg7[%get3A_416, %get3A_417] {strides = array<i32>} : memref<48x80xi32, #tpu.memory_space<vmem>>, vector<16xi32>,
        %mul3A_419 = arith.constant 256 : i32
        %mul3A_420 = vector.broadcast %mul3A_419 : i32 to vector<16xi32>
        %mul3A_421 = arith.muli %get3A_418, %mul3A_420 : vector<16xi32>
        %slice3A_422 = vector.extract_strided_slice %mul3A_421 {offsets = [0], sizes = [1], strides = [1]} : vector<16xi32> to vector<1xi32>
        %squeeze3A_423 = vector.extract %slice3A_422[0] : i32 from vector<1xi32>
        %swap3A_424 = arith.constant 48 : i32
        %swap3A_425 = arith.index_cast %swap3A_424 : i32 to index
        %swap3A_426 = memref.load %arg9[%swap3A_425] : memref<80xi32, #tpu.memory_space<smem>>
        memref.store %squeeze3A_423, %arg9[%swap3A_425] : memref<80xi32, #tpu.memory_space<smem>>
        %slice3A_427 = vector.extract_strided_slice %mul3A_421 {offsets = [1], sizes = [1], strides = [1]} : vector<16xi32> to vector<1xi32>
        %squeeze3A_428 = vector.extract %slice3A_427[0] : i32 from vector<1xi32>
        %swap3A_429 = arith.constant 49 : i32
        %swap3A_430 = arith.index_cast %swap3A_429 : i32 to index
        %swap3A_431 = memref.load %arg9[%swap3A_430] : memref<80xi32, #tpu.memory_space<smem>>
        memref.store %squeeze3A_428, %arg9[%swap3A_430] : memref<80xi32, #tpu.memory_space<smem>>
        %slice3A_432 = vector.extract_strided_slice %mul3A_421 {offsets = [2], sizes = [1], strides = [1]} : vector<16xi32> to vector<1xi32>
        %squeeze3A_433 = vector.extract %slice3A_432[0] : i32 from vector<1xi32>
        %swap3A_434 = arith.constant 50 : i32
        %swap3A_435 = arith.index_cast %swap3A_434 : i32 to index
        %swap3A_436 = memref.load %arg9[%swap3A_435] : memref<80xi32, #tpu.memory_space<smem>>
        memref.store %squeeze3A_433, %arg9[%swap3A_435] : memref<80xi32, #tpu.memory_space<smem>>
        %slice3A_437 = vector.extract_strided_slice %mul3A_421 {offsets = [3], sizes = [1], strides = [1]} : vector<16xi32> to vector<1xi32>
        %squeeze3A_438 = vector.extract %slice3A_437[0] : i32 from vector<1xi32>
        %swap3A_439 = arith.constant 51 : i32
        %swap3A_440 = arith.index_cast %swap3A_439 : i32 to index
        %swap3A_441 = memref.load %arg9[%swap3A_440] : memref<80xi32, #tpu.memory_space<smem>>
        memref.store %squeeze3A_438, %arg9[%swap3A_440] : memref<80xi32, #tpu.memory_space<smem>>
        %slice3A_442 = vector.extract_strided_slice %mul3A_421 {offsets = [4], sizes = [1], strides = [1]} : vector<16xi32> to vector<1xi32>
        %squeeze3A_443 = vector.extract %slice3A_442[0] : i32 from vector<1xi32>
        %swap3A_444 = arith.constant 52 : i32
        %swap3A_445 = arith.index_cast %swap3A_444 : i32 to index
        %swap3A_446 = memref.load %arg9[%swap3A_445] : memref<80xi32, #tpu.memory_space<smem>>
        memref.store %squeeze3A_443, %arg9[%swap3A_445] : memref<80xi32, #tpu.memory_space<smem>>
        %slice3A_447 = vector.extract_strided_slice %mul3A_421 {offsets = [5], sizes = [1], strides = [1]} : vector<16xi32> to vector<1xi32>
        %squeeze3A_448 = vector.extract %slice3A_447[0] : i32 from vector<1xi32>
        %swap3A_449 = arith.constant 53 : i32
        %swap3A_450 = arith.index_cast %swap3A_449 : i32 to index
        %swap3A_451 = memref.load %arg9[%swap3A_450] : memref<80xi32, #tpu.memory_space<smem>>
        memref.store %squeeze3A_448, %arg9[%swap3A_450] : memref<80xi32, #tpu.memory_space<smem>>
        %slice3A_452 = vector.extract_strided_slice %mul3A_421 {offsets = [6], sizes = [1], strides = [1]} : vector<16xi32> to vector<1xi32>
        %squeeze3A_453 = vector.extract %slice3A_452[0] : i32 from vector<1xi32>
        %swap3A_454 = arith.constant 54 : i32
        %swap3A_455 = arith.index_cast %swap3A_454 : i32 to index
        %swap3A_456 = memref.load %arg9[%swap3A_455] : memref<80xi32, #tpu.memory_space<smem>>
        memref.store %squeeze3A_453, %arg9[%swap3A_455] : memref<80xi32, #tpu.memory_space<smem>>
        %slice3A_457 = vector.extract_strided_slice %mul3A_421 {offsets = [7], sizes = [1], strides = [1]} : vector<16xi32> to vector<1xi32>
        %squeeze3A_458 = vector.extract %slice3A_457[0] : i32 from vector<1xi32>
        %swap3A_459 = arith.constant 55 : i32
        %swap3A_460 = arith.index_cast %swap3A_459 : i32 to index
        %swap3A_461 = memref.load %arg9[%swap3A_460] : memref<80xi32, #tpu.memory_space<smem>>
        memref.store %squeeze3A_458, %arg9[%swap3A_460] : memref<80xi32, #tpu.memory_space<smem>>
        %slice3A_462 = vector.extract_strided_slice %mul3A_421 {offsets = [8], sizes = [1], strides = [1]} : vector<16xi32> to vector<1xi32>
        %squeeze3A_463 = vector.extract %slice3A_462[0] : i32 from vector<1xi32>
        %swap3A_464 = arith.constant 56 : i32
        %swap3A_465 = arith.index_cast %swap3A_464 : i32 to index
        %swap3A_466 = memref.load %arg9[%swap3A_465] : memref<80xi32, #tpu.memory_space<smem>>
        memref.store %squeeze3A_463, %arg9[%swap3A_465] : memref<80xi32, #tpu.memory_space<smem>>
        %slice3A_467 = vector.extract_strided_slice %mul3A_421 {offsets = [9], sizes = [1], strides = [1]} : vector<16xi32> to vector<1xi32>
        %squeeze3A_468 = vector.extract %slice3A_467[0] : i32 from vector<1xi32>
        %swap3A_469 = arith.constant 57 : i32
        %swap3A_470 = arith.index_cast %swap3A_469 : i32 to index
        %swap3A_471 = memref.load %arg9[%swap3A_470] : memref<80xi32, #tpu.memory_space<smem>>
        memref.store %squeeze3A_468, %arg9[%swap3A_470] : memref<80xi32, #tpu.memory_space<smem>>
        %slice3A_472 = vector.extract_strided_slice %mul3A_421 {offsets = [10], sizes = [1], strides = [1]} : vector<16xi32> to vector<1xi32>
        %squeeze3A_473 = vector.extract %slice3A_472[0] : i32 from vector<1xi32>
        %swap3A_474 = arith.constant 58 : i32
        %swap3A_475 = arith.index_cast %swap3A_474 : i32 to index
        %swap3A_476 = memref.load %arg9[%swap3A_475] : memref<80xi32, #tpu.memory_space<smem>>
        memref.store %squeeze3A_473, %arg9[%swap3A_475] : memref<80xi32, #tpu.memory_space<smem>>
        %slice3A_477 = vector.extract_strided_slice %mul3A_421 {offsets = [11], sizes = [1], strides = [1]} : vector<16xi32> to vector<1xi32>
        %squeeze3A_478 = vector.extract %slice3A_477[0] : i32 from vector<1xi32>
        %swap3A_479 = arith.constant 59 : i32
        %swap3A_480 = arith.index_cast %swap3A_479 : i32 to index
        %swap3A_481 = memref.load %arg9[%swap3A_480] : memref<80xi32, #tpu.memory_space<smem>>
        memref.store %squeeze3A_478, %arg9[%swap3A_480] : memref<80xi32, #tpu.memory_space<smem>>
        %slice3A_482 = vector.extract_strided_slice %mul3A_421 {offsets = [12], sizes = [1], strides = [1]} : vector<16xi32> to vector<1xi32>
        %squeeze3A_483 = vector.extract %slice3A_482[0] : i32 from vector<1xi32>
        %swap3A_484 = arith.constant 60 : i32
        %swap3A_485 = arith.index_cast %swap3A_484 : i32 to index
        %swap3A_486 = memref.load %arg9[%swap3A_485] : memref<80xi32, #tpu.memory_space<smem>>
        memref.store %squeeze3A_483, %arg9[%swap3A_485] : memref<80xi32, #tpu.memory_space<smem>>
        %slice3A_487 = vector.extract_strided_slice %mul3A_421 {offsets = [13], sizes = [1], strides = [1]} : vector<16xi32> to vector<1xi32>
        %squeeze3A_488 = vector.extract %slice3A_487[0] : i32 from vector<1xi32>
        %swap3A_489 = arith.constant 61 : i32
        %swap3A_490 = arith.index_cast %swap3A_489 : i32 to index
        %swap3A_491 = memref.load %arg9[%swap3A_490] : memref<80xi32, #tpu.memory_space<smem>>
        memref.store %squeeze3A_488, %arg9[%swap3A_490] : memref<80xi32, #tpu.memory_space<smem>>
        %slice3A_492 = vector.extract_strided_slice %mul3A_421 {offsets = [14], sizes = [1], strides = [1]} : vector<16xi32> to vector<1xi32>
        %squeeze3A_493 = vector.extract %slice3A_492[0] : i32 from vector<1xi32>
        %swap3A_494 = arith.constant 62 : i32
        %swap3A_495 = arith.index_cast %swap3A_494 : i32 to index
        %swap3A_496 = memref.load %arg9[%swap3A_495] : memref<80xi32, #tpu.memory_space<smem>>
        memref.store %squeeze3A_493, %arg9[%swap3A_495] : memref<80xi32, #tpu.memory_space<smem>>
        %slice3A_497 = vector.extract_strided_slice %mul3A_421 {offsets = [15], sizes = [1], strides = [1]} : vector<16xi32> to vector<1xi32>
        %squeeze3A_498 = vector.extract %slice3A_497[0] : i32 from vector<1xi32>
        %swap3A_499 = arith.constant 63 : i32
        %swap3A_500 = arith.index_cast %swap3A_499 : i32 to index
        %swap3A_501 = memref.load %arg9[%swap3A_500] : memref<80xi32, #tpu.memory_space<smem>>
        memref.store %squeeze3A_498, %arg9[%swap3A_500] : memref<80xi32, #tpu.memory_space<smem>>
        %add3A_502 = arith.addi %sub3A_27, %add3A_139 : i32
        %get3A_503 = arith.index_cast %add3A_502 : i32 to index
        %get3A_504 = arith.constant 64 : index
        %get3A_505 = tpu.vector_load %arg7[%get3A_503, %get3A_504] {strides = array<i32>} : memref<48x80xi32, #tpu.memory_space<vmem>>, vector<16xi32>,
        %mul3A_506 = arith.constant 256 : i32
        %mul3A_507 = vector.broadcast %mul3A_506 : i32 to vector<16xi32>
        %mul3A_508 = arith.muli %get3A_505, %mul3A_507 : vector<16xi32>
        %slice3A_509 = vector.extract_strided_slice %mul3A_508 {offsets = [0], sizes = [1], strides = [1]} : vector<16xi32> to vector<1xi32>
        %squeeze3A_510 = vector.extract %slice3A_509[0] : i32 from vector<1xi32>
        %swap3A_511 = arith.constant 64 : i32
        %swap3A_512 = arith.index_cast %swap3A_511 : i32 to index
        %swap3A_513 = memref.load %arg9[%swap3A_512] : memref<80xi32, #tpu.memory_space<smem>>
        memref.store %squeeze3A_510, %arg9[%swap3A_512] : memref<80xi32, #tpu.memory_space<smem>>
        %slice3A_514 = vector.extract_strided_slice %mul3A_508 {offsets = [1], sizes = [1], strides = [1]} : vector<16xi32> to vector<1xi32>
        %squeeze3A_515 = vector.extract %slice3A_514[0] : i32 from vector<1xi32>
        %swap3A_516 = arith.constant 65 : i32
        %swap3A_517 = arith.index_cast %swap3A_516 : i32 to index
        %swap3A_518 = memref.load %arg9[%swap3A_517] : memref<80xi32, #tpu.memory_space<smem>>
        memref.store %squeeze3A_515, %arg9[%swap3A_517] : memref<80xi32, #tpu.memory_space<smem>>
        %slice3A_519 = vector.extract_strided_slice %mul3A_508 {offsets = [2], sizes = [1], strides = [1]} : vector<16xi32> to vector<1xi32>
        %squeeze3A_520 = vector.extract %slice3A_519[0] : i32 from vector<1xi32>
        %swap3A_521 = arith.constant 66 : i32
        %swap3A_522 = arith.index_cast %swap3A_521 : i32 to index
        %swap3A_523 = memref.load %arg9[%swap3A_522] : memref<80xi32, #tpu.memory_space<smem>>
        memref.store %squeeze3A_520, %arg9[%swap3A_522] : memref<80xi32, #tpu.memory_space<smem>>
        %slice3A_524 = vector.extract_strided_slice %mul3A_508 {offsets = [3], sizes = [1], strides = [1]} : vector<16xi32> to vector<1xi32>
        %squeeze3A_525 = vector.extract %slice3A_524[0] : i32 from vector<1xi32>
        %swap3A_526 = arith.constant 67 : i32
        %swap3A_527 = arith.index_cast %swap3A_526 : i32 to index
        %swap3A_528 = memref.load %arg9[%swap3A_527] : memref<80xi32, #tpu.memory_space<smem>>
        memref.store %squeeze3A_525, %arg9[%swap3A_527] : memref<80xi32, #tpu.memory_space<smem>>
        %slice3A_529 = vector.extract_strided_slice %mul3A_508 {offsets = [4], sizes = [1], strides = [1]} : vector<16xi32> to vector<1xi32>
        %squeeze3A_530 = vector.extract %slice3A_529[0] : i32 from vector<1xi32>
        %swap3A_531 = arith.constant 68 : i32
        %swap3A_532 = arith.index_cast %swap3A_531 : i32 to index
        %swap3A_533 = memref.load %arg9[%swap3A_532] : memref<80xi32, #tpu.memory_space<smem>>
        memref.store %squeeze3A_530, %arg9[%swap3A_532] : memref<80xi32, #tpu.memory_space<smem>>
        %slice3A_534 = vector.extract_strided_slice %mul3A_508 {offsets = [5], sizes = [1], strides = [1]} : vector<16xi32> to vector<1xi32>
        %squeeze3A_535 = vector.extract %slice3A_534[0] : i32 from vector<1xi32>
        %swap3A_536 = arith.constant 69 : i32
        %swap3A_537 = arith.index_cast %swap3A_536 : i32 to index
        %swap3A_538 = memref.load %arg9[%swap3A_537] : memref<80xi32, #tpu.memory_space<smem>>
        memref.store %squeeze3A_535, %arg9[%swap3A_537] : memref<80xi32, #tpu.memory_space<smem>>
        %slice3A_539 = vector.extract_strided_slice %mul3A_508 {offsets = [6], sizes = [1], strides = [1]} : vector<16xi32> to vector<1xi32>
        %squeeze3A_540 = vector.extract %slice3A_539[0] : i32 from vector<1xi32>
        %swap3A_541 = arith.constant 70 : i32
        %swap3A_542 = arith.index_cast %swap3A_541 : i32 to index
        %swap3A_543 = memref.load %arg9[%swap3A_542] : memref<80xi32, #tpu.memory_space<smem>>
        memref.store %squeeze3A_540, %arg9[%swap3A_542] : memref<80xi32, #tpu.memory_space<smem>>
        %slice3A_544 = vector.extract_strided_slice %mul3A_508 {offsets = [7], sizes = [1], strides = [1]} : vector<16xi32> to vector<1xi32>
        %squeeze3A_545 = vector.extract %slice3A_544[0] : i32 from vector<1xi32>
        %swap3A_546 = arith.constant 71 : i32
        %swap3A_547 = arith.index_cast %swap3A_546 : i32 to index
        %swap3A_548 = memref.load %arg9[%swap3A_547] : memref<80xi32, #tpu.memory_space<smem>>
        memref.store %squeeze3A_545, %arg9[%swap3A_547] : memref<80xi32, #tpu.memory_space<smem>>
        %slice3A_549 = vector.extract_strided_slice %mul3A_508 {offsets = [8], sizes = [1], strides = [1]} : vector<16xi32> to vector<1xi32>
        %squeeze3A_550 = vector.extract %slice3A_549[0] : i32 from vector<1xi32>
        %swap3A_551 = arith.constant 72 : i32
        %swap3A_552 = arith.index_cast %swap3A_551 : i32 to index
        %swap3A_553 = memref.load %arg9[%swap3A_552] : memref<80xi32, #tpu.memory_space<smem>>
        memref.store %squeeze3A_550, %arg9[%swap3A_552] : memref<80xi32, #tpu.memory_space<smem>>
        %slice3A_554 = vector.extract_strided_slice %mul3A_508 {offsets = [9], sizes = [1], strides = [1]} : vector<16xi32> to vector<1xi32>
        %squeeze3A_555 = vector.extract %slice3A_554[0] : i32 from vector<1xi32>
        %swap3A_556 = arith.constant 73 : i32
        %swap3A_557 = arith.index_cast %swap3A_556 : i32 to index
        %swap3A_558 = memref.load %arg9[%swap3A_557] : memref<80xi32, #tpu.memory_space<smem>>
        memref.store %squeeze3A_555, %arg9[%swap3A_557] : memref<80xi32, #tpu.memory_space<smem>>
        %slice3A_559 = vector.extract_strided_slice %mul3A_508 {offsets = [10], sizes = [1], strides = [1]} : vector<16xi32> to vector<1xi32>
        %squeeze3A_560 = vector.extract %slice3A_559[0] : i32 from vector<1xi32>
        %swap3A_561 = arith.constant 74 : i32
        %swap3A_562 = arith.index_cast %swap3A_561 : i32 to index
        %swap3A_563 = memref.load %arg9[%swap3A_562] : memref<80xi32, #tpu.memory_space<smem>>
        memref.store %squeeze3A_560, %arg9[%swap3A_562] : memref<80xi32, #tpu.memory_space<smem>>
        %slice3A_564 = vector.extract_strided_slice %mul3A_508 {offsets = [11], sizes = [1], strides = [1]} : vector<16xi32> to vector<1xi32>
        %squeeze3A_565 = vector.extract %slice3A_564[0] : i32 from vector<1xi32>
        %swap3A_566 = arith.constant 75 : i32
        %swap3A_567 = arith.index_cast %swap3A_566 : i32 to index
        %swap3A_568 = memref.load %arg9[%swap3A_567] : memref<80xi32, #tpu.memory_space<smem>>
        memref.store %squeeze3A_565, %arg9[%swap3A_567] : memref<80xi32, #tpu.memory_space<smem>>
        %slice3A_569 = vector.extract_strided_slice %mul3A_508 {offsets = [12], sizes = [1], strides = [1]} : vector<16xi32> to vector<1xi32>
        %squeeze3A_570 = vector.extract %slice3A_569[0] : i32 from vector<1xi32>
        %swap3A_571 = arith.constant 76 : i32
        %swap3A_572 = arith.index_cast %swap3A_571 : i32 to index
        %swap3A_573 = memref.load %arg9[%swap3A_572] : memref<80xi32, #tpu.memory_space<smem>>
        memref.store %squeeze3A_570, %arg9[%swap3A_572] : memref<80xi32, #tpu.memory_space<smem>>
        %slice3A_574 = vector.extract_strided_slice %mul3A_508 {offsets = [13], sizes = [1], strides = [1]} : vector<16xi32> to vector<1xi32>
        %squeeze3A_575 = vector.extract %slice3A_574[0] : i32 from vector<1xi32>
        %swap3A_576 = arith.constant 77 : i32
        %swap3A_577 = arith.index_cast %swap3A_576 : i32 to index
        %swap3A_578 = memref.load %arg9[%swap3A_577] : memref<80xi32, #tpu.memory_space<smem>>
        memref.store %squeeze3A_575, %arg9[%swap3A_577] : memref<80xi32, #tpu.memory_space<smem>>
        %slice3A_579 = vector.extract_strided_slice %mul3A_508 {offsets = [14], sizes = [1], strides = [1]} : vector<16xi32> to vector<1xi32>
        %squeeze3A_580 = vector.extract %slice3A_579[0] : i32 from vector<1xi32>
        %swap3A_581 = arith.constant 78 : i32
        %swap3A_582 = arith.index_cast %swap3A_581 : i32 to index
        %swap3A_583 = memref.load %arg9[%swap3A_582] : memref<80xi32, #tpu.memory_space<smem>>
        memref.store %squeeze3A_580, %arg9[%swap3A_582] : memref<80xi32, #tpu.memory_space<smem>>
        %slice3A_584 = vector.extract_strided_slice %mul3A_508 {offsets = [15], sizes = [1], strides = [1]} : vector<16xi32> to vector<1xi32>
        %squeeze3A_585 = vector.extract %slice3A_584[0] : i32 from vector<1xi32>
        %swap3A_586 = arith.constant 79 : i32
        %swap3A_587 = arith.index_cast %swap3A_586 : i32 to index
        %swap3A_588 = memref.load %arg9[%swap3A_587] : memref<80xi32, #tpu.memory_space<smem>>
        memref.store %squeeze3A_585, %arg9[%swap3A_587] : memref<80xi32, #tpu.memory_space<smem>>
        %parallel_loop3A = arith.constant 0 : i32
        %parallel_loop3A_589 = arith.constant 80 : i32
        %parallel_loop3A_590 = arith.constant 1 : i32
        scf.for %parallel_loop3A_609 = %parallel_loop3A to %parallel_loop3A_589 step %parallel_loop3A_590  : i32 {
          %parallel_loop3A_610 = arith.index_cast %parallel_loop3A_609 : i32 to index
          %parallel_loop3A_611 = memref.load %arg9[%parallel_loop3A_610] : memref<80xi32, #tpu.memory_space<smem>>
          %parallel_loop3A_612 = arith.constant 0 : i32
          %parallel_loop3A_613 = arith.addi %parallel_loop3A_611, %parallel_loop3A_612 : i32
          %parallel_loop3A_614 = arith.index_cast %parallel_loop3A_613 : i32 to index
          %parallel_loop3A_615 = tpu.vector_load %arg6[%parallel_loop3A_614] {strides = array<i32>} : memref<22272xf32, #tpu.memory_space<vmem>>, vector<16xf32>,
          %parallel_loop3A_616 = arith.constant 2 : i32
          %parallel_loop3A_617 = arith.index_cast %parallel_loop3A_616 : i32 to index
          %parallel_loop3A_618 = arith.index_cast %parallel_loop3A_609 : i32 to index
          %parallel_loop3A_619 = arith.constant 0 : index
          %parallel_loop3A_620 = tpu.vector_load %arg8[%parallel_loop3A_617, %parallel_loop3A_618, %parallel_loop3A_619] {strides = array<i32>} : memref<4x80x256xf32, #tpu.memory_space<vmem>>, vector<16xf32>,
          tpu.vector_store %arg8[%parallel_loop3A_617, %parallel_loop3A_618, %parallel_loop3A_619], %parallel_loop3A_615 {strides = array<i32>} : memref<4x80x256xf32, #tpu.memory_space<vmem>>, vector<16xf32>,
          %parallel_loop3A_621 = arith.constant 16 : i32
          %parallel_loop3A_622 = arith.addi %parallel_loop3A_611, %parallel_loop3A_621 : i32
          %parallel_loop3A_623 = arith.index_cast %parallel_loop3A_622 : i32 to index
          %parallel_loop3A_624 = tpu.vector_load %arg6[%parallel_loop3A_623] {strides = array<i32>} : memref<22272xf32, #tpu.memory_space<vmem>>, vector<16xf32>,
          %parallel_loop3A_625 = arith.constant 2 : i32
          %parallel_loop3A_626 = arith.index_cast %parallel_loop3A_625 : i32 to index
          %parallel_loop3A_627 = arith.index_cast %parallel_loop3A_609 : i32 to index
          %parallel_loop3A_628 = arith.constant 16 : index
          %parallel_loop3A_629 = tpu.vector_load %arg8[%parallel_loop3A_626, %parallel_loop3A_627, %parallel_loop3A_628] {strides = array<i32>} : memref<4x80x256xf32, #tpu.memory_space<vmem>>, vector<16xf32>,
          tpu.vector_store %arg8[%parallel_loop3A_626, %parallel_loop3A_627, %parallel_loop3A_628], %parallel_loop3A_624 {strides = array<i32>} : memref<4x80x256xf32, #tpu.memory_space<vmem>>, vector<16xf32>,
          %parallel_loop3A_630 = arith.constant 32 : i32
          %parallel_loop3A_631 = arith.addi %parallel_loop3A_611, %parallel_loop3A_630 : i32
          %parallel_loop3A_632 = arith.index_cast %parallel_loop3A_631 : i32 to index
          %parallel_loop3A_633 = tpu.vector_load %arg6[%parallel_loop3A_632] {strides = array<i32>} : memref<22272xf32, #tpu.memory_space<vmem>>, vector<16xf32>,
          %parallel_loop3A_634 = arith.constant 2 : i32
          %parallel_loop3A_635 = arith.index_cast %parallel_loop3A_634 : i32 to index
          %parallel_loop3A_636 = arith.index_cast %parallel_loop3A_609 : i32 to index
          %parallel_loop3A_637 = arith.constant 32 : index
          %parallel_loop3A_638 = tpu.vector_load %arg8[%parallel_loop3A_635, %parallel_loop3A_636, %parallel_loop3A_637] {strides = array<i32>} : memref<4x80x256xf32, #tpu.memory_space<vmem>>, vector<16xf32>,
          tpu.vector_store %arg8[%parallel_loop3A_635, %parallel_loop3A_636, %parallel_loop3A_637], %parallel_loop3A_633 {strides = array<i32>} : memref<4x80x256xf32, #tpu.memory_space<vmem>>, vector<16xf32>,
          %parallel_loop3A_639 = arith.constant 48 : i32
          %parallel_loop3A_640 = arith.addi %parallel_loop3A_611, %parallel_loop3A_639 : i32
          %parallel_loop3A_641 = arith.index_cast %parallel_loop3A_640 : i32 to index
          %parallel_loop3A_642 = tpu.vector_load %arg6[%parallel_loop3A_641] {strides = array<i32>} : memref<22272xf32, #tpu.memory_space<vmem>>, vector<16xf32>,
          %parallel_loop3A_643 = arith.constant 2 : i32
          %parallel_loop3A_644 = arith.index_cast %parallel_loop3A_643 : i32 to index
          %parallel_loop3A_645 = arith.index_cast %parallel_loop3A_609 : i32 to index
          %parallel_loop3A_646 = arith.constant 48 : index
          %parallel_loop3A_647 = tpu.vector_load %arg8[%parallel_loop3A_644, %parallel_loop3A_645, %parallel_loop3A_646] {strides = array<i32>} : memref<4x80x256xf32, #tpu.memory_space<vmem>>, vector<16xf32>,
          tpu.vector_store %arg8[%parallel_loop3A_644, %parallel_loop3A_645, %parallel_loop3A_646], %parallel_loop3A_642 {strides = array<i32>} : memref<4x80x256xf32, #tpu.memory_space<vmem>>, vector<16xf32>,
          %parallel_loop3A_648 = arith.constant 64 : i32
          %parallel_loop3A_649 = arith.addi %parallel_loop3A_611, %parallel_loop3A_648 : i32
          %parallel_loop3A_650 = arith.index_cast %parallel_loop3A_649 : i32 to index
          %parallel_loop3A_651 = tpu.vector_load %arg6[%parallel_loop3A_650] {strides = array<i32>} : memref<22272xf32, #tpu.memory_space<vmem>>, vector<16xf32>,
          %parallel_loop3A_652 = arith.constant 2 : i32
          %parallel_loop3A_653 = arith.index_cast %parallel_loop3A_652 : i32 to index
          %parallel_loop3A_654 = arith.index_cast %parallel_loop3A_609 : i32 to index
          %parallel_loop3A_655 = arith.constant 64 : index
          %parallel_loop3A_656 = tpu.vector_load %arg8[%parallel_loop3A_653, %parallel_loop3A_654, %parallel_loop3A_655] {strides = array<i32>} : memref<4x80x256xf32, #tpu.memory_space<vmem>>, vector<16xf32>,
          tpu.vector_store %arg8[%parallel_loop3A_653, %parallel_loop3A_654, %parallel_loop3A_655], %parallel_loop3A_651 {strides = array<i32>} : memref<4x80x256xf32, #tpu.memory_space<vmem>>, vector<16xf32>,
          %parallel_loop3A_657 = arith.constant 80 : i32
          %parallel_loop3A_658 = arith.addi %parallel_loop3A_611, %parallel_loop3A_657 : i32
          %parallel_loop3A_659 = arith.index_cast %parallel_loop3A_658 : i32 to index
          %parallel_loop3A_660 = tpu.vector_load %arg6[%parallel_loop3A_659] {strides = array<i32>} : memref<22272xf32, #tpu.memory_space<vmem>>, vector<16xf32>,
          %parallel_loop3A_661 = arith.constant 2 : i32
          %parallel_loop3A_662 = arith.index_cast %parallel_loop3A_661 : i32 to index
          %parallel_loop3A_663 = arith.index_cast %parallel_loop3A_609 : i32 to index
          %parallel_loop3A_664 = arith.constant 80 : index
          %parallel_loop3A_665 = tpu.vector_load %arg8[%parallel_loop3A_662, %parallel_loop3A_663, %parallel_loop3A_664] {strides = array<i32>} : memref<4x80x256xf32, #tpu.memory_space<vmem>>, vector<16xf32>,
          tpu.vector_store %arg8[%parallel_loop3A_662, %parallel_loop3A_663, %parallel_loop3A_664], %parallel_loop3A_660 {strides = array<i32>} : memref<4x80x256xf32, #tpu.memory_space<vmem>>, vector<16xf32>,
          %parallel_loop3A_666 = arith.constant 96 : i32
          %parallel_loop3A_667 = arith.addi %parallel_loop3A_611, %parallel_loop3A_666 : i32
          %parallel_loop3A_668 = arith.index_cast %parallel_loop3A_667 : i32 to index
          %parallel_loop3A_669 = tpu.vector_load %arg6[%parallel_loop3A_668] {strides = array<i32>} : memref<22272xf32, #tpu.memory_space<vmem>>, vector<16xf32>,
          %parallel_loop3A_670 = arith.constant 2 : i32
          %parallel_loop3A_671 = arith.index_cast %parallel_loop3A_670 : i32 to index
          %parallel_loop3A_672 = arith.index_cast %parallel_loop3A_609 : i32 to index
          %parallel_loop3A_673 = arith.constant 96 : index
          %parallel_loop3A_674 = tpu.vector_load %arg8[%parallel_loop3A_671, %parallel_loop3A_672, %parallel_loop3A_673] {strides = array<i32>} : memref<4x80x256xf32, #tpu.memory_space<vmem>>, vector<16xf32>,
          tpu.vector_store %arg8[%parallel_loop3A_671, %parallel_loop3A_672, %parallel_loop3A_673], %parallel_loop3A_669 {strides = array<i32>} : memref<4x80x256xf32, #tpu.memory_space<vmem>>, vector<16xf32>,
          %parallel_loop3A_675 = arith.constant 112 : i32
          %parallel_loop3A_676 = arith.addi %parallel_loop3A_611, %parallel_loop3A_675 : i32
          %parallel_loop3A_677 = arith.index_cast %parallel_loop3A_676 : i32 to index
          %parallel_loop3A_678 = tpu.vector_load %arg6[%parallel_loop3A_677] {strides = array<i32>} : memref<22272xf32, #tpu.memory_space<vmem>>, vector<16xf32>,
          %parallel_loop3A_679 = arith.constant 2 : i32
          %parallel_loop3A_680 = arith.index_cast %parallel_loop3A_679 : i32 to index
          %parallel_loop3A_681 = arith.index_cast %parallel_loop3A_609 : i32 to index
          %parallel_loop3A_682 = arith.constant 112 : index
          %parallel_loop3A_683 = tpu.vector_load %arg8[%parallel_loop3A_680, %parallel_loop3A_681, %parallel_loop3A_682] {strides = array<i32>} : memref<4x80x256xf32, #tpu.memory_space<vmem>>, vector<16xf32>,
          tpu.vector_store %arg8[%parallel_loop3A_680, %parallel_loop3A_681, %parallel_loop3A_682], %parallel_loop3A_678 {strides = array<i32>} : memref<4x80x256xf32, #tpu.memory_space<vmem>>, vector<16xf32>,
          %parallel_loop3A_684 = arith.constant 128 : i32
          %parallel_loop3A_685 = arith.addi %parallel_loop3A_611, %parallel_loop3A_684 : i32
          %parallel_loop3A_686 = arith.index_cast %parallel_loop3A_685 : i32 to index
          %parallel_loop3A_687 = tpu.vector_load %arg6[%parallel_loop3A_686] {strides = array<i32>} : memref<22272xf32, #tpu.memory_space<vmem>>, vector<16xf32>,
          %parallel_loop3A_688 = arith.constant 2 : i32
          %parallel_loop3A_689 = arith.index_cast %parallel_loop3A_688 : i32 to index
          %parallel_loop3A_690 = arith.index_cast %parallel_loop3A_609 : i32 to index
          %parallel_loop3A_691 = arith.constant 128 : index
          %parallel_loop3A_692 = tpu.vector_load %arg8[%parallel_loop3A_689, %parallel_loop3A_690, %parallel_loop3A_691] {strides = array<i32>} : memref<4x80x256xf32, #tpu.memory_space<vmem>>, vector<16xf32>,
          tpu.vector_store %arg8[%parallel_loop3A_689, %parallel_loop3A_690, %parallel_loop3A_691], %parallel_loop3A_687 {strides = array<i32>} : memref<4x80x256xf32, #tpu.memory_space<vmem>>, vector<16xf32>,
          %parallel_loop3A_693 = arith.constant 144 : i32
          %parallel_loop3A_694 = arith.addi %parallel_loop3A_611, %parallel_loop3A_693 : i32
          %parallel_loop3A_695 = arith.index_cast %parallel_loop3A_694 : i32 to index
          %parallel_loop3A_696 = tpu.vector_load %arg6[%parallel_loop3A_695] {strides = array<i32>} : memref<22272xf32, #tpu.memory_space<vmem>>, vector<16xf32>,
          %parallel_loop3A_697 = arith.constant 2 : i32
          %parallel_loop3A_698 = arith.index_cast %parallel_loop3A_697 : i32 to index
          %parallel_loop3A_699 = arith.index_cast %parallel_loop3A_609 : i32 to index
          %parallel_loop3A_700 = arith.constant 144 : index
          %parallel_loop3A_701 = tpu.vector_load %arg8[%parallel_loop3A_698, %parallel_loop3A_699, %parallel_loop3A_700] {strides = array<i32>} : memref<4x80x256xf32, #tpu.memory_space<vmem>>, vector<16xf32>,
          tpu.vector_store %arg8[%parallel_loop3A_698, %parallel_loop3A_699, %parallel_loop3A_700], %parallel_loop3A_696 {strides = array<i32>} : memref<4x80x256xf32, #tpu.memory_space<vmem>>, vector<16xf32>,
          %parallel_loop3A_702 = arith.constant 160 : i32
          %parallel_loop3A_703 = arith.addi %parallel_loop3A_611, %parallel_loop3A_702 : i32
          %parallel_loop3A_704 = arith.index_cast %parallel_loop3A_703 : i32 to index
          %parallel_loop3A_705 = tpu.vector_load %arg6[%parallel_loop3A_704] {strides = array<i32>} : memref<22272xf32, #tpu.memory_space<vmem>>, vector<16xf32>,
          %parallel_loop3A_706 = arith.constant 2 : i32
          %parallel_loop3A_707 = arith.index_cast %parallel_loop3A_706 : i32 to index
          %parallel_loop3A_708 = arith.index_cast %parallel_loop3A_609 : i32 to index
          %parallel_loop3A_709 = arith.constant 160 : index
          %parallel_loop3A_710 = tpu.vector_load %arg8[%parallel_loop3A_707, %parallel_loop3A_708, %parallel_loop3A_709] {strides = array<i32>} : memref<4x80x256xf32, #tpu.memory_space<vmem>>, vector<16xf32>,
          tpu.vector_store %arg8[%parallel_loop3A_707, %parallel_loop3A_708, %parallel_loop3A_709], %parallel_loop3A_705 {strides = array<i32>} : memref<4x80x256xf32, #tpu.memory_space<vmem>>, vector<16xf32>,
          %parallel_loop3A_711 = arith.constant 176 : i32
          %parallel_loop3A_712 = arith.addi %parallel_loop3A_611, %parallel_loop3A_711 : i32
          %parallel_loop3A_713 = arith.index_cast %parallel_loop3A_712 : i32 to index
          %parallel_loop3A_714 = tpu.vector_load %arg6[%parallel_loop3A_713] {strides = array<i32>} : memref<22272xf32, #tpu.memory_space<vmem>>, vector<16xf32>,
          %parallel_loop3A_715 = arith.constant 2 : i32
          %parallel_loop3A_716 = arith.index_cast %parallel_loop3A_715 : i32 to index
          %parallel_loop3A_717 = arith.index_cast %parallel_loop3A_609 : i32 to index
          %parallel_loop3A_718 = arith.constant 176 : index
          %parallel_loop3A_719 = tpu.vector_load %arg8[%parallel_loop3A_716, %parallel_loop3A_717, %parallel_loop3A_718] {strides = array<i32>} : memref<4x80x256xf32, #tpu.memory_space<vmem>>, vector<16xf32>,
          tpu.vector_store %arg8[%parallel_loop3A_716, %parallel_loop3A_717, %parallel_loop3A_718], %parallel_loop3A_714 {strides = array<i32>} : memref<4x80x256xf32, #tpu.memory_space<vmem>>, vector<16xf32>,
          %parallel_loop3A_720 = arith.constant 192 : i32
          %parallel_loop3A_721 = arith.addi %parallel_loop3A_611, %parallel_loop3A_720 : i32
          %parallel_loop3A_722 = arith.index_cast %parallel_loop3A_721 : i32 to index
          %parallel_loop3A_723 = tpu.vector_load %arg6[%parallel_loop3A_722] {strides = array<i32>} : memref<22272xf32, #tpu.memory_space<vmem>>, vector<16xf32>,
          %parallel_loop3A_724 = arith.constant 2 : i32
          %parallel_loop3A_725 = arith.index_cast %parallel_loop3A_724 : i32 to index
          %parallel_loop3A_726 = arith.index_cast %parallel_loop3A_609 : i32 to index
          %parallel_loop3A_727 = arith.constant 192 : index
          %parallel_loop3A_728 = tpu.vector_load %arg8[%parallel_loop3A_725, %parallel_loop3A_726, %parallel_loop3A_727] {strides = array<i32>} : memref<4x80x256xf32, #tpu.memory_space<vmem>>, vector<16xf32>,
          tpu.vector_store %arg8[%parallel_loop3A_725, %parallel_loop3A_726, %parallel_loop3A_727], %parallel_loop3A_723 {strides = array<i32>} : memref<4x80x256xf32, #tpu.memory_space<vmem>>, vector<16xf32>,
          %parallel_loop3A_729 = arith.constant 208 : i32
          %parallel_loop3A_730 = arith.addi %parallel_loop3A_611, %parallel_loop3A_729 : i32
          %parallel_loop3A_731 = arith.index_cast %parallel_loop3A_730 : i32 to index
          %parallel_loop3A_732 = tpu.vector_load %arg6[%parallel_loop3A_731] {strides = array<i32>} : memref<22272xf32, #tpu.memory_space<vmem>>, vector<16xf32>,
          %parallel_loop3A_733 = arith.constant 2 : i32
          %parallel_loop3A_734 = arith.index_cast %parallel_loop3A_733 : i32 to index
          %parallel_loop3A_735 = arith.index_cast %parallel_loop3A_609 : i32 to index
          %parallel_loop3A_736 = arith.constant 208 : index
          %parallel_loop3A_737 = tpu.vector_load %arg8[%parallel_loop3A_734, %parallel_loop3A_735, %parallel_loop3A_736] {strides = array<i32>} : memref<4x80x256xf32, #tpu.memory_space<vmem>>, vector<16xf32>,
          tpu.vector_store %arg8[%parallel_loop3A_734, %parallel_loop3A_735, %parallel_loop3A_736], %parallel_loop3A_732 {strides = array<i32>} : memref<4x80x256xf32, #tpu.memory_space<vmem>>, vector<16xf32>,
          %parallel_loop3A_738 = arith.constant 224 : i32
          %parallel_loop3A_739 = arith.addi %parallel_loop3A_611, %parallel_loop3A_738 : i32
          %parallel_loop3A_740 = arith.index_cast %parallel_loop3A_739 : i32 to index
          %parallel_loop3A_741 = tpu.vector_load %arg6[%parallel_loop3A_740] {strides = array<i32>} : memref<22272xf32, #tpu.memory_space<vmem>>, vector<16xf32>,
          %parallel_loop3A_742 = arith.constant 2 : i32
          %parallel_loop3A_743 = arith.index_cast %parallel_loop3A_742 : i32 to index
          %parallel_loop3A_744 = arith.index_cast %parallel_loop3A_609 : i32 to index
          %parallel_loop3A_745 = arith.constant 224 : index
          %parallel_loop3A_746 = tpu.vector_load %arg8[%parallel_loop3A_743, %parallel_loop3A_744, %parallel_loop3A_745] {strides = array<i32>} : memref<4x80x256xf32, #tpu.memory_space<vmem>>, vector<16xf32>,
          tpu.vector_store %arg8[%parallel_loop3A_743, %parallel_loop3A_744, %parallel_loop3A_745], %parallel_loop3A_741 {strides = array<i32>} : memref<4x80x256xf32, #tpu.memory_space<vmem>>, vector<16xf32>,
          %parallel_loop3A_747 = arith.constant 240 : i32
          %parallel_loop3A_748 = arith.addi %parallel_loop3A_611, %parallel_loop3A_747 : i32
          %parallel_loop3A_749 = arith.index_cast %parallel_loop3A_748 : i32 to index
          %parallel_loop3A_750 = tpu.vector_load %arg6[%parallel_loop3A_749] {strides = array<i32>} : memref<22272xf32, #tpu.memory_space<vmem>>, vector<16xf32>,
          %parallel_loop3A_751 = arith.constant 2 : i32
          %parallel_loop3A_752 = arith.index_cast %parallel_loop3A_751 : i32 to index
          %parallel_loop3A_753 = arith.index_cast %parallel_loop3A_609 : i32 to index
          %parallel_loop3A_754 = arith.constant 240 : index
          %parallel_loop3A_755 = tpu.vector_load %arg8[%parallel_loop3A_752, %parallel_loop3A_753, %parallel_loop3A_754] {strides = array<i32>} : memref<4x80x256xf32, #tpu.memory_space<vmem>>, vector<16xf32>,
          tpu.vector_store %arg8[%parallel_loop3A_752, %parallel_loop3A_753, %parallel_loop3A_754], %parallel_loop3A_750 {strides = array<i32>} : memref<4x80x256xf32, #tpu.memory_space<vmem>>, vector<16xf32>,
        } {sc.loop_unroll_factor = 8 : i64, sc.parallel_access}
        %mul3A_591 = arith.constant 80 : i32
        %mul3A_592 = arith.muli %add3A_140, %mul3A_591 : i32
        %dma_start3A_593 = arith.constant 2 : i32
        %dma_start3A_594 = arith.constant 2 : i32
        %dma_start3A_595 = arith.constant 0 : i32
        %dma_start3A_596 = arith.constant 0 : i32
        %dma_start3A_597 = tpu.memref_slice %arg8[%dma_start3A_593, %dma_start3A_595, %dma_start3A_596] : memref<4x80x256xf32, #tpu.memory_space<vmem>> -> memref<1x80x256xf32, #tpu.memory_space<vmem>>
        %dma_start3A_598 = tpu.memref_squeeze %dma_start3A_597 : memref<1x80x256xf32, #tpu.memory_space<vmem>> -> memref<80x256xf32, #tpu.memory_space<vmem>>
        %dma_start3A_599 = arith.constant 0 : i32
        %dma_start3A_600 = tpu.memref_slice %arg4[%mul3A_592, %dma_start3A_599] : memref<100000x256xf32, #tpu.memory_space<hbm>> -> memref<80x256xf32, #tpu.memory_space<hbm>>
        %dma_start3A_601 = tpu.memref_slice %arg11[%dma_start3A_594] : memref<4x!tpu.dma_semaphore, #tpu.memory_space<semaphore_mem>> -> memref<1x!tpu.dma_semaphore, #tpu.memory_space<semaphore_mem>>
        %dma_start3A_602 = tpu.memref_squeeze %dma_start3A_601 : memref<1x!tpu.dma_semaphore, #tpu.memory_space<semaphore_mem>> -> memref<!tpu.dma_semaphore, #tpu.memory_space<semaphore_mem>>
        %dma_start3A_603 = arith.constant 0 : i32
        %dma_start3A_604 = tpu.memref_slice %arg4[%mul3A_592, %dma_start3A_603] : memref<100000x256xf32, #tpu.memory_space<hbm>> -> memref<80x256xf32, #tpu.memory_space<hbm>>
        %dma_start3A_605 = arith.constant 0 : i32
        %dma_start3A_606 = arith.constant 0 : i32
        %dma_start3A_607 = tpu.memref_slice %arg8[%dma_start3A_593, %dma_start3A_605, %dma_start3A_606] : memref<4x80x256xf32, #tpu.memory_space<vmem>> -> memref<1x80x256xf32, #tpu.memory_space<vmem>>
        %dma_start3A_608 = tpu.memref_squeeze %dma_start3A_607 : memref<1x80x256xf32, #tpu.memory_space<vmem>> -> memref<80x256xf32, #tpu.memory_space<vmem>>
        tpu.enqueue_dma source(%dma_start3A_608 : memref<80x256xf32, #tpu.memory_space<vmem>>) target(%dma_start3A_604 : memref<80x256xf32, #tpu.memory_space<hbm>>) target_semaphore(%dma_start3A_602 : memref<!tpu.dma_semaphore, #tpu.memory_space<semaphore_mem>>)
      } else {
      }
      %mul3A_145 = arith.constant 4 : i32
      %mul3A_146 = arith.muli %scan3A_119, %mul3A_145 : i32
      %add3A_147 = arith.constant 3 : i32
      %add3A_148 = arith.addi %mul3A_146, %add3A_147 : i32
      %add3A_149 = arith.addi %add3A_4, %add3A_148 : i32
      %lt3A_150 = arith.cmpi slt, %add3A_148, %select_n3A : i32
      %convert_element_type3A_151 = arith.extui %lt3A_150 : i1 to i32
      %cond3A_152 = arith.constant 0 : i32
      %cond3A_153 = arith.cmpi ne, %convert_element_type3A_151, %cond3A_152 : i32
      scf.if %cond3A_153 {
        %gt3A = arith.constant 0 : i32
        %gt3A_154 = arith.cmpi sgt, %scan3A_119, %gt3A : i32
        %convert_element_type3A_155 = arith.extui %gt3A_154 : i1 to i32
        %cond3A_156 = arith.constant 0 : i32
        %cond3A_157 = arith.cmpi ne, %convert_element_type3A_155, %cond3A_156 : i32
        scf.if %cond3A_157 {
          %dma_wait3A_609 = arith.constant 3 : i32
          %dma_wait3A_610 = arith.constant 3 : i32
          %dma_wait3A_611 = arith.constant 0 : i32
          %dma_wait3A_612 = arith.constant 0 : i32
          %dma_wait3A_613 = tpu.memref_slice %arg8[%dma_wait3A_609, %dma_wait3A_611, %dma_wait3A_612] : memref<4x80x256xf32, #tpu.memory_space<vmem>> -> memref<1x80x256xf32, #tpu.memory_space<vmem>>
          %dma_wait3A_614 = tpu.memref_squeeze %dma_wait3A_613 : memref<1x80x256xf32, #tpu.memory_space<vmem>> -> memref<80x256xf32, #tpu.memory_space<vmem>>
          %dma_wait3A_615 = arith.constant 0 : i32
          %dma_wait3A_616 = arith.constant 0 : i32
          %dma_wait3A_617 = tpu.memref_slice %arg4[%dma_wait3A_615, %dma_wait3A_616] : memref<100000x256xf32, #tpu.memory_space<hbm>> -> memref<80x256xf32, #tpu.memory_space<hbm>>
          %dma_wait3A_618 = tpu.memref_slice %arg11[%dma_wait3A_610] : memref<4x!tpu.dma_semaphore, #tpu.memory_space<semaphore_mem>> -> memref<1x!tpu.dma_semaphore, #tpu.memory_space<semaphore_mem>>
          %dma_wait3A_619 = tpu.memref_squeeze %dma_wait3A_618 : memref<1x!tpu.dma_semaphore, #tpu.memory_space<semaphore_mem>> -> memref<!tpu.dma_semaphore, #tpu.memory_space<semaphore_mem>>
          %dma_wait3A_620 = arith.constant 0 : i32
          %dma_wait3A_621 = arith.constant 0 : i32
          %dma_wait3A_622 = tpu.memref_slice %arg4[%dma_wait3A_620, %dma_wait3A_621] : memref<100000x256xf32, #tpu.memory_space<hbm>> -> memref<80x256xf32, #tpu.memory_space<hbm>>
          %dma_wait3A_623 = arith.constant 0 : i32
          %dma_wait3A_624 = arith.constant 0 : i32
          %dma_wait3A_625 = tpu.memref_slice %arg8[%dma_wait3A_609, %dma_wait3A_623, %dma_wait3A_624] : memref<4x80x256xf32, #tpu.memory_space<vmem>> -> memref<1x80x256xf32, #tpu.memory_space<vmem>>
          %dma_wait3A_626 = tpu.memref_squeeze %dma_wait3A_625 : memref<1x80x256xf32, #tpu.memory_space<vmem>> -> memref<80x256xf32, #tpu.memory_space<vmem>>
          tpu.wait_dma2 semaphore(%dma_wait3A_619 : memref<!tpu.dma_semaphore, #tpu.memory_space<semaphore_mem>>) src(%dma_wait3A_626 : memref<80x256xf32, #tpu.memory_space<vmem>>) dst(%dma_wait3A_622 : memref<80x256xf32, #tpu.memory_space<hbm>>)
        } else {
        }
        %add3A_158 = arith.addi %sub3A_27, %add3A_148 : i32
        %get3A = arith.index_cast %add3A_158 : i32 to index
        %get3A_159 = arith.constant 0 : index
        %get3A_160 = tpu.vector_load %arg7[%get3A, %get3A_159] {strides = array<i32>} : memref<48x80xi32, #tpu.memory_space<vmem>>, vector<16xi32>,
        %mul3A_161 = arith.constant 256 : i32
        %mul3A_162 = vector.broadcast %mul3A_161 : i32 to vector<16xi32>
        %mul3A_163 = arith.muli %get3A_160, %mul3A_162 : vector<16xi32>
        %slice3A = vector.extract_strided_slice %mul3A_163 {offsets = [0], sizes = [1], strides = [1]} : vector<16xi32> to vector<1xi32>
        %squeeze3A = vector.extract %slice3A[0] : i32 from vector<1xi32>
        %swap3A = arith.constant 0 : i32
        %swap3A_164 = arith.index_cast %swap3A : i32 to index
        %swap3A_165 = memref.load %arg9[%swap3A_164] : memref<80xi32, #tpu.memory_space<smem>>
        memref.store %squeeze3A, %arg9[%swap3A_164] : memref<80xi32, #tpu.memory_space<smem>>
        %slice3A_166 = vector.extract_strided_slice %mul3A_163 {offsets = [1], sizes = [1], strides = [1]} : vector<16xi32> to vector<1xi32>
        %squeeze3A_167 = vector.extract %slice3A_166[0] : i32 from vector<1xi32>
        %swap3A_168 = arith.constant 1 : i32
        %swap3A_169 = arith.index_cast %swap3A_168 : i32 to index
        %swap3A_170 = memref.load %arg9[%swap3A_169] : memref<80xi32, #tpu.memory_space<smem>>
        memref.store %squeeze3A_167, %arg9[%swap3A_169] : memref<80xi32, #tpu.memory_space<smem>>
        %slice3A_171 = vector.extract_strided_slice %mul3A_163 {offsets = [2], sizes = [1], strides = [1]} : vector<16xi32> to vector<1xi32>
        %squeeze3A_172 = vector.extract %slice3A_171[0] : i32 from vector<1xi32>
        %swap3A_173 = arith.constant 2 : i32
        %swap3A_174 = arith.index_cast %swap3A_173 : i32 to index
        %swap3A_175 = memref.load %arg9[%swap3A_174] : memref<80xi32, #tpu.memory_space<smem>>
        memref.store %squeeze3A_172, %arg9[%swap3A_174] : memref<80xi32, #tpu.memory_space<smem>>
        %slice3A_176 = vector.extract_strided_slice %mul3A_163 {offsets = [3], sizes = [1], strides = [1]} : vector<16xi32> to vector<1xi32>
        %squeeze3A_177 = vector.extract %slice3A_176[0] : i32 from vector<1xi32>
        %swap3A_178 = arith.constant 3 : i32
        %swap3A_179 = arith.index_cast %swap3A_178 : i32 to index
        %swap3A_180 = memref.load %arg9[%swap3A_179] : memref<80xi32, #tpu.memory_space<smem>>
        memref.store %squeeze3A_177, %arg9[%swap3A_179] : memref<80xi32, #tpu.memory_space<smem>>
        %slice3A_181 = vector.extract_strided_slice %mul3A_163 {offsets = [4], sizes = [1], strides = [1]} : vector<16xi32> to vector<1xi32>
        %squeeze3A_182 = vector.extract %slice3A_181[0] : i32 from vector<1xi32>
        %swap3A_183 = arith.constant 4 : i32
        %swap3A_184 = arith.index_cast %swap3A_183 : i32 to index
        %swap3A_185 = memref.load %arg9[%swap3A_184] : memref<80xi32, #tpu.memory_space<smem>>
        memref.store %squeeze3A_182, %arg9[%swap3A_184] : memref<80xi32, #tpu.memory_space<smem>>
        %slice3A_186 = vector.extract_strided_slice %mul3A_163 {offsets = [5], sizes = [1], strides = [1]} : vector<16xi32> to vector<1xi32>
        %squeeze3A_187 = vector.extract %slice3A_186[0] : i32 from vector<1xi32>
        %swap3A_188 = arith.constant 5 : i32
        %swap3A_189 = arith.index_cast %swap3A_188 : i32 to index
        %swap3A_190 = memref.load %arg9[%swap3A_189] : memref<80xi32, #tpu.memory_space<smem>>
        memref.store %squeeze3A_187, %arg9[%swap3A_189] : memref<80xi32, #tpu.memory_space<smem>>
        %slice3A_191 = vector.extract_strided_slice %mul3A_163 {offsets = [6], sizes = [1], strides = [1]} : vector<16xi32> to vector<1xi32>
        %squeeze3A_192 = vector.extract %slice3A_191[0] : i32 from vector<1xi32>
        %swap3A_193 = arith.constant 6 : i32
        %swap3A_194 = arith.index_cast %swap3A_193 : i32 to index
        %swap3A_195 = memref.load %arg9[%swap3A_194] : memref<80xi32, #tpu.memory_space<smem>>
        memref.store %squeeze3A_192, %arg9[%swap3A_194] : memref<80xi32, #tpu.memory_space<smem>>
        %slice3A_196 = vector.extract_strided_slice %mul3A_163 {offsets = [7], sizes = [1], strides = [1]} : vector<16xi32> to vector<1xi32>
        %squeeze3A_197 = vector.extract %slice3A_196[0] : i32 from vector<1xi32>
        %swap3A_198 = arith.constant 7 : i32
        %swap3A_199 = arith.index_cast %swap3A_198 : i32 to index
        %swap3A_200 = memref.load %arg9[%swap3A_199] : memref<80xi32, #tpu.memory_space<smem>>
        memref.store %squeeze3A_197, %arg9[%swap3A_199] : memref<80xi32, #tpu.memory_space<smem>>
        %slice3A_201 = vector.extract_strided_slice %mul3A_163 {offsets = [8], sizes = [1], strides = [1]} : vector<16xi32> to vector<1xi32>
        %squeeze3A_202 = vector.extract %slice3A_201[0] : i32 from vector<1xi32>
        %swap3A_203 = arith.constant 8 : i32
        %swap3A_204 = arith.index_cast %swap3A_203 : i32 to index
        %swap3A_205 = memref.load %arg9[%swap3A_204] : memref<80xi32, #tpu.memory_space<smem>>
        memref.store %squeeze3A_202, %arg9[%swap3A_204] : memref<80xi32, #tpu.memory_space<smem>>
        %slice3A_206 = vector.extract_strided_slice %mul3A_163 {offsets = [9], sizes = [1], strides = [1]} : vector<16xi32> to vector<1xi32>
        %squeeze3A_207 = vector.extract %slice3A_206[0] : i32 from vector<1xi32>
        %swap3A_208 = arith.constant 9 : i32
        %swap3A_209 = arith.index_cast %swap3A_208 : i32 to index
        %swap3A_210 = memref.load %arg9[%swap3A_209] : memref<80xi32, #tpu.memory_space<smem>>
        memref.store %squeeze3A_207, %arg9[%swap3A_209] : memref<80xi32, #tpu.memory_space<smem>>
        %slice3A_211 = vector.extract_strided_slice %mul3A_163 {offsets = [10], sizes = [1], strides = [1]} : vector<16xi32> to vector<1xi32>
        %squeeze3A_212 = vector.extract %slice3A_211[0] : i32 from vector<1xi32>
        %swap3A_213 = arith.constant 10 : i32
        %swap3A_214 = arith.index_cast %swap3A_213 : i32 to index
        %swap3A_215 = memref.load %arg9[%swap3A_214] : memref<80xi32, #tpu.memory_space<smem>>
        memref.store %squeeze3A_212, %arg9[%swap3A_214] : memref<80xi32, #tpu.memory_space<smem>>
        %slice3A_216 = vector.extract_strided_slice %mul3A_163 {offsets = [11], sizes = [1], strides = [1]} : vector<16xi32> to vector<1xi32>
        %squeeze3A_217 = vector.extract %slice3A_216[0] : i32 from vector<1xi32>
        %swap3A_218 = arith.constant 11 : i32
        %swap3A_219 = arith.index_cast %swap3A_218 : i32 to index
        %swap3A_220 = memref.load %arg9[%swap3A_219] : memref<80xi32, #tpu.memory_space<smem>>
        memref.store %squeeze3A_217, %arg9[%swap3A_219] : memref<80xi32, #tpu.memory_space<smem>>
        %slice3A_221 = vector.extract_strided_slice %mul3A_163 {offsets = [12], sizes = [1], strides = [1]} : vector<16xi32> to vector<1xi32>
        %squeeze3A_222 = vector.extract %slice3A_221[0] : i32 from vector<1xi32>
        %swap3A_223 = arith.constant 12 : i32
        %swap3A_224 = arith.index_cast %swap3A_223 : i32 to index
        %swap3A_225 = memref.load %arg9[%swap3A_224] : memref<80xi32, #tpu.memory_space<smem>>
        memref.store %squeeze3A_222, %arg9[%swap3A_224] : memref<80xi32, #tpu.memory_space<smem>>
        %slice3A_226 = vector.extract_strided_slice %mul3A_163 {offsets = [13], sizes = [1], strides = [1]} : vector<16xi32> to vector<1xi32>
        %squeeze3A_227 = vector.extract %slice3A_226[0] : i32 from vector<1xi32>
        %swap3A_228 = arith.constant 13 : i32
        %swap3A_229 = arith.index_cast %swap3A_228 : i32 to index
        %swap3A_230 = memref.load %arg9[%swap3A_229] : memref<80xi32, #tpu.memory_space<smem>>
        memref.store %squeeze3A_227, %arg9[%swap3A_229] : memref<80xi32, #tpu.memory_space<smem>>
        %slice3A_231 = vector.extract_strided_slice %mul3A_163 {offsets = [14], sizes = [1], strides = [1]} : vector<16xi32> to vector<1xi32>
        %squeeze3A_232 = vector.extract %slice3A_231[0] : i32 from vector<1xi32>
        %swap3A_233 = arith.constant 14 : i32
        %swap3A_234 = arith.index_cast %swap3A_233 : i32 to index
        %swap3A_235 = memref.load %arg9[%swap3A_234] : memref<80xi32, #tpu.memory_space<smem>>
        memref.store %squeeze3A_232, %arg9[%swap3A_234] : memref<80xi32, #tpu.memory_space<smem>>
        %slice3A_236 = vector.extract_strided_slice %mul3A_163 {offsets = [15], sizes = [1], strides = [1]} : vector<16xi32> to vector<1xi32>
        %squeeze3A_237 = vector.extract %slice3A_236[0] : i32 from vector<1xi32>
        %swap3A_238 = arith.constant 15 : i32
        %swap3A_239 = arith.index_cast %swap3A_238 : i32 to index
        %swap3A_240 = memref.load %arg9[%swap3A_239] : memref<80xi32, #tpu.memory_space<smem>>
        memref.store %squeeze3A_237, %arg9[%swap3A_239] : memref<80xi32, #tpu.memory_space<smem>>
        %add3A_241 = arith.addi %sub3A_27, %add3A_148 : i32
        %get3A_242 = arith.index_cast %add3A_241 : i32 to index
        %get3A_243 = arith.constant 16 : index
        %get3A_244 = tpu.vector_load %arg7[%get3A_242, %get3A_243] {strides = array<i32>} : memref<48x80xi32, #tpu.memory_space<vmem>>, vector<16xi32>,
        %mul3A_245 = arith.constant 256 : i32
        %mul3A_246 = vector.broadcast %mul3A_245 : i32 to vector<16xi32>
        %mul3A_247 = arith.muli %get3A_244, %mul3A_246 : vector<16xi32>
        %slice3A_248 = vector.extract_strided_slice %mul3A_247 {offsets = [0], sizes = [1], strides = [1]} : vector<16xi32> to vector<1xi32>
        %squeeze3A_249 = vector.extract %slice3A_248[0] : i32 from vector<1xi32>
        %swap3A_250 = arith.constant 16 : i32
        %swap3A_251 = arith.index_cast %swap3A_250 : i32 to index
        %swap3A_252 = memref.load %arg9[%swap3A_251] : memref<80xi32, #tpu.memory_space<smem>>
        memref.store %squeeze3A_249, %arg9[%swap3A_251] : memref<80xi32, #tpu.memory_space<smem>>
        %slice3A_253 = vector.extract_strided_slice %mul3A_247 {offsets = [1], sizes = [1], strides = [1]} : vector<16xi32> to vector<1xi32>
        %squeeze3A_254 = vector.extract %slice3A_253[0] : i32 from vector<1xi32>
        %swap3A_255 = arith.constant 17 : i32
        %swap3A_256 = arith.index_cast %swap3A_255 : i32 to index
        %swap3A_257 = memref.load %arg9[%swap3A_256] : memref<80xi32, #tpu.memory_space<smem>>
        memref.store %squeeze3A_254, %arg9[%swap3A_256] : memref<80xi32, #tpu.memory_space<smem>>
        %slice3A_258 = vector.extract_strided_slice %mul3A_247 {offsets = [2], sizes = [1], strides = [1]} : vector<16xi32> to vector<1xi32>
        %squeeze3A_259 = vector.extract %slice3A_258[0] : i32 from vector<1xi32>
        %swap3A_260 = arith.constant 18 : i32
        %swap3A_261 = arith.index_cast %swap3A_260 : i32 to index
        %swap3A_262 = memref.load %arg9[%swap3A_261] : memref<80xi32, #tpu.memory_space<smem>>
        memref.store %squeeze3A_259, %arg9[%swap3A_261] : memref<80xi32, #tpu.memory_space<smem>>
        %slice3A_263 = vector.extract_strided_slice %mul3A_247 {offsets = [3], sizes = [1], strides = [1]} : vector<16xi32> to vector<1xi32>
        %squeeze3A_264 = vector.extract %slice3A_263[0] : i32 from vector<1xi32>
        %swap3A_265 = arith.constant 19 : i32
        %swap3A_266 = arith.index_cast %swap3A_265 : i32 to index
        %swap3A_267 = memref.load %arg9[%swap3A_266] : memref<80xi32, #tpu.memory_space<smem>>
        memref.store %squeeze3A_264, %arg9[%swap3A_266] : memref<80xi32, #tpu.memory_space<smem>>
        %slice3A_268 = vector.extract_strided_slice %mul3A_247 {offsets = [4], sizes = [1], strides = [1]} : vector<16xi32> to vector<1xi32>
        %squeeze3A_269 = vector.extract %slice3A_268[0] : i32 from vector<1xi32>
        %swap3A_270 = arith.constant 20 : i32
        %swap3A_271 = arith.index_cast %swap3A_270 : i32 to index
        %swap3A_272 = memref.load %arg9[%swap3A_271] : memref<80xi32, #tpu.memory_space<smem>>
        memref.store %squeeze3A_269, %arg9[%swap3A_271] : memref<80xi32, #tpu.memory_space<smem>>
        %slice3A_273 = vector.extract_strided_slice %mul3A_247 {offsets = [5], sizes = [1], strides = [1]} : vector<16xi32> to vector<1xi32>
        %squeeze3A_274 = vector.extract %slice3A_273[0] : i32 from vector<1xi32>
        %swap3A_275 = arith.constant 21 : i32
        %swap3A_276 = arith.index_cast %swap3A_275 : i32 to index
        %swap3A_277 = memref.load %arg9[%swap3A_276] : memref<80xi32, #tpu.memory_space<smem>>
        memref.store %squeeze3A_274, %arg9[%swap3A_276] : memref<80xi32, #tpu.memory_space<smem>>
        %slice3A_278 = vector.extract_strided_slice %mul3A_247 {offsets = [6], sizes = [1], strides = [1]} : vector<16xi32> to vector<1xi32>
        %squeeze3A_279 = vector.extract %slice3A_278[0] : i32 from vector<1xi32>
        %swap3A_280 = arith.constant 22 : i32
        %swap3A_281 = arith.index_cast %swap3A_280 : i32 to index
        %swap3A_282 = memref.load %arg9[%swap3A_281] : memref<80xi32, #tpu.memory_space<smem>>
        memref.store %squeeze3A_279, %arg9[%swap3A_281] : memref<80xi32, #tpu.memory_space<smem>>
        %slice3A_283 = vector.extract_strided_slice %mul3A_247 {offsets = [7], sizes = [1], strides = [1]} : vector<16xi32> to vector<1xi32>
        %squeeze3A_284 = vector.extract %slice3A_283[0] : i32 from vector<1xi32>
        %swap3A_285 = arith.constant 23 : i32
        %swap3A_286 = arith.index_cast %swap3A_285 : i32 to index
        %swap3A_287 = memref.load %arg9[%swap3A_286] : memref<80xi32, #tpu.memory_space<smem>>
        memref.store %squeeze3A_284, %arg9[%swap3A_286] : memref<80xi32, #tpu.memory_space<smem>>
        %slice3A_288 = vector.extract_strided_slice %mul3A_247 {offsets = [8], sizes = [1], strides = [1]} : vector<16xi32> to vector<1xi32>
        %squeeze3A_289 = vector.extract %slice3A_288[0] : i32 from vector<1xi32>
        %swap3A_290 = arith.constant 24 : i32
        %swap3A_291 = arith.index_cast %swap3A_290 : i32 to index
        %swap3A_292 = memref.load %arg9[%swap3A_291] : memref<80xi32, #tpu.memory_space<smem>>
        memref.store %squeeze3A_289, %arg9[%swap3A_291] : memref<80xi32, #tpu.memory_space<smem>>
        %slice3A_293 = vector.extract_strided_slice %mul3A_247 {offsets = [9], sizes = [1], strides = [1]} : vector<16xi32> to vector<1xi32>
        %squeeze3A_294 = vector.extract %slice3A_293[0] : i32 from vector<1xi32>
        %swap3A_295 = arith.constant 25 : i32
        %swap3A_296 = arith.index_cast %swap3A_295 : i32 to index
        %swap3A_297 = memref.load %arg9[%swap3A_296] : memref<80xi32, #tpu.memory_space<smem>>
        memref.store %squeeze3A_294, %arg9[%swap3A_296] : memref<80xi32, #tpu.memory_space<smem>>
        %slice3A_298 = vector.extract_strided_slice %mul3A_247 {offsets = [10], sizes = [1], strides = [1]} : vector<16xi32> to vector<1xi32>
        %squeeze3A_299 = vector.extract %slice3A_298[0] : i32 from vector<1xi32>
        %swap3A_300 = arith.constant 26 : i32
        %swap3A_301 = arith.index_cast %swap3A_300 : i32 to index
        %swap3A_302 = memref.load %arg9[%swap3A_301] : memref<80xi32, #tpu.memory_space<smem>>
        memref.store %squeeze3A_299, %arg9[%swap3A_301] : memref<80xi32, #tpu.memory_space<smem>>
        %slice3A_303 = vector.extract_strided_slice %mul3A_247 {offsets = [11], sizes = [1], strides = [1]} : vector<16xi32> to vector<1xi32>
        %squeeze3A_304 = vector.extract %slice3A_303[0] : i32 from vector<1xi32>
        %swap3A_305 = arith.constant 27 : i32
        %swap3A_306 = arith.index_cast %swap3A_305 : i32 to index
        %swap3A_307 = memref.load %arg9[%swap3A_306] : memref<80xi32, #tpu.memory_space<smem>>
        memref.store %squeeze3A_304, %arg9[%swap3A_306] : memref<80xi32, #tpu.memory_space<smem>>
        %slice3A_308 = vector.extract_strided_slice %mul3A_247 {offsets = [12], sizes = [1], strides = [1]} : vector<16xi32> to vector<1xi32>
        %squeeze3A_309 = vector.extract %slice3A_308[0] : i32 from vector<1xi32>
        %swap3A_310 = arith.constant 28 : i32
        %swap3A_311 = arith.index_cast %swap3A_310 : i32 to index
        %swap3A_312 = memref.load %arg9[%swap3A_311] : memref<80xi32, #tpu.memory_space<smem>>
        memref.store %squeeze3A_309, %arg9[%swap3A_311] : memref<80xi32, #tpu.memory_space<smem>>
        %slice3A_313 = vector.extract_strided_slice %mul3A_247 {offsets = [13], sizes = [1], strides = [1]} : vector<16xi32> to vector<1xi32>
        %squeeze3A_314 = vector.extract %slice3A_313[0] : i32 from vector<1xi32>
        %swap3A_315 = arith.constant 29 : i32
        %swap3A_316 = arith.index_cast %swap3A_315 : i32 to index
        %swap3A_317 = memref.load %arg9[%swap3A_316] : memref<80xi32, #tpu.memory_space<smem>>
        memref.store %squeeze3A_314, %arg9[%swap3A_316] : memref<80xi32, #tpu.memory_space<smem>>
        %slice3A_318 = vector.extract_strided_slice %mul3A_247 {offsets = [14], sizes = [1], strides = [1]} : vector<16xi32> to vector<1xi32>
        %squeeze3A_319 = vector.extract %slice3A_318[0] : i32 from vector<1xi32>
        %swap3A_320 = arith.constant 30 : i32
        %swap3A_321 = arith.index_cast %swap3A_320 : i32 to index
        %swap3A_322 = memref.load %arg9[%swap3A_321] : memref<80xi32, #tpu.memory_space<smem>>
        memref.store %squeeze3A_319, %arg9[%swap3A_321] : memref<80xi32, #tpu.memory_space<smem>>
        %slice3A_323 = vector.extract_strided_slice %mul3A_247 {offsets = [15], sizes = [1], strides = [1]} : vector<16xi32> to vector<1xi32>
        %squeeze3A_324 = vector.extract %slice3A_323[0] : i32 from vector<1xi32>
        %swap3A_325 = arith.constant 31 : i32
        %swap3A_326 = arith.index_cast %swap3A_325 : i32 to index
        %swap3A_327 = memref.load %arg9[%swap3A_326] : memref<80xi32, #tpu.memory_space<smem>>
        memref.store %squeeze3A_324, %arg9[%swap3A_326] : memref<80xi32, #tpu.memory_space<smem>>
        %add3A_328 = arith.addi %sub3A_27, %add3A_148 : i32
        %get3A_329 = arith.index_cast %add3A_328 : i32 to index
        %get3A_330 = arith.constant 32 : index
        %get3A_331 = tpu.vector_load %arg7[%get3A_329, %get3A_330] {strides = array<i32>} : memref<48x80xi32, #tpu.memory_space<vmem>>, vector<16xi32>,
        %mul3A_332 = arith.constant 256 : i32
        %mul3A_333 = vector.broadcast %mul3A_332 : i32 to vector<16xi32>
        %mul3A_334 = arith.muli %get3A_331, %mul3A_333 : vector<16xi32>
        %slice3A_335 = vector.extract_strided_slice %mul3A_334 {offsets = [0], sizes = [1], strides = [1]} : vector<16xi32> to vector<1xi32>
        %squeeze3A_336 = vector.extract %slice3A_335[0] : i32 from vector<1xi32>
        %swap3A_337 = arith.constant 32 : i32
        %swap3A_338 = arith.index_cast %swap3A_337 : i32 to index
        %swap3A_339 = memref.load %arg9[%swap3A_338] : memref<80xi32, #tpu.memory_space<smem>>
        memref.store %squeeze3A_336, %arg9[%swap3A_338] : memref<80xi32, #tpu.memory_space<smem>>
        %slice3A_340 = vector.extract_strided_slice %mul3A_334 {offsets = [1], sizes = [1], strides = [1]} : vector<16xi32> to vector<1xi32>
        %squeeze3A_341 = vector.extract %slice3A_340[0] : i32 from vector<1xi32>
        %swap3A_342 = arith.constant 33 : i32
        %swap3A_343 = arith.index_cast %swap3A_342 : i32 to index
        %swap3A_344 = memref.load %arg9[%swap3A_343] : memref<80xi32, #tpu.memory_space<smem>>
        memref.store %squeeze3A_341, %arg9[%swap3A_343] : memref<80xi32, #tpu.memory_space<smem>>
        %slice3A_345 = vector.extract_strided_slice %mul3A_334 {offsets = [2], sizes = [1], strides = [1]} : vector<16xi32> to vector<1xi32>
        %squeeze3A_346 = vector.extract %slice3A_345[0] : i32 from vector<1xi32>
        %swap3A_347 = arith.constant 34 : i32
        %swap3A_348 = arith.index_cast %swap3A_347 : i32 to index
        %swap3A_349 = memref.load %arg9[%swap3A_348] : memref<80xi32, #tpu.memory_space<smem>>
        memref.store %squeeze3A_346, %arg9[%swap3A_348] : memref<80xi32, #tpu.memory_space<smem>>
        %slice3A_350 = vector.extract_strided_slice %mul3A_334 {offsets = [3], sizes = [1], strides = [1]} : vector<16xi32> to vector<1xi32>
        %squeeze3A_351 = vector.extract %slice3A_350[0] : i32 from vector<1xi32>
        %swap3A_352 = arith.constant 35 : i32
        %swap3A_353 = arith.index_cast %swap3A_352 : i32 to index
        %swap3A_354 = memref.load %arg9[%swap3A_353] : memref<80xi32, #tpu.memory_space<smem>>
        memref.store %squeeze3A_351, %arg9[%swap3A_353] : memref<80xi32, #tpu.memory_space<smem>>
        %slice3A_355 = vector.extract_strided_slice %mul3A_334 {offsets = [4], sizes = [1], strides = [1]} : vector<16xi32> to vector<1xi32>
        %squeeze3A_356 = vector.extract %slice3A_355[0] : i32 from vector<1xi32>
        %swap3A_357 = arith.constant 36 : i32
        %swap3A_358 = arith.index_cast %swap3A_357 : i32 to index
        %swap3A_359 = memref.load %arg9[%swap3A_358] : memref<80xi32, #tpu.memory_space<smem>>
        memref.store %squeeze3A_356, %arg9[%swap3A_358] : memref<80xi32, #tpu.memory_space<smem>>
        %slice3A_360 = vector.extract_strided_slice %mul3A_334 {offsets = [5], sizes = [1], strides = [1]} : vector<16xi32> to vector<1xi32>
        %squeeze3A_361 = vector.extract %slice3A_360[0] : i32 from vector<1xi32>
        %swap3A_362 = arith.constant 37 : i32
        %swap3A_363 = arith.index_cast %swap3A_362 : i32 to index
        %swap3A_364 = memref.load %arg9[%swap3A_363] : memref<80xi32, #tpu.memory_space<smem>>
        memref.store %squeeze3A_361, %arg9[%swap3A_363] : memref<80xi32, #tpu.memory_space<smem>>
        %slice3A_365 = vector.extract_strided_slice %mul3A_334 {offsets = [6], sizes = [1], strides = [1]} : vector<16xi32> to vector<1xi32>
        %squeeze3A_366 = vector.extract %slice3A_365[0] : i32 from vector<1xi32>
        %swap3A_367 = arith.constant 38 : i32
        %swap3A_368 = arith.index_cast %swap3A_367 : i32 to index
        %swap3A_369 = memref.load %arg9[%swap3A_368] : memref<80xi32, #tpu.memory_space<smem>>
        memref.store %squeeze3A_366, %arg9[%swap3A_368] : memref<80xi32, #tpu.memory_space<smem>>
        %slice3A_370 = vector.extract_strided_slice %mul3A_334 {offsets = [7], sizes = [1], strides = [1]} : vector<16xi32> to vector<1xi32>
        %squeeze3A_371 = vector.extract %slice3A_370[0] : i32 from vector<1xi32>
        %swap3A_372 = arith.constant 39 : i32
        %swap3A_373 = arith.index_cast %swap3A_372 : i32 to index
        %swap3A_374 = memref.load %arg9[%swap3A_373] : memref<80xi32, #tpu.memory_space<smem>>
        memref.store %squeeze3A_371, %arg9[%swap3A_373] : memref<80xi32, #tpu.memory_space<smem>>
        %slice3A_375 = vector.extract_strided_slice %mul3A_334 {offsets = [8], sizes = [1], strides = [1]} : vector<16xi32> to vector<1xi32>
        %squeeze3A_376 = vector.extract %slice3A_375[0] : i32 from vector<1xi32>
        %swap3A_377 = arith.constant 40 : i32
        %swap3A_378 = arith.index_cast %swap3A_377 : i32 to index
        %swap3A_379 = memref.load %arg9[%swap3A_378] : memref<80xi32, #tpu.memory_space<smem>>
        memref.store %squeeze3A_376, %arg9[%swap3A_378] : memref<80xi32, #tpu.memory_space<smem>>
        %slice3A_380 = vector.extract_strided_slice %mul3A_334 {offsets = [9], sizes = [1], strides = [1]} : vector<16xi32> to vector<1xi32>
        %squeeze3A_381 = vector.extract %slice3A_380[0] : i32 from vector<1xi32>
        %swap3A_382 = arith.constant 41 : i32
        %swap3A_383 = arith.index_cast %swap3A_382 : i32 to index
        %swap3A_384 = memref.load %arg9[%swap3A_383] : memref<80xi32, #tpu.memory_space<smem>>
        memref.store %squeeze3A_381, %arg9[%swap3A_383] : memref<80xi32, #tpu.memory_space<smem>>
        %slice3A_385 = vector.extract_strided_slice %mul3A_334 {offsets = [10], sizes = [1], strides = [1]} : vector<16xi32> to vector<1xi32>
        %squeeze3A_386 = vector.extract %slice3A_385[0] : i32 from vector<1xi32>
        %swap3A_387 = arith.constant 42 : i32
        %swap3A_388 = arith.index_cast %swap3A_387 : i32 to index
        %swap3A_389 = memref.load %arg9[%swap3A_388] : memref<80xi32, #tpu.memory_space<smem>>
        memref.store %squeeze3A_386, %arg9[%swap3A_388] : memref<80xi32, #tpu.memory_space<smem>>
        %slice3A_390 = vector.extract_strided_slice %mul3A_334 {offsets = [11], sizes = [1], strides = [1]} : vector<16xi32> to vector<1xi32>
        %squeeze3A_391 = vector.extract %slice3A_390[0] : i32 from vector<1xi32>
        %swap3A_392 = arith.constant 43 : i32
        %swap3A_393 = arith.index_cast %swap3A_392 : i32 to index
        %swap3A_394 = memref.load %arg9[%swap3A_393] : memref<80xi32, #tpu.memory_space<smem>>
        memref.store %squeeze3A_391, %arg9[%swap3A_393] : memref<80xi32, #tpu.memory_space<smem>>
        %slice3A_395 = vector.extract_strided_slice %mul3A_334 {offsets = [12], sizes = [1], strides = [1]} : vector<16xi32> to vector<1xi32>
        %squeeze3A_396 = vector.extract %slice3A_395[0] : i32 from vector<1xi32>
        %swap3A_397 = arith.constant 44 : i32
        %swap3A_398 = arith.index_cast %swap3A_397 : i32 to index
        %swap3A_399 = memref.load %arg9[%swap3A_398] : memref<80xi32, #tpu.memory_space<smem>>
        memref.store %squeeze3A_396, %arg9[%swap3A_398] : memref<80xi32, #tpu.memory_space<smem>>
        %slice3A_400 = vector.extract_strided_slice %mul3A_334 {offsets = [13], sizes = [1], strides = [1]} : vector<16xi32> to vector<1xi32>
        %squeeze3A_401 = vector.extract %slice3A_400[0] : i32 from vector<1xi32>
        %swap3A_402 = arith.constant 45 : i32
        %swap3A_403 = arith.index_cast %swap3A_402 : i32 to index
        %swap3A_404 = memref.load %arg9[%swap3A_403] : memref<80xi32, #tpu.memory_space<smem>>
        memref.store %squeeze3A_401, %arg9[%swap3A_403] : memref<80xi32, #tpu.memory_space<smem>>
        %slice3A_405 = vector.extract_strided_slice %mul3A_334 {offsets = [14], sizes = [1], strides = [1]} : vector<16xi32> to vector<1xi32>
        %squeeze3A_406 = vector.extract %slice3A_405[0] : i32 from vector<1xi32>
        %swap3A_407 = arith.constant 46 : i32
        %swap3A_408 = arith.index_cast %swap3A_407 : i32 to index
        %swap3A_409 = memref.load %arg9[%swap3A_408] : memref<80xi32, #tpu.memory_space<smem>>
        memref.store %squeeze3A_406, %arg9[%swap3A_408] : memref<80xi32, #tpu.memory_space<smem>>
        %slice3A_410 = vector.extract_strided_slice %mul3A_334 {offsets = [15], sizes = [1], strides = [1]} : vector<16xi32> to vector<1xi32>
        %squeeze3A_411 = vector.extract %slice3A_410[0] : i32 from vector<1xi32>
        %swap3A_412 = arith.constant 47 : i32
        %swap3A_413 = arith.index_cast %swap3A_412 : i32 to index
        %swap3A_414 = memref.load %arg9[%swap3A_413] : memref<80xi32, #tpu.memory_space<smem>>
        memref.store %squeeze3A_411, %arg9[%swap3A_413] : memref<80xi32, #tpu.memory_space<smem>>
        %add3A_415 = arith.addi %sub3A_27, %add3A_148 : i32
        %get3A_416 = arith.index_cast %add3A_415 : i32 to index
        %get3A_417 = arith.constant 48 : index
        %get3A_418 = tpu.vector_load %arg7[%get3A_416, %get3A_417] {strides = array<i32>} : memref<48x80xi32, #tpu.memory_space<vmem>>, vector<16xi32>,
        %mul3A_419 = arith.constant 256 : i32
        %mul3A_420 = vector.broadcast %mul3A_419 : i32 to vector<16xi32>
        %mul3A_421 = arith.muli %get3A_418, %mul3A_420 : vector<16xi32>
        %slice3A_422 = vector.extract_strided_slice %mul3A_421 {offsets = [0], sizes = [1], strides = [1]} : vector<16xi32> to vector<1xi32>
        %squeeze3A_423 = vector.extract %slice3A_422[0] : i32 from vector<1xi32>
        %swap3A_424 = arith.constant 48 : i32
        %swap3A_425 = arith.index_cast %swap3A_424 : i32 to index
        %swap3A_426 = memref.load %arg9[%swap3A_425] : memref<80xi32, #tpu.memory_space<smem>>
        memref.store %squeeze3A_423, %arg9[%swap3A_425] : memref<80xi32, #tpu.memory_space<smem>>
        %slice3A_427 = vector.extract_strided_slice %mul3A_421 {offsets = [1], sizes = [1], strides = [1]} : vector<16xi32> to vector<1xi32>
        %squeeze3A_428 = vector.extract %slice3A_427[0] : i32 from vector<1xi32>
        %swap3A_429 = arith.constant 49 : i32
        %swap3A_430 = arith.index_cast %swap3A_429 : i32 to index
        %swap3A_431 = memref.load %arg9[%swap3A_430] : memref<80xi32, #tpu.memory_space<smem>>
        memref.store %squeeze3A_428, %arg9[%swap3A_430] : memref<80xi32, #tpu.memory_space<smem>>
        %slice3A_432 = vector.extract_strided_slice %mul3A_421 {offsets = [2], sizes = [1], strides = [1]} : vector<16xi32> to vector<1xi32>
        %squeeze3A_433 = vector.extract %slice3A_432[0] : i32 from vector<1xi32>
        %swap3A_434 = arith.constant 50 : i32
        %swap3A_435 = arith.index_cast %swap3A_434 : i32 to index
        %swap3A_436 = memref.load %arg9[%swap3A_435] : memref<80xi32, #tpu.memory_space<smem>>
        memref.store %squeeze3A_433, %arg9[%swap3A_435] : memref<80xi32, #tpu.memory_space<smem>>
        %slice3A_437 = vector.extract_strided_slice %mul3A_421 {offsets = [3], sizes = [1], strides = [1]} : vector<16xi32> to vector<1xi32>
        %squeeze3A_438 = vector.extract %slice3A_437[0] : i32 from vector<1xi32>
        %swap3A_439 = arith.constant 51 : i32
        %swap3A_440 = arith.index_cast %swap3A_439 : i32 to index
        %swap3A_441 = memref.load %arg9[%swap3A_440] : memref<80xi32, #tpu.memory_space<smem>>
        memref.store %squeeze3A_438, %arg9[%swap3A_440] : memref<80xi32, #tpu.memory_space<smem>>
        %slice3A_442 = vector.extract_strided_slice %mul3A_421 {offsets = [4], sizes = [1], strides = [1]} : vector<16xi32> to vector<1xi32>
        %squeeze3A_443 = vector.extract %slice3A_442[0] : i32 from vector<1xi32>
        %swap3A_444 = arith.constant 52 : i32
        %swap3A_445 = arith.index_cast %swap3A_444 : i32 to index
        %swap3A_446 = memref.load %arg9[%swap3A_445] : memref<80xi32, #tpu.memory_space<smem>>
        memref.store %squeeze3A_443, %arg9[%swap3A_445] : memref<80xi32, #tpu.memory_space<smem>>
        %slice3A_447 = vector.extract_strided_slice %mul3A_421 {offsets = [5], sizes = [1], strides = [1]} : vector<16xi32> to vector<1xi32>
        %squeeze3A_448 = vector.extract %slice3A_447[0] : i32 from vector<1xi32>
        %swap3A_449 = arith.constant 53 : i32
        %swap3A_450 = arith.index_cast %swap3A_449 : i32 to index
        %swap3A_451 = memref.load %arg9[%swap3A_450] : memref<80xi32, #tpu.memory_space<smem>>
        memref.store %squeeze3A_448, %arg9[%swap3A_450] : memref<80xi32, #tpu.memory_space<smem>>
        %slice3A_452 = vector.extract_strided_slice %mul3A_421 {offsets = [6], sizes = [1], strides = [1]} : vector<16xi32> to vector<1xi32>
        %squeeze3A_453 = vector.extract %slice3A_452[0] : i32 from vector<1xi32>
        %swap3A_454 = arith.constant 54 : i32
        %swap3A_455 = arith.index_cast %swap3A_454 : i32 to index
        %swap3A_456 = memref.load %arg9[%swap3A_455] : memref<80xi32, #tpu.memory_space<smem>>
        memref.store %squeeze3A_453, %arg9[%swap3A_455] : memref<80xi32, #tpu.memory_space<smem>>
        %slice3A_457 = vector.extract_strided_slice %mul3A_421 {offsets = [7], sizes = [1], strides = [1]} : vector<16xi32> to vector<1xi32>
        %squeeze3A_458 = vector.extract %slice3A_457[0] : i32 from vector<1xi32>
        %swap3A_459 = arith.constant 55 : i32
        %swap3A_460 = arith.index_cast %swap3A_459 : i32 to index
        %swap3A_461 = memref.load %arg9[%swap3A_460] : memref<80xi32, #tpu.memory_space<smem>>
        memref.store %squeeze3A_458, %arg9[%swap3A_460] : memref<80xi32, #tpu.memory_space<smem>>
        %slice3A_462 = vector.extract_strided_slice %mul3A_421 {offsets = [8], sizes = [1], strides = [1]} : vector<16xi32> to vector<1xi32>
        %squeeze3A_463 = vector.extract %slice3A_462[0] : i32 from vector<1xi32>
        %swap3A_464 = arith.constant 56 : i32
        %swap3A_465 = arith.index_cast %swap3A_464 : i32 to index
        %swap3A_466 = memref.load %arg9[%swap3A_465] : memref<80xi32, #tpu.memory_space<smem>>
        memref.store %squeeze3A_463, %arg9[%swap3A_465] : memref<80xi32, #tpu.memory_space<smem>>
        %slice3A_467 = vector.extract_strided_slice %mul3A_421 {offsets = [9], sizes = [1], strides = [1]} : vector<16xi32> to vector<1xi32>
        %squeeze3A_468 = vector.extract %slice3A_467[0] : i32 from vector<1xi32>
        %swap3A_469 = arith.constant 57 : i32
        %swap3A_470 = arith.index_cast %swap3A_469 : i32 to index
        %swap3A_471 = memref.load %arg9[%swap3A_470] : memref<80xi32, #tpu.memory_space<smem>>
        memref.store %squeeze3A_468, %arg9[%swap3A_470] : memref<80xi32, #tpu.memory_space<smem>>
        %slice3A_472 = vector.extract_strided_slice %mul3A_421 {offsets = [10], sizes = [1], strides = [1]} : vector<16xi32> to vector<1xi32>
        %squeeze3A_473 = vector.extract %slice3A_472[0] : i32 from vector<1xi32>
        %swap3A_474 = arith.constant 58 : i32
        %swap3A_475 = arith.index_cast %swap3A_474 : i32 to index
        %swap3A_476 = memref.load %arg9[%swap3A_475] : memref<80xi32, #tpu.memory_space<smem>>
        memref.store %squeeze3A_473, %arg9[%swap3A_475] : memref<80xi32, #tpu.memory_space<smem>>
        %slice3A_477 = vector.extract_strided_slice %mul3A_421 {offsets = [11], sizes = [1], strides = [1]} : vector<16xi32> to vector<1xi32>
        %squeeze3A_478 = vector.extract %slice3A_477[0] : i32 from vector<1xi32>
        %swap3A_479 = arith.constant 59 : i32
        %swap3A_480 = arith.index_cast %swap3A_479 : i32 to index
        %swap3A_481 = memref.load %arg9[%swap3A_480] : memref<80xi32, #tpu.memory_space<smem>>
        memref.store %squeeze3A_478, %arg9[%swap3A_480] : memref<80xi32, #tpu.memory_space<smem>>
        %slice3A_482 = vector.extract_strided_slice %mul3A_421 {offsets = [12], sizes = [1], strides = [1]} : vector<16xi32> to vector<1xi32>
        %squeeze3A_483 = vector.extract %slice3A_482[0] : i32 from vector<1xi32>
        %swap3A_484 = arith.constant 60 : i32
        %swap3A_485 = arith.index_cast %swap3A_484 : i32 to index
        %swap3A_486 = memref.load %arg9[%swap3A_485] : memref<80xi32, #tpu.memory_space<smem>>
        memref.store %squeeze3A_483, %arg9[%swap3A_485] : memref<80xi32, #tpu.memory_space<smem>>
        %slice3A_487 = vector.extract_strided_slice %mul3A_421 {offsets = [13], sizes = [1], strides = [1]} : vector<16xi32> to vector<1xi32>
        %squeeze3A_488 = vector.extract %slice3A_487[0] : i32 from vector<1xi32>
        %swap3A_489 = arith.constant 61 : i32
        %swap3A_490 = arith.index_cast %swap3A_489 : i32 to index
        %swap3A_491 = memref.load %arg9[%swap3A_490] : memref<80xi32, #tpu.memory_space<smem>>
        memref.store %squeeze3A_488, %arg9[%swap3A_490] : memref<80xi32, #tpu.memory_space<smem>>
        %slice3A_492 = vector.extract_strided_slice %mul3A_421 {offsets = [14], sizes = [1], strides = [1]} : vector<16xi32> to vector<1xi32>
        %squeeze3A_493 = vector.extract %slice3A_492[0] : i32 from vector<1xi32>
        %swap3A_494 = arith.constant 62 : i32
        %swap3A_495 = arith.index_cast %swap3A_494 : i32 to index
        %swap3A_496 = memref.load %arg9[%swap3A_495] : memref<80xi32, #tpu.memory_space<smem>>
        memref.store %squeeze3A_493, %arg9[%swap3A_495] : memref<80xi32, #tpu.memory_space<smem>>
        %slice3A_497 = vector.extract_strided_slice %mul3A_421 {offsets = [15], sizes = [1], strides = [1]} : vector<16xi32> to vector<1xi32>
        %squeeze3A_498 = vector.extract %slice3A_497[0] : i32 from vector<1xi32>
        %swap3A_499 = arith.constant 63 : i32
        %swap3A_500 = arith.index_cast %swap3A_499 : i32 to index
        %swap3A_501 = memref.load %arg9[%swap3A_500] : memref<80xi32, #tpu.memory_space<smem>>
        memref.store %squeeze3A_498, %arg9[%swap3A_500] : memref<80xi32, #tpu.memory_space<smem>>
        %add3A_502 = arith.addi %sub3A_27, %add3A_148 : i32
        %get3A_503 = arith.index_cast %add3A_502 : i32 to index
        %get3A_504 = arith.constant 64 : index
        %get3A_505 = tpu.vector_load %arg7[%get3A_503, %get3A_504] {strides = array<i32>} : memref<48x80xi32, #tpu.memory_space<vmem>>, vector<16xi32>,
        %mul3A_506 = arith.constant 256 : i32
        %mul3A_507 = vector.broadcast %mul3A_506 : i32 to vector<16xi32>
        %mul3A_508 = arith.muli %get3A_505, %mul3A_507 : vector<16xi32>
        %slice3A_509 = vector.extract_strided_slice %mul3A_508 {offsets = [0], sizes = [1], strides = [1]} : vector<16xi32> to vector<1xi32>
        %squeeze3A_510 = vector.extract %slice3A_509[0] : i32 from vector<1xi32>
        %swap3A_511 = arith.constant 64 : i32
        %swap3A_512 = arith.index_cast %swap3A_511 : i32 to index
        %swap3A_513 = memref.load %arg9[%swap3A_512] : memref<80xi32, #tpu.memory_space<smem>>
        memref.store %squeeze3A_510, %arg9[%swap3A_512] : memref<80xi32, #tpu.memory_space<smem>>
        %slice3A_514 = vector.extract_strided_slice %mul3A_508 {offsets = [1], sizes = [1], strides = [1]} : vector<16xi32> to vector<1xi32>
        %squeeze3A_515 = vector.extract %slice3A_514[0] : i32 from vector<1xi32>
        %swap3A_516 = arith.constant 65 : i32
        %swap3A_517 = arith.index_cast %swap3A_516 : i32 to index
        %swap3A_518 = memref.load %arg9[%swap3A_517] : memref<80xi32, #tpu.memory_space<smem>>
        memref.store %squeeze3A_515, %arg9[%swap3A_517] : memref<80xi32, #tpu.memory_space<smem>>
        %slice3A_519 = vector.extract_strided_slice %mul3A_508 {offsets = [2], sizes = [1], strides = [1]} : vector<16xi32> to vector<1xi32>
        %squeeze3A_520 = vector.extract %slice3A_519[0] : i32 from vector<1xi32>
        %swap3A_521 = arith.constant 66 : i32
        %swap3A_522 = arith.index_cast %swap3A_521 : i32 to index
        %swap3A_523 = memref.load %arg9[%swap3A_522] : memref<80xi32, #tpu.memory_space<smem>>
        memref.store %squeeze3A_520, %arg9[%swap3A_522] : memref<80xi32, #tpu.memory_space<smem>>
        %slice3A_524 = vector.extract_strided_slice %mul3A_508 {offsets = [3], sizes = [1], strides = [1]} : vector<16xi32> to vector<1xi32>
        %squeeze3A_525 = vector.extract %slice3A_524[0] : i32 from vector<1xi32>
        %swap3A_526 = arith.constant 67 : i32
        %swap3A_527 = arith.index_cast %swap3A_526 : i32 to index
        %swap3A_528 = memref.load %arg9[%swap3A_527] : memref<80xi32, #tpu.memory_space<smem>>
        memref.store %squeeze3A_525, %arg9[%swap3A_527] : memref<80xi32, #tpu.memory_space<smem>>
        %slice3A_529 = vector.extract_strided_slice %mul3A_508 {offsets = [4], sizes = [1], strides = [1]} : vector<16xi32> to vector<1xi32>
        %squeeze3A_530 = vector.extract %slice3A_529[0] : i32 from vector<1xi32>
        %swap3A_531 = arith.constant 68 : i32
        %swap3A_532 = arith.index_cast %swap3A_531 : i32 to index
        %swap3A_533 = memref.load %arg9[%swap3A_532] : memref<80xi32, #tpu.memory_space<smem>>
        memref.store %squeeze3A_530, %arg9[%swap3A_532] : memref<80xi32, #tpu.memory_space<smem>>
        %slice3A_534 = vector.extract_strided_slice %mul3A_508 {offsets = [5], sizes = [1], strides = [1]} : vector<16xi32> to vector<1xi32>
        %squeeze3A_535 = vector.extract %slice3A_534[0] : i32 from vector<1xi32>
        %swap3A_536 = arith.constant 69 : i32
        %swap3A_537 = arith.index_cast %swap3A_536 : i32 to index
        %swap3A_538 = memref.load %arg9[%swap3A_537] : memref<80xi32, #tpu.memory_space<smem>>
        memref.store %squeeze3A_535, %arg9[%swap3A_537] : memref<80xi32, #tpu.memory_space<smem>>
        %slice3A_539 = vector.extract_strided_slice %mul3A_508 {offsets = [6], sizes = [1], strides = [1]} : vector<16xi32> to vector<1xi32>
        %squeeze3A_540 = vector.extract %slice3A_539[0] : i32 from vector<1xi32>
        %swap3A_541 = arith.constant 70 : i32
        %swap3A_542 = arith.index_cast %swap3A_541 : i32 to index
        %swap3A_543 = memref.load %arg9[%swap3A_542] : memref<80xi32, #tpu.memory_space<smem>>
        memref.store %squeeze3A_540, %arg9[%swap3A_542] : memref<80xi32, #tpu.memory_space<smem>>
        %slice3A_544 = vector.extract_strided_slice %mul3A_508 {offsets = [7], sizes = [1], strides = [1]} : vector<16xi32> to vector<1xi32>
        %squeeze3A_545 = vector.extract %slice3A_544[0] : i32 from vector<1xi32>
        %swap3A_546 = arith.constant 71 : i32
        %swap3A_547 = arith.index_cast %swap3A_546 : i32 to index
        %swap3A_548 = memref.load %arg9[%swap3A_547] : memref<80xi32, #tpu.memory_space<smem>>
        memref.store %squeeze3A_545, %arg9[%swap3A_547] : memref<80xi32, #tpu.memory_space<smem>>
        %slice3A_549 = vector.extract_strided_slice %mul3A_508 {offsets = [8], sizes = [1], strides = [1]} : vector<16xi32> to vector<1xi32>
        %squeeze3A_550 = vector.extract %slice3A_549[0] : i32 from vector<1xi32>
        %swap3A_551 = arith.constant 72 : i32
        %swap3A_552 = arith.index_cast %swap3A_551 : i32 to index
        %swap3A_553 = memref.load %arg9[%swap3A_552] : memref<80xi32, #tpu.memory_space<smem>>
        memref.store %squeeze3A_550, %arg9[%swap3A_552] : memref<80xi32, #tpu.memory_space<smem>>
        %slice3A_554 = vector.extract_strided_slice %mul3A_508 {offsets = [9], sizes = [1], strides = [1]} : vector<16xi32> to vector<1xi32>
        %squeeze3A_555 = vector.extract %slice3A_554[0] : i32 from vector<1xi32>
        %swap3A_556 = arith.constant 73 : i32
        %swap3A_557 = arith.index_cast %swap3A_556 : i32 to index
        %swap3A_558 = memref.load %arg9[%swap3A_557] : memref<80xi32, #tpu.memory_space<smem>>
        memref.store %squeeze3A_555, %arg9[%swap3A_557] : memref<80xi32, #tpu.memory_space<smem>>
        %slice3A_559 = vector.extract_strided_slice %mul3A_508 {offsets = [10], sizes = [1], strides = [1]} : vector<16xi32> to vector<1xi32>
        %squeeze3A_560 = vector.extract %slice3A_559[0] : i32 from vector<1xi32>
        %swap3A_561 = arith.constant 74 : i32
        %swap3A_562 = arith.index_cast %swap3A_561 : i32 to index
        %swap3A_563 = memref.load %arg9[%swap3A_562] : memref<80xi32, #tpu.memory_space<smem>>
        memref.store %squeeze3A_560, %arg9[%swap3A_562] : memref<80xi32, #tpu.memory_space<smem>>
        %slice3A_564 = vector.extract_strided_slice %mul3A_508 {offsets = [11], sizes = [1], strides = [1]} : vector<16xi32> to vector<1xi32>
        %squeeze3A_565 = vector.extract %slice3A_564[0] : i32 from vector<1xi32>
        %swap3A_566 = arith.constant 75 : i32
        %swap3A_567 = arith.index_cast %swap3A_566 : i32 to index
        %swap3A_568 = memref.load %arg9[%swap3A_567] : memref<80xi32, #tpu.memory_space<smem>>
        memref.store %squeeze3A_565, %arg9[%swap3A_567] : memref<80xi32, #tpu.memory_space<smem>>
        %slice3A_569 = vector.extract_strided_slice %mul3A_508 {offsets = [12], sizes = [1], strides = [1]} : vector<16xi32> to vector<1xi32>
        %squeeze3A_570 = vector.extract %slice3A_569[0] : i32 from vector<1xi32>
        %swap3A_571 = arith.constant 76 : i32
        %swap3A_572 = arith.index_cast %swap3A_571 : i32 to index
        %swap3A_573 = memref.load %arg9[%swap3A_572] : memref<80xi32, #tpu.memory_space<smem>>
        memref.store %squeeze3A_570, %arg9[%swap3A_572] : memref<80xi32, #tpu.memory_space<smem>>
        %slice3A_574 = vector.extract_strided_slice %mul3A_508 {offsets = [13], sizes = [1], strides = [1]} : vector<16xi32> to vector<1xi32>
        %squeeze3A_575 = vector.extract %slice3A_574[0] : i32 from vector<1xi32>
        %swap3A_576 = arith.constant 77 : i32
        %swap3A_577 = arith.index_cast %swap3A_576 : i32 to index
        %swap3A_578 = memref.load %arg9[%swap3A_577] : memref<80xi32, #tpu.memory_space<smem>>
        memref.store %squeeze3A_575, %arg9[%swap3A_577] : memref<80xi32, #tpu.memory_space<smem>>
        %slice3A_579 = vector.extract_strided_slice %mul3A_508 {offsets = [14], sizes = [1], strides = [1]} : vector<16xi32> to vector<1xi32>
        %squeeze3A_580 = vector.extract %slice3A_579[0] : i32 from vector<1xi32>
        %swap3A_581 = arith.constant 78 : i32
        %swap3A_582 = arith.index_cast %swap3A_581 : i32 to index
        %swap3A_583 = memref.load %arg9[%swap3A_582] : memref<80xi32, #tpu.memory_space<smem>>
        memref.store %squeeze3A_580, %arg9[%swap3A_582] : memref<80xi32, #tpu.memory_space<smem>>
        %slice3A_584 = vector.extract_strided_slice %mul3A_508 {offsets = [15], sizes = [1], strides = [1]} : vector<16xi32> to vector<1xi32>
        %squeeze3A_585 = vector.extract %slice3A_584[0] : i32 from vector<1xi32>
        %swap3A_586 = arith.constant 79 : i32
        %swap3A_587 = arith.index_cast %swap3A_586 : i32 to index
        %swap3A_588 = memref.load %arg9[%swap3A_587] : memref<80xi32, #tpu.memory_space<smem>>
        memref.store %squeeze3A_585, %arg9[%swap3A_587] : memref<80xi32, #tpu.memory_space<smem>>
        %parallel_loop3A = arith.constant 0 : i32
        %parallel_loop3A_589 = arith.constant 80 : i32
        %parallel_loop3A_590 = arith.constant 1 : i32
        scf.for %parallel_loop3A_609 = %parallel_loop3A to %parallel_loop3A_589 step %parallel_loop3A_590  : i32 {
          %parallel_loop3A_610 = arith.index_cast %parallel_loop3A_609 : i32 to index
          %parallel_loop3A_611 = memref.load %arg9[%parallel_loop3A_610] : memref<80xi32, #tpu.memory_space<smem>>
          %parallel_loop3A_612 = arith.constant 0 : i32
          %parallel_loop3A_613 = arith.addi %parallel_loop3A_611, %parallel_loop3A_612 : i32
          %parallel_loop3A_614 = arith.index_cast %parallel_loop3A_613 : i32 to index
          %parallel_loop3A_615 = tpu.vector_load %arg6[%parallel_loop3A_614] {strides = array<i32>} : memref<22272xf32, #tpu.memory_space<vmem>>, vector<16xf32>,
          %parallel_loop3A_616 = arith.constant 3 : i32
          %parallel_loop3A_617 = arith.index_cast %parallel_loop3A_616 : i32 to index
          %parallel_loop3A_618 = arith.index_cast %parallel_loop3A_609 : i32 to index
          %parallel_loop3A_619 = arith.constant 0 : index
          %parallel_loop3A_620 = tpu.vector_load %arg8[%parallel_loop3A_617, %parallel_loop3A_618, %parallel_loop3A_619] {strides = array<i32>} : memref<4x80x256xf32, #tpu.memory_space<vmem>>, vector<16xf32>,
          tpu.vector_store %arg8[%parallel_loop3A_617, %parallel_loop3A_618, %parallel_loop3A_619], %parallel_loop3A_615 {strides = array<i32>} : memref<4x80x256xf32, #tpu.memory_space<vmem>>, vector<16xf32>,
          %parallel_loop3A_621 = arith.constant 16 : i32
          %parallel_loop3A_622 = arith.addi %parallel_loop3A_611, %parallel_loop3A_621 : i32
          %parallel_loop3A_623 = arith.index_cast %parallel_loop3A_622 : i32 to index
          %parallel_loop3A_624 = tpu.vector_load %arg6[%parallel_loop3A_623] {strides = array<i32>} : memref<22272xf32, #tpu.memory_space<vmem>>, vector<16xf32>,
          %parallel_loop3A_625 = arith.constant 3 : i32
          %parallel_loop3A_626 = arith.index_cast %parallel_loop3A_625 : i32 to index
          %parallel_loop3A_627 = arith.index_cast %parallel_loop3A_609 : i32 to index
          %parallel_loop3A_628 = arith.constant 16 : index
          %parallel_loop3A_629 = tpu.vector_load %arg8[%parallel_loop3A_626, %parallel_loop3A_627, %parallel_loop3A_628] {strides = array<i32>} : memref<4x80x256xf32, #tpu.memory_space<vmem>>, vector<16xf32>,
          tpu.vector_store %arg8[%parallel_loop3A_626, %parallel_loop3A_627, %parallel_loop3A_628], %parallel_loop3A_624 {strides = array<i32>} : memref<4x80x256xf32, #tpu.memory_space<vmem>>, vector<16xf32>,
          %parallel_loop3A_630 = arith.constant 32 : i32
          %parallel_loop3A_631 = arith.addi %parallel_loop3A_611, %parallel_loop3A_630 : i32
          %parallel_loop3A_632 = arith.index_cast %parallel_loop3A_631 : i32 to index
          %parallel_loop3A_633 = tpu.vector_load %arg6[%parallel_loop3A_632] {strides = array<i32>} : memref<22272xf32, #tpu.memory_space<vmem>>, vector<16xf32>,
          %parallel_loop3A_634 = arith.constant 3 : i32
          %parallel_loop3A_635 = arith.index_cast %parallel_loop3A_634 : i32 to index
          %parallel_loop3A_636 = arith.index_cast %parallel_loop3A_609 : i32 to index
          %parallel_loop3A_637 = arith.constant 32 : index
          %parallel_loop3A_638 = tpu.vector_load %arg8[%parallel_loop3A_635, %parallel_loop3A_636, %parallel_loop3A_637] {strides = array<i32>} : memref<4x80x256xf32, #tpu.memory_space<vmem>>, vector<16xf32>,
          tpu.vector_store %arg8[%parallel_loop3A_635, %parallel_loop3A_636, %parallel_loop3A_637], %parallel_loop3A_633 {strides = array<i32>} : memref<4x80x256xf32, #tpu.memory_space<vmem>>, vector<16xf32>,
          %parallel_loop3A_639 = arith.constant 48 : i32
          %parallel_loop3A_640 = arith.addi %parallel_loop3A_611, %parallel_loop3A_639 : i32
          %parallel_loop3A_641 = arith.index_cast %parallel_loop3A_640 : i32 to index
          %parallel_loop3A_642 = tpu.vector_load %arg6[%parallel_loop3A_641] {strides = array<i32>} : memref<22272xf32, #tpu.memory_space<vmem>>, vector<16xf32>,
          %parallel_loop3A_643 = arith.constant 3 : i32
          %parallel_loop3A_644 = arith.index_cast %parallel_loop3A_643 : i32 to index
          %parallel_loop3A_645 = arith.index_cast %parallel_loop3A_609 : i32 to index
          %parallel_loop3A_646 = arith.constant 48 : index
          %parallel_loop3A_647 = tpu.vector_load %arg8[%parallel_loop3A_644, %parallel_loop3A_645, %parallel_loop3A_646] {strides = array<i32>} : memref<4x80x256xf32, #tpu.memory_space<vmem>>, vector<16xf32>,
          tpu.vector_store %arg8[%parallel_loop3A_644, %parallel_loop3A_645, %parallel_loop3A_646], %parallel_loop3A_642 {strides = array<i32>} : memref<4x80x256xf32, #tpu.memory_space<vmem>>, vector<16xf32>,
          %parallel_loop3A_648 = arith.constant 64 : i32
          %parallel_loop3A_649 = arith.addi %parallel_loop3A_611, %parallel_loop3A_648 : i32
          %parallel_loop3A_650 = arith.index_cast %parallel_loop3A_649 : i32 to index
          %parallel_loop3A_651 = tpu.vector_load %arg6[%parallel_loop3A_650] {strides = array<i32>} : memref<22272xf32, #tpu.memory_space<vmem>>, vector<16xf32>,
          %parallel_loop3A_652 = arith.constant 3 : i32
          %parallel_loop3A_653 = arith.index_cast %parallel_loop3A_652 : i32 to index
          %parallel_loop3A_654 = arith.index_cast %parallel_loop3A_609 : i32 to index
          %parallel_loop3A_655 = arith.constant 64 : index
          %parallel_loop3A_656 = tpu.vector_load %arg8[%parallel_loop3A_653, %parallel_loop3A_654, %parallel_loop3A_655] {strides = array<i32>} : memref<4x80x256xf32, #tpu.memory_space<vmem>>, vector<16xf32>,
          tpu.vector_store %arg8[%parallel_loop3A_653, %parallel_loop3A_654, %parallel_loop3A_655], %parallel_loop3A_651 {strides = array<i32>} : memref<4x80x256xf32, #tpu.memory_space<vmem>>, vector<16xf32>,
          %parallel_loop3A_657 = arith.constant 80 : i32
          %parallel_loop3A_658 = arith.addi %parallel_loop3A_611, %parallel_loop3A_657 : i32
          %parallel_loop3A_659 = arith.index_cast %parallel_loop3A_658 : i32 to index
          %parallel_loop3A_660 = tpu.vector_load %arg6[%parallel_loop3A_659] {strides = array<i32>} : memref<22272xf32, #tpu.memory_space<vmem>>, vector<16xf32>,
          %parallel_loop3A_661 = arith.constant 3 : i32
          %parallel_loop3A_662 = arith.index_cast %parallel_loop3A_661 : i32 to index
          %parallel_loop3A_663 = arith.index_cast %parallel_loop3A_609 : i32 to index
          %parallel_loop3A_664 = arith.constant 80 : index
          %parallel_loop3A_665 = tpu.vector_load %arg8[%parallel_loop3A_662, %parallel_loop3A_663, %parallel_loop3A_664] {strides = array<i32>} : memref<4x80x256xf32, #tpu.memory_space<vmem>>, vector<16xf32>,
          tpu.vector_store %arg8[%parallel_loop3A_662, %parallel_loop3A_663, %parallel_loop3A_664], %parallel_loop3A_660 {strides = array<i32>} : memref<4x80x256xf32, #tpu.memory_space<vmem>>, vector<16xf32>,
          %parallel_loop3A_666 = arith.constant 96 : i32
          %parallel_loop3A_667 = arith.addi %parallel_loop3A_611, %parallel_loop3A_666 : i32
          %parallel_loop3A_668 = arith.index_cast %parallel_loop3A_667 : i32 to index
          %parallel_loop3A_669 = tpu.vector_load %arg6[%parallel_loop3A_668] {strides = array<i32>} : memref<22272xf32, #tpu.memory_space<vmem>>, vector<16xf32>,
          %parallel_loop3A_670 = arith.constant 3 : i32
          %parallel_loop3A_671 = arith.index_cast %parallel_loop3A_670 : i32 to index
          %parallel_loop3A_672 = arith.index_cast %parallel_loop3A_609 : i32 to index
          %parallel_loop3A_673 = arith.constant 96 : index
          %parallel_loop3A_674 = tpu.vector_load %arg8[%parallel_loop3A_671, %parallel_loop3A_672, %parallel_loop3A_673] {strides = array<i32>} : memref<4x80x256xf32, #tpu.memory_space<vmem>>, vector<16xf32>,
          tpu.vector_store %arg8[%parallel_loop3A_671, %parallel_loop3A_672, %parallel_loop3A_673], %parallel_loop3A_669 {strides = array<i32>} : memref<4x80x256xf32, #tpu.memory_space<vmem>>, vector<16xf32>,
          %parallel_loop3A_675 = arith.constant 112 : i32
          %parallel_loop3A_676 = arith.addi %parallel_loop3A_611, %parallel_loop3A_675 : i32
          %parallel_loop3A_677 = arith.index_cast %parallel_loop3A_676 : i32 to index
          %parallel_loop3A_678 = tpu.vector_load %arg6[%parallel_loop3A_677] {strides = array<i32>} : memref<22272xf32, #tpu.memory_space<vmem>>, vector<16xf32>,
          %parallel_loop3A_679 = arith.constant 3 : i32
          %parallel_loop3A_680 = arith.index_cast %parallel_loop3A_679 : i32 to index
          %parallel_loop3A_681 = arith.index_cast %parallel_loop3A_609 : i32 to index
          %parallel_loop3A_682 = arith.constant 112 : index
          %parallel_loop3A_683 = tpu.vector_load %arg8[%parallel_loop3A_680, %parallel_loop3A_681, %parallel_loop3A_682] {strides = array<i32>} : memref<4x80x256xf32, #tpu.memory_space<vmem>>, vector<16xf32>,
          tpu.vector_store %arg8[%parallel_loop3A_680, %parallel_loop3A_681, %parallel_loop3A_682], %parallel_loop3A_678 {strides = array<i32>} : memref<4x80x256xf32, #tpu.memory_space<vmem>>, vector<16xf32>,
          %parallel_loop3A_684 = arith.constant 128 : i32
          %parallel_loop3A_685 = arith.addi %parallel_loop3A_611, %parallel_loop3A_684 : i32
          %parallel_loop3A_686 = arith.index_cast %parallel_loop3A_685 : i32 to index
          %parallel_loop3A_687 = tpu.vector_load %arg6[%parallel_loop3A_686] {strides = array<i32>} : memref<22272xf32, #tpu.memory_space<vmem>>, vector<16xf32>,
          %parallel_loop3A_688 = arith.constant 3 : i32
          %parallel_loop3A_689 = arith.index_cast %parallel_loop3A_688 : i32 to index
          %parallel_loop3A_690 = arith.index_cast %parallel_loop3A_609 : i32 to index
          %parallel_loop3A_691 = arith.constant 128 : index
          %parallel_loop3A_692 = tpu.vector_load %arg8[%parallel_loop3A_689, %parallel_loop3A_690, %parallel_loop3A_691] {strides = array<i32>} : memref<4x80x256xf32, #tpu.memory_space<vmem>>, vector<16xf32>,
          tpu.vector_store %arg8[%parallel_loop3A_689, %parallel_loop3A_690, %parallel_loop3A_691], %parallel_loop3A_687 {strides = array<i32>} : memref<4x80x256xf32, #tpu.memory_space<vmem>>, vector<16xf32>,
          %parallel_loop3A_693 = arith.constant 144 : i32
          %parallel_loop3A_694 = arith.addi %parallel_loop3A_611, %parallel_loop3A_693 : i32
          %parallel_loop3A_695 = arith.index_cast %parallel_loop3A_694 : i32 to index
          %parallel_loop3A_696 = tpu.vector_load %arg6[%parallel_loop3A_695] {strides = array<i32>} : memref<22272xf32, #tpu.memory_space<vmem>>, vector<16xf32>,
          %parallel_loop3A_697 = arith.constant 3 : i32
          %parallel_loop3A_698 = arith.index_cast %parallel_loop3A_697 : i32 to index
          %parallel_loop3A_699 = arith.index_cast %parallel_loop3A_609 : i32 to index
          %parallel_loop3A_700 = arith.constant 144 : index
          %parallel_loop3A_701 = tpu.vector_load %arg8[%parallel_loop3A_698, %parallel_loop3A_699, %parallel_loop3A_700] {strides = array<i32>} : memref<4x80x256xf32, #tpu.memory_space<vmem>>, vector<16xf32>,
          tpu.vector_store %arg8[%parallel_loop3A_698, %parallel_loop3A_699, %parallel_loop3A_700], %parallel_loop3A_696 {strides = array<i32>} : memref<4x80x256xf32, #tpu.memory_space<vmem>>, vector<16xf32>,
          %parallel_loop3A_702 = arith.constant 160 : i32
          %parallel_loop3A_703 = arith.addi %parallel_loop3A_611, %parallel_loop3A_702 : i32
          %parallel_loop3A_704 = arith.index_cast %parallel_loop3A_703 : i32 to index
          %parallel_loop3A_705 = tpu.vector_load %arg6[%parallel_loop3A_704] {strides = array<i32>} : memref<22272xf32, #tpu.memory_space<vmem>>, vector<16xf32>,
          %parallel_loop3A_706 = arith.constant 3 : i32
          %parallel_loop3A_707 = arith.index_cast %parallel_loop3A_706 : i32 to index
          %parallel_loop3A_708 = arith.index_cast %parallel_loop3A_609 : i32 to index
          %parallel_loop3A_709 = arith.constant 160 : index
          %parallel_loop3A_710 = tpu.vector_load %arg8[%parallel_loop3A_707, %parallel_loop3A_708, %parallel_loop3A_709] {strides = array<i32>} : memref<4x80x256xf32, #tpu.memory_space<vmem>>, vector<16xf32>,
          tpu.vector_store %arg8[%parallel_loop3A_707, %parallel_loop3A_708, %parallel_loop3A_709], %parallel_loop3A_705 {strides = array<i32>} : memref<4x80x256xf32, #tpu.memory_space<vmem>>, vector<16xf32>,
          %parallel_loop3A_711 = arith.constant 176 : i32
          %parallel_loop3A_712 = arith.addi %parallel_loop3A_611, %parallel_loop3A_711 : i32
          %parallel_loop3A_713 = arith.index_cast %parallel_loop3A_712 : i32 to index
          %parallel_loop3A_714 = tpu.vector_load %arg6[%parallel_loop3A_713] {strides = array<i32>} : memref<22272xf32, #tpu.memory_space<vmem>>, vector<16xf32>,
          %parallel_loop3A_715 = arith.constant 3 : i32
          %parallel_loop3A_716 = arith.index_cast %parallel_loop3A_715 : i32 to index
          %parallel_loop3A_717 = arith.index_cast %parallel_loop3A_609 : i32 to index
          %parallel_loop3A_718 = arith.constant 176 : index
          %parallel_loop3A_719 = tpu.vector_load %arg8[%parallel_loop3A_716, %parallel_loop3A_717, %parallel_loop3A_718] {strides = array<i32>} : memref<4x80x256xf32, #tpu.memory_space<vmem>>, vector<16xf32>,
          tpu.vector_store %arg8[%parallel_loop3A_716, %parallel_loop3A_717, %parallel_loop3A_718], %parallel_loop3A_714 {strides = array<i32>} : memref<4x80x256xf32, #tpu.memory_space<vmem>>, vector<16xf32>,
          %parallel_loop3A_720 = arith.constant 192 : i32
          %parallel_loop3A_721 = arith.addi %parallel_loop3A_611, %parallel_loop3A_720 : i32
          %parallel_loop3A_722 = arith.index_cast %parallel_loop3A_721 : i32 to index
          %parallel_loop3A_723 = tpu.vector_load %arg6[%parallel_loop3A_722] {strides = array<i32>} : memref<22272xf32, #tpu.memory_space<vmem>>, vector<16xf32>,
          %parallel_loop3A_724 = arith.constant 3 : i32
          %parallel_loop3A_725 = arith.index_cast %parallel_loop3A_724 : i32 to index
          %parallel_loop3A_726 = arith.index_cast %parallel_loop3A_609 : i32 to index
          %parallel_loop3A_727 = arith.constant 192 : index
          %parallel_loop3A_728 = tpu.vector_load %arg8[%parallel_loop3A_725, %parallel_loop3A_726, %parallel_loop3A_727] {strides = array<i32>} : memref<4x80x256xf32, #tpu.memory_space<vmem>>, vector<16xf32>,
          tpu.vector_store %arg8[%parallel_loop3A_725, %parallel_loop3A_726, %parallel_loop3A_727], %parallel_loop3A_723 {strides = array<i32>} : memref<4x80x256xf32, #tpu.memory_space<vmem>>, vector<16xf32>,
          %parallel_loop3A_729 = arith.constant 208 : i32
          %parallel_loop3A_730 = arith.addi %parallel_loop3A_611, %parallel_loop3A_729 : i32
          %parallel_loop3A_731 = arith.index_cast %parallel_loop3A_730 : i32 to index
          %parallel_loop3A_732 = tpu.vector_load %arg6[%parallel_loop3A_731] {strides = array<i32>} : memref<22272xf32, #tpu.memory_space<vmem>>, vector<16xf32>,
          %parallel_loop3A_733 = arith.constant 3 : i32
          %parallel_loop3A_734 = arith.index_cast %parallel_loop3A_733 : i32 to index
          %parallel_loop3A_735 = arith.index_cast %parallel_loop3A_609 : i32 to index
          %parallel_loop3A_736 = arith.constant 208 : index
          %parallel_loop3A_737 = tpu.vector_load %arg8[%parallel_loop3A_734, %parallel_loop3A_735, %parallel_loop3A_736] {strides = array<i32>} : memref<4x80x256xf32, #tpu.memory_space<vmem>>, vector<16xf32>,
          tpu.vector_store %arg8[%parallel_loop3A_734, %parallel_loop3A_735, %parallel_loop3A_736], %parallel_loop3A_732 {strides = array<i32>} : memref<4x80x256xf32, #tpu.memory_space<vmem>>, vector<16xf32>,
          %parallel_loop3A_738 = arith.constant 224 : i32
          %parallel_loop3A_739 = arith.addi %parallel_loop3A_611, %parallel_loop3A_738 : i32
          %parallel_loop3A_740 = arith.index_cast %parallel_loop3A_739 : i32 to index
          %parallel_loop3A_741 = tpu.vector_load %arg6[%parallel_loop3A_740] {strides = array<i32>} : memref<22272xf32, #tpu.memory_space<vmem>>, vector<16xf32>,
          %parallel_loop3A_742 = arith.constant 3 : i32
          %parallel_loop3A_743 = arith.index_cast %parallel_loop3A_742 : i32 to index
          %parallel_loop3A_744 = arith.index_cast %parallel_loop3A_609 : i32 to index
          %parallel_loop3A_745 = arith.constant 224 : index
          %parallel_loop3A_746 = tpu.vector_load %arg8[%parallel_loop3A_743, %parallel_loop3A_744, %parallel_loop3A_745] {strides = array<i32>} : memref<4x80x256xf32, #tpu.memory_space<vmem>>, vector<16xf32>,
          tpu.vector_store %arg8[%parallel_loop3A_743, %parallel_loop3A_744, %parallel_loop3A_745], %parallel_loop3A_741 {strides = array<i32>} : memref<4x80x256xf32, #tpu.memory_space<vmem>>, vector<16xf32>,
          %parallel_loop3A_747 = arith.constant 240 : i32
          %parallel_loop3A_748 = arith.addi %parallel_loop3A_611, %parallel_loop3A_747 : i32
          %parallel_loop3A_749 = arith.index_cast %parallel_loop3A_748 : i32 to index
          %parallel_loop3A_750 = tpu.vector_load %arg6[%parallel_loop3A_749] {strides = array<i32>} : memref<22272xf32, #tpu.memory_space<vmem>>, vector<16xf32>,
          %parallel_loop3A_751 = arith.constant 3 : i32
          %parallel_loop3A_752 = arith.index_cast %parallel_loop3A_751 : i32 to index
          %parallel_loop3A_753 = arith.index_cast %parallel_loop3A_609 : i32 to index
          %parallel_loop3A_754 = arith.constant 240 : index
          %parallel_loop3A_755 = tpu.vector_load %arg8[%parallel_loop3A_752, %parallel_loop3A_753, %parallel_loop3A_754] {strides = array<i32>} : memref<4x80x256xf32, #tpu.memory_space<vmem>>, vector<16xf32>,
          tpu.vector_store %arg8[%parallel_loop3A_752, %parallel_loop3A_753, %parallel_loop3A_754], %parallel_loop3A_750 {strides = array<i32>} : memref<4x80x256xf32, #tpu.memory_space<vmem>>, vector<16xf32>,
        } {sc.loop_unroll_factor = 8 : i64, sc.parallel_access}
        %mul3A_591 = arith.constant 80 : i32
        %mul3A_592 = arith.muli %add3A_149, %mul3A_591 : i32
        %dma_start3A_593 = arith.constant 3 : i32
        %dma_start3A_594 = arith.constant 3 : i32
        %dma_start3A_595 = arith.constant 0 : i32
        %dma_start3A_596 = arith.constant 0 : i32
        %dma_start3A_597 = tpu.memref_slice %arg8[%dma_start3A_593, %dma_start3A_595, %dma_start3A_596] : memref<4x80x256xf32, #tpu.memory_space<vmem>> -> memref<1x80x256xf32, #tpu.memory_space<vmem>>
        %dma_start3A_598 = tpu.memref_squeeze %dma_start3A_597 : memref<1x80x256xf32, #tpu.memory_space<vmem>> -> memref<80x256xf32, #tpu.memory_space<vmem>>
        %dma_start3A_599 = arith.constant 0 : i32
        %dma_start3A_600 = tpu.memref_slice %arg4[%mul3A_592, %dma_start3A_599] : memref<100000x256xf32, #tpu.memory_space<hbm>> -> memref<80x256xf32, #tpu.memory_space<hbm>>
        %dma_start3A_601 = tpu.memref_slice %arg11[%dma_start3A_594] : memref<4x!tpu.dma_semaphore, #tpu.memory_space<semaphore_mem>> -> memref<1x!tpu.dma_semaphore, #tpu.memory_space<semaphore_mem>>
        %dma_start3A_602 = tpu.memref_squeeze %dma_start3A_601 : memref<1x!tpu.dma_semaphore, #tpu.memory_space<semaphore_mem>> -> memref<!tpu.dma_semaphore, #tpu.memory_space<semaphore_mem>>
        %dma_start3A_603 = arith.constant 0 : i32
        %dma_start3A_604 = tpu.memref_slice %arg4[%mul3A_592, %dma_start3A_603] : memref<100000x256xf32, #tpu.memory_space<hbm>> -> memref<80x256xf32, #tpu.memory_space<hbm>>
        %dma_start3A_605 = arith.constant 0 : i32
        %dma_start3A_606 = arith.constant 0 : i32
        %dma_start3A_607 = tpu.memref_slice %arg8[%dma_start3A_593, %dma_start3A_605, %dma_start3A_606] : memref<4x80x256xf32, #tpu.memory_space<vmem>> -> memref<1x80x256xf32, #tpu.memory_space<vmem>>
        %dma_start3A_608 = tpu.memref_squeeze %dma_start3A_607 : memref<1x80x256xf32, #tpu.memory_space<vmem>> -> memref<80x256xf32, #tpu.memory_space<vmem>>
        tpu.enqueue_dma source(%dma_start3A_608 : memref<80x256xf32, #tpu.memory_space<vmem>>) target(%dma_start3A_604 : memref<80x256xf32, #tpu.memory_space<hbm>>) target_semaphore(%dma_start3A_602 : memref<!tpu.dma_semaphore, #tpu.memory_space<semaphore_mem>>)
      } else {
      }
    }
    %scan3A_46 = arith.constant 10 : i32
    %dma_wait3A_47 = arith.constant 0 : i32
    %dma_wait3A_48 = arith.constant 0 : i32
    %dma_wait3A_49 = arith.constant 0 : i32
    %dma_wait3A_50 = arith.constant 0 : i32
    %dma_wait3A_51 = tpu.memref_slice %arg8[%dma_wait3A_47, %dma_wait3A_49, %dma_wait3A_50] : memref<4x80x256xf32, #tpu.memory_space<vmem>> -> memref<1x80x256xf32, #tpu.memory_space<vmem>>
    %dma_wait3A_52 = tpu.memref_squeeze %dma_wait3A_51 : memref<1x80x256xf32, #tpu.memory_space<vmem>> -> memref<80x256xf32, #tpu.memory_space<vmem>>
    %dma_wait3A_53 = arith.constant 0 : i32
    %dma_wait3A_54 = arith.constant 0 : i32
    %dma_wait3A_55 = tpu.memref_slice %arg4[%dma_wait3A_53, %dma_wait3A_54] : memref<100000x256xf32, #tpu.memory_space<hbm>> -> memref<80x256xf32, #tpu.memory_space<hbm>>
    %dma_wait3A_56 = tpu.memref_slice %arg11[%dma_wait3A_48] : memref<4x!tpu.dma_semaphore, #tpu.memory_space<semaphore_mem>> -> memref<1x!tpu.dma_semaphore, #tpu.memory_space<semaphore_mem>>
    %dma_wait3A_57 = tpu.memref_squeeze %dma_wait3A_56 : memref<1x!tpu.dma_semaphore, #tpu.memory_space<semaphore_mem>> -> memref<!tpu.dma_semaphore, #tpu.memory_space<semaphore_mem>>
    %dma_wait3A_58 = arith.constant 0 : i32
    %dma_wait3A_59 = arith.constant 0 : i32
    %dma_wait3A_60 = tpu.memref_slice %arg4[%dma_wait3A_58, %dma_wait3A_59] : memref<100000x256xf32, #tpu.memory_space<hbm>> -> memref<80x256xf32, #tpu.memory_space<hbm>>
    %dma_wait3A_61 = arith.constant 0 : i32
    %dma_wait3A_62 = arith.constant 0 : i32
    %dma_wait3A_63 = tpu.memref_slice %arg8[%dma_wait3A_47, %dma_wait3A_61, %dma_wait3A_62] : memref<4x80x256xf32, #tpu.memory_space<vmem>> -> memref<1x80x256xf32, #tpu.memory_space<vmem>>
    %dma_wait3A_64 = tpu.memref_squeeze %dma_wait3A_63 : memref<1x80x256xf32, #tpu.memory_space<vmem>> -> memref<80x256xf32, #tpu.memory_space<vmem>>
    tpu.wait_dma2 semaphore(%dma_wait3A_57 : memref<!tpu.dma_semaphore, #tpu.memory_space<semaphore_mem>>) src(%dma_wait3A_64 : memref<80x256xf32, #tpu.memory_space<vmem>>) dst(%dma_wait3A_60 : memref<80x256xf32, #tpu.memory_space<hbm>>)
    %dma_wait3A_65 = arith.constant 1 : i32
    %dma_wait3A_66 = arith.constant 1 : i32
    %dma_wait3A_67 = arith.constant 0 : i32
    %dma_wait3A_68 = arith.constant 0 : i32
    %dma_wait3A_69 = tpu.memref_slice %arg8[%dma_wait3A_65, %dma_wait3A_67, %dma_wait3A_68] : memref<4x80x256xf32, #tpu.memory_space<vmem>> -> memref<1x80x256xf32, #tpu.memory_space<vmem>>
    %dma_wait3A_70 = tpu.memref_squeeze %dma_wait3A_69 : memref<1x80x256xf32, #tpu.memory_space<vmem>> -> memref<80x256xf32, #tpu.memory_space<vmem>>
    %dma_wait3A_71 = arith.constant 0 : i32
    %dma_wait3A_72 = arith.constant 0 : i32
    %dma_wait3A_73 = tpu.memref_slice %arg4[%dma_wait3A_71, %dma_wait3A_72] : memref<100000x256xf32, #tpu.memory_space<hbm>> -> memref<80x256xf32, #tpu.memory_space<hbm>>
    %dma_wait3A_74 = tpu.memref_slice %arg11[%dma_wait3A_66] : memref<4x!tpu.dma_semaphore, #tpu.memory_space<semaphore_mem>> -> memref<1x!tpu.dma_semaphore, #tpu.memory_space<semaphore_mem>>
    %dma_wait3A_75 = tpu.memref_squeeze %dma_wait3A_74 : memref<1x!tpu.dma_semaphore, #tpu.memory_space<semaphore_mem>> -> memref<!tpu.dma_semaphore, #tpu.memory_space<semaphore_mem>>
    %dma_wait3A_76 = arith.constant 0 : i32
    %dma_wait3A_77 = arith.constant 0 : i32
    %dma_wait3A_78 = tpu.memref_slice %arg4[%dma_wait3A_76, %dma_wait3A_77] : memref<100000x256xf32, #tpu.memory_space<hbm>> -> memref<80x256xf32, #tpu.memory_space<hbm>>
    %dma_wait3A_79 = arith.constant 0 : i32
    %dma_wait3A_80 = arith.constant 0 : i32
    %dma_wait3A_81 = tpu.memref_slice %arg8[%dma_wait3A_65, %dma_wait3A_79, %dma_wait3A_80] : memref<4x80x256xf32, #tpu.memory_space<vmem>> -> memref<1x80x256xf32, #tpu.memory_space<vmem>>
    %dma_wait3A_82 = tpu.memref_squeeze %dma_wait3A_81 : memref<1x80x256xf32, #tpu.memory_space<vmem>> -> memref<80x256xf32, #tpu.memory_space<vmem>>
    tpu.wait_dma2 semaphore(%dma_wait3A_75 : memref<!tpu.dma_semaphore, #tpu.memory_space<semaphore_mem>>) src(%dma_wait3A_82 : memref<80x256xf32, #tpu.memory_space<vmem>>) dst(%dma_wait3A_78 : memref<80x256xf32, #tpu.memory_space<hbm>>)
    %dma_wait3A_83 = arith.constant 2 : i32
    %dma_wait3A_84 = arith.constant 2 : i32
    %dma_wait3A_85 = arith.constant 0 : i32
    %dma_wait3A_86 = arith.constant 0 : i32
    %dma_wait3A_87 = tpu.memref_slice %arg8[%dma_wait3A_83, %dma_wait3A_85, %dma_wait3A_86] : memref<4x80x256xf32, #tpu.memory_space<vmem>> -> memref<1x80x256xf32, #tpu.memory_space<vmem>>
    %dma_wait3A_88 = tpu.memref_squeeze %dma_wait3A_87 : memref<1x80x256xf32, #tpu.memory_space<vmem>> -> memref<80x256xf32, #tpu.memory_space<vmem>>
    %dma_wait3A_89 = arith.constant 0 : i32
    %dma_wait3A_90 = arith.constant 0 : i32
    %dma_wait3A_91 = tpu.memref_slice %arg4[%dma_wait3A_89, %dma_wait3A_90] : memref<100000x256xf32, #tpu.memory_space<hbm>> -> memref<80x256xf32, #tpu.memory_space<hbm>>
    %dma_wait3A_92 = tpu.memref_slice %arg11[%dma_wait3A_84] : memref<4x!tpu.dma_semaphore, #tpu.memory_space<semaphore_mem>> -> memref<1x!tpu.dma_semaphore, #tpu.memory_space<semaphore_mem>>
    %dma_wait3A_93 = tpu.memref_squeeze %dma_wait3A_92 : memref<1x!tpu.dma_semaphore, #tpu.memory_space<semaphore_mem>> -> memref<!tpu.dma_semaphore, #tpu.memory_space<semaphore_mem>>
    %dma_wait3A_94 = arith.constant 0 : i32
    %dma_wait3A_95 = arith.constant 0 : i32
    %dma_wait3A_96 = tpu.memref_slice %arg4[%dma_wait3A_94, %dma_wait3A_95] : memref<100000x256xf32, #tpu.memory_space<hbm>> -> memref<80x256xf32, #tpu.memory_space<hbm>>
    %dma_wait3A_97 = arith.constant 0 : i32
    %dma_wait3A_98 = arith.constant 0 : i32
    %dma_wait3A_99 = tpu.memref_slice %arg8[%dma_wait3A_83, %dma_wait3A_97, %dma_wait3A_98] : memref<4x80x256xf32, #tpu.memory_space<vmem>> -> memref<1x80x256xf32, #tpu.memory_space<vmem>>
    %dma_wait3A_100 = tpu.memref_squeeze %dma_wait3A_99 : memref<1x80x256xf32, #tpu.memory_space<vmem>> -> memref<80x256xf32, #tpu.memory_space<vmem>>
    tpu.wait_dma2 semaphore(%dma_wait3A_93 : memref<!tpu.dma_semaphore, #tpu.memory_space<semaphore_mem>>) src(%dma_wait3A_100 : memref<80x256xf32, #tpu.memory_space<vmem>>) dst(%dma_wait3A_96 : memref<80x256xf32, #tpu.memory_space<hbm>>)
    %dma_wait3A_101 = arith.constant 3 : i32
    %dma_wait3A_102 = arith.constant 3 : i32
    %dma_wait3A_103 = arith.constant 0 : i32
    %dma_wait3A_104 = arith.constant 0 : i32
    %dma_wait3A_105 = tpu.memref_slice %arg8[%dma_wait3A_101, %dma_wait3A_103, %dma_wait3A_104] : memref<4x80x256xf32, #tpu.memory_space<vmem>> -> memref<1x80x256xf32, #tpu.memory_space<vmem>>
    %dma_wait3A_106 = tpu.memref_squeeze %dma_wait3A_105 : memref<1x80x256xf32, #tpu.memory_space<vmem>> -> memref<80x256xf32, #tpu.memory_space<vmem>>
    %dma_wait3A_107 = arith.constant 0 : i32
    %dma_wait3A_108 = arith.constant 0 : i32
    %dma_wait3A_109 = tpu.memref_slice %arg4[%dma_wait3A_107, %dma_wait3A_108] : memref<100000x256xf32, #tpu.memory_space<hbm>> -> memref<80x256xf32, #tpu.memory_space<hbm>>
    %dma_wait3A_110 = tpu.memref_slice %arg11[%dma_wait3A_102] : memref<4x!tpu.dma_semaphore, #tpu.memory_space<semaphore_mem>> -> memref<1x!tpu.dma_semaphore, #tpu.memory_space<semaphore_mem>>
    %dma_wait3A_111 = tpu.memref_squeeze %dma_wait3A_110 : memref<1x!tpu.dma_semaphore, #tpu.memory_space<semaphore_mem>> -> memref<!tpu.dma_semaphore, #tpu.memory_space<semaphore_mem>>
    %dma_wait3A_112 = arith.constant 0 : i32
    %dma_wait3A_113 = arith.constant 0 : i32
    %dma_wait3A_114 = tpu.memref_slice %arg4[%dma_wait3A_112, %dma_wait3A_113] : memref<100000x256xf32, #tpu.memory_space<hbm>> -> memref<80x256xf32, #tpu.memory_space<hbm>>
    %dma_wait3A_115 = arith.constant 0 : i32
    %dma_wait3A_116 = arith.constant 0 : i32
    %dma_wait3A_117 = tpu.memref_slice %arg8[%dma_wait3A_101, %dma_wait3A_115, %dma_wait3A_116] : memref<4x80x256xf32, #tpu.memory_space<vmem>> -> memref<1x80x256xf32, #tpu.memory_space<vmem>>
    %dma_wait3A_118 = tpu.memref_squeeze %dma_wait3A_117 : memref<1x80x256xf32, #tpu.memory_space<vmem>> -> memref<80x256xf32, #tpu.memory_space<vmem>>
    tpu.wait_dma2 semaphore(%dma_wait3A_111 : memref<!tpu.dma_semaphore, #tpu.memory_space<semaphore_mem>>) src(%dma_wait3A_118 : memref<80x256xf32, #tpu.memory_space<vmem>>) dst(%dma_wait3A_114 : memref<80x256xf32, #tpu.memory_space<hbm>>)
    return
  }
}

</mosaic_0001>

<sc_bundles>
// kernel: kernel.3.cloned.1.call-start
scs
__scs_entry_jumppad:
0x0: {  	(pc) =	sbr.rel $0x88, $3  }
0x1: {  	(tag) =	ssettag $0x0;
	lr =	simm.s32 $0x1  }
0x2: {  	[smem:$0x3F9F] =	sst lr;
	_ =	strace $0xD0000000  }
0x3: {  	_ = 	snop  }
0x4: {  	_ = 	snop  }
0x5: {  	_ = 	snop  }
0x6: {  	_ = 	snop  }
0x7: {  	_ = 	snop  }
__scs_overlays_trampoline_lowered:
0x8: {  	[smem:$0x3FAE] =	sst s0  }
0x9: {  	[smem:$0x3FAF] =	sst s1  }
0xa: {  	[smem:$0x3FB0] =	sst s2  }
0xb: {  	[smem:$0x3FB1] =	sst s3  }
0xc: {  	[smem:$0x3FB2] =	sst s4  }
0xd: {  	[smem:$0x3FB3] =	sst s5  }
0xe: {  	[smem:$0x3FB4] =	sst s6  }
0xf: {  	[smem:$0x3FB5] =	sst s7  }
0x10: {  	[smem:$0x3FB6] =	sst s8  }
0x11: {  	[smem:$0x3FB7] =	sst s9;
	s0 =	simm.s32 @!p0 $0x0  }
0x12: {  	s1 =	sld [smem:$0x3F9D];
	s0 =	simm.s32 @p0 $0x1  }
0x13: {  	[smem:$0x3FB8] =	sst s0;
	s0 =	simm.s32 @!p1 $0x0  }
0x14: {  	s2 =	sld [smem:$0x3F9C];
	s0 =	simm.s32 @p1 $0x1  }
0x15: {  	[smem:$0x3FB9] =	sst s0;
	s0 =	simm.s32 @!p2 $0x0  }
0x16: {  	s3 =	sld [smem:$0x3FDB];
	s0 =	simm.s32 @p2 $0x1  }
0x17: {  	s4 =	simm.s32 $0x1BF5;
	[smem:$0x3FBB] =	sst s0  }
0x18: {  	s0 =	sld [smem:$0x3F9E];
	_ =	swait.ge [sflag:s4], $0x0  }
0x19: {  	s7 =	sld [smem:$0x3F9F]  }
0x1a: {  	s8 =	sadd.s32 $0xFFFFE003, lr  }
0x1b: {  	s9 =	sadd.s32 $0xFFFFFEF7, lr;
	s5 =	simm.s32 $0xFFFFFFFF;
	p2 =	slt.u32 s8, $0xFFFFF086  }
0x1c: {  	p1 =	slt.u32 s9, $0xF7A;
	s5 =	simm.s32 @!p2 $0x0  }
0x1d: {  	s5 =	simm.s32 @p1 $0x1;
	p0 =	seq.s32 s7, s2  }
0x1e: {  	s7 =	smul.u32 @!p0 $0xF7A, s2;
	p2 =	seq.s32 @!p0 s5, $0x0  }
0x1f: {  	s9 =	smul.u32 $0xF7A, s1;
	s8 =	simm.s32 @!p0 $0x1BF5;
	p2 =	por !p2, p0  }
0x20: {  	[sflag:s8] =	ssyncset.s32 @!p0 $0xFFFFF086;
	s6 =	sadd.s32 @!p0 s3, s7;
	s7 =	simm.s32 @!p0 $0x108  }
0x21: {  	s3 =	sadd.s32 s3, s9;
	s6 =	sadd.s32 @!p0 $0x88, s6;
	s7 =	simm.s32 @p2 $0x1082  }
0x22: {  	[simem:s7], [sflag:s8] =	dma.local @!p0 [hbm:s6], $0xF7A  }
0x23: {  	s9 =	sor.u32 $0xD0000000, s2;
	s6 =	simm.s32 $0x108;
	_ =	swait.ge @!p0 [sflag:s8], $0x0  }
0x24: {  	s3 =	sadd.s32 $0x88, s3;
	s6 =	simm.s32 @!p1 $0x1082;
	[sflag:s4] =	ssyncset.s32 $0xFFFFF086  }
0x25: {  	[simem:s6], [sflag:s4] =	dma.local [hbm:s3], $0xF7A  }
0x26: {  	[smem:$0x3F9F] =	sst s1;
	(tag) =	ssettag s2;
	_ =	strace s9  }
0x27: {  	s1 =	sld [smem:$0x3FAF]  }
0x28: {  	s2 =	sld [smem:$0x3FB0]  }
0x29: {  	s4 =	sld [smem:$0x3FB2]  }
0x2a: {  	p0 =	seq.s32 s5, $0x0;
	s5 =	sld [smem:$0x3FB3]  }
0x2b: {  	s6 =	sld [smem:$0x3FB4]  }
0x2c: {  	s7 =	sld [smem:$0x3FB5]  }
0x2d: {  	s3 =	simm.s32 $0x108;
	s8 =	sld [smem:$0x3FB6]  }
0x2e: {  	s3 =	simm.s32 @!p0 $0x1082;
	s9 =	sld [smem:$0x3FB7]  }
0x2f: {  	lr =	sadd.s32 s0, s3;
	s0 =	sld [smem:$0x3FAE]  }
0x30: {  	s3 =	sld [smem:$0x3FB1]  }
0x31: {  	[smem:$0x3FBA] =	sst s10  }
0x32: {  	s10 =	sld [smem:$0x3FB8];
	_ =	sdelay $0x3  }
0x33: {  	p0 =	seq.s32 s10, $0x1;
	s10 =	sld [smem:$0x3FBA];
	_ =	sdelay $0x3  }
0x34: {  	[smem:$0x3FBA] =	sst s10  }
0x35: {  	s10 =	sld [smem:$0x3FB9];
	_ =	sdelay $0x3  }
0x36: {  	p1 =	seq.s32 s10, $0x1;
	s10 =	sld [smem:$0x3FBA];
	_ =	sdelay $0x3  }
0x37: {  	[smem:$0x3FBA] =	sst s10  }
0x38: {  	s10 =	sld [smem:$0x3FBB]  }
0x39: {  	_ = 	snop;
	(pc) =	sbr.ind lr, $3  }
0x3a: {  	_ = 	snop  }
0x3b: {  	_ = 	snop  }
0x3c: {  	p2 =	seq.s32 s10, $0x1;
	s10 =	sld [smem:$0x3FBA]  }
0x3d: {  	_ =	shalt  }
0x3e: {  	_ =	shalt  }
0x3f: {  	_ =	shalt  }
0x40: {  	_ =	shalt  }
0x41: {  	_ =	shalt  }
0x42: {  	_ =	shalt  }
0x43: {  	_ =	shalt  }
0x44: {  	_ =	shalt  }
0x45: {  	_ =	shalt  }
0x46: {  	_ =	shalt  }
0x47: {  	_ =	shalt  }
0x48: {  	_ =	shalt  }
0x49: {  	_ =	shalt  }
0x4a: {  	_ =	shalt  }
0x4b: {  	_ =	shalt  }
0x4c: {  	_ =	shalt  }
0x4d: {  	_ =	shalt  }
0x4e: {  	_ =	shalt  }
0x4f: {  	_ =	shalt  }
0x50: {  	_ =	shalt  }
0x51: {  	_ =	shalt  }
0x52: {  	_ =	shalt  }
0x53: {  	_ =	shalt  }
0x54: {  	_ =	shalt  }
0x55: {  	_ =	shalt  }
0x56: {  	_ =	shalt  }
0x57: {  	_ =	shalt  }
0x58: {  	_ =	shalt  }
0x59: {  	_ =	shalt  }
0x5a: {  	_ =	shalt  }
0x5b: {  	_ =	shalt  }
0x5c: {  	_ =	shalt  }
0x5d: {  	_ =	shalt  }
0x5e: {  	_ =	shalt  }
0x5f: {  	_ =	shalt  }
0x60: {  	_ =	shalt  }
0x61: {  	_ =	shalt  }
0x62: {  	_ =	shalt  }
0x63: {  	_ =	shalt  }
0x64: {  	_ =	shalt  }
0x65: {  	_ =	shalt  }
0x66: {  	_ =	shalt  }
0x67: {  	_ =	shalt  }
0x68: {  	_ =	shalt  }
0x69: {  	_ =	shalt  }
0x6a: {  	_ =	shalt  }
0x6b: {  	_ =	shalt  }
0x6c: {  	_ =	shalt  }
0x6d: {  	_ =	shalt  }
0x6e: {  	_ =	shalt  }
0x6f: {  	_ =	shalt  }
0x70: {  	_ =	shalt  }
0x71: {  	_ =	shalt  }
0x72: {  	_ =	shalt  }
0x73: {  	_ =	shalt  }
0x74: {  	_ =	shalt  }
0x75: {  	_ =	shalt  }
0x76: {  	_ =	shalt  }
0x77: {  	_ =	shalt  }
0x78: {  	_ =	shalt  }
0x79: {  	_ =	shalt  }
0x7a: {  	_ =	shalt  }
0x7b: {  	_ =	shalt  }
0x7c: {  	_ =	shalt  }
0x7d: {  	_ =	shalt  }
0x7e: {  	_ =	shalt  }
0x7f: {  	_ =	shalt  }
0x80: {  	_ =	shalt  }
0x81: {  	_ =	shalt  }
0x82: {  	_ =	shalt  }
0x83: {  	_ =	shalt  }
0x84: {  	_ =	shalt  }
0x85: {  	_ =	shalt  }
0x86: {  	_ =	shalt  }
0x87: {  	_ =	shalt  }
.Lfunc_end0:
.L_simem_size_0:
called_computation_lowered:
.L_overlay_start_0:
0x88: {  	s2 =	sld [smem:$0x3FD9]  }
0x89: {  	s3 =	sld [smem:$0x3FFE];
	_ =	sdelay $0x1  }
0x8a: {  	s1 =	srdreg.scid  }
0x8b: {  	s0 =	sand.u32 $0x1, s1  }
0x8c: {  	s17 =	sshll.u32 s0, $0xA;
	s2 =	sadd.s32 s3, s2  }
0x8d: {  	s2 =	sadd.s32 s2, s17  }
0x8e: {  	[smem:$0x3FC6] =	sst s2  }
0x8f: {  	_ = 	snop  }
0x90: {  	s2 =	sld [smem:$0x3FD0];
	(tm) =	ssettm $0x1  }
0x91: {  	s18 =	sld [smem:$0x3FFB];
	_ =	sdelay $0x3  }
0x92: {  	_ =	strace s18  }
0x93: {  	s3 =	sld [smem:$0x3FFC];
	_ =	sdelay $0x3  }
0x94: {  	_ =	strace s3  }
0x95: {  	s3 =	sld [smem:$0x3FFD];
	_ =	sdelay $0x3  }
0x96: {  	_ =	strace s3  }
0x97: {  	_ =	strace $0x8FFFFFFF  }
0x98: {  	s19 =	sld [smem:$0x3FDB];
	_ =	sdelay $0x1  }
0x99: {  	s4 =	simm.s32 $_scs_section_size  }
0x9a: {  	s5 =	simm.s32 $_size__tile_overlayer_lowered;
	s6 =	simm.s32 $_tile_overlayer_lowered  }
0x9b: {  	s22 =	simm.s32 $0x1BFF;
	s21 =	sshll.u32 s6, $0x1;
	s3 =	sadd.s32 s4, s19  }
0x9c: {  	s7 =	simm.s32 $0x0;
	s20 =	sshll.u32 s5, $0x1;
	s5 =	sadd.s32 s21, s3  }
0x9d: {  	[timem:s7], [sflag:s22] =	dma.local [hbm:s5], s20  }
0x9e: {  	_ =	swait.ge [sflag:s22], s20  }
0x9f: {  	s4 =	ssub.s32 $0x0, s20;
	[sflag:s22] =	ssyncset.done $0x0  }
0xa0: {  	[sflag:s22] =	ssyncadd.s32 s4;
	_ =	sdelay $0x1  }
0xa1: {  	s23 =	simm.s32 $0x1B8B  }
0xa2: {  	_ =	swait.ge [sflag:s23], $0x1  }
0xa3: {  	[sflag:s23] =	ssyncset.done $0x0  }
0xa4: {  	s25 =	simm.s32 $0x1B8E;
	s24 =	sld [smem:$0x3FFE];
	[sflag:s23] =	ssyncadd.s32 $0xFFFFFFFF  }
0xa5: {  	s26 =	simm.s32 $execute0_lowered;
	[smem:$0x3FD2] =	sst s25  }
0xa6: {  	s5 =	sshll.u32 s26, $0x1;
	_ =	strace $0x80000046;
	[dreg:$0x1] =	wrdreg $0xFFFFFFFF  }
0xa7: {  	s28 =	simm.s32 $_size_execute0_lowered;
	s3 =	sadd.s32 s3, s5;
	[dreg:$0x0] =	wrdreg $0x0  }
0xa8: {  	s5 =	sshll.u32 s28, $0x1;
	[dreg:$0x2] =	wrdreg s3  }
0xa9: {  	[dreg:$0x3] =	wrdreg s5  }
0xaa: {  	[dreg:$0x4] =	wrdreg $0xC0  }
0xab: {  	_ =	task [dreg:s7], $0x5FFFF  }
0xac: {  	[dreg:$0x1] =	wrdreg $0xFFFFFFFF  }
0xad: {  	[dreg:$0x0] =	wrdreg $0x60  }
0xae: {  	[dreg:$0x2] =	wrdreg s24  }
0xaf: {  	[dreg:$0x3] =	wrdreg s2  }
0xb0: {  	[dreg:$0x4] =	wrdreg $0x0  }
0xb1: {  	[dreg:$0x5] =	wrdreg $0x9  }
0xb2: {  	_ =	task.clear_ibuf [dreg:s7], $0x6FFFF;
	_ =	strace $0x90000046  }
0xb3: {  	s29 =	simm.s32 $0x9;
	_ =	strace $0x80000048  }
0xb4: {  	_ =	swait.ge [sflag:s29], $0x1  }
0xb5: {  	[sflag:s29] =	ssyncadd.s32 $0xFFFFFFFF  }
0xb6: {  	_ =	strace $0x90000048  }
0xb7: {  	_ =	sfence  }
0xb8: {  	s30 =	sld [smem:$0x0];
	_ =	sdelay $0x2  }
0xb9: {  	s31 =	sshll.u32 s1, $0xD;
	s1 =	sshrl.u32 s1, $0x2  }
0xba: {  	s3 =	sand.u32 $0x4000, s31;
	s1 =	sadd.s32 s1, s30  }
0xbb: {  	s0 =	sor.u32 s3, s0;
	s1 =	sshll.u32 s1, $0x11  }
0xbc: {  	s0 =	sor.u32 s1, s0  }
0xbd: {  	s0 =	sadd.s32 $0x8F2B, s0  }
0xbe: {  	[sflag:s0] =	ssyncadd.remote.s32 $0x1  }
0xbf: {  	_ =	sfence.sel $0xFFFF  }
0xc0: {  	[dreg:$0x0] =	wrdreg $0xFFFFFFFF;
	(pc) =	sbr.abs _section_cstart, $3  }
0xc1: {  	[dreg:$0x1] =	wrdreg $0xFFFFFFFF  }
0xc2: {  	_ =	task.clear_ibuf [dreg:s7], $0x2FFFF;
	_ =	strace $0x9FFFFFFF  }
0xc3: {  	(tm) =	ssettm $0x7FFFFFFF  }
tec
execute0_lowered:
.L_overlay_start_1:
0x0: {  	(tag) =	ssettag $0x1  }
0x1: {  	s1 =	rddreg [dreg:$0x0]  }
0x2: {  	s0 =	srdreg.scid;
	s2 =	rddreg [dreg:$0x1]  }
0x3: {  	s9 =	stileid.u32;
	s10 =	rddreg [dreg:$0x2];
	s4 =	simm.s32 $0x0  }
0x4: {  	s14 =	simm.s32 $0x6;
	s16 =	simm.s32 $0x1;
	s17 =	simm.s32 $0x7470  }
0x5: {  	s18 =	simm.s32 $0xC470;
	s19 =	simm.s32 $0x11470;
	s20 =	simm.s32 $0x16470  }
0x6: {  	s21 =	simm.s32 $0x2;
	s22 =	simm.s32 $0x3;
	s23 =	simm.s32 $0x4  }
0x7: {  	s24 =	simm.s32 $0x5;
	s0 =	sand.u32 $0x1, s0;
	s3 =	sshll.u32 s9, $0x1  }
0x8: {  	s25 =	simm.s32 $0x0;
	s29 =	smul.u32 $0x570, s9;
	s3 =	sor.u32 s0, s3  }
0x9: {  	[smem:$0x7FF] =	sst s4;
	p0 =	seq.s32 s9, $0x0;
	s5 =	smul.u32 $0x27, s3  }
0xa: {  	_ =	strace $0x80000047;
	s0 =	ssub.s32 $0x2, s0;
	s3 =	smin.u32 s3, $0x2  }
0xb: {  	s7 =	sshrl.u32 s29, $0x3;
	s30 =	sshrl.u32 s0, $0x1;
	s5 =	sadd.s32 s3, s5  }
0xc: {  	s9 =	sadd.s32 $0x570, s29;
	s31 =	sadd.s32 s29, s10;
	s6 =	sshll.u32 s5, $0x4  }
.Ltmp0:
0xd: {  	s0 =	ssub.s32 s0, s30;
	s6 =	sand.u32 $0xFF80, s6;
	(pc) =	sbr.rel .LBB2_1-.Ltmp0, $4  }
0xe: {  	[dreg:$0x6] =	wrdreg s31;
	s0 =	smax.u32 s0, $0x1;
	s8 =	sadd.s32 s6, s1  }
0xf: {  	[dreg:$0x7] =	wrdreg s0;
	s1 =	sadd.s32 s7, s1;
	s8 =	sadd.s32 $0x1000, s8  }
0x10: {  	s6 =	simm.s32 $0x28;
	s1 =	sadd.s32 $0x400, s1;
	[dreg:$0x4] =	wrdreg s8  }
0x11: {  	s7 =	sand.u32 $0x7, s5;
	s6 =	simm.s32 @!p0 $0x27;
	[dreg:$0x5] =	wrdreg s1  }
.LBB2_19:
0x12: {  	_ =	swait.ge [sflag:s21], $0x5000  }
0x13: {  	[sflag:s21] =	ssyncset.done $0x0  }
0x14: {  	[sflag:s21] =	ssyncadd.s32 $0xFFFFB000  }
0x15: {  	_ =	swait.ge [sflag:s22], $0x5000  }
0x16: {  	[sflag:s22] =	ssyncset.done $0x0  }
0x17: {  	[sflag:s22] =	ssyncadd.s32 $0xFFFFB000  }
0x18: {  	_ =	swait.ge [sflag:s23], $0x5000  }
0x19: {  	[sflag:s23] =	ssyncset.done $0x0  }
0x1a: {  	[sflag:s23] =	ssyncadd.s32 $0xFFFFB000  }
0x1b: {  	_ =	swait.ge [sflag:s24], $0x5000  }
0x1c: {  	s25 =	sadd.s32 $0x1, s25;
	s0 =	rddreg [dreg:$0x7]  }
0x1d: {  	p0 =	sne.s32 s25, s0  }
.Ltmp1:
0x1e: {  	_ = 	snop;
	(pc) =	sbr.rel @!p0 .LBB2_20-.Ltmp1, $3  }
0x1f: {  	_ =	sdelay $0x1  }
0x20: {  	[sflag:s24] =	ssyncset.done $0x0  }
0x21: {  	[sflag:s24] =	ssyncadd.s32 $0xFFFFB000  }
.LBB2_1:
0x22: {  	s0 =	rddreg [dreg:$0x4];
	s1 =	simm.s32 $0x5C70  }
0x23: {  	[tilespmem:s1], [sflag:$0x1] =	stream.linear.gather [hbm4b:s0+s4], $0x1800, $0x38;
	[tilespmem:$0x1B470] =	vst v63  }
0x24: {  	s28 =	rddreg [dreg:$0x5]  }
0x25: {  	[tilespmem:s9], [sflag:$0x6] =	stream.linear.gather [hbm4b:s28+s4], $0x570, $0x38;
	[tilespmem:$0x1B470] =	vst v63  }
0x26: {  	_ =	swait.ge [sflag:s14], $0x570  }
0x27: {  	[sflag:s14] =	ssyncset.done $0x0  }
0x28: {  	s29 =	rddreg [dreg:$0x6];
	[sflag:s14] =	ssyncadd.s32 $0xFFFFFA90  }
0x29: {  	[spmem:s29] =	stream.linear.scatter [tilespmem:s9], [sflag:$0x6], $0x570, $0x38;
	[tilespmem:$0x1B470] =	vst v63  }
0x2a: {  	_ =	swait.ge [sflag:s14], $0x570  }
0x2b: {  	[sflag:s14] =	ssyncset.done $0x0  }
0x2c: {  	[sflag:s14] =	ssyncadd.s32 $0xFFFFFA90  }
0x2d: {  	[bflag:$0x0] =	sbarrier.arrive $0xFFFF  }
0x2e: {  	s31 =	simm.s32 $0x570;
	s30 =	rddreg [dreg:$0x2]  }
0x2f: {  	[tilespmem:s31], [sflag:$0x6] =	stream.linear.gather [spmem:s30], $0x5700, $0x38;
	[tilespmem:$0x1B470] =	vst v63  }
0x30: {  	_ =	swait.ge [sflag:s14], $0x5700  }
.Ltmp2:
0x31: {  	[sflag:s14] =	ssyncset.done $0x0;
	(pc) =	sbr.rel .LBB2_2-.Ltmp2, $4  }
0x32: {  	[sflag:s14] =	ssyncadd.s32 $0xFFFFA900  }
0x33: {  	_ =	swait.ge [sflag:s16], $0x1800  }
0x34: {  	[sflag:s16] =	ssyncset.done $0x0  }
0x35: {  	s26 =	simm.s32 $0x0;
	[sflag:s16] =	ssyncadd.s32 $0xFFFFE800  }
.LBB2_18:
0x36: {  	s26 =	sadd.s32 $0x1, s26  }
0x37: {  	p0 =	sne.s32 s26, $0xA  }
.Ltmp3:
0x38: {  	_ = 	snop;
	(pc) =	sbr.rel @!p0 .LBB2_19-.Ltmp3, $1  }
0x39: {  	_ =	sdelay $0x3  }
.LBB2_2:
0x3a: {  	s28 =	sshll.u32 s26, $0x2  }
0x3b: {  	p1 =	sge.u32 s28, s6  }
.Ltmp4:
0x3c: {  	_ = 	snop;
	(pc) =	sbr.rel @p1 .LBB2_6-.Ltmp4, $2  }
0x3d: {  	_ =	sdelay $0x2  }
0x3e: {  	p0 =	seq.s32 s26, $0x0  }
0x3f: {  	s0 =	simm.s32 @!p0 $0x2  }
0x40: {  	s1 =	sadd.s32 s7, s28;
	_ =	swait.ge @!p0 [sflag:s0], $0x5000  }
0x41: {  	s1 =	sshll.u32 s1, $0x7;
	[sflag:s0] =	ssyncset.done @!p0 $0x0  }
0x42: {  	[sflag:s0] =	ssyncadd.s32 @!p0 $0xFFFFB000;
	s0 =	sand.u32 $0x3FFFFF80, s1  }
0x43: {  	v0 =	vld [tilespmem:s0+$0x5C70];
	_ =	sdelay $0x4  }
0x44: {  	v0 =	vshll.u32 v0, $0x8  }
0x45: {  	(v2sf) =	vpush v0, $0x0  }
0x46: {  	(v2sf) =	vpush v0, $0x1  }
0x47: {  	(v2sf) =	vpush v0, $0x2  }
0x48: {  	(v2sf) =	vpush v0, $0x3  }
0x49: {  	(v2sf) =	vpush v0, $0x4  }
0x4a: {  	(v2sf) =	vpush v0, $0x5  }
0x4b: {  	(v2sf) =	vpush v0, $0x6  }
0x4c: {  	(v2sf) =	vpush v0, $0x7  }
0x4d: {  	(v2sf) =	vpush v0, $0x8  }
0x4e: {  	(v2sf) =	vpush v0, $0x9  }
0x4f: {  	v1 =	vld [tilespmem:s0+$0x5C80];
	(v2sf) =	vpush v0, $0xA  }
0x50: {  	(v2sf) =	vpush v0, $0xB  }
0x51: {  	(v2sf) =	vpush v0, $0xC  }
0x52: {  	(v2sf) =	vpush v0, $0xD  }
0x53: {  	(v2sf) =	vpush v0, $0xE  }
0x54: {  	s13 =	spop (v2sf);
	(v2sf) =	vpush v0, $0xF;
	v0 =	vshll.u32 v1, $0x8  }
0x55: {  	[smem:$0x0] =	sst s13;
	s15 =	spop (v2sf);
	(v2sf) =	vpush v0, $0x0  }
0x56: {  	[smem:$0x1] =	sst s15;
	s3 =	spop (v2sf);
	(v2sf) =	vpush v0, $0x1  }
0x57: {  	[smem:$0x2] =	sst s3;
	s8 =	spop (v2sf);
	(v2sf) =	vpush v0, $0x2  }
0x58: {  	[smem:$0x3] =	sst s8;
	s10 =	spop (v2sf);
	(v2sf) =	vpush v0, $0x3  }
0x59: {  	[smem:$0x4] =	sst s10;
	s11 =	spop (v2sf);
	(v2sf) =	vpush v0, $0x4  }
0x5a: {  	[smem:$0x5] =	sst s11;
	s12 =	spop (v2sf);
	(v2sf) =	vpush v0, $0x5  }
0x5b: {  	[smem:$0x6] =	sst s12;
	s13 =	spop (v2sf);
	(v2sf) =	vpush v0, $0x6  }
0x5c: {  	[smem:$0x7] =	sst s13;
	s15 =	spop (v2sf);
	(v2sf) =	vpush v0, $0x7  }
0x5d: {  	[smem:$0x8] =	sst s15;
	s3 =	spop (v2sf);
	(v2sf) =	vpush v0, $0x8  }
0x5e: {  	[smem:$0x9] =	sst s3;
	s8 =	spop (v2sf);
	(v2sf) =	vpush v0, $0x9  }
0x5f: {  	v1 =	vld [tilespmem:s0+$0x5C90];
	[smem:$0xA] =	sst s8;
	s10 =	spop (v2sf);
	(v2sf) =	vpush v0, $0xA  }
0x60: {  	[smem:$0xB] =	sst s10;
	s11 =	spop (v2sf);
	(v2sf) =	vpush v0, $0xB  }
0x61: {  	[smem:$0xC] =	sst s11;
	s12 =	spop (v2sf);
	(v2sf) =	vpush v0, $0xC  }
0x62: {  	[smem:$0xD] =	sst s12;
	s13 =	spop (v2sf);
	(v2sf) =	vpush v0, $0xD  }
0x63: {  	[smem:$0xE] =	sst s13;
	s15 =	spop (v2sf);
	(v2sf) =	vpush v0, $0xE  }
0x64: {  	[smem:$0xF] =	sst s15;
	s3 =	spop (v2sf);
	(v2sf) =	vpush v0, $0xF;
	v0 =	vshll.u32 v1, $0x8  }
0x65: {  	[smem:$0x10] =	sst s3;
	s8 =	spop (v2sf);
	(v2sf) =	vpush v0, $0x0  }
0x66: {  	[smem:$0x11] =	sst s8;
	s10 =	spop (v2sf);
	(v2sf) =	vpush v0, $0x1  }
0x67: {  	[smem:$0x12] =	sst s10;
	s11 =	spop (v2sf);
	(v2sf) =	vpush v0, $0x2  }
0x68: {  	[smem:$0x13] =	sst s11;
	s12 =	spop (v2sf);
	(v2sf) =	vpush v0, $0x3  }
0x69: {  	[smem:$0x14] =	sst s12;
	s13 =	spop (v2sf);
	(v2sf) =	vpush v0, $0x4  }
0x6a: {  	[smem:$0x15] =	sst s13;
	s15 =	spop (v2sf);
	(v2sf) =	vpush v0, $0x5  }
0x6b: {  	[smem:$0x16] =	sst s15;
	s3 =	spop (v2sf);
	(v2sf) =	vpush v0, $0x6  }
0x6c: {  	[smem:$0x17] =	sst s3;
	s8 =	spop (v2sf);
	(v2sf) =	vpush v0, $0x7  }
0x6d: {  	[smem:$0x18] =	sst s8;
	s10 =	spop (v2sf);
	(v2sf) =	vpush v0, $0x8  }
0x6e: {  	[smem:$0x19] =	sst s10;
	s11 =	spop (v2sf);
	(v2sf) =	vpush v0, $0x9  }
0x6f: {  	v1 =	vld [tilespmem:s0+$0x5CA0];
	[smem:$0x1A] =	sst s11;
	s12 =	spop (v2sf);
	(v2sf) =	vpush v0, $0xA  }
0x70: {  	[smem:$0x1B] =	sst s12;
	s13 =	spop (v2sf);
	(v2sf) =	vpush v0, $0xB  }
0x71: {  	[smem:$0x1C] =	sst s13;
	s15 =	spop (v2sf);
	(v2sf) =	vpush v0, $0xC  }
0x72: {  	[smem:$0x1D] =	sst s15;
	s3 =	spop (v2sf);
	(v2sf) =	vpush v0, $0xD  }
0x73: {  	[smem:$0x1E] =	sst s3;
	s8 =	spop (v2sf);
	(v2sf) =	vpush v0, $0xE  }
0x74: {  	[smem:$0x1F] =	sst s8;
	s10 =	spop (v2sf);
	(v2sf) =	vpush v0, $0xF;
	v0 =	vshll.u32 v1, $0x8  }
0x75: {  	[smem:$0x20] =	sst s10;
	s11 =	spop (v2sf);
	(v2sf) =	vpush v0, $0x0  }
0x76: {  	[smem:$0x21] =	sst s11;
	s12 =	spop (v2sf);
	(v2sf) =	vpush v0, $0x1  }
0x77: {  	[smem:$0x22] =	sst s12;
	s13 =	spop (v2sf);
	(v2sf) =	vpush v0, $0x2  }
0x78: {  	[smem:$0x23] =	sst s13;
	s15 =	spop (v2sf);
	(v2sf) =	vpush v0, $0x3  }
0x79: {  	[smem:$0x24] =	sst s15;
	s3 =	spop (v2sf);
	(v2sf) =	vpush v0, $0x4  }
0x7a: {  	[smem:$0x25] =	sst s3;
	s8 =	spop (v2sf);
	(v2sf) =	vpush v0, $0x5  }
0x7b: {  	[smem:$0x26] =	sst s8;
	s10 =	spop (v2sf);
	(v2sf) =	vpush v0, $0x6  }
0x7c: {  	[smem:$0x27] =	sst s10;
	s11 =	spop (v2sf);
	(v2sf) =	vpush v0, $0x7  }
0x7d: {  	[smem:$0x28] =	sst s11;
	s12 =	spop (v2sf);
	(v2sf) =	vpush v0, $0x8  }
0x7e: {  	[smem:$0x29] =	sst s12;
	s13 =	spop (v2sf);
	(v2sf) =	vpush v0, $0x9  }
0x7f: {  	v1 =	vld [tilespmem:s0+$0x5CB0];
	[smem:$0x2A] =	sst s13;
	s15 =	spop (v2sf);
	(v2sf) =	vpush v0, $0xA  }
0x80: {  	[smem:$0x2B] =	sst s15;
	s3 =	spop (v2sf);
	(v2sf) =	vpush v0, $0xB  }
0x81: {  	[smem:$0x2C] =	sst s3;
	s8 =	spop (v2sf);
	(v2sf) =	vpush v0, $0xC  }
0x82: {  	[smem:$0x2D] =	sst s8;
	s10 =	spop (v2sf);
	(v2sf) =	vpush v0, $0xD  }
0x83: {  	[smem:$0x2E] =	sst s10;
	s11 =	spop (v2sf);
	(v2sf) =	vpush v0, $0xE  }
0x84: {  	[smem:$0x2F] =	sst s11;
	s12 =	spop (v2sf);
	(v2sf) =	vpush v0, $0xF;
	v0 =	vshll.u32 v1, $0x8  }
0x85: {  	[smem:$0x30] =	sst s12;
	s13 =	spop (v2sf);
	(v2sf) =	vpush v0, $0x0  }
0x86: {  	[smem:$0x31] =	sst s13;
	s15 =	spop (v2sf);
	(v2sf) =	vpush v0, $0x1  }
0x87: {  	[smem:$0x32] =	sst s15;
	s1 =	spop (v2sf);
	(v2sf) =	vpush v0, $0x2  }
0x88: {  	[smem:$0x33] =	sst s1;
	s3 =	spop (v2sf);
	(v2sf) =	vpush v0, $0x3  }
0x89: {  	[smem:$0x34] =	sst s3;
	s8 =	spop (v2sf);
	(v2sf) =	vpush v0, $0x4  }
0x8a: {  	[smem:$0x35] =	sst s8;
	s10 =	spop (v2sf);
	(v2sf) =	vpush v0, $0x5  }
0x8b: {  	[smem:$0x36] =	sst s10;
	s11 =	spop (v2sf);
	(v2sf) =	vpush v0, $0x6  }
0x8c: {  	[smem:$0x37] =	sst s11;
	s12 =	spop (v2sf);
	(v2sf) =	vpush v0, $0x7  }
0x8d: {  	[smem:$0x38] =	sst s12;
	s13 =	spop (v2sf);
	(v2sf) =	vpush v0, $0x8  }
0x8e: {  	[smem:$0x39] =	sst s13;
	s15 =	spop (v2sf);
	(v2sf) =	vpush v0, $0x9  }
0x8f: {  	[smem:$0x3A] =	sst s15;
	s1 =	spop (v2sf);
	(v2sf) =	vpush v0, $0xA  }
0x90: {  	[smem:$0x3B] =	sst s1;
	s3 =	spop (v2sf);
	(v2sf) =	vpush v0, $0xB  }
0x91: {  	[smem:$0x3C] =	sst s3;
	s8 =	spop (v2sf);
	(v2sf) =	vpush v0, $0xC  }
0x92: {  	[smem:$0x3D] =	sst s8;
	s10 =	spop (v2sf);
	(v2sf) =	vpush v0, $0xD  }
0x93: {  	[smem:$0x3E] =	sst s10;
	s11 =	spop (v2sf);
	(v2sf) =	vpush v0, $0xE  }
0x94: {  	[smem:$0x3F] =	sst s11;
	s12 =	spop (v2sf);
	(v2sf) =	vpush v0, $0xF  }
0x95: {  	s13 =	spop (v2sf);
	[smem:$0x40] =	sst s12  }
0x96: {  	s15 =	spop (v2sf);
	[smem:$0x41] =	sst s13  }
0x97: {  	s3 =	spop (v2sf);
	[smem:$0x42] =	sst s15  }
0x98: {  	s8 =	spop (v2sf);
	[smem:$0x43] =	sst s3  }
0x99: {  	s10 =	spop (v2sf);
	[smem:$0x44] =	sst s8  }
0x9a: {  	s11 =	spop (v2sf);
	[smem:$0x45] =	sst s10  }
0x9b: {  	s12 =	spop (v2sf);
	[smem:$0x46] =	sst s11  }
0x9c: {  	s13 =	spop (v2sf);
	[smem:$0x47] =	sst s12  }
0x9d: {  	s15 =	spop (v2sf);
	[smem:$0x48] =	sst s13  }
0x9e: {  	s3 =	spop (v2sf);
	[smem:$0x49] =	sst s15  }
0x9f: {  	s8 =	spop (v2sf);
	[smem:$0x4A] =	sst s3  }
0xa0: {  	s10 =	spop (v2sf);
	[smem:$0x4B] =	sst s8  }
0xa1: {  	s11 =	spop (v2sf);
	[smem:$0x4C] =	sst s10  }
0xa2: {  	s12 =	spop (v2sf);
	[smem:$0x4D] =	sst s11  }
0xa3: {  	[smem:$0x4E] =	sst s12;
	s13 =	spop (v2sf)  }
0xa4: {  	[smem:$0x4F] =	sst s13  }
0xa5: {  	s11 =	sld [smem:$0x7]  }
0xa6: {  	s8 =	sld [smem:$0x1]  }
0xa7: {  	s15 =	sld [smem:$0x2]  }
0xa8: {  	s3 =	sld [smem:$0x3];
	v0 =	vld [tilespmem:s11+$0x570]  }
0xa9: {  	v1 =	vld [tilespmem:s8+$0x570];
	s1 =	sld [smem:$0x4]  }
0xaa: {  	v2 =	vld [tilespmem:s15+$0x570];
	s30 =	sld [smem:$0x5]  }
0xab: {  	v3 =	vld [tilespmem:s3+$0x570];
	s31 =	sld [smem:$0x6]  }
0xac: {  	s29 =	simm.s32 $0x7870;
	s10 =	sld [smem:$0x0];
	v4 =	vld [tilespmem:s1+$0x570]  }
0xad: {  	v5 =	vld [tilespmem:s30+$0x570];
	[tilespmem:s29+$0xFFFFFF80] =	vst v0  }
0xae: {  	[tilespmem:s29+$0xFFFFFC80] =	vst v1;
	v0 =	vld [tilespmem:s11+$0x580]  }
0xaf: {  	v1 =	vld [tilespmem:s10+$0x570];
	[tilespmem:s29+$0xFFFFFD00] =	vst v2  }
0xb0: {  	v2 =	vld [tilespmem:s31+$0x570];
	[tilespmem:s29+$0xFFFFFD80] =	vst v3  }
0xb1: {  	v3 =	vld [tilespmem:s8+$0x580];
	[tilespmem:s29+$0xFFFFFE00] =	vst v4  }
0xb2: {  	v4 =	vld [tilespmem:s15+$0x580];
	[tilespmem:s29+$0xFFFFFE80] =	vst v5  }
0xb3: {  	v5 =	vld [tilespmem:s3+$0x580];
	[tilespmem:s29+$0xFFFFFF90] =	vst v0  }
0xb4: {  	[tilespmem:s29+$0xFFFFFC00] =	vst v1;
	v0 =	vld [tilespmem:s11+$0x590]  }
0xb5: {  	[tilespmem:s29+$0xFFFFFF00] =	vst v2;
	v2 =	vld [tilespmem:s1+$0x580]  }
0xb6: {  	v1 =	vld [tilespmem:s10+$0x580];
	[tilespmem:s29+$0xFFFFFC90] =	vst v3  }
0xb7: {  	v3 =	vld [tilespmem:s30+$0x580];
	[tilespmem:s29+$0xFFFFFD10] =	vst v4  }
0xb8: {  	v4 =	vld [tilespmem:s31+$0x580];
	[tilespmem:s29+$0xFFFFFD90] =	vst v5  }
0xb9: {  	v5 =	vld [tilespmem:s8+$0x590];
	[tilespmem:s29+$0xFFFFFFA0] =	vst v0  }
0xba: {  	[tilespmem:s29+$0xFFFFFE10] =	vst v2;
	v0 =	vld [tilespmem:s11+$0x5A0]  }
0xbb: {  	v2 =	vld [tilespmem:s15+$0x590];
	[tilespmem:s29+$0xFFFFFC10] =	vst v1  }
0xbc: {  	[tilespmem:s29+$0xFFFFFE90] =	vst v3;
	v1 =	vld [tilespmem:s10+$0x590]  }
0xbd: {  	v3 =	vld [tilespmem:s3+$0x590];
	[tilespmem:s29+$0xFFFFFF10] =	vst v4  }
0xbe: {  	v4 =	vld [tilespmem:s1+$0x590];
	[tilespmem:s29+$0xFFFFFCA0] =	vst v5  }
0xbf: {  	v5 =	vld [tilespmem:s30+$0x590];
	[tilespmem:s29+$0xFFFFFFB0] =	vst v0  }
0xc0: {  	[tilespmem:s29+$0xFFFFFD20] =	vst v2;
	v0 =	vld [tilespmem:s11+$0x5B0]  }
0xc1: {  	[tilespmem:s29+$0xFFFFFC20] =	vst v1;
	v1 =	vld [tilespmem:s31+$0x590]  }
0xc2: {  	[tilespmem:s29+$0xFFFFFDA0] =	vst v3;
	v3 =	vld [tilespmem:s8+$0x5A0]  }
0xc3: {  	[tilespmem:s29+$0xFFFFFE20] =	vst v4;
	v2 =	vld [tilespmem:s10+$0x5A0]  }
0xc4: {  	v4 =	vld [tilespmem:s15+$0x5A0];
	[tilespmem:s29+$0xFFFFFEA0] =	vst v5  }
0xc5: {  	v5 =	vld [tilespmem:s3+$0x5A0];
	[tilespmem:s29+$0xFFFFFFC0] =	vst v0  }
0xc6: {  	[tilespmem:s29+$0xFFFFFF20] =	vst v1;
	v1 =	vld [tilespmem:s1+$0x5A0]  }
0xc7: {  	[tilespmem:s29+$0xFFFFFCB0] =	vst v3;
	v0 =	vld [tilespmem:s11+$0x5C0]  }
0xc8: {  	[tilespmem:s29+$0xFFFFFC30] =	vst v2;
	v2 =	vld [tilespmem:s30+$0x5A0]  }
0xc9: {  	[tilespmem:s29+$0xFFFFFD30] =	vst v4;
	v3 =	vld [tilespmem:s31+$0x5A0]  }
0xca: {  	[tilespmem:s29+$0xFFFFFDB0] =	vst v5;
	v5 =	vld [tilespmem:s8+$0x5B0]  }
0xcb: {  	v4 =	vld [tilespmem:s10+$0x5B0];
	[tilespmem:s29+$0xFFFFFE30] =	vst v1  }
0xcc: {  	v1 =	vld [tilespmem:s15+$0x5B0];
	[tilespmem:s29+$0xFFFFFFD0] =	vst v0  }
0xcd: {  	[tilespmem:s29+$0xFFFFFEB0] =	vst v2;
	v2 =	vld [tilespmem:s3+$0x5B0]  }
0xce: {  	[tilespmem:s29+$0xFFFFFF30] =	vst v3;
	v3 =	vld [tilespmem:s1+$0x5B0]  }
0xcf: {  	[tilespmem:s29+$0xFFFFFCC0] =	vst v5;
	v0 =	vld [tilespmem:s11+$0x5D0]  }
0xd0: {  	[tilespmem:s29+$0xFFFFFC40] =	vst v4;
	v4 =	vld [tilespmem:s30+$0x5B0]  }
0xd1: {  	v5 =	vld [tilespmem:s31+$0x5B0];
	[tilespmem:s29+$0xFFFFFD40] =	vst v1  }
0xd2: {  	v1 =	vld [tilespmem:s10+$0x5C0];
	[tilespmem:s29+$0xFFFFFDC0] =	vst v2  }
0xd3: {  	v2 =	vld [tilespmem:s8+$0x5C0];
	[tilespmem:s29+$0xFFFFFE40] =	vst v3  }
0xd4: {  	v3 =	vld [tilespmem:s15+$0x5C0];
	[tilespmem:s29+$0xFFFFFFE0] =	vst v0  }
0xd5: {  	[tilespmem:s29+$0xFFFFFEC0] =	vst v4;
	v4 =	vld [tilespmem:s3+$0x5C0]  }
0xd6: {  	[tilespmem:s29+$0xFFFFFF40] =	vst v5;
	v0 =	vld [tilespmem:s11+$0x5E0]  }
0xd7: {  	v5 =	vld [tilespmem:s1+$0x5C0];
	[tilespmem:s29+$0xFFFFFC50] =	vst v1  }
0xd8: {  	v1 =	vld [tilespmem:s30+$0x5C0];
	[tilespmem:s29+$0xFFFFFCD0] =	vst v2  }
0xd9: {  	[tilespmem:s29+$0xFFFFFD50] =	vst v3;
	v2 =	vld [tilespmem:s31+$0x5C0]  }
0xda: {  	v3 =	vld [tilespmem:s10+$0x5D0];
	[tilespmem:s29+$0xFFFFFDD0] =	vst v4  }
0xdb: {  	v4 =	vld [tilespmem:s8+$0x5D0];
	[tilespmem:s29+$0xFFFFFFF0] =	vst v0  }
0xdc: {  	[tilespmem:s29+$0xFFFFFE50] =	vst v5;
	v0 =	vld [tilespmem:s11+$0x5F0]  }
0xdd: {  	v5 =	vld [tilespmem:s15+$0x5D0];
	[tilespmem:s29+$0xFFFFFED0] =	vst v1  }
0xde: {  	v1 =	vld [tilespmem:s3+$0x5D0];
	[tilespmem:s29+$0xFFFFFF50] =	vst v2  }
0xdf: {  	[tilespmem:s29+$0xFFFFFC60] =	vst v3;
	v2 =	vld [tilespmem:s1+$0x5D0]  }
0xe0: {  	v3 =	vld [tilespmem:s30+$0x5D0];
	[tilespmem:s29+$0xFFFFFCE0] =	vst v4  }
0xe1: {  	v4 =	vld [tilespmem:s31+$0x5D0];
	[tilespmem:s29+$0x380] =	vst v0  }
0xe2: {  	[tilespmem:s29+$0xFFFFFD60] =	vst v5;
	v0 =	vld [tilespmem:s11+$0x600]  }
0xe3: {  	v5 =	vld [tilespmem:s10+$0x5E0];
	[tilespmem:s29+$0xFFFFFDE0] =	vst v1  }
0xe4: {  	v1 =	vld [tilespmem:s8+$0x5E0];
	[tilespmem:s29+$0xFFFFFE60] =	vst v2  }
0xe5: {  	v2 =	vld [tilespmem:s15+$0x5E0];
	[tilespmem:s29+$0xFFFFFEE0] =	vst v3  }
0xe6: {  	v3 =	vld [tilespmem:s3+$0x5E0];
	[tilespmem:s29+$0xFFFFFF60] =	vst v4  }
0xe7: {  	v4 =	vld [tilespmem:s1+$0x5E0];
	[tilespmem:s29+$0x390] =	vst v0  }
0xe8: {  	[tilespmem:s29+$0xFFFFFC70] =	vst v5;
	v0 =	vld [tilespmem:s11+$0x610]  }
0xe9: {  	v5 =	vld [tilespmem:s30+$0x5E0];
	[tilespmem:s29+$0xFFFFFCF0] =	vst v1  }
0xea: {  	v1 =	vld [tilespmem:s31+$0x5E0];
	[tilespmem:s29+$0xFFFFFD70] =	vst v2  }
0xeb: {  	v2 =	vld [tilespmem:s10+$0x5F0];
	[tilespmem:s29+$0xFFFFFDF0] =	vst v3  }
0xec: {  	v3 =	vld [tilespmem:s8+$0x5F0];
	[tilespmem:s29+$0xFFFFFE70] =	vst v4  }
0xed: {  	v4 =	vld [tilespmem:s15+$0x5F0];
	[tilespmem:s29+$0x3A0] =	vst v0  }
0xee: {  	[tilespmem:s29+$0xFFFFFEF0] =	vst v5;
	v0 =	vld [tilespmem:s11+$0x620]  }
0xef: {  	v5 =	vld [tilespmem:s3+$0x5F0];
	[tilespmem:s29+$0xFFFFFF70] =	vst v1  }
0xf0: {  	v1 =	vld [tilespmem:s1+$0x5F0];
	[tilespmem:s29+$0x0] =	vst v2  }
0xf1: {  	[tilespmem:s29+$0x80] =	vst v3;
	v2 =	vld [tilespmem:s30+$0x5F0]  }
0xf2: {  	v3 =	vld [tilespmem:s31+$0x5F0];
	[tilespmem:s29+$0x100] =	vst v4  }
0xf3: {  	v4 =	vld [tilespmem:s10+$0x600];
	[tilespmem:s29+$0x3B0] =	vst v0  }
0xf4: {  	[tilespmem:s29+$0x180] =	vst v5;
	v0 =	vld [tilespmem:s11+$0x630]  }
0xf5: {  	v5 =	vld [tilespmem:s8+$0x600];
	[tilespmem:s29+$0x200] =	vst v1  }
0xf6: {  	v1 =	vld [tilespmem:s15+$0x600];
	[tilespmem:s29+$0x280] =	vst v2  }
0xf7: {  	v2 =	vld [tilespmem:s3+$0x600];
	[tilespmem:s29+$0x300] =	vst v3  }
0xf8: {  	v3 =	vld [tilespmem:s1+$0x600];
	[tilespmem:s29+$0x10] =	vst v4  }
0xf9: {  	v4 =	vld [tilespmem:s30+$0x600];
	[tilespmem:s29+$0x3C0] =	vst v0  }
0xfa: {  	[tilespmem:s29+$0x90] =	vst v5;
	v0 =	vld [tilespmem:s11+$0x640]  }
0xfb: {  	v5 =	vld [tilespmem:s31+$0x600];
	[tilespmem:s29+$0x110] =	vst v1  }
0xfc: {  	v1 =	vld [tilespmem:s10+$0x610];
	[tilespmem:s29+$0x190] =	vst v2  }
0xfd: {  	v2 =	vld [tilespmem:s8+$0x610];
	[tilespmem:s29+$0x210] =	vst v3  }
0xfe: {  	v3 =	vld [tilespmem:s15+$0x610];
	[tilespmem:s29+$0x290] =	vst v4  }
0xff: {  	v4 =	vld [tilespmem:s3+$0x610];
	[tilespmem:s29+$0x3D0] =	vst v0  }
0x100: {  	[tilespmem:s29+$0x310] =	vst v5;
	v0 =	vld [tilespmem:s11+$0x650]  }
0x101: {  	v5 =	vld [tilespmem:s1+$0x610];
	[tilespmem:s29+$0x20] =	vst v1  }
0x102: {  	v1 =	vld [tilespmem:s30+$0x610];
	[tilespmem:s29+$0xA0] =	vst v2  }
0x103: {  	[tilespmem:s29+$0x120] =	vst v3;
	v2 =	vld [tilespmem:s31+$0x610]  }
0x104: {  	v3 =	vld [tilespmem:s10+$0x620];
	[tilespmem:s29+$0x1A0] =	vst v4  }
0x105: {  	v4 =	vld [tilespmem:s8+$0x620];
	[tilespmem:s29+$0x3E0] =	vst v0  }
0x106: {  	[tilespmem:s29+$0x220] =	vst v5;
	v0 =	vld [tilespmem:s11+$0x660]  }
0x107: {  	v5 =	vld [tilespmem:s15+$0x620];
	[tilespmem:s29+$0x2A0] =	vst v1  }
0x108: {  	v1 =	vld [tilespmem:s1+$0x620];
	[tilespmem:s29+$0x320] =	vst v2  }
0x109: {  	[tilespmem:s29+$0x30] =	vst v3;
	v2 =	vld [tilespmem:s30+$0x620]  }
0x10a: {  	[tilespmem:s29+$0xB0] =	vst v4;
	v3 =	vld [tilespmem:s31+$0x620]  }
0x10b: {  	[tilespmem:s29+$0x3F0] =	vst v0;
	v0 =	vld [tilespmem:s3+$0x620]  }
0x10c: {  	v4 =	vld [tilespmem:s10+$0x630];
	[tilespmem:s29+$0x130] =	vst v5  }
0x10d: {  	v5 =	vld [tilespmem:s8+$0x630];
	[tilespmem:s29+$0x230] =	vst v1  }
0x10e: {  	[tilespmem:s29+$0x2B0] =	vst v2;
	v2 =	vld [tilespmem:s1+$0x630]  }
0x10f: {  	[tilespmem:s29+$0x330] =	vst v3;
	v3 =	vld [tilespmem:s30+$0x630]  }
0x110: {  	[tilespmem:s29+$0x1B0] =	vst v0;
	v0 =	vld [tilespmem:s15+$0x630]  }
0x111: {  	[tilespmem:s29+$0x40] =	vst v4;
	v4 =	vld [tilespmem:s31+$0x630]  }
0x112: {  	[tilespmem:s29+$0xC0] =	vst v5;
	v1 =	vld [tilespmem:s3+$0x630]  }
0x113: {  	v5 =	vld [tilespmem:s10+$0x640];
	[tilespmem:s29+$0x240] =	vst v2  }
0x114: {  	[tilespmem:s29+$0x2C0] =	vst v3;
	v3 =	vld [tilespmem:s1+$0x640]  }
0x115: {  	[tilespmem:s29+$0x140] =	vst v0;
	v0 =	vld [tilespmem:s8+$0x640]  }
0x116: {  	[tilespmem:s29+$0x340] =	vst v4;
	v4 =	vld [tilespmem:s30+$0x640]  }
0x117: {  	[tilespmem:s29+$0x1C0] =	vst v1;
	v1 =	vld [tilespmem:s15+$0x640]  }
0x118: {  	[tilespmem:s29+$0x50] =	vst v5;
	v2 =	vld [tilespmem:s3+$0x640]  }
0x119: {  	v5 =	vld [tilespmem:s10+$0x650];
	[tilespmem:s29+$0x250] =	vst v3  }
0x11a: {  	[tilespmem:s29+$0xD0] =	vst v0;
	v0 =	vld [tilespmem:s31+$0x640]  }
0x11b: {  	[tilespmem:s29+$0x2D0] =	vst v4;
	v7 =	vld [tilespmem:s1+$0x650]  }
0x11c: {  	[tilespmem:s29+$0x150] =	vst v1;
	v1 =	vld [tilespmem:s8+$0x650]  }
0x11d: {  	[tilespmem:s29+$0x1D0] =	vst v2;
	v2 =	vld [tilespmem:s15+$0x650]  }
0x11e: {  	[tilespmem:s29+$0x60] =	vst v5;
	v6 =	vld [tilespmem:s3+$0x650]  }
0x11f: {  	v5 =	vld [tilespmem:s30+$0x650];
	[tilespmem:s29+$0x350] =	vst v0  }
0x120: {  	[tilespmem:s29+$0x260] =	vst v7;
	v4 =	vld [tilespmem:s31+$0x650]  }
0x121: {  	v3 =	vld [tilespmem:s10+$0x660];
	[tilespmem:s29+$0xE0] =	vst v1  }
0x122: {  	[tilespmem:s29+$0x160] =	vst v2;
	v1 =	vld [tilespmem:s8+$0x660]  }
0x123: {  	[tilespmem:s29+$0x1E0] =	vst v6;
	v0 =	vld [tilespmem:s15+$0x660]  }
0x124: {  	s0 =	sadd.s32 s5, s28;
	s13 =	simm.s32 $0x0;
	[tilespmem:s29+$0x2E0] =	vst v5;
	s15 =	simm.s32 $0xC;
	v2 =	vld [tilespmem:s3+$0x660]  }
.LBB2_4:
0x125: {  	s12 =	sld [smem:s15+$0x3];
	s13 =	sadd.s32 $0x8, s13;
	v5 =	vld [tilespmem:s1+$0x660];
	[tilespmem:s29+$0x360] =	vst v4  }
0x126: {  	s3 =	sld [smem:s15+$0xFFFFFFFD];
	p1 =	slt.u32 s13, $0x48;
	[tilespmem:s29+$0x70] =	vst v3;
	v3 =	vld [tilespmem:s30+$0x660]  }
0x127: {  	s8 =	sld [smem:s15+$0xFFFFFFFE];
	[tilespmem:s29+$0xF0] =	vst v1;
	v1 =	vld [tilespmem:s31+$0x660]  }
0x128: {  	s10 =	sld [smem:s15+$0xFFFFFFFF];
	v4 =	vld [tilespmem:s12+$0x570];
	[tilespmem:s29+$0x170] =	vst v0  }
0x129: {  	v0 =	vld [tilespmem:s3+$0x570];
	s1 =	sld [smem:s15+$0x0];
	[tilespmem:s29+$0x1F0] =	vst v2  }
0x12a: {  	v2 =	vld [tilespmem:s8+$0x570];
	s30 =	sld [smem:s15+$0x1];
	[tilespmem:s29+$0x270] =	vst v5  }
0x12b: {  	v5 =	vld [tilespmem:s10+$0x570];
	s31 =	sld [smem:s15+$0x2];
	[tilespmem:s29+$0x2F0] =	vst v3  }
0x12c: {  	s11 =	sld [smem:s15+$0xFFFFFFFC];
	v3 =	vld [tilespmem:s1+$0x570];
	[tilespmem:s29+$0x370] =	vst v1;
	s29 =	sadd.s32 $0x800, s29  }
0x12d: {  	v1 =	vld [tilespmem:s30+$0x570];
	[tilespmem:s29+$0xFFFFFF80] =	vst v4  }
0x12e: {  	[tilespmem:s29+$0xFFFFFC80] =	vst v0;
	v0 =	vld [tilespmem:s12+$0x580]  }
0x12f: {  	v4 =	vld [tilespmem:s11+$0x570];
	[tilespmem:s29+$0xFFFFFD00] =	vst v2  }
0x130: {  	[tilespmem:s29+$0xFFFFFD80] =	vst v5;
	v2 =	vld [tilespmem:s31+$0x570]  }
0x131: {  	v5 =	vld [tilespmem:s3+$0x580];
	[tilespmem:s29+$0xFFFFFE00] =	vst v3  }
0x132: {  	v3 =	vld [tilespmem:s8+$0x580];
	[tilespmem:s29+$0xFFFFFE80] =	vst v1  }
0x133: {  	v1 =	vld [tilespmem:s10+$0x580];
	[tilespmem:s29+$0xFFFFFF90] =	vst v0  }
0x134: {  	[tilespmem:s29+$0xFFFFFC00] =	vst v4;
	v0 =	vld [tilespmem:s12+$0x590]  }
0x135: {  	v4 =	vld [tilespmem:s11+$0x580];
	[tilespmem:s29+$0xFFFFFF00] =	vst v2  }
0x136: {  	[tilespmem:s29+$0xFFFFFC90] =	vst v5;
	v2 =	vld [tilespmem:s1+$0x580]  }
0x137: {  	[tilespmem:s29+$0xFFFFFD10] =	vst v3;
	v3 =	vld [tilespmem:s30+$0x580]  }
0x138: {  	[tilespmem:s29+$0xFFFFFD90] =	vst v1;
	v1 =	vld [tilespmem:s31+$0x580]  }
0x139: {  	v5 =	vld [tilespmem:s3+$0x590];
	[tilespmem:s29+$0xFFFFFFA0] =	vst v0  }
0x13a: {  	[tilespmem:s29+$0xFFFFFC10] =	vst v4;
	v0 =	vld [tilespmem:s12+$0x5A0]  }
0x13b: {  	v4 =	vld [tilespmem:s11+$0x590];
	[tilespmem:s29+$0xFFFFFE10] =	vst v2  }
0x13c: {  	v2 =	vld [tilespmem:s8+$0x590];
	[tilespmem:s29+$0xFFFFFE90] =	vst v3  }
0x13d: {  	v3 =	vld [tilespmem:s10+$0x590];
	[tilespmem:s29+$0xFFFFFF10] =	vst v1  }
0x13e: {  	[tilespmem:s29+$0xFFFFFCA0] =	vst v5;
	v1 =	vld [tilespmem:s1+$0x590]  }
0x13f: {  	v5 =	vld [tilespmem:s30+$0x590];
	[tilespmem:s29+$0xFFFFFFB0] =	vst v0  }
0x140: {  	[tilespmem:s29+$0xFFFFFC20] =	vst v4;
	v0 =	vld [tilespmem:s12+$0x5B0]  }
0x141: {  	[tilespmem:s29+$0xFFFFFD20] =	vst v2;
	v2 =	vld [tilespmem:s31+$0x590]  }
0x142: {  	v4 =	vld [tilespmem:s11+$0x5A0];
	[tilespmem:s29+$0xFFFFFDA0] =	vst v3  }
0x143: {  	v3 =	vld [tilespmem:s3+$0x5A0];
	[tilespmem:s29+$0xFFFFFE20] =	vst v1  }
0x144: {  	v1 =	vld [tilespmem:s8+$0x5A0];
	[tilespmem:s29+$0xFFFFFEA0] =	vst v5  }
0x145: {  	v5 =	vld [tilespmem:s10+$0x5A0];
	[tilespmem:s29+$0xFFFFFFC0] =	vst v0  }
0x146: {  	[tilespmem:s29+$0xFFFFFF20] =	vst v2;
	v0 =	vld [tilespmem:s12+$0x5C0]  }
0x147: {  	[tilespmem:s29+$0xFFFFFC30] =	vst v4;
	v2 =	vld [tilespmem:s1+$0x5A0]  }
0x148: {  	[tilespmem:s29+$0xFFFFFCB0] =	vst v3;
	v3 =	vld [tilespmem:s30+$0x5A0]  }
0x149: {  	[tilespmem:s29+$0xFFFFFD30] =	vst v1;
	v1 =	vld [tilespmem:s31+$0x5A0]  }
0x14a: {  	v4 =	vld [tilespmem:s11+$0x5B0];
	[tilespmem:s29+$0xFFFFFDB0] =	vst v5  }
0x14b: {  	v5 =	vld [tilespmem:s3+$0x5B0];
	[tilespmem:s29+$0xFFFFFFD0] =	vst v0  }
0x14c: {  	[tilespmem:s29+$0xFFFFFE30] =	vst v2;
	v0 =	vld [tilespmem:s12+$0x5D0]  }
0x14d: {  	v2 =	vld [tilespmem:s8+$0x5B0];
	[tilespmem:s29+$0xFFFFFEB0] =	vst v3  }
0x14e: {  	v3 =	vld [tilespmem:s10+$0x5B0];
	[tilespmem:s29+$0xFFFFFF30] =	vst v1  }
0x14f: {  	[tilespmem:s29+$0xFFFFFC40] =	vst v4;
	v1 =	vld [tilespmem:s1+$0x5B0]  }
0x150: {  	[tilespmem:s29+$0xFFFFFCC0] =	vst v5;
	v4 =	vld [tilespmem:s30+$0x5B0]  }
0x151: {  	v5 =	vld [tilespmem:s31+$0x5B0];
	[tilespmem:s29+$0xFFFFFFE0] =	vst v0  }
0x152: {  	[tilespmem:s29+$0xFFFFFD40] =	vst v2;
	v0 =	vld [tilespmem:s12+$0x5E0]  }
0x153: {  	v2 =	vld [tilespmem:s11+$0x5C0];
	[tilespmem:s29+$0xFFFFFDC0] =	vst v3  }
0x154: {  	v3 =	vld [tilespmem:s3+$0x5C0];
	[tilespmem:s29+$0xFFFFFE40] =	vst v1  }
0x155: {  	v1 =	vld [tilespmem:s8+$0x5C0];
	[tilespmem:s29+$0xFFFFFEC0] =	vst v4  }
0x156: {  	v4 =	vld [tilespmem:s10+$0x5C0];
	[tilespmem:s29+$0xFFFFFF40] =	vst v5  }
0x157: {  	v5 =	vld [tilespmem:s1+$0x5C0];
	[tilespmem:s29+$0xFFFFFFF0] =	vst v0  }
0x158: {  	[tilespmem:s29+$0xFFFFFC50] =	vst v2;
	v0 =	vld [tilespmem:s12+$0x5F0]  }
0x159: {  	[tilespmem:s29+$0xFFFFFCD0] =	vst v3;
	v2 =	vld [tilespmem:s30+$0x5C0]  }
0x15a: {  	[tilespmem:s29+$0xFFFFFD50] =	vst v1;
	v1 =	vld [tilespmem:s31+$0x5C0]  }
0x15b: {  	v3 =	vld [tilespmem:s11+$0x5D0];
	[tilespmem:s29+$0xFFFFFDD0] =	vst v4  }
0x15c: {  	v4 =	vld [tilespmem:s3+$0x5D0];
	[tilespmem:s29+$0xFFFFFE50] =	vst v5  }
0x15d: {  	v5 =	vld [tilespmem:s8+$0x5D0];
	[tilespmem:s29+$0x380] =	vst v0  }
0x15e: {  	[tilespmem:s29+$0xFFFFFED0] =	vst v2;
	v0 =	vld [tilespmem:s12+$0x600]  }
0x15f: {  	v2 =	vld [tilespmem:s10+$0x5D0];
	[tilespmem:s29+$0xFFFFFF50] =	vst v1  }
0x160: {  	[tilespmem:s29+$0xFFFFFC60] =	vst v3;
	v1 =	vld [tilespmem:s1+$0x5D0]  }
0x161: {  	[tilespmem:s29+$0xFFFFFCE0] =	vst v4;
	v3 =	vld [tilespmem:s30+$0x5D0]  }
0x162: {  	[tilespmem:s29+$0xFFFFFD60] =	vst v5;
	v4 =	vld [tilespmem:s31+$0x5D0]  }
0x163: {  	v5 =	vld [tilespmem:s11+$0x5E0];
	[tilespmem:s29+$0x390] =	vst v0  }
0x164: {  	[tilespmem:s29+$0xFFFFFDE0] =	vst v2;
	v0 =	vld [tilespmem:s12+$0x610]  }
0x165: {  	v2 =	vld [tilespmem:s3+$0x5E0];
	[tilespmem:s29+$0xFFFFFE60] =	vst v1  }
0x166: {  	v1 =	vld [tilespmem:s8+$0x5E0];
	[tilespmem:s29+$0xFFFFFEE0] =	vst v3  }
0x167: {  	v3 =	vld [tilespmem:s10+$0x5E0];
	[tilespmem:s29+$0xFFFFFF60] =	vst v4  }
0x168: {  	[tilespmem:s29+$0xFFFFFC70] =	vst v5;
	v4 =	vld [tilespmem:s1+$0x5E0]  }
0x169: {  	v5 =	vld [tilespmem:s30+$0x5E0];
	[tilespmem:s29+$0x3A0] =	vst v0  }
0x16a: {  	[tilespmem:s29+$0xFFFFFCF0] =	vst v2;
	v0 =	vld [tilespmem:s12+$0x620]  }
0x16b: {  	[tilespmem:s29+$0xFFFFFD70] =	vst v1;
	v1 =	vld [tilespmem:s31+$0x5E0]  }
0x16c: {  	v2 =	vld [tilespmem:s11+$0x5F0];
	[tilespmem:s29+$0xFFFFFDF0] =	vst v3  }
0x16d: {  	v3 =	vld [tilespmem:s3+$0x5F0];
	[tilespmem:s29+$0xFFFFFE70] =	vst v4  }
0x16e: {  	v4 =	vld [tilespmem:s8+$0x5F0];
	[tilespmem:s29+$0xFFFFFEF0] =	vst v5  }
0x16f: {  	v5 =	vld [tilespmem:s10+$0x5F0];
	[tilespmem:s29+$0x3B0] =	vst v0  }
0x170: {  	[tilespmem:s29+$0xFFFFFF70] =	vst v1;
	v0 =	vld [tilespmem:s12+$0x630]  }
0x171: {  	[tilespmem:s29+$0x0] =	vst v2;
	v1 =	vld [tilespmem:s1+$0x5F0]  }
0x172: {  	[tilespmem:s29+$0x80] =	vst v3;
	v2 =	vld [tilespmem:s30+$0x5F0]  }
0x173: {  	[tilespmem:s29+$0x100] =	vst v4;
	v3 =	vld [tilespmem:s31+$0x5F0]  }
0x174: {  	v4 =	vld [tilespmem:s11+$0x600];
	[tilespmem:s29+$0x180] =	vst v5  }
0x175: {  	v5 =	vld [tilespmem:s3+$0x600];
	[tilespmem:s29+$0x3C0] =	vst v0  }
0x176: {  	[tilespmem:s29+$0x200] =	vst v1;
	v0 =	vld [tilespmem:s12+$0x640]  }
0x177: {  	v1 =	vld [tilespmem:s8+$0x600];
	[tilespmem:s29+$0x280] =	vst v2  }
0x178: {  	v2 =	vld [tilespmem:s10+$0x600];
	[tilespmem:s29+$0x300] =	vst v3  }
0x179: {  	[tilespmem:s29+$0x10] =	vst v4;
	v3 =	vld [tilespmem:s1+$0x600]  }
0x17a: {  	[tilespmem:s29+$0x90] =	vst v5;
	v4 =	vld [tilespmem:s30+$0x600]  }
0x17b: {  	v5 =	vld [tilespmem:s31+$0x600];
	[tilespmem:s29+$0x3D0] =	vst v0  }
0x17c: {  	[tilespmem:s29+$0x110] =	vst v1;
	v0 =	vld [tilespmem:s12+$0x650]  }
0x17d: {  	v1 =	vld [tilespmem:s11+$0x610];
	[tilespmem:s29+$0x190] =	vst v2  }
0x17e: {  	v2 =	vld [tilespmem:s3+$0x610];
	[tilespmem:s29+$0x210] =	vst v3  }
0x17f: {  	v3 =	vld [tilespmem:s8+$0x610];
	[tilespmem:s29+$0x290] =	vst v4  }
0x180: {  	v4 =	vld [tilespmem:s10+$0x610];
	[tilespmem:s29+$0x310] =	vst v5  }
0x181: {  	v5 =	vld [tilespmem:s1+$0x610];
	[tilespmem:s29+$0x3E0] =	vst v0  }
0x182: {  	[tilespmem:s29+$0x20] =	vst v1;
	v0 =	vld [tilespmem:s12+$0x660]  }
0x183: {  	[tilespmem:s29+$0xA0] =	vst v2;
	v1 =	vld [tilespmem:s30+$0x610]  }
0x184: {  	[tilespmem:s29+$0x120] =	vst v3;
	v2 =	vld [tilespmem:s31+$0x610]  }
0x185: {  	v3 =	vld [tilespmem:s11+$0x620];
	[tilespmem:s29+$0x1A0] =	vst v4  }
0x186: {  	v4 =	vld [tilespmem:s3+$0x620];
	[tilespmem:s29+$0x220] =	vst v5  }
0x187: {  	v5 =	vld [tilespmem:s8+$0x620];
	[tilespmem:s29+$0x3F0] =	vst v0  }
0x188: {  	v0 =	vld [tilespmem:s10+$0x620];
	[tilespmem:s29+$0x2A0] =	vst v1  }
0x189: {  	v1 =	vld [tilespmem:s1+$0x620];
	[tilespmem:s29+$0x320] =	vst v2  }
0x18a: {  	[tilespmem:s29+$0x30] =	vst v3;
	v2 =	vld [tilespmem:s30+$0x620]  }
0x18b: {  	[tilespmem:s29+$0xB0] =	vst v4;
	v3 =	vld [tilespmem:s31+$0x620]  }
0x18c: {  	v4 =	vld [tilespmem:s11+$0x630];
	[tilespmem:s29+$0x130] =	vst v5  }
0x18d: {  	v5 =	vld [tilespmem:s3+$0x630];
	[tilespmem:s29+$0x1B0] =	vst v0  }
0x18e: {  	v0 =	vld [tilespmem:s8+$0x630];
	[tilespmem:s29+$0x230] =	vst v1  }
0x18f: {  	v1 =	vld [tilespmem:s10+$0x630];
	[tilespmem:s29+$0x2B0] =	vst v2  }
0x190: {  	v2 =	vld [tilespmem:s1+$0x630];
	[tilespmem:s29+$0x330] =	vst v3  }
0x191: {  	[tilespmem:s29+$0x40] =	vst v4;
	v3 =	vld [tilespmem:s30+$0x630]  }
0x192: {  	[tilespmem:s29+$0xC0] =	vst v5;
	v4 =	vld [tilespmem:s31+$0x630]  }
0x193: {  	v5 =	vld [tilespmem:s11+$0x640];
	[tilespmem:s29+$0x140] =	vst v0  }
0x194: {  	v0 =	vld [tilespmem:s3+$0x640];
	[tilespmem:s29+$0x1C0] =	vst v1  }
0x195: {  	v1 =	vld [tilespmem:s8+$0x640];
	[tilespmem:s29+$0x240] =	vst v2  }
0x196: {  	v2 =	vld [tilespmem:s10+$0x640];
	[tilespmem:s29+$0x2C0] =	vst v3  }
0x197: {  	v3 =	vld [tilespmem:s1+$0x640];
	[tilespmem:s29+$0x340] =	vst v4  }
0x198: {  	[tilespmem:s29+$0x50] =	vst v5;
	v4 =	vld [tilespmem:s30+$0x640]  }
0x199: {  	[tilespmem:s29+$0xD0] =	vst v0;
	v0 =	vld [tilespmem:s31+$0x640]  }
0x19a: {  	v5 =	vld [tilespmem:s11+$0x650];
	[tilespmem:s29+$0x150] =	vst v1  }
0x19b: {  	v1 =	vld [tilespmem:s3+$0x650];
	[tilespmem:s29+$0x1D0] =	vst v2  }
0x19c: {  	v2 =	vld [tilespmem:s8+$0x650];
	[tilespmem:s29+$0x250] =	vst v3  }
0x19d: {  	v6 =	vld [tilespmem:s10+$0x650];
	[tilespmem:s29+$0x2D0] =	vst v4  }
0x19e: {  	v7 =	vld [tilespmem:s1+$0x650];
	[tilespmem:s29+$0x350] =	vst v0  }
0x19f: {  	[tilespmem:s29+$0x60] =	vst v5;
	v5 =	vld [tilespmem:s30+$0x650]  }
.Ltmp5:
0x1a0: {  	[tilespmem:s29+$0xE0] =	vst v1;
	v4 =	vld [tilespmem:s31+$0x650];
	(pc) =	sbr.rel @p1 .LBB2_4-.Ltmp5, $4  }
0x1a1: {  	v3 =	vld [tilespmem:s11+$0x660];
	[tilespmem:s29+$0x160] =	vst v2  }
0x1a2: {  	v1 =	vld [tilespmem:s3+$0x660];
	[tilespmem:s29+$0x1E0] =	vst v6  }
0x1a3: {  	v0 =	vld [tilespmem:s8+$0x660];
	[tilespmem:s29+$0x260] =	vst v7  }
0x1a4: {  	s15 =	sadd.s32 $0x8, s15;
	v2 =	vld [tilespmem:s10+$0x660];
	[tilespmem:s29+$0x2E0] =	vst v5  }
0x1a5: {  	v5 =	vld [tilespmem:s1+$0x660];
	[tilespmem:s29+$0x360] =	vst v4  }
0x1a6: {  	v62 =	vld [tilespmem:s30+$0x660];
	[tilespmem:s29+$0x70] =	vst v3  }
0x1a7: {  	v63 =	vld [tilespmem:s31+$0x660];
	[tilespmem:s29+$0xF0] =	vst v1  }
0x1a8: {  	[tilespmem:s29+$0x170] =	vst v0  }
0x1a9: {  	[tilespmem:s29+$0x1F0] =	vst v2  }
0x1aa: {  	s0 =	smul.u32 $0xA00, s0;
	[tilespmem:s29+$0x270] =	vst v5  }
0x1ab: {  	[tilespmem:s29+$0x2F0] =	vst v62  }
0x1ac: {  	s0 =	sadd.s32 s2, s0;
	[tilespmem:s29+$0x370] =	vst v63  }
0x1ad: {  	[hbm4b:s0+s4] =	stream.linear.scatter [tilespmem:s17], [sflag:$0x2], $0x5000, $0x38;
	[tilespmem:$0x1B470] =	vst v63  }
.LBB2_6:
0x1ae: {  	s0 =	sor.u32 $0x1, s28  }
0x1af: {  	p1 =	sge.u32 s0, s6  }
.Ltmp6:
0x1b0: {  	_ = 	snop;
	(pc) =	sbr.rel @p1 .LBB2_10-.Ltmp6, $1  }
0x1b1: {  	_ =	sdelay $0x3  }
0x1b2: {  	s1 =	simm.s32 @!p0 $0x3  }
0x1b3: {  	s3 =	sadd.s32 s7, s0;
	_ =	swait.ge @!p0 [sflag:s1], $0x5000  }
0x1b4: {  	s3 =	sshll.u32 s3, $0x7;
	[sflag:s1] =	ssyncset.done @!p0 $0x0  }
0x1b5: {  	[sflag:s1] =	ssyncadd.s32 @!p0 $0xFFFFB000;
	s1 =	sand.u32 $0x3FFFFF80, s3  }
0x1b6: {  	v0 =	vld [tilespmem:s1+$0x5C70];
	_ =	sdelay $0x4  }
0x1b7: {  	v0 =	vshll.u32 v0, $0x8  }
0x1b8: {  	(v2sf) =	vpush v0, $0x0  }
0x1b9: {  	(v2sf) =	vpush v0, $0x1  }
0x1ba: {  	(v2sf) =	vpush v0, $0x2  }
0x1bb: {  	(v2sf) =	vpush v0, $0x3  }
0x1bc: {  	(v2sf) =	vpush v0, $0x4  }
0x1bd: {  	(v2sf) =	vpush v0, $0x5  }
0x1be: {  	(v2sf) =	vpush v0, $0x6  }
0x1bf: {  	(v2sf) =	vpush v0, $0x7  }
0x1c0: {  	(v2sf) =	vpush v0, $0x8  }
0x1c1: {  	(v2sf) =	vpush v0, $0x9  }
0x1c2: {  	v1 =	vld [tilespmem:s1+$0x5C80];
	(v2sf) =	vpush v0, $0xA  }
0x1c3: {  	(v2sf) =	vpush v0, $0xB  }
0x1c4: {  	(v2sf) =	vpush v0, $0xC  }
0x1c5: {  	(v2sf) =	vpush v0, $0xD  }
0x1c6: {  	(v2sf) =	vpush v0, $0xE  }
0x1c7: {  	s8 =	spop (v2sf);
	(v2sf) =	vpush v0, $0xF;
	v0 =	vshll.u32 v1, $0x8  }
0x1c8: {  	[smem:$0x0] =	sst s8;
	s10 =	spop (v2sf);
	(v2sf) =	vpush v0, $0x0  }
0x1c9: {  	[smem:$0x1] =	sst s10;
	s11 =	spop (v2sf);
	(v2sf) =	vpush v0, $0x1  }
0x1ca: {  	[smem:$0x2] =	sst s11;
	s12 =	spop (v2sf);
	(v2sf) =	vpush v0, $0x2  }
0x1cb: {  	[smem:$0x3] =	sst s12;
	s13 =	spop (v2sf);
	(v2sf) =	vpush v0, $0x3  }
0x1cc: {  	[smem:$0x4] =	sst s13;
	s15 =	spop (v2sf);
	(v2sf) =	vpush v0, $0x4  }
0x1cd: {  	[smem:$0x5] =	sst s15;
	s8 =	spop (v2sf);
	(v2sf) =	vpush v0, $0x5  }
0x1ce: {  	[smem:$0x6] =	sst s8;
	s10 =	spop (v2sf);
	(v2sf) =	vpush v0, $0x6  }
0x1cf: {  	[smem:$0x7] =	sst s10;
	s11 =	spop (v2sf);
	(v2sf) =	vpush v0, $0x7  }
0x1d0: {  	[smem:$0x8] =	sst s11;
	s12 =	spop (v2sf);
	(v2sf) =	vpush v0, $0x8  }
0x1d1: {  	[smem:$0x9] =	sst s12;
	s13 =	spop (v2sf);
	(v2sf) =	vpush v0, $0x9  }
0x1d2: {  	v1 =	vld [tilespmem:s1+$0x5C90];
	[smem:$0xA] =	sst s13;
	s15 =	spop (v2sf);
	(v2sf) =	vpush v0, $0xA  }
0x1d3: {  	[smem:$0xB] =	sst s15;
	s8 =	spop (v2sf);
	(v2sf) =	vpush v0, $0xB  }
0x1d4: {  	[smem:$0xC] =	sst s8;
	s10 =	spop (v2sf);
	(v2sf) =	vpush v0, $0xC  }
0x1d5: {  	[smem:$0xD] =	sst s10;
	s11 =	spop (v2sf);
	(v2sf) =	vpush v0, $0xD  }
0x1d6: {  	[smem:$0xE] =	sst s11;
	s12 =	spop (v2sf);
	(v2sf) =	vpush v0, $0xE  }
0x1d7: {  	[smem:$0xF] =	sst s12;
	s13 =	spop (v2sf);
	(v2sf) =	vpush v0, $0xF;
	v0 =	vshll.u32 v1, $0x8  }
0x1d8: {  	[smem:$0x10] =	sst s13;
	s15 =	spop (v2sf);
	(v2sf) =	vpush v0, $0x0  }
0x1d9: {  	[smem:$0x11] =	sst s15;
	s8 =	spop (v2sf);
	(v2sf) =	vpush v0, $0x1  }
0x1da: {  	[smem:$0x12] =	sst s8;
	s10 =	spop (v2sf);
	(v2sf) =	vpush v0, $0x2  }
0x1db: {  	[smem:$0x13] =	sst s10;
	s11 =	spop (v2sf);
	(v2sf) =	vpush v0, $0x3  }
0x1dc: {  	[smem:$0x14] =	sst s11;
	s12 =	spop (v2sf);
	(v2sf) =	vpush v0, $0x4  }
0x1dd: {  	[smem:$0x15] =	sst s12;
	s13 =	spop (v2sf);
	(v2sf) =	vpush v0, $0x5  }
0x1de: {  	[smem:$0x16] =	sst s13;
	s15 =	spop (v2sf);
	(v2sf) =	vpush v0, $0x6  }
0x1df: {  	[smem:$0x17] =	sst s15;
	s8 =	spop (v2sf);
	(v2sf) =	vpush v0, $0x7  }
0x1e0: {  	[smem:$0x18] =	sst s8;
	s10 =	spop (v2sf);
	(v2sf) =	vpush v0, $0x8  }
0x1e1: {  	[smem:$0x19] =	sst s10;
	s11 =	spop (v2sf);
	(v2sf) =	vpush v0, $0x9  }
0x1e2: {  	v1 =	vld [tilespmem:s1+$0x5CA0];
	[smem:$0x1A] =	sst s11;
	s12 =	spop (v2sf);
	(v2sf) =	vpush v0, $0xA  }
0x1e3: {  	[smem:$0x1B] =	sst s12;
	s13 =	spop (v2sf);
	(v2sf) =	vpush v0, $0xB  }
0x1e4: {  	[smem:$0x1C] =	sst s13;
	s15 =	spop (v2sf);
	(v2sf) =	vpush v0, $0xC  }
0x1e5: {  	[smem:$0x1D] =	sst s15;
	s8 =	spop (v2sf);
	(v2sf) =	vpush v0, $0xD  }
0x1e6: {  	[smem:$0x1E] =	sst s8;
	s10 =	spop (v2sf);
	(v2sf) =	vpush v0, $0xE  }
0x1e7: {  	[smem:$0x1F] =	sst s10;
	s11 =	spop (v2sf);
	(v2sf) =	vpush v0, $0xF;
	v0 =	vshll.u32 v1, $0x8  }
0x1e8: {  	[smem:$0x20] =	sst s11;
	s12 =	spop (v2sf);
	(v2sf) =	vpush v0, $0x0  }
0x1e9: {  	[smem:$0x21] =	sst s12;
	s13 =	spop (v2sf);
	(v2sf) =	vpush v0, $0x1  }
0x1ea: {  	[smem:$0x22] =	sst s13;
	s15 =	spop (v2sf);
	(v2sf) =	vpush v0, $0x2  }
0x1eb: {  	[smem:$0x23] =	sst s15;
	s8 =	spop (v2sf);
	(v2sf) =	vpush v0, $0x3  }
0x1ec: {  	[smem:$0x24] =	sst s8;
	s10 =	spop (v2sf);
	(v2sf) =	vpush v0, $0x4  }
0x1ed: {  	[smem:$0x25] =	sst s10;
	s11 =	spop (v2sf);
	(v2sf) =	vpush v0, $0x5  }
0x1ee: {  	[smem:$0x26] =	sst s11;
	s12 =	spop (v2sf);
	(v2sf) =	vpush v0, $0x6  }
0x1ef: {  	[smem:$0x27] =	sst s12;
	s13 =	spop (v2sf);
	(v2sf) =	vpush v0, $0x7  }
0x1f0: {  	[smem:$0x28] =	sst s13;
	s15 =	spop (v2sf);
	(v2sf) =	vpush v0, $0x8  }
0x1f1: {  	[smem:$0x29] =	sst s15;
	s8 =	spop (v2sf);
	(v2sf) =	vpush v0, $0x9  }
0x1f2: {  	v1 =	vld [tilespmem:s1+$0x5CB0];
	[smem:$0x2A] =	sst s8;
	s10 =	spop (v2sf);
	(v2sf) =	vpush v0, $0xA  }
0x1f3: {  	[smem:$0x2B] =	sst s10;
	s11 =	spop (v2sf);
	(v2sf) =	vpush v0, $0xB  }
0x1f4: {  	[smem:$0x2C] =	sst s11;
	s12 =	spop (v2sf);
	(v2sf) =	vpush v0, $0xC  }
0x1f5: {  	[smem:$0x2D] =	sst s12;
	s13 =	spop (v2sf);
	(v2sf) =	vpush v0, $0xD  }
0x1f6: {  	[smem:$0x2E] =	sst s13;
	s15 =	spop (v2sf);
	(v2sf) =	vpush v0, $0xE  }
0x1f7: {  	[smem:$0x2F] =	sst s15;
	s3 =	spop (v2sf);
	(v2sf) =	vpush v0, $0xF;
	v0 =	vshll.u32 v1, $0x8  }
0x1f8: {  	[smem:$0x30] =	sst s3;
	s8 =	spop (v2sf);
	(v2sf) =	vpush v0, $0x0  }
0x1f9: {  	[smem:$0x31] =	sst s8;
	s10 =	spop (v2sf);
	(v2sf) =	vpush v0, $0x1  }
0x1fa: {  	[smem:$0x32] =	sst s10;
	s11 =	spop (v2sf);
	(v2sf) =	vpush v0, $0x2  }
0x1fb: {  	[smem:$0x33] =	sst s11;
	s12 =	spop (v2sf);
	(v2sf) =	vpush v0, $0x3  }
0x1fc: {  	[smem:$0x34] =	sst s12;
	s13 =	spop (v2sf);
	(v2sf) =	vpush v0, $0x4  }
0x1fd: {  	[smem:$0x35] =	sst s13;
	s15 =	spop (v2sf);
	(v2sf) =	vpush v0, $0x5  }
0x1fe: {  	[smem:$0x36] =	sst s15;
	s3 =	spop (v2sf);
	(v2sf) =	vpush v0, $0x6  }
0x1ff: {  	[smem:$0x37] =	sst s3;
	s8 =	spop (v2sf);
	(v2sf) =	vpush v0, $0x7  }
0x200: {  	[smem:$0x38] =	sst s8;
	s10 =	spop (v2sf);
	(v2sf) =	vpush v0, $0x8  }
0x201: {  	[smem:$0x39] =	sst s10;
	s11 =	spop (v2sf);
	(v2sf) =	vpush v0, $0x9  }
0x202: {  	[smem:$0x3A] =	sst s11;
	s12 =	spop (v2sf);
	(v2sf) =	vpush v0, $0xA  }
0x203: {  	[smem:$0x3B] =	sst s12;
	s13 =	spop (v2sf);
	(v2sf) =	vpush v0, $0xB  }
0x204: {  	[smem:$0x3C] =	sst s13;
	s15 =	spop (v2sf);
	(v2sf) =	vpush v0, $0xC  }
0x205: {  	[smem:$0x3D] =	sst s15;
	s3 =	spop (v2sf);
	(v2sf) =	vpush v0, $0xD  }
0x206: {  	[smem:$0x3E] =	sst s3;
	s8 =	spop (v2sf);
	(v2sf) =	vpush v0, $0xE  }
0x207: {  	[smem:$0x3F] =	sst s8;
	s10 =	spop (v2sf);
	(v2sf) =	vpush v0, $0xF  }
0x208: {  	s11 =	spop (v2sf);
	[smem:$0x40] =	sst s10  }
0x209: {  	s12 =	spop (v2sf);
	[smem:$0x41] =	sst s11  }
0x20a: {  	s13 =	spop (v2sf);
	[smem:$0x42] =	sst s12  }
0x20b: {  	s15 =	spop (v2sf);
	[smem:$0x43] =	sst s13  }
0x20c: {  	s8 =	spop (v2sf);
	[smem:$0x44] =	sst s15  }
0x20d: {  	s10 =	spop (v2sf);
	[smem:$0x45] =	sst s8  }
0x20e: {  	s11 =	spop (v2sf);
	[smem:$0x46] =	sst s10  }
0x20f: {  	s12 =	spop (v2sf);
	[smem:$0x47] =	sst s11  }
0x210: {  	s13 =	spop (v2sf);
	[smem:$0x48] =	sst s12  }
0x211: {  	s15 =	spop (v2sf);
	[smem:$0x49] =	sst s13  }
0x212: {  	s8 =	spop (v2sf);
	[smem:$0x4A] =	sst s15  }
0x213: {  	s10 =	spop (v2sf);
	[smem:$0x4B] =	sst s8  }
0x214: {  	s11 =	spop (v2sf);
	[smem:$0x4C] =	sst s10  }
0x215: {  	s12 =	spop (v2sf);
	[smem:$0x4D] =	sst s11  }
0x216: {  	[smem:$0x4E] =	sst s12;
	s13 =	spop (v2sf)  }
0x217: {  	[smem:$0x4F] =	sst s13  }
0x218: {  	s12 =	sld [smem:$0x7]  }
0x219: {  	s10 =	sld [smem:$0x1]  }
0x21a: {  	s8 =	sld [smem:$0x2]  }
0x21b: {  	s15 =	sld [smem:$0x3];
	v0 =	vld [tilespmem:s12+$0x570]  }
0x21c: {  	v1 =	vld [tilespmem:s10+$0x570];
	s1 =	sld [smem:$0x4]  }
0x21d: {  	v2 =	vld [tilespmem:s8+$0x570];
	s30 =	sld [smem:$0x5]  }
0x21e: {  	v3 =	vld [tilespmem:s15+$0x570];
	s31 =	sld [smem:$0x6]  }
0x21f: {  	s29 =	simm.s32 $0xC470;
	s11 =	sld [smem:$0x0];
	v4 =	vld [tilespmem:s1+$0x570]  }
0x220: {  	v5 =	vld [tilespmem:s30+$0x570];
	[tilespmem:s29+$0x380] =	vst v0  }
0x221: {  	[tilespmem:s29+$0x80] =	vst v1;
	v0 =	vld [tilespmem:s12+$0x580]  }
0x222: {  	v1 =	vld [tilespmem:s11+$0x570];
	[tilespmem:s29+$0x100] =	vst v2  }
0x223: {  	v2 =	vld [tilespmem:s31+$0x570];
	[tilespmem:s29+$0x180] =	vst v3  }
0x224: {  	v3 =	vld [tilespmem:s10+$0x580];
	[tilespmem:s29+$0x200] =	vst v4  }
0x225: {  	v4 =	vld [tilespmem:s8+$0x580];
	[tilespmem:s29+$0x280] =	vst v5  }
0x226: {  	v5 =	vld [tilespmem:s15+$0x580];
	[tilespmem:s29+$0x390] =	vst v0  }
0x227: {  	[tilespmem:s29+$0x0] =	vst v1;
	v0 =	vld [tilespmem:s12+$0x590]  }
0x228: {  	[tilespmem:s29+$0x300] =	vst v2;
	v2 =	vld [tilespmem:s1+$0x580]  }
0x229: {  	v1 =	vld [tilespmem:s11+$0x580];
	[tilespmem:s29+$0x90] =	vst v3  }
0x22a: {  	v3 =	vld [tilespmem:s30+$0x580];
	[tilespmem:s29+$0x110] =	vst v4  }
0x22b: {  	v4 =	vld [tilespmem:s31+$0x580];
	[tilespmem:s29+$0x190] =	vst v5  }
0x22c: {  	v5 =	vld [tilespmem:s10+$0x590];
	[tilespmem:s29+$0x3A0] =	vst v0  }
0x22d: {  	[tilespmem:s29+$0x210] =	vst v2;
	v0 =	vld [tilespmem:s12+$0x5A0]  }
0x22e: {  	v2 =	vld [tilespmem:s8+$0x590];
	[tilespmem:s29+$0x10] =	vst v1  }
0x22f: {  	[tilespmem:s29+$0x290] =	vst v3;
	v1 =	vld [tilespmem:s11+$0x590]  }
0x230: {  	v3 =	vld [tilespmem:s15+$0x590];
	[tilespmem:s29+$0x310] =	vst v4  }
0x231: {  	v4 =	vld [tilespmem:s1+$0x590];
	[tilespmem:s29+$0xA0] =	vst v5  }
0x232: {  	v5 =	vld [tilespmem:s30+$0x590];
	[tilespmem:s29+$0x3B0] =	vst v0  }
0x233: {  	[tilespmem:s29+$0x120] =	vst v2;
	v0 =	vld [tilespmem:s12+$0x5B0]  }
0x234: {  	[tilespmem:s29+$0x20] =	vst v1;
	v1 =	vld [tilespmem:s31+$0x590]  }
0x235: {  	[tilespmem:s29+$0x1A0] =	vst v3;
	v3 =	vld [tilespmem:s10+$0x5A0]  }
0x236: {  	[tilespmem:s29+$0x220] =	vst v4;
	v2 =	vld [tilespmem:s11+$0x5A0]  }
0x237: {  	v4 =	vld [tilespmem:s8+$0x5A0];
	[tilespmem:s29+$0x2A0] =	vst v5  }
0x238: {  	v5 =	vld [tilespmem:s15+$0x5A0];
	[tilespmem:s29+$0x3C0] =	vst v0  }
0x239: {  	[tilespmem:s29+$0x320] =	vst v1;
	v1 =	vld [tilespmem:s1+$0x5A0]  }
0x23a: {  	[tilespmem:s29+$0xB0] =	vst v3;
	v0 =	vld [tilespmem:s12+$0x5C0]  }
0x23b: {  	[tilespmem:s29+$0x30] =	vst v2;
	v2 =	vld [tilespmem:s30+$0x5A0]  }
0x23c: {  	[tilespmem:s29+$0x130] =	vst v4;
	v3 =	vld [tilespmem:s31+$0x5A0]  }
0x23d: {  	[tilespmem:s29+$0x1B0] =	vst v5;
	v5 =	vld [tilespmem:s10+$0x5B0]  }
0x23e: {  	v4 =	vld [tilespmem:s11+$0x5B0];
	[tilespmem:s29+$0x230] =	vst v1  }
0x23f: {  	v1 =	vld [tilespmem:s8+$0x5B0];
	[tilespmem:s29+$0x3D0] =	vst v0  }
0x240: {  	[tilespmem:s29+$0x2B0] =	vst v2;
	v2 =	vld [tilespmem:s15+$0x5B0]  }
0x241: {  	[tilespmem:s29+$0x330] =	vst v3;
	v3 =	vld [tilespmem:s1+$0x5B0]  }
0x242: {  	[tilespmem:s29+$0xC0] =	vst v5;
	v0 =	vld [tilespmem:s12+$0x5D0]  }
0x243: {  	[tilespmem:s29+$0x40] =	vst v4;
	v4 =	vld [tilespmem:s30+$0x5B0]  }
0x244: {  	v5 =	vld [tilespmem:s31+$0x5B0];
	[tilespmem:s29+$0x140] =	vst v1  }
0x245: {  	v1 =	vld [tilespmem:s11+$0x5C0];
	[tilespmem:s29+$0x1C0] =	vst v2  }
0x246: {  	v2 =	vld [tilespmem:s10+$0x5C0];
	[tilespmem:s29+$0x240] =	vst v3  }
0x247: {  	v3 =	vld [tilespmem:s8+$0x5C0];
	[tilespmem:s29+$0x3E0] =	vst v0  }
0x248: {  	[tilespmem:s29+$0x2C0] =	vst v4;
	v4 =	vld [tilespmem:s15+$0x5C0]  }
0x249: {  	[tilespmem:s29+$0x340] =	vst v5;
	v0 =	vld [tilespmem:s12+$0x5E0]  }
0x24a: {  	v5 =	vld [tilespmem:s1+$0x5C0];
	[tilespmem:s29+$0x50] =	vst v1  }
0x24b: {  	v1 =	vld [tilespmem:s30+$0x5C0];
	[tilespmem:s29+$0xD0] =	vst v2  }
0x24c: {  	[tilespmem:s29+$0x150] =	vst v3;
	v2 =	vld [tilespmem:s31+$0x5C0]  }
0x24d: {  	v3 =	vld [tilespmem:s11+$0x5D0];
	[tilespmem:s29+$0x1D0] =	vst v4  }
0x24e: {  	v4 =	vld [tilespmem:s10+$0x5D0];
	[tilespmem:s29+$0x3F0] =	vst v0  }
0x24f: {  	[tilespmem:s29+$0x250] =	vst v5;
	v0 =	vld [tilespmem:s12+$0x5F0]  }
0x250: {  	v5 =	vld [tilespmem:s8+$0x5D0];
	[tilespmem:s29+$0x2D0] =	vst v1  }
0x251: {  	v1 =	vld [tilespmem:s15+$0x5D0];
	[tilespmem:s29+$0x350] =	vst v2  }
0x252: {  	[tilespmem:s29+$0x60] =	vst v3;
	v2 =	vld [tilespmem:s1+$0x5D0]  }
0x253: {  	v3 =	vld [tilespmem:s30+$0x5D0];
	[tilespmem:s29+$0xE0] =	vst v4  }
0x254: {  	v4 =	vld [tilespmem:s31+$0x5D0];
	[tilespmem:s29+$0x780] =	vst v0  }
0x255: {  	[tilespmem:s29+$0x160] =	vst v5;
	v0 =	vld [tilespmem:s12+$0x600]  }
0x256: {  	v5 =	vld [tilespmem:s11+$0x5E0];
	[tilespmem:s29+$0x1E0] =	vst v1  }
0x257: {  	v1 =	vld [tilespmem:s10+$0x5E0];
	[tilespmem:s29+$0x260] =	vst v2  }
0x258: {  	v2 =	vld [tilespmem:s8+$0x5E0];
	[tilespmem:s29+$0x2E0] =	vst v3  }
0x259: {  	v3 =	vld [tilespmem:s15+$0x5E0];
	[tilespmem:s29+$0x360] =	vst v4  }
0x25a: {  	v4 =	vld [tilespmem:s1+$0x5E0];
	[tilespmem:s29+$0x790] =	vst v0  }
0x25b: {  	[tilespmem:s29+$0x70] =	vst v5;
	v0 =	vld [tilespmem:s12+$0x610]  }
0x25c: {  	v5 =	vld [tilespmem:s30+$0x5E0];
	[tilespmem:s29+$0xF0] =	vst v1  }
0x25d: {  	v1 =	vld [tilespmem:s31+$0x5E0];
	[tilespmem:s29+$0x170] =	vst v2  }
0x25e: {  	v2 =	vld [tilespmem:s11+$0x5F0];
	[tilespmem:s29+$0x1F0] =	vst v3  }
0x25f: {  	v3 =	vld [tilespmem:s10+$0x5F0];
	[tilespmem:s29+$0x270] =	vst v4  }
0x260: {  	v4 =	vld [tilespmem:s8+$0x5F0];
	[tilespmem:s29+$0x7A0] =	vst v0  }
0x261: {  	[tilespmem:s29+$0x2F0] =	vst v5;
	v0 =	vld [tilespmem:s12+$0x620]  }
0x262: {  	v5 =	vld [tilespmem:s15+$0x5F0];
	[tilespmem:s29+$0x370] =	vst v1  }
0x263: {  	v1 =	vld [tilespmem:s1+$0x5F0];
	[tilespmem:s29+$0x400] =	vst v2  }
0x264: {  	[tilespmem:s29+$0x480] =	vst v3;
	v2 =	vld [tilespmem:s30+$0x5F0]  }
0x265: {  	v3 =	vld [tilespmem:s31+$0x5F0];
	[tilespmem:s29+$0x500] =	vst v4  }
0x266: {  	v4 =	vld [tilespmem:s11+$0x600];
	[tilespmem:s29+$0x7B0] =	vst v0  }
0x267: {  	[tilespmem:s29+$0x580] =	vst v5;
	v0 =	vld [tilespmem:s12+$0x630]  }
0x268: {  	v5 =	vld [tilespmem:s10+$0x600];
	[tilespmem:s29+$0x600] =	vst v1  }
0x269: {  	v1 =	vld [tilespmem:s8+$0x600];
	[tilespmem:s29+$0x680] =	vst v2  }
0x26a: {  	v2 =	vld [tilespmem:s15+$0x600];
	[tilespmem:s29+$0x700] =	vst v3  }
0x26b: {  	v3 =	vld [tilespmem:s1+$0x600];
	[tilespmem:s29+$0x410] =	vst v4  }
0x26c: {  	v4 =	vld [tilespmem:s30+$0x600];
	[tilespmem:s29+$0x7C0] =	vst v0  }
0x26d: {  	[tilespmem:s29+$0x490] =	vst v5;
	v0 =	vld [tilespmem:s12+$0x640]  }
0x26e: {  	v5 =	vld [tilespmem:s31+$0x600];
	[tilespmem:s29+$0x510] =	vst v1  }
0x26f: {  	v1 =	vld [tilespmem:s11+$0x610];
	[tilespmem:s29+$0x590] =	vst v2  }
0x270: {  	v2 =	vld [tilespmem:s10+$0x610];
	[tilespmem:s29+$0x610] =	vst v3  }
0x271: {  	v3 =	vld [tilespmem:s8+$0x610];
	[tilespmem:s29+$0x690] =	vst v4  }
0x272: {  	v4 =	vld [tilespmem:s15+$0x610];
	[tilespmem:s29+$0x7D0] =	vst v0  }
0x273: {  	[tilespmem:s29+$0x710] =	vst v5;
	v0 =	vld [tilespmem:s12+$0x650]  }
0x274: {  	v5 =	vld [tilespmem:s1+$0x610];
	[tilespmem:s29+$0x420] =	vst v1  }
0x275: {  	v1 =	vld [tilespmem:s30+$0x610];
	[tilespmem:s29+$0x4A0] =	vst v2  }
0x276: {  	[tilespmem:s29+$0x520] =	vst v3;
	v2 =	vld [tilespmem:s31+$0x610]  }
0x277: {  	v3 =	vld [tilespmem:s11+$0x620];
	[tilespmem:s29+$0x5A0] =	vst v4  }
0x278: {  	v4 =	vld [tilespmem:s10+$0x620];
	[tilespmem:s29+$0x7E0] =	vst v0  }
0x279: {  	[tilespmem:s29+$0x620] =	vst v5;
	v0 =	vld [tilespmem:s12+$0x660]  }
0x27a: {  	v5 =	vld [tilespmem:s8+$0x620];
	[tilespmem:s29+$0x6A0] =	vst v1  }
0x27b: {  	v1 =	vld [tilespmem:s1+$0x620];
	[tilespmem:s29+$0x720] =	vst v2  }
0x27c: {  	[tilespmem:s29+$0x430] =	vst v3;
	v2 =	vld [tilespmem:s30+$0x620]  }
0x27d: {  	[tilespmem:s29+$0x4B0] =	vst v4;
	v3 =	vld [tilespmem:s31+$0x620]  }
0x27e: {  	[tilespmem:s29+$0x7F0] =	vst v0;
	v0 =	vld [tilespmem:s15+$0x620]  }
0x27f: {  	v4 =	vld [tilespmem:s11+$0x630];
	[tilespmem:s29+$0x530] =	vst v5  }
0x280: {  	v5 =	vld [tilespmem:s10+$0x630];
	[tilespmem:s29+$0x630] =	vst v1  }
0x281: {  	[tilespmem:s29+$0x6B0] =	vst v2;
	v2 =	vld [tilespmem:s1+$0x630]  }
0x282: {  	[tilespmem:s29+$0x730] =	vst v3;
	v3 =	vld [tilespmem:s30+$0x630]  }
0x283: {  	[tilespmem:s29+$0x5B0] =	vst v0;
	v0 =	vld [tilespmem:s8+$0x630]  }
0x284: {  	[tilespmem:s29+$0x440] =	vst v4;
	v4 =	vld [tilespmem:s31+$0x630]  }
0x285: {  	[tilespmem:s29+$0x4C0] =	vst v5;
	v1 =	vld [tilespmem:s15+$0x630]  }
0x286: {  	v5 =	vld [tilespmem:s11+$0x640];
	[tilespmem:s29+$0x640] =	vst v2  }
0x287: {  	[tilespmem:s29+$0x6C0] =	vst v3;
	v3 =	vld [tilespmem:s1+$0x640]  }
0x288: {  	[tilespmem:s29+$0x540] =	vst v0;
	v0 =	vld [tilespmem:s10+$0x640]  }
0x289: {  	[tilespmem:s29+$0x740] =	vst v4;
	v4 =	vld [tilespmem:s30+$0x640]  }
0x28a: {  	[tilespmem:s29+$0x5C0] =	vst v1;
	v1 =	vld [tilespmem:s8+$0x640]  }
0x28b: {  	[tilespmem:s29+$0x450] =	vst v5;
	v2 =	vld [tilespmem:s15+$0x640]  }
0x28c: {  	v5 =	vld [tilespmem:s11+$0x650];
	[tilespmem:s29+$0x650] =	vst v3  }
0x28d: {  	[tilespmem:s29+$0x4D0] =	vst v0;
	v0 =	vld [tilespmem:s31+$0x640]  }
0x28e: {  	[tilespmem:s29+$0x6D0] =	vst v4;
	v7 =	vld [tilespmem:s1+$0x650]  }
0x28f: {  	[tilespmem:s29+$0x550] =	vst v1;
	v1 =	vld [tilespmem:s10+$0x650]  }
0x290: {  	[tilespmem:s29+$0x5D0] =	vst v2;
	v2 =	vld [tilespmem:s8+$0x650]  }
0x291: {  	[tilespmem:s29+$0x460] =	vst v5;
	v6 =	vld [tilespmem:s15+$0x650]  }
0x292: {  	v5 =	vld [tilespmem:s30+$0x650];
	[tilespmem:s29+$0x750] =	vst v0  }
0x293: {  	[tilespmem:s29+$0x660] =	vst v7;
	v4 =	vld [tilespmem:s31+$0x650]  }
0x294: {  	v3 =	vld [tilespmem:s11+$0x660];
	[tilespmem:s29+$0x4E0] =	vst v1  }
0x295: {  	[tilespmem:s29+$0x560] =	vst v2;
	v1 =	vld [tilespmem:s10+$0x660]  }
0x296: {  	[tilespmem:s29+$0x5E0] =	vst v6;
	v0 =	vld [tilespmem:s8+$0x660]  }
0x297: {  	s0 =	sadd.s32 s5, s0;
	s13 =	simm.s32 $0x0;
	[tilespmem:s29+$0x6E0] =	vst v5;
	v2 =	vld [tilespmem:s15+$0x660];
	s15 =	simm.s32 $0xC  }
.LBB2_8:
0x298: {  	s12 =	sld [smem:s15+$0x3];
	s13 =	sadd.s32 $0x8, s13;
	v5 =	vld [tilespmem:s1+$0x660];
	[tilespmem:s29+$0x760] =	vst v4  }
0x299: {  	s3 =	sld [smem:s15+$0xFFFFFFFD];
	p1 =	slt.u32 s13, $0x48;
	[tilespmem:s29+$0x470] =	vst v3;
	v3 =	vld [tilespmem:s30+$0x660]  }
0x29a: {  	s8 =	sld [smem:s15+$0xFFFFFFFE];
	[tilespmem:s29+$0x4F0] =	vst v1;
	v1 =	vld [tilespmem:s31+$0x660]  }
0x29b: {  	s10 =	sld [smem:s15+$0xFFFFFFFF];
	v4 =	vld [tilespmem:s12+$0x570];
	[tilespmem:s29+$0x570] =	vst v0  }
0x29c: {  	v0 =	vld [tilespmem:s3+$0x570];
	s1 =	sld [smem:s15+$0x0];
	[tilespmem:s29+$0x5F0] =	vst v2  }
0x29d: {  	v2 =	vld [tilespmem:s8+$0x570];
	s30 =	sld [smem:s15+$0x1];
	[tilespmem:s29+$0x670] =	vst v5  }
0x29e: {  	v5 =	vld [tilespmem:s10+$0x570];
	s31 =	sld [smem:s15+$0x2];
	[tilespmem:s29+$0x6F0] =	vst v3  }
0x29f: {  	s11 =	sld [smem:s15+$0xFFFFFFFC];
	v3 =	vld [tilespmem:s1+$0x570];
	[tilespmem:s29+$0x770] =	vst v1;
	s29 =	sadd.s32 $0x800, s29  }
0x2a0: {  	v1 =	vld [tilespmem:s30+$0x570];
	[tilespmem:s29+$0x380] =	vst v4  }
0x2a1: {  	[tilespmem:s29+$0x80] =	vst v0;
	v0 =	vld [tilespmem:s12+$0x580]  }
0x2a2: {  	v4 =	vld [tilespmem:s11+$0x570];
	[tilespmem:s29+$0x100] =	vst v2  }
0x2a3: {  	[tilespmem:s29+$0x180] =	vst v5;
	v2 =	vld [tilespmem:s31+$0x570]  }
0x2a4: {  	v5 =	vld [tilespmem:s3+$0x580];
	[tilespmem:s29+$0x200] =	vst v3  }
0x2a5: {  	v3 =	vld [tilespmem:s8+$0x580];
	[tilespmem:s29+$0x280] =	vst v1  }
0x2a6: {  	v1 =	vld [tilespmem:s10+$0x580];
	[tilespmem:s29+$0x390] =	vst v0  }
0x2a7: {  	[tilespmem:s29+$0x0] =	vst v4;
	v0 =	vld [tilespmem:s12+$0x590]  }
0x2a8: {  	v4 =	vld [tilespmem:s11+$0x580];
	[tilespmem:s29+$0x300] =	vst v2  }
0x2a9: {  	[tilespmem:s29+$0x90] =	vst v5;
	v2 =	vld [tilespmem:s1+$0x580]  }
0x2aa: {  	[tilespmem:s29+$0x110] =	vst v3;
	v3 =	vld [tilespmem:s30+$0x580]  }
0x2ab: {  	[tilespmem:s29+$0x190] =	vst v1;
	v1 =	vld [tilespmem:s31+$0x580]  }
0x2ac: {  	v5 =	vld [tilespmem:s3+$0x590];
	[tilespmem:s29+$0x3A0] =	vst v0  }
0x2ad: {  	[tilespmem:s29+$0x10] =	vst v4;
	v0 =	vld [tilespmem:s12+$0x5A0]  }
0x2ae: {  	v4 =	vld [tilespmem:s11+$0x590];
	[tilespmem:s29+$0x210] =	vst v2  }
0x2af: {  	v2 =	vld [tilespmem:s8+$0x590];
	[tilespmem:s29+$0x290] =	vst v3  }
0x2b0: {  	v3 =	vld [tilespmem:s10+$0x590];
	[tilespmem:s29+$0x310] =	vst v1  }
0x2b1: {  	[tilespmem:s29+$0xA0] =	vst v5;
	v1 =	vld [tilespmem:s1+$0x590]  }
0x2b2: {  	v5 =	vld [tilespmem:s30+$0x590];
	[tilespmem:s29+$0x3B0] =	vst v0  }
0x2b3: {  	[tilespmem:s29+$0x20] =	vst v4;
	v0 =	vld [tilespmem:s12+$0x5B0]  }
0x2b4: {  	[tilespmem:s29+$0x120] =	vst v2;
	v2 =	vld [tilespmem:s31+$0x590]  }
0x2b5: {  	v4 =	vld [tilespmem:s11+$0x5A0];
	[tilespmem:s29+$0x1A0] =	vst v3  }
0x2b6: {  	v3 =	vld [tilespmem:s3+$0x5A0];
	[tilespmem:s29+$0x220] =	vst v1  }
0x2b7: {  	v1 =	vld [tilespmem:s8+$0x5A0];
	[tilespmem:s29+$0x2A0] =	vst v5  }
0x2b8: {  	v5 =	vld [tilespmem:s10+$0x5A0];
	[tilespmem:s29+$0x3C0] =	vst v0  }
0x2b9: {  	[tilespmem:s29+$0x320] =	vst v2;
	v0 =	vld [tilespmem:s12+$0x5C0]  }
0x2ba: {  	[tilespmem:s29+$0x30] =	vst v4;
	v2 =	vld [tilespmem:s1+$0x5A0]  }
0x2bb: {  	[tilespmem:s29+$0xB0] =	vst v3;
	v3 =	vld [tilespmem:s30+$0x5A0]  }
0x2bc: {  	[tilespmem:s29+$0x130] =	vst v1;
	v1 =	vld [tilespmem:s31+$0x5A0]  }
0x2bd: {  	v4 =	vld [tilespmem:s11+$0x5B0];
	[tilespmem:s29+$0x1B0] =	vst v5  }
0x2be: {  	v5 =	vld [tilespmem:s3+$0x5B0];
	[tilespmem:s29+$0x3D0] =	vst v0  }
0x2bf: {  	[tilespmem:s29+$0x230] =	vst v2;
	v0 =	vld [tilespmem:s12+$0x5D0]  }
0x2c0: {  	v2 =	vld [tilespmem:s8+$0x5B0];
	[tilespmem:s29+$0x2B0] =	vst v3  }
0x2c1: {  	v3 =	vld [tilespmem:s10+$0x5B0];
	[tilespmem:s29+$0x330] =	vst v1  }
0x2c2: {  	[tilespmem:s29+$0x40] =	vst v4;
	v1 =	vld [tilespmem:s1+$0x5B0]  }
0x2c3: {  	[tilespmem:s29+$0xC0] =	vst v5;
	v4 =	vld [tilespmem:s30+$0x5B0]  }
0x2c4: {  	v5 =	vld [tilespmem:s31+$0x5B0];
	[tilespmem:s29+$0x3E0] =	vst v0  }
0x2c5: {  	[tilespmem:s29+$0x140] =	vst v2;
	v0 =	vld [tilespmem:s12+$0x5E0]  }
0x2c6: {  	v2 =	vld [tilespmem:s11+$0x5C0];
	[tilespmem:s29+$0x1C0] =	vst v3  }
0x2c7: {  	v3 =	vld [tilespmem:s3+$0x5C0];
	[tilespmem:s29+$0x240] =	vst v1  }
0x2c8: {  	v1 =	vld [tilespmem:s8+$0x5C0];
	[tilespmem:s29+$0x2C0] =	vst v4  }
0x2c9: {  	v4 =	vld [tilespmem:s10+$0x5C0];
	[tilespmem:s29+$0x340] =	vst v5  }
0x2ca: {  	v5 =	vld [tilespmem:s1+$0x5C0];
	[tilespmem:s29+$0x3F0] =	vst v0  }
0x2cb: {  	[tilespmem:s29+$0x50] =	vst v2;
	v0 =	vld [tilespmem:s12+$0x5F0]  }
0x2cc: {  	[tilespmem:s29+$0xD0] =	vst v3;
	v2 =	vld [tilespmem:s30+$0x5C0]  }
0x2cd: {  	[tilespmem:s29+$0x150] =	vst v1;
	v1 =	vld [tilespmem:s31+$0x5C0]  }
0x2ce: {  	v3 =	vld [tilespmem:s11+$0x5D0];
	[tilespmem:s29+$0x1D0] =	vst v4  }
0x2cf: {  	v4 =	vld [tilespmem:s3+$0x5D0];
	[tilespmem:s29+$0x250] =	vst v5  }
0x2d0: {  	v5 =	vld [tilespmem:s8+$0x5D0];
	[tilespmem:s29+$0x780] =	vst v0  }
0x2d1: {  	[tilespmem:s29+$0x2D0] =	vst v2;
	v0 =	vld [tilespmem:s12+$0x600]  }
0x2d2: {  	v2 =	vld [tilespmem:s10+$0x5D0];
	[tilespmem:s29+$0x350] =	vst v1  }
0x2d3: {  	[tilespmem:s29+$0x60] =	vst v3;
	v1 =	vld [tilespmem:s1+$0x5D0]  }
0x2d4: {  	[tilespmem:s29+$0xE0] =	vst v4;
	v3 =	vld [tilespmem:s30+$0x5D0]  }
0x2d5: {  	[tilespmem:s29+$0x160] =	vst v5;
	v4 =	vld [tilespmem:s31+$0x5D0]  }
0x2d6: {  	v5 =	vld [tilespmem:s11+$0x5E0];
	[tilespmem:s29+$0x790] =	vst v0  }
0x2d7: {  	[tilespmem:s29+$0x1E0] =	vst v2;
	v0 =	vld [tilespmem:s12+$0x610]  }
0x2d8: {  	v2 =	vld [tilespmem:s3+$0x5E0];
	[tilespmem:s29+$0x260] =	vst v1  }
0x2d9: {  	v1 =	vld [tilespmem:s8+$0x5E0];
	[tilespmem:s29+$0x2E0] =	vst v3  }
0x2da: {  	v3 =	vld [tilespmem:s10+$0x5E0];
	[tilespmem:s29+$0x360] =	vst v4  }
0x2db: {  	[tilespmem:s29+$0x70] =	vst v5;
	v4 =	vld [tilespmem:s1+$0x5E0]  }
0x2dc: {  	v5 =	vld [tilespmem:s30+$0x5E0];
	[tilespmem:s29+$0x7A0] =	vst v0  }
0x2dd: {  	[tilespmem:s29+$0xF0] =	vst v2;
	v0 =	vld [tilespmem:s12+$0x620]  }
0x2de: {  	[tilespmem:s29+$0x170] =	vst v1;
	v1 =	vld [tilespmem:s31+$0x5E0]  }
0x2df: {  	v2 =	vld [tilespmem:s11+$0x5F0];
	[tilespmem:s29+$0x1F0] =	vst v3  }
0x2e0: {  	v3 =	vld [tilespmem:s3+$0x5F0];
	[tilespmem:s29+$0x270] =	vst v4  }
0x2e1: {  	v4 =	vld [tilespmem:s8+$0x5F0];
	[tilespmem:s29+$0x2F0] =	vst v5  }
0x2e2: {  	v5 =	vld [tilespmem:s10+$0x5F0];
	[tilespmem:s29+$0x7B0] =	vst v0  }
0x2e3: {  	[tilespmem:s29+$0x370] =	vst v1;
	v0 =	vld [tilespmem:s12+$0x630]  }
0x2e4: {  	[tilespmem:s29+$0x400] =	vst v2;
	v1 =	vld [tilespmem:s1+$0x5F0]  }
0x2e5: {  	[tilespmem:s29+$0x480] =	vst v3;
	v2 =	vld [tilespmem:s30+$0x5F0]  }
0x2e6: {  	[tilespmem:s29+$0x500] =	vst v4;
	v3 =	vld [tilespmem:s31+$0x5F0]  }
0x2e7: {  	v4 =	vld [tilespmem:s11+$0x600];
	[tilespmem:s29+$0x580] =	vst v5  }
0x2e8: {  	v5 =	vld [tilespmem:s3+$0x600];
	[tilespmem:s29+$0x7C0] =	vst v0  }
0x2e9: {  	[tilespmem:s29+$0x600] =	vst v1;
	v0 =	vld [tilespmem:s12+$0x640]  }
0x2ea: {  	v1 =	vld [tilespmem:s8+$0x600];
	[tilespmem:s29+$0x680] =	vst v2  }
0x2eb: {  	v2 =	vld [tilespmem:s10+$0x600];
	[tilespmem:s29+$0x700] =	vst v3  }
0x2ec: {  	[tilespmem:s29+$0x410] =	vst v4;
	v3 =	vld [tilespmem:s1+$0x600]  }
0x2ed: {  	[tilespmem:s29+$0x490] =	vst v5;
	v4 =	vld [tilespmem:s30+$0x600]  }
0x2ee: {  	v5 =	vld [tilespmem:s31+$0x600];
	[tilespmem:s29+$0x7D0] =	vst v0  }
0x2ef: {  	[tilespmem:s29+$0x510] =	vst v1;
	v0 =	vld [tilespmem:s12+$0x650]  }
0x2f0: {  	v1 =	vld [tilespmem:s11+$0x610];
	[tilespmem:s29+$0x590] =	vst v2  }
0x2f1: {  	v2 =	vld [tilespmem:s3+$0x610];
	[tilespmem:s29+$0x610] =	vst v3  }
0x2f2: {  	v3 =	vld [tilespmem:s8+$0x610];
	[tilespmem:s29+$0x690] =	vst v4  }
0x2f3: {  	v4 =	vld [tilespmem:s10+$0x610];
	[tilespmem:s29+$0x710] =	vst v5  }
0x2f4: {  	v5 =	vld [tilespmem:s1+$0x610];
	[tilespmem:s29+$0x7E0] =	vst v0  }
0x2f5: {  	[tilespmem:s29+$0x420] =	vst v1;
	v0 =	vld [tilespmem:s12+$0x660]  }
0x2f6: {  	[tilespmem:s29+$0x4A0] =	vst v2;
	v1 =	vld [tilespmem:s30+$0x610]  }
0x2f7: {  	[tilespmem:s29+$0x520] =	vst v3;
	v2 =	vld [tilespmem:s31+$0x610]  }
0x2f8: {  	v3 =	vld [tilespmem:s11+$0x620];
	[tilespmem:s29+$0x5A0] =	vst v4  }
0x2f9: {  	v4 =	vld [tilespmem:s3+$0x620];
	[tilespmem:s29+$0x620] =	vst v5  }
0x2fa: {  	v5 =	vld [tilespmem:s8+$0x620];
	[tilespmem:s29+$0x7F0] =	vst v0  }
0x2fb: {  	v0 =	vld [tilespmem:s10+$0x620];
	[tilespmem:s29+$0x6A0] =	vst v1  }
0x2fc: {  	v1 =	vld [tilespmem:s1+$0x620];
	[tilespmem:s29+$0x720] =	vst v2  }
0x2fd: {  	[tilespmem:s29+$0x430] =	vst v3;
	v2 =	vld [tilespmem:s30+$0x620]  }
0x2fe: {  	[tilespmem:s29+$0x4B0] =	vst v4;
	v3 =	vld [tilespmem:s31+$0x620]  }
0x2ff: {  	v4 =	vld [tilespmem:s11+$0x630];
	[tilespmem:s29+$0x530] =	vst v5  }
0x300: {  	v5 =	vld [tilespmem:s3+$0x630];
	[tilespmem:s29+$0x5B0] =	vst v0  }
0x301: {  	v0 =	vld [tilespmem:s8+$0x630];
	[tilespmem:s29+$0x630] =	vst v1  }
0x302: {  	v1 =	vld [tilespmem:s10+$0x630];
	[tilespmem:s29+$0x6B0] =	vst v2  }
0x303: {  	v2 =	vld [tilespmem:s1+$0x630];
	[tilespmem:s29+$0x730] =	vst v3  }
0x304: {  	[tilespmem:s29+$0x440] =	vst v4;
	v3 =	vld [tilespmem:s30+$0x630]  }
0x305: {  	[tilespmem:s29+$0x4C0] =	vst v5;
	v4 =	vld [tilespmem:s31+$0x630]  }
0x306: {  	v5 =	vld [tilespmem:s11+$0x640];
	[tilespmem:s29+$0x540] =	vst v0  }
0x307: {  	v0 =	vld [tilespmem:s3+$0x640];
	[tilespmem:s29+$0x5C0] =	vst v1  }
0x308: {  	v1 =	vld [tilespmem:s8+$0x640];
	[tilespmem:s29+$0x640] =	vst v2  }
0x309: {  	v2 =	vld [tilespmem:s10+$0x640];
	[tilespmem:s29+$0x6C0] =	vst v3  }
0x30a: {  	v3 =	vld [tilespmem:s1+$0x640];
	[tilespmem:s29+$0x740] =	vst v4  }
0x30b: {  	[tilespmem:s29+$0x450] =	vst v5;
	v4 =	vld [tilespmem:s30+$0x640]  }
0x30c: {  	[tilespmem:s29+$0x4D0] =	vst v0;
	v0 =	vld [tilespmem:s31+$0x640]  }
0x30d: {  	v5 =	vld [tilespmem:s11+$0x650];
	[tilespmem:s29+$0x550] =	vst v1  }
0x30e: {  	v1 =	vld [tilespmem:s3+$0x650];
	[tilespmem:s29+$0x5D0] =	vst v2  }
0x30f: {  	v2 =	vld [tilespmem:s8+$0x650];
	[tilespmem:s29+$0x650] =	vst v3  }
0x310: {  	v6 =	vld [tilespmem:s10+$0x650];
	[tilespmem:s29+$0x6D0] =	vst v4  }
0x311: {  	v7 =	vld [tilespmem:s1+$0x650];
	[tilespmem:s29+$0x750] =	vst v0  }
0x312: {  	[tilespmem:s29+$0x460] =	vst v5;
	v5 =	vld [tilespmem:s30+$0x650]  }
.Ltmp7:
0x313: {  	[tilespmem:s29+$0x4E0] =	vst v1;
	v4 =	vld [tilespmem:s31+$0x650];
	(pc) =	sbr.rel @p1 .LBB2_8-.Ltmp7, $4  }
0x314: {  	v3 =	vld [tilespmem:s11+$0x660];
	[tilespmem:s29+$0x560] =	vst v2  }
0x315: {  	v1 =	vld [tilespmem:s3+$0x660];
	[tilespmem:s29+$0x5E0] =	vst v6  }
0x316: {  	v0 =	vld [tilespmem:s8+$0x660];
	[tilespmem:s29+$0x660] =	vst v7  }
0x317: {  	s15 =	sadd.s32 $0x8, s15;
	v2 =	vld [tilespmem:s10+$0x660];
	[tilespmem:s29+$0x6E0] =	vst v5  }
0x318: {  	v5 =	vld [tilespmem:s1+$0x660];
	[tilespmem:s29+$0x760] =	vst v4  }
0x319: {  	v62 =	vld [tilespmem:s30+$0x660];
	[tilespmem:s29+$0x470] =	vst v3  }
0x31a: {  	v63 =	vld [tilespmem:s31+$0x660];
	[tilespmem:s29+$0x4F0] =	vst v1  }
0x31b: {  	[tilespmem:s29+$0x570] =	vst v0  }
0x31c: {  	[tilespmem:s29+$0x5F0] =	vst v2  }
0x31d: {  	s0 =	smul.u32 $0xA00, s0;
	[tilespmem:s29+$0x670] =	vst v5  }
0x31e: {  	[tilespmem:s29+$0x6F0] =	vst v62  }
0x31f: {  	s0 =	sadd.s32 s2, s0;
	[tilespmem:s29+$0x770] =	vst v63  }
0x320: {  	[hbm4b:s0+s4] =	stream.linear.scatter [tilespmem:s18], [sflag:$0x3], $0x5000, $0x38;
	[tilespmem:$0x1B470] =	vst v63  }
.LBB2_10:
0x321: {  	s0 =	sor.u32 $0x2, s28  }
0x322: {  	p1 =	sge.u32 s0, s6  }
.Ltmp8:
0x323: {  	_ = 	snop;
	(pc) =	sbr.rel @p1 .LBB2_14-.Ltmp8, $1  }
0x324: {  	_ =	sdelay $0x3  }
0x325: {  	s1 =	simm.s32 @!p0 $0x4  }
0x326: {  	s3 =	sadd.s32 s7, s0;
	_ =	swait.ge @!p0 [sflag:s1], $0x5000  }
0x327: {  	s3 =	sshll.u32 s3, $0x7;
	[sflag:s1] =	ssyncset.done @!p0 $0x0  }
0x328: {  	[sflag:s1] =	ssyncadd.s32 @!p0 $0xFFFFB000;
	s1 =	sand.u32 $0x3FFFFF80, s3  }
0x329: {  	v0 =	vld [tilespmem:s1+$0x5C70];
	_ =	sdelay $0x4  }
0x32a: {  	v0 =	vshll.u32 v0, $0x8  }
0x32b: {  	(v2sf) =	vpush v0, $0x0  }
0x32c: {  	(v2sf) =	vpush v0, $0x1  }
0x32d: {  	(v2sf) =	vpush v0, $0x2  }
0x32e: {  	(v2sf) =	vpush v0, $0x3  }
0x32f: {  	(v2sf) =	vpush v0, $0x4  }
0x330: {  	(v2sf) =	vpush v0, $0x5  }
0x331: {  	(v2sf) =	vpush v0, $0x6  }
0x332: {  	(v2sf) =	vpush v0, $0x7  }
0x333: {  	(v2sf) =	vpush v0, $0x8  }
0x334: {  	(v2sf) =	vpush v0, $0x9  }
0x335: {  	v1 =	vld [tilespmem:s1+$0x5C80];
	(v2sf) =	vpush v0, $0xA  }
0x336: {  	(v2sf) =	vpush v0, $0xB  }
0x337: {  	(v2sf) =	vpush v0, $0xC  }
0x338: {  	(v2sf) =	vpush v0, $0xD  }
0x339: {  	(v2sf) =	vpush v0, $0xE  }
0x33a: {  	s8 =	spop (v2sf);
	(v2sf) =	vpush v0, $0xF;
	v0 =	vshll.u32 v1, $0x8  }
0x33b: {  	[smem:$0x0] =	sst s8;
	s10 =	spop (v2sf);
	(v2sf) =	vpush v0, $0x0  }
0x33c: {  	[smem:$0x1] =	sst s10;
	s11 =	spop (v2sf);
	(v2sf) =	vpush v0, $0x1  }
0x33d: {  	[smem:$0x2] =	sst s11;
	s12 =	spop (v2sf);
	(v2sf) =	vpush v0, $0x2  }
0x33e: {  	[smem:$0x3] =	sst s12;
	s13 =	spop (v2sf);
	(v2sf) =	vpush v0, $0x3  }
0x33f: {  	[smem:$0x4] =	sst s13;
	s15 =	spop (v2sf);
	(v2sf) =	vpush v0, $0x4  }
0x340: {  	[smem:$0x5] =	sst s15;
	s8 =	spop (v2sf);
	(v2sf) =	vpush v0, $0x5  }
0x341: {  	[smem:$0x6] =	sst s8;
	s10 =	spop (v2sf);
	(v2sf) =	vpush v0, $0x6  }
0x342: {  	[smem:$0x7] =	sst s10;
	s11 =	spop (v2sf);
	(v2sf) =	vpush v0, $0x7  }
0x343: {  	[smem:$0x8] =	sst s11;
	s12 =	spop (v2sf);
	(v2sf) =	vpush v0, $0x8  }
0x344: {  	[smem:$0x9] =	sst s12;
	s13 =	spop (v2sf);
	(v2sf) =	vpush v0, $0x9  }
0x345: {  	v1 =	vld [tilespmem:s1+$0x5C90];
	[smem:$0xA] =	sst s13;
	s15 =	spop (v2sf);
	(v2sf) =	vpush v0, $0xA  }
0x346: {  	[smem:$0xB] =	sst s15;
	s8 =	spop (v2sf);
	(v2sf) =	vpush v0, $0xB  }
0x347: {  	[smem:$0xC] =	sst s8;
	s10 =	spop (v2sf);
	(v2sf) =	vpush v0, $0xC  }
0x348: {  	[smem:$0xD] =	sst s10;
	s11 =	spop (v2sf);
	(v2sf) =	vpush v0, $0xD  }
0x349: {  	[smem:$0xE] =	sst s11;
	s12 =	spop (v2sf);
	(v2sf) =	vpush v0, $0xE  }
0x34a: {  	[smem:$0xF] =	sst s12;
	s13 =	spop (v2sf);
	(v2sf) =	vpush v0, $0xF;
	v0 =	vshll.u32 v1, $0x8  }
0x34b: {  	[smem:$0x10] =	sst s13;
	s15 =	spop (v2sf);
	(v2sf) =	vpush v0, $0x0  }
0x34c: {  	[smem:$0x11] =	sst s15;
	s8 =	spop (v2sf);
	(v2sf) =	vpush v0, $0x1  }
0x34d: {  	[smem:$0x12] =	sst s8;
	s10 =	spop (v2sf);
	(v2sf) =	vpush v0, $0x2  }
0x34e: {  	[smem:$0x13] =	sst s10;
	s11 =	spop (v2sf);
	(v2sf) =	vpush v0, $0x3  }
0x34f: {  	[smem:$0x14] =	sst s11;
	s12 =	spop (v2sf);
	(v2sf) =	vpush v0, $0x4  }
0x350: {  	[smem:$0x15] =	sst s12;
	s13 =	spop (v2sf);
	(v2sf) =	vpush v0, $0x5  }
0x351: {  	[smem:$0x16] =	sst s13;
	s15 =	spop (v2sf);
	(v2sf) =	vpush v0, $0x6  }
0x352: {  	[smem:$0x17] =	sst s15;
	s8 =	spop (v2sf);
	(v2sf) =	vpush v0, $0x7  }
0x353: {  	[smem:$0x18] =	sst s8;
	s10 =	spop (v2sf);
	(v2sf) =	vpush v0, $0x8  }
0x354: {  	[smem:$0x19] =	sst s10;
	s11 =	spop (v2sf);
	(v2sf) =	vpush v0, $0x9  }
0x355: {  	v1 =	vld [tilespmem:s1+$0x5CA0];
	[smem:$0x1A] =	sst s11;
	s12 =	spop (v2sf);
	(v2sf) =	vpush v0, $0xA  }
0x356: {  	[smem:$0x1B] =	sst s12;
	s13 =	spop (v2sf);
	(v2sf) =	vpush v0, $0xB  }
0x357: {  	[smem:$0x1C] =	sst s13;
	s15 =	spop (v2sf);
	(v2sf) =	vpush v0, $0xC  }
0x358: {  	[smem:$0x1D] =	sst s15;
	s8 =	spop (v2sf);
	(v2sf) =	vpush v0, $0xD  }
0x359: {  	[smem:$0x1E] =	sst s8;
	s10 =	spop (v2sf);
	(v2sf) =	vpush v0, $0xE  }
0x35a: {  	[smem:$0x1F] =	sst s10;
	s11 =	spop (v2sf);
	(v2sf) =	vpush v0, $0xF;
	v0 =	vshll.u32 v1, $0x8  }
0x35b: {  	[smem:$0x20] =	sst s11;
	s12 =	spop (v2sf);
	(v2sf) =	vpush v0, $0x0  }
0x35c: {  	[smem:$0x21] =	sst s12;
	s13 =	spop (v2sf);
	(v2sf) =	vpush v0, $0x1  }
0x35d: {  	[smem:$0x22] =	sst s13;
	s15 =	spop (v2sf);
	(v2sf) =	vpush v0, $0x2  }
0x35e: {  	[smem:$0x23] =	sst s15;
	s8 =	spop (v2sf);
	(v2sf) =	vpush v0, $0x3  }
0x35f: {  	[smem:$0x24] =	sst s8;
	s10 =	spop (v2sf);
	(v2sf) =	vpush v0, $0x4  }
0x360: {  	[smem:$0x25] =	sst s10;
	s11 =	spop (v2sf);
	(v2sf) =	vpush v0, $0x5  }
0x361: {  	[smem:$0x26] =	sst s11;
	s12 =	spop (v2sf);
	(v2sf) =	vpush v0, $0x6  }
0x362: {  	[smem:$0x27] =	sst s12;
	s13 =	spop (v2sf);
	(v2sf) =	vpush v0, $0x7  }
0x363: {  	[smem:$0x28] =	sst s13;
	s15 =	spop (v2sf);
	(v2sf) =	vpush v0, $0x8  }
0x364: {  	[smem:$0x29] =	sst s15;
	s8 =	spop (v2sf);
	(v2sf) =	vpush v0, $0x9  }
0x365: {  	v1 =	vld [tilespmem:s1+$0x5CB0];
	[smem:$0x2A] =	sst s8;
	s10 =	spop (v2sf);
	(v2sf) =	vpush v0, $0xA  }
0x366: {  	[smem:$0x2B] =	sst s10;
	s11 =	spop (v2sf);
	(v2sf) =	vpush v0, $0xB  }
0x367: {  	[smem:$0x2C] =	sst s11;
	s12 =	spop (v2sf);
	(v2sf) =	vpush v0, $0xC  }
0x368: {  	[smem:$0x2D] =	sst s12;
	s13 =	spop (v2sf);
	(v2sf) =	vpush v0, $0xD  }
0x369: {  	[smem:$0x2E] =	sst s13;
	s15 =	spop (v2sf);
	(v2sf) =	vpush v0, $0xE  }
0x36a: {  	[smem:$0x2F] =	sst s15;
	s3 =	spop (v2sf);
	(v2sf) =	vpush v0, $0xF;
	v0 =	vshll.u32 v1, $0x8  }
0x36b: {  	[smem:$0x30] =	sst s3;
	s8 =	spop (v2sf);
	(v2sf) =	vpush v0, $0x0  }
0x36c: {  	[smem:$0x31] =	sst s8;
	s10 =	spop (v2sf);
	(v2sf) =	vpush v0, $0x1  }
0x36d: {  	[smem:$0x32] =	sst s10;
	s11 =	spop (v2sf);
	(v2sf) =	vpush v0, $0x2  }
0x36e: {  	[smem:$0x33] =	sst s11;
	s12 =	spop (v2sf);
	(v2sf) =	vpush v0, $0x3  }
0x36f: {  	[smem:$0x34] =	sst s12;
	s13 =	spop (v2sf);
	(v2sf) =	vpush v0, $0x4  }
0x370: {  	[smem:$0x35] =	sst s13;
	s15 =	spop (v2sf);
	(v2sf) =	vpush v0, $0x5  }
0x371: {  	[smem:$0x36] =	sst s15;
	s3 =	spop (v2sf);
	(v2sf) =	vpush v0, $0x6  }
0x372: {  	[smem:$0x37] =	sst s3;
	s8 =	spop (v2sf);
	(v2sf) =	vpush v0, $0x7  }
0x373: {  	[smem:$0x38] =	sst s8;
	s10 =	spop (v2sf);
	(v2sf) =	vpush v0, $0x8  }
0x374: {  	[smem:$0x39] =	sst s10;
	s11 =	spop (v2sf);
	(v2sf) =	vpush v0, $0x9  }
0x375: {  	[smem:$0x3A] =	sst s11;
	s12 =	spop (v2sf);
	(v2sf) =	vpush v0, $0xA  }
0x376: {  	[smem:$0x3B] =	sst s12;
	s13 =	spop (v2sf);
	(v2sf) =	vpush v0, $0xB  }
0x377: {  	[smem:$0x3C] =	sst s13;
	s15 =	spop (v2sf);
	(v2sf) =	vpush v0, $0xC  }
0x378: {  	[smem:$0x3D] =	sst s15;
	s3 =	spop (v2sf);
	(v2sf) =	vpush v0, $0xD  }
0x379: {  	[smem:$0x3E] =	sst s3;
	s8 =	spop (v2sf);
	(v2sf) =	vpush v0, $0xE  }
0x37a: {  	[smem:$0x3F] =	sst s8;
	s10 =	spop (v2sf);
	(v2sf) =	vpush v0, $0xF  }
0x37b: {  	s11 =	spop (v2sf);
	[smem:$0x40] =	sst s10  }
0x37c: {  	s12 =	spop (v2sf);
	[smem:$0x41] =	sst s11  }
0x37d: {  	s13 =	spop (v2sf);
	[smem:$0x42] =	sst s12  }
0x37e: {  	s15 =	spop (v2sf);
	[smem:$0x43] =	sst s13  }
0x37f: {  	s8 =	spop (v2sf);
	[smem:$0x44] =	sst s15  }
0x380: {  	s10 =	spop (v2sf);
	[smem:$0x45] =	sst s8  }
0x381: {  	s11 =	spop (v2sf);
	[smem:$0x46] =	sst s10  }
0x382: {  	s12 =	spop (v2sf);
	[smem:$0x47] =	sst s11  }
0x383: {  	s13 =	spop (v2sf);
	[smem:$0x48] =	sst s12  }
0x384: {  	s15 =	spop (v2sf);
	[smem:$0x49] =	sst s13  }
0x385: {  	s8 =	spop (v2sf);
	[smem:$0x4A] =	sst s15  }
0x386: {  	s10 =	spop (v2sf);
	[smem:$0x4B] =	sst s8  }
0x387: {  	s11 =	spop (v2sf);
	[smem:$0x4C] =	sst s10  }
0x388: {  	s12 =	spop (v2sf);
	[smem:$0x4D] =	sst s11  }
0x389: {  	[smem:$0x4E] =	sst s12;
	s13 =	spop (v2sf)  }
0x38a: {  	[smem:$0x4F] =	sst s13  }
0x38b: {  	s12 =	sld [smem:$0x7]  }
0x38c: {  	s10 =	sld [smem:$0x1]  }
0x38d: {  	s8 =	sld [smem:$0x2]  }
0x38e: {  	s15 =	sld [smem:$0x3];
	v0 =	vld [tilespmem:s12+$0x570]  }
0x38f: {  	v1 =	vld [tilespmem:s10+$0x570];
	s1 =	sld [smem:$0x4]  }
0x390: {  	v2 =	vld [tilespmem:s8+$0x570];
	s30 =	sld [smem:$0x5]  }
0x391: {  	v3 =	vld [tilespmem:s15+$0x570];
	s31 =	sld [smem:$0x6]  }
0x392: {  	s29 =	simm.s32 $0x11470;
	s11 =	sld [smem:$0x0];
	v4 =	vld [tilespmem:s1+$0x570]  }
0x393: {  	v5 =	vld [tilespmem:s30+$0x570];
	[tilespmem:s29+$0x380] =	vst v0  }
0x394: {  	[tilespmem:s29+$0x80] =	vst v1;
	v0 =	vld [tilespmem:s12+$0x580]  }
0x395: {  	v1 =	vld [tilespmem:s11+$0x570];
	[tilespmem:s29+$0x100] =	vst v2  }
0x396: {  	v2 =	vld [tilespmem:s31+$0x570];
	[tilespmem:s29+$0x180] =	vst v3  }
0x397: {  	v3 =	vld [tilespmem:s10+$0x580];
	[tilespmem:s29+$0x200] =	vst v4  }
0x398: {  	v4 =	vld [tilespmem:s8+$0x580];
	[tilespmem:s29+$0x280] =	vst v5  }
0x399: {  	v5 =	vld [tilespmem:s15+$0x580];
	[tilespmem:s29+$0x390] =	vst v0  }
0x39a: {  	[tilespmem:s29+$0x0] =	vst v1;
	v0 =	vld [tilespmem:s12+$0x590]  }
0x39b: {  	[tilespmem:s29+$0x300] =	vst v2;
	v2 =	vld [tilespmem:s1+$0x580]  }
0x39c: {  	v1 =	vld [tilespmem:s11+$0x580];
	[tilespmem:s29+$0x90] =	vst v3  }
0x39d: {  	v3 =	vld [tilespmem:s30+$0x580];
	[tilespmem:s29+$0x110] =	vst v4  }
0x39e: {  	v4 =	vld [tilespmem:s31+$0x580];
	[tilespmem:s29+$0x190] =	vst v5  }
0x39f: {  	v5 =	vld [tilespmem:s10+$0x590];
	[tilespmem:s29+$0x3A0] =	vst v0  }
0x3a0: {  	[tilespmem:s29+$0x210] =	vst v2;
	v0 =	vld [tilespmem:s12+$0x5A0]  }
0x3a1: {  	v2 =	vld [tilespmem:s8+$0x590];
	[tilespmem:s29+$0x10] =	vst v1  }
0x3a2: {  	[tilespmem:s29+$0x290] =	vst v3;
	v1 =	vld [tilespmem:s11+$0x590]  }
0x3a3: {  	v3 =	vld [tilespmem:s15+$0x590];
	[tilespmem:s29+$0x310] =	vst v4  }
0x3a4: {  	v4 =	vld [tilespmem:s1+$0x590];
	[tilespmem:s29+$0xA0] =	vst v5  }
0x3a5: {  	v5 =	vld [tilespmem:s30+$0x590];
	[tilespmem:s29+$0x3B0] =	vst v0  }
0x3a6: {  	[tilespmem:s29+$0x120] =	vst v2;
	v0 =	vld [tilespmem:s12+$0x5B0]  }
0x3a7: {  	[tilespmem:s29+$0x20] =	vst v1;
	v1 =	vld [tilespmem:s31+$0x590]  }
0x3a8: {  	[tilespmem:s29+$0x1A0] =	vst v3;
	v3 =	vld [tilespmem:s10+$0x5A0]  }
0x3a9: {  	[tilespmem:s29+$0x220] =	vst v4;
	v2 =	vld [tilespmem:s11+$0x5A0]  }
0x3aa: {  	v4 =	vld [tilespmem:s8+$0x5A0];
	[tilespmem:s29+$0x2A0] =	vst v5  }
0x3ab: {  	v5 =	vld [tilespmem:s15+$0x5A0];
	[tilespmem:s29+$0x3C0] =	vst v0  }
0x3ac: {  	[tilespmem:s29+$0x320] =	vst v1;
	v1 =	vld [tilespmem:s1+$0x5A0]  }
0x3ad: {  	[tilespmem:s29+$0xB0] =	vst v3;
	v0 =	vld [tilespmem:s12+$0x5C0]  }
0x3ae: {  	[tilespmem:s29+$0x30] =	vst v2;
	v2 =	vld [tilespmem:s30+$0x5A0]  }
0x3af: {  	[tilespmem:s29+$0x130] =	vst v4;
	v3 =	vld [tilespmem:s31+$0x5A0]  }
0x3b0: {  	[tilespmem:s29+$0x1B0] =	vst v5;
	v5 =	vld [tilespmem:s10+$0x5B0]  }
0x3b1: {  	v4 =	vld [tilespmem:s11+$0x5B0];
	[tilespmem:s29+$0x230] =	vst v1  }
0x3b2: {  	v1 =	vld [tilespmem:s8+$0x5B0];
	[tilespmem:s29+$0x3D0] =	vst v0  }
0x3b3: {  	[tilespmem:s29+$0x2B0] =	vst v2;
	v2 =	vld [tilespmem:s15+$0x5B0]  }
0x3b4: {  	[tilespmem:s29+$0x330] =	vst v3;
	v3 =	vld [tilespmem:s1+$0x5B0]  }
0x3b5: {  	[tilespmem:s29+$0xC0] =	vst v5;
	v0 =	vld [tilespmem:s12+$0x5D0]  }
0x3b6: {  	[tilespmem:s29+$0x40] =	vst v4;
	v4 =	vld [tilespmem:s30+$0x5B0]  }
0x3b7: {  	v5 =	vld [tilespmem:s31+$0x5B0];
	[tilespmem:s29+$0x140] =	vst v1  }
0x3b8: {  	v1 =	vld [tilespmem:s11+$0x5C0];
	[tilespmem:s29+$0x1C0] =	vst v2  }
0x3b9: {  	v2 =	vld [tilespmem:s10+$0x5C0];
	[tilespmem:s29+$0x240] =	vst v3  }
0x3ba: {  	v3 =	vld [tilespmem:s8+$0x5C0];
	[tilespmem:s29+$0x3E0] =	vst v0  }
0x3bb: {  	[tilespmem:s29+$0x2C0] =	vst v4;
	v4 =	vld [tilespmem:s15+$0x5C0]  }
0x3bc: {  	[tilespmem:s29+$0x340] =	vst v5;
	v0 =	vld [tilespmem:s12+$0x5E0]  }
0x3bd: {  	v5 =	vld [tilespmem:s1+$0x5C0];
	[tilespmem:s29+$0x50] =	vst v1  }
0x3be: {  	v1 =	vld [tilespmem:s30+$0x5C0];
	[tilespmem:s29+$0xD0] =	vst v2  }
0x3bf: {  	[tilespmem:s29+$0x150] =	vst v3;
	v2 =	vld [tilespmem:s31+$0x5C0]  }
0x3c0: {  	v3 =	vld [tilespmem:s11+$0x5D0];
	[tilespmem:s29+$0x1D0] =	vst v4  }
0x3c1: {  	v4 =	vld [tilespmem:s10+$0x5D0];
	[tilespmem:s29+$0x3F0] =	vst v0  }
0x3c2: {  	[tilespmem:s29+$0x250] =	vst v5;
	v0 =	vld [tilespmem:s12+$0x5F0]  }
0x3c3: {  	v5 =	vld [tilespmem:s8+$0x5D0];
	[tilespmem:s29+$0x2D0] =	vst v1  }
0x3c4: {  	v1 =	vld [tilespmem:s15+$0x5D0];
	[tilespmem:s29+$0x350] =	vst v2  }
0x3c5: {  	[tilespmem:s29+$0x60] =	vst v3;
	v2 =	vld [tilespmem:s1+$0x5D0]  }
0x3c6: {  	v3 =	vld [tilespmem:s30+$0x5D0];
	[tilespmem:s29+$0xE0] =	vst v4  }
0x3c7: {  	v4 =	vld [tilespmem:s31+$0x5D0];
	[tilespmem:s29+$0x780] =	vst v0  }
0x3c8: {  	[tilespmem:s29+$0x160] =	vst v5;
	v0 =	vld [tilespmem:s12+$0x600]  }
0x3c9: {  	v5 =	vld [tilespmem:s11+$0x5E0];
	[tilespmem:s29+$0x1E0] =	vst v1  }
0x3ca: {  	v1 =	vld [tilespmem:s10+$0x5E0];
	[tilespmem:s29+$0x260] =	vst v2  }
0x3cb: {  	v2 =	vld [tilespmem:s8+$0x5E0];
	[tilespmem:s29+$0x2E0] =	vst v3  }
0x3cc: {  	v3 =	vld [tilespmem:s15+$0x5E0];
	[tilespmem:s29+$0x360] =	vst v4  }
0x3cd: {  	v4 =	vld [tilespmem:s1+$0x5E0];
	[tilespmem:s29+$0x790] =	vst v0  }
0x3ce: {  	[tilespmem:s29+$0x70] =	vst v5;
	v0 =	vld [tilespmem:s12+$0x610]  }
0x3cf: {  	v5 =	vld [tilespmem:s30+$0x5E0];
	[tilespmem:s29+$0xF0] =	vst v1  }
0x3d0: {  	v1 =	vld [tilespmem:s31+$0x5E0];
	[tilespmem:s29+$0x170] =	vst v2  }
0x3d1: {  	v2 =	vld [tilespmem:s11+$0x5F0];
	[tilespmem:s29+$0x1F0] =	vst v3  }
0x3d2: {  	v3 =	vld [tilespmem:s10+$0x5F0];
	[tilespmem:s29+$0x270] =	vst v4  }
0x3d3: {  	v4 =	vld [tilespmem:s8+$0x5F0];
	[tilespmem:s29+$0x7A0] =	vst v0  }
0x3d4: {  	[tilespmem:s29+$0x2F0] =	vst v5;
	v0 =	vld [tilespmem:s12+$0x620]  }
0x3d5: {  	v5 =	vld [tilespmem:s15+$0x5F0];
	[tilespmem:s29+$0x370] =	vst v1  }
0x3d6: {  	v1 =	vld [tilespmem:s1+$0x5F0];
	[tilespmem:s29+$0x400] =	vst v2  }
0x3d7: {  	[tilespmem:s29+$0x480] =	vst v3;
	v2 =	vld [tilespmem:s30+$0x5F0]  }
0x3d8: {  	v3 =	vld [tilespmem:s31+$0x5F0];
	[tilespmem:s29+$0x500] =	vst v4  }
0x3d9: {  	v4 =	vld [tilespmem:s11+$0x600];
	[tilespmem:s29+$0x7B0] =	vst v0  }
0x3da: {  	[tilespmem:s29+$0x580] =	vst v5;
	v0 =	vld [tilespmem:s12+$0x630]  }
0x3db: {  	v5 =	vld [tilespmem:s10+$0x600];
	[tilespmem:s29+$0x600] =	vst v1  }
0x3dc: {  	v1 =	vld [tilespmem:s8+$0x600];
	[tilespmem:s29+$0x680] =	vst v2  }
0x3dd: {  	v2 =	vld [tilespmem:s15+$0x600];
	[tilespmem:s29+$0x700] =	vst v3  }
0x3de: {  	v3 =	vld [tilespmem:s1+$0x600];
	[tilespmem:s29+$0x410] =	vst v4  }
0x3df: {  	v4 =	vld [tilespmem:s30+$0x600];
	[tilespmem:s29+$0x7C0] =	vst v0  }
0x3e0: {  	[tilespmem:s29+$0x490] =	vst v5;
	v0 =	vld [tilespmem:s12+$0x640]  }
0x3e1: {  	v5 =	vld [tilespmem:s31+$0x600];
	[tilespmem:s29+$0x510] =	vst v1  }
0x3e2: {  	v1 =	vld [tilespmem:s11+$0x610];
	[tilespmem:s29+$0x590] =	vst v2  }
0x3e3: {  	v2 =	vld [tilespmem:s10+$0x610];
	[tilespmem:s29+$0x610] =	vst v3  }
0x3e4: {  	v3 =	vld [tilespmem:s8+$0x610];
	[tilespmem:s29+$0x690] =	vst v4  }
0x3e5: {  	v4 =	vld [tilespmem:s15+$0x610];
	[tilespmem:s29+$0x7D0] =	vst v0  }
0x3e6: {  	[tilespmem:s29+$0x710] =	vst v5;
	v0 =	vld [tilespmem:s12+$0x650]  }
0x3e7: {  	v5 =	vld [tilespmem:s1+$0x610];
	[tilespmem:s29+$0x420] =	vst v1  }
0x3e8: {  	v1 =	vld [tilespmem:s30+$0x610];
	[tilespmem:s29+$0x4A0] =	vst v2  }
0x3e9: {  	[tilespmem:s29+$0x520] =	vst v3;
	v2 =	vld [tilespmem:s31+$0x610]  }
0x3ea: {  	v3 =	vld [tilespmem:s11+$0x620];
	[tilespmem:s29+$0x5A0] =	vst v4  }
0x3eb: {  	v4 =	vld [tilespmem:s10+$0x620];
	[tilespmem:s29+$0x7E0] =	vst v0  }
0x3ec: {  	[tilespmem:s29+$0x620] =	vst v5;
	v0 =	vld [tilespmem:s12+$0x660]  }
0x3ed: {  	v5 =	vld [tilespmem:s8+$0x620];
	[tilespmem:s29+$0x6A0] =	vst v1  }
0x3ee: {  	v1 =	vld [tilespmem:s1+$0x620];
	[tilespmem:s29+$0x720] =	vst v2  }
0x3ef: {  	[tilespmem:s29+$0x430] =	vst v3;
	v2 =	vld [tilespmem:s30+$0x620]  }
0x3f0: {  	[tilespmem:s29+$0x4B0] =	vst v4;
	v3 =	vld [tilespmem:s31+$0x620]  }
0x3f1: {  	[tilespmem:s29+$0x7F0] =	vst v0;
	v0 =	vld [tilespmem:s15+$0x620]  }
0x3f2: {  	v4 =	vld [tilespmem:s11+$0x630];
	[tilespmem:s29+$0x530] =	vst v5  }
0x3f3: {  	v5 =	vld [tilespmem:s10+$0x630];
	[tilespmem:s29+$0x630] =	vst v1  }
0x3f4: {  	[tilespmem:s29+$0x6B0] =	vst v2;
	v2 =	vld [tilespmem:s1+$0x630]  }
0x3f5: {  	[tilespmem:s29+$0x730] =	vst v3;
	v3 =	vld [tilespmem:s30+$0x630]  }
0x3f6: {  	[tilespmem:s29+$0x5B0] =	vst v0;
	v0 =	vld [tilespmem:s8+$0x630]  }
0x3f7: {  	[tilespmem:s29+$0x440] =	vst v4;
	v4 =	vld [tilespmem:s31+$0x630]  }
0x3f8: {  	[tilespmem:s29+$0x4C0] =	vst v5;
	v1 =	vld [tilespmem:s15+$0x630]  }
0x3f9: {  	v5 =	vld [tilespmem:s11+$0x640];
	[tilespmem:s29+$0x640] =	vst v2  }
0x3fa: {  	[tilespmem:s29+$0x6C0] =	vst v3;
	v3 =	vld [tilespmem:s1+$0x640]  }
0x3fb: {  	[tilespmem:s29+$0x540] =	vst v0;
	v0 =	vld [tilespmem:s10+$0x640]  }
0x3fc: {  	[tilespmem:s29+$0x740] =	vst v4;
	v4 =	vld [tilespmem:s30+$0x640]  }
0x3fd: {  	[tilespmem:s29+$0x5C0] =	vst v1;
	v1 =	vld [tilespmem:s8+$0x640]  }
0x3fe: {  	[tilespmem:s29+$0x450] =	vst v5;
	v2 =	vld [tilespmem:s15+$0x640]  }
0x3ff: {  	v5 =	vld [tilespmem:s11+$0x650];
	[tilespmem:s29+$0x650] =	vst v3  }
0x400: {  	[tilespmem:s29+$0x4D0] =	vst v0;
	v0 =	vld [tilespmem:s31+$0x640]  }
0x401: {  	[tilespmem:s29+$0x6D0] =	vst v4;
	v7 =	vld [tilespmem:s1+$0x650]  }
0x402: {  	[tilespmem:s29+$0x550] =	vst v1;
	v1 =	vld [tilespmem:s10+$0x650]  }
0x403: {  	[tilespmem:s29+$0x5D0] =	vst v2;
	v2 =	vld [tilespmem:s8+$0x650]  }
0x404: {  	[tilespmem:s29+$0x460] =	vst v5;
	v6 =	vld [tilespmem:s15+$0x650]  }
0x405: {  	v5 =	vld [tilespmem:s30+$0x650];
	[tilespmem:s29+$0x750] =	vst v0  }
0x406: {  	[tilespmem:s29+$0x660] =	vst v7;
	v4 =	vld [tilespmem:s31+$0x650]  }
0x407: {  	v3 =	vld [tilespmem:s11+$0x660];
	[tilespmem:s29+$0x4E0] =	vst v1  }
0x408: {  	[tilespmem:s29+$0x560] =	vst v2;
	v1 =	vld [tilespmem:s10+$0x660]  }
0x409: {  	[tilespmem:s29+$0x5E0] =	vst v6;
	v0 =	vld [tilespmem:s8+$0x660]  }
0x40a: {  	s0 =	sadd.s32 s5, s0;
	s13 =	simm.s32 $0x0;
	[tilespmem:s29+$0x6E0] =	vst v5;
	v2 =	vld [tilespmem:s15+$0x660];
	s15 =	simm.s32 $0xC  }
.LBB2_12:
0x40b: {  	s12 =	sld [smem:s15+$0x3];
	s13 =	sadd.s32 $0x8, s13;
	v5 =	vld [tilespmem:s1+$0x660];
	[tilespmem:s29+$0x760] =	vst v4  }
0x40c: {  	s3 =	sld [smem:s15+$0xFFFFFFFD];
	p1 =	slt.u32 s13, $0x48;
	[tilespmem:s29+$0x470] =	vst v3;
	v3 =	vld [tilespmem:s30+$0x660]  }
0x40d: {  	s8 =	sld [smem:s15+$0xFFFFFFFE];
	[tilespmem:s29+$0x4F0] =	vst v1;
	v1 =	vld [tilespmem:s31+$0x660]  }
0x40e: {  	s10 =	sld [smem:s15+$0xFFFFFFFF];
	v4 =	vld [tilespmem:s12+$0x570];
	[tilespmem:s29+$0x570] =	vst v0  }
0x40f: {  	v0 =	vld [tilespmem:s3+$0x570];
	s1 =	sld [smem:s15+$0x0];
	[tilespmem:s29+$0x5F0] =	vst v2  }
0x410: {  	v2 =	vld [tilespmem:s8+$0x570];
	s30 =	sld [smem:s15+$0x1];
	[tilespmem:s29+$0x670] =	vst v5  }
0x411: {  	v5 =	vld [tilespmem:s10+$0x570];
	s31 =	sld [smem:s15+$0x2];
	[tilespmem:s29+$0x6F0] =	vst v3  }
0x412: {  	s11 =	sld [smem:s15+$0xFFFFFFFC];
	v3 =	vld [tilespmem:s1+$0x570];
	[tilespmem:s29+$0x770] =	vst v1;
	s29 =	sadd.s32 $0x800, s29  }
0x413: {  	v1 =	vld [tilespmem:s30+$0x570];
	[tilespmem:s29+$0x380] =	vst v4  }
0x414: {  	[tilespmem:s29+$0x80] =	vst v0;
	v0 =	vld [tilespmem:s12+$0x580]  }
0x415: {  	v4 =	vld [tilespmem:s11+$0x570];
	[tilespmem:s29+$0x100] =	vst v2  }
0x416: {  	[tilespmem:s29+$0x180] =	vst v5;
	v2 =	vld [tilespmem:s31+$0x570]  }
0x417: {  	v5 =	vld [tilespmem:s3+$0x580];
	[tilespmem:s29+$0x200] =	vst v3  }
0x418: {  	v3 =	vld [tilespmem:s8+$0x580];
	[tilespmem:s29+$0x280] =	vst v1  }
0x419: {  	v1 =	vld [tilespmem:s10+$0x580];
	[tilespmem:s29+$0x390] =	vst v0  }
0x41a: {  	[tilespmem:s29+$0x0] =	vst v4;
	v0 =	vld [tilespmem:s12+$0x590]  }
0x41b: {  	v4 =	vld [tilespmem:s11+$0x580];
	[tilespmem:s29+$0x300] =	vst v2  }
0x41c: {  	[tilespmem:s29+$0x90] =	vst v5;
	v2 =	vld [tilespmem:s1+$0x580]  }
0x41d: {  	[tilespmem:s29+$0x110] =	vst v3;
	v3 =	vld [tilespmem:s30+$0x580]  }
0x41e: {  	[tilespmem:s29+$0x190] =	vst v1;
	v1 =	vld [tilespmem:s31+$0x580]  }
0x41f: {  	v5 =	vld [tilespmem:s3+$0x590];
	[tilespmem:s29+$0x3A0] =	vst v0  }
0x420: {  	[tilespmem:s29+$0x10] =	vst v4;
	v0 =	vld [tilespmem:s12+$0x5A0]  }
0x421: {  	v4 =	vld [tilespmem:s11+$0x590];
	[tilespmem:s29+$0x210] =	vst v2  }
0x422: {  	v2 =	vld [tilespmem:s8+$0x590];
	[tilespmem:s29+$0x290] =	vst v3  }
0x423: {  	v3 =	vld [tilespmem:s10+$0x590];
	[tilespmem:s29+$0x310] =	vst v1  }
0x424: {  	[tilespmem:s29+$0xA0] =	vst v5;
	v1 =	vld [tilespmem:s1+$0x590]  }
0x425: {  	v5 =	vld [tilespmem:s30+$0x590];
	[tilespmem:s29+$0x3B0] =	vst v0  }
0x426: {  	[tilespmem:s29+$0x20] =	vst v4;
	v0 =	vld [tilespmem:s12+$0x5B0]  }
0x427: {  	[tilespmem:s29+$0x120] =	vst v2;
	v2 =	vld [tilespmem:s31+$0x590]  }
0x428: {  	v4 =	vld [tilespmem:s11+$0x5A0];
	[tilespmem:s29+$0x1A0] =	vst v3  }
0x429: {  	v3 =	vld [tilespmem:s3+$0x5A0];
	[tilespmem:s29+$0x220] =	vst v1  }
0x42a: {  	v1 =	vld [tilespmem:s8+$0x5A0];
	[tilespmem:s29+$0x2A0] =	vst v5  }
0x42b: {  	v5 =	vld [tilespmem:s10+$0x5A0];
	[tilespmem:s29+$0x3C0] =	vst v0  }
0x42c: {  	[tilespmem:s29+$0x320] =	vst v2;
	v0 =	vld [tilespmem:s12+$0x5C0]  }
0x42d: {  	[tilespmem:s29+$0x30] =	vst v4;
	v2 =	vld [tilespmem:s1+$0x5A0]  }
0x42e: {  	[tilespmem:s29+$0xB0] =	vst v3;
	v3 =	vld [tilespmem:s30+$0x5A0]  }
0x42f: {  	[tilespmem:s29+$0x130] =	vst v1;
	v1 =	vld [tilespmem:s31+$0x5A0]  }
0x430: {  	v4 =	vld [tilespmem:s11+$0x5B0];
	[tilespmem:s29+$0x1B0] =	vst v5  }
0x431: {  	v5 =	vld [tilespmem:s3+$0x5B0];
	[tilespmem:s29+$0x3D0] =	vst v0  }
0x432: {  	[tilespmem:s29+$0x230] =	vst v2;
	v0 =	vld [tilespmem:s12+$0x5D0]  }
0x433: {  	v2 =	vld [tilespmem:s8+$0x5B0];
	[tilespmem:s29+$0x2B0] =	vst v3  }
0x434: {  	v3 =	vld [tilespmem:s10+$0x5B0];
	[tilespmem:s29+$0x330] =	vst v1  }
0x435: {  	[tilespmem:s29+$0x40] =	vst v4;
	v1 =	vld [tilespmem:s1+$0x5B0]  }
0x436: {  	[tilespmem:s29+$0xC0] =	vst v5;
	v4 =	vld [tilespmem:s30+$0x5B0]  }
0x437: {  	v5 =	vld [tilespmem:s31+$0x5B0];
	[tilespmem:s29+$0x3E0] =	vst v0  }
0x438: {  	[tilespmem:s29+$0x140] =	vst v2;
	v0 =	vld [tilespmem:s12+$0x5E0]  }
0x439: {  	v2 =	vld [tilespmem:s11+$0x5C0];
	[tilespmem:s29+$0x1C0] =	vst v3  }
0x43a: {  	v3 =	vld [tilespmem:s3+$0x5C0];
	[tilespmem:s29+$0x240] =	vst v1  }
0x43b: {  	v1 =	vld [tilespmem:s8+$0x5C0];
	[tilespmem:s29+$0x2C0] =	vst v4  }
0x43c: {  	v4 =	vld [tilespmem:s10+$0x5C0];
	[tilespmem:s29+$0x340] =	vst v5  }
0x43d: {  	v5 =	vld [tilespmem:s1+$0x5C0];
	[tilespmem:s29+$0x3F0] =	vst v0  }
0x43e: {  	[tilespmem:s29+$0x50] =	vst v2;
	v0 =	vld [tilespmem:s12+$0x5F0]  }
0x43f: {  	[tilespmem:s29+$0xD0] =	vst v3;
	v2 =	vld [tilespmem:s30+$0x5C0]  }
0x440: {  	[tilespmem:s29+$0x150] =	vst v1;
	v1 =	vld [tilespmem:s31+$0x5C0]  }
0x441: {  	v3 =	vld [tilespmem:s11+$0x5D0];
	[tilespmem:s29+$0x1D0] =	vst v4  }
0x442: {  	v4 =	vld [tilespmem:s3+$0x5D0];
	[tilespmem:s29+$0x250] =	vst v5  }
0x443: {  	v5 =	vld [tilespmem:s8+$0x5D0];
	[tilespmem:s29+$0x780] =	vst v0  }
0x444: {  	[tilespmem:s29+$0x2D0] =	vst v2;
	v0 =	vld [tilespmem:s12+$0x600]  }
0x445: {  	v2 =	vld [tilespmem:s10+$0x5D0];
	[tilespmem:s29+$0x350] =	vst v1  }
0x446: {  	[tilespmem:s29+$0x60] =	vst v3;
	v1 =	vld [tilespmem:s1+$0x5D0]  }
0x447: {  	[tilespmem:s29+$0xE0] =	vst v4;
	v3 =	vld [tilespmem:s30+$0x5D0]  }
0x448: {  	[tilespmem:s29+$0x160] =	vst v5;
	v4 =	vld [tilespmem:s31+$0x5D0]  }
0x449: {  	v5 =	vld [tilespmem:s11+$0x5E0];
	[tilespmem:s29+$0x790] =	vst v0  }
0x44a: {  	[tilespmem:s29+$0x1E0] =	vst v2;
	v0 =	vld [tilespmem:s12+$0x610]  }
0x44b: {  	v2 =	vld [tilespmem:s3+$0x5E0];
	[tilespmem:s29+$0x260] =	vst v1  }
0x44c: {  	v1 =	vld [tilespmem:s8+$0x5E0];
	[tilespmem:s29+$0x2E0] =	vst v3  }
0x44d: {  	v3 =	vld [tilespmem:s10+$0x5E0];
	[tilespmem:s29+$0x360] =	vst v4  }
0x44e: {  	[tilespmem:s29+$0x70] =	vst v5;
	v4 =	vld [tilespmem:s1+$0x5E0]  }
0x44f: {  	v5 =	vld [tilespmem:s30+$0x5E0];
	[tilespmem:s29+$0x7A0] =	vst v0  }
0x450: {  	[tilespmem:s29+$0xF0] =	vst v2;
	v0 =	vld [tilespmem:s12+$0x620]  }
0x451: {  	[tilespmem:s29+$0x170] =	vst v1;
	v1 =	vld [tilespmem:s31+$0x5E0]  }
0x452: {  	v2 =	vld [tilespmem:s11+$0x5F0];
	[tilespmem:s29+$0x1F0] =	vst v3  }
0x453: {  	v3 =	vld [tilespmem:s3+$0x5F0];
	[tilespmem:s29+$0x270] =	vst v4  }
0x454: {  	v4 =	vld [tilespmem:s8+$0x5F0];
	[tilespmem:s29+$0x2F0] =	vst v5  }
0x455: {  	v5 =	vld [tilespmem:s10+$0x5F0];
	[tilespmem:s29+$0x7B0] =	vst v0  }
0x456: {  	[tilespmem:s29+$0x370] =	vst v1;
	v0 =	vld [tilespmem:s12+$0x630]  }
0x457: {  	[tilespmem:s29+$0x400] =	vst v2;
	v1 =	vld [tilespmem:s1+$0x5F0]  }
0x458: {  	[tilespmem:s29+$0x480] =	vst v3;
	v2 =	vld [tilespmem:s30+$0x5F0]  }
0x459: {  	[tilespmem:s29+$0x500] =	vst v4;
	v3 =	vld [tilespmem:s31+$0x5F0]  }
0x45a: {  	v4 =	vld [tilespmem:s11+$0x600];
	[tilespmem:s29+$0x580] =	vst v5  }
0x45b: {  	v5 =	vld [tilespmem:s3+$0x600];
	[tilespmem:s29+$0x7C0] =	vst v0  }
0x45c: {  	[tilespmem:s29+$0x600] =	vst v1;
	v0 =	vld [tilespmem:s12+$0x640]  }
0x45d: {  	v1 =	vld [tilespmem:s8+$0x600];
	[tilespmem:s29+$0x680] =	vst v2  }
0x45e: {  	v2 =	vld [tilespmem:s10+$0x600];
	[tilespmem:s29+$0x700] =	vst v3  }
0x45f: {  	[tilespmem:s29+$0x410] =	vst v4;
	v3 =	vld [tilespmem:s1+$0x600]  }
0x460: {  	[tilespmem:s29+$0x490] =	vst v5;
	v4 =	vld [tilespmem:s30+$0x600]  }
0x461: {  	v5 =	vld [tilespmem:s31+$0x600];
	[tilespmem:s29+$0x7D0] =	vst v0  }
0x462: {  	[tilespmem:s29+$0x510] =	vst v1;
	v0 =	vld [tilespmem:s12+$0x650]  }
0x463: {  	v1 =	vld [tilespmem:s11+$0x610];
	[tilespmem:s29+$0x590] =	vst v2  }
0x464: {  	v2 =	vld [tilespmem:s3+$0x610];
	[tilespmem:s29+$0x610] =	vst v3  }
0x465: {  	v3 =	vld [tilespmem:s8+$0x610];
	[tilespmem:s29+$0x690] =	vst v4  }
0x466: {  	v4 =	vld [tilespmem:s10+$0x610];
	[tilespmem:s29+$0x710] =	vst v5  }
0x467: {  	v5 =	vld [tilespmem:s1+$0x610];
	[tilespmem:s29+$0x7E0] =	vst v0  }
0x468: {  	[tilespmem:s29+$0x420] =	vst v1;
	v0 =	vld [tilespmem:s12+$0x660]  }
0x469: {  	[tilespmem:s29+$0x4A0] =	vst v2;
	v1 =	vld [tilespmem:s30+$0x610]  }
0x46a: {  	[tilespmem:s29+$0x520] =	vst v3;
	v2 =	vld [tilespmem:s31+$0x610]  }
0x46b: {  	v3 =	vld [tilespmem:s11+$0x620];
	[tilespmem:s29+$0x5A0] =	vst v4  }
0x46c: {  	v4 =	vld [tilespmem:s3+$0x620];
	[tilespmem:s29+$0x620] =	vst v5  }
0x46d: {  	v5 =	vld [tilespmem:s8+$0x620];
	[tilespmem:s29+$0x7F0] =	vst v0  }
0x46e: {  	v0 =	vld [tilespmem:s10+$0x620];
	[tilespmem:s29+$0x6A0] =	vst v1  }
0x46f: {  	v1 =	vld [tilespmem:s1+$0x620];
	[tilespmem:s29+$0x720] =	vst v2  }
0x470: {  	[tilespmem:s29+$0x430] =	vst v3;
	v2 =	vld [tilespmem:s30+$0x620]  }
0x471: {  	[tilespmem:s29+$0x4B0] =	vst v4;
	v3 =	vld [tilespmem:s31+$0x620]  }
0x472: {  	v4 =	vld [tilespmem:s11+$0x630];
	[tilespmem:s29+$0x530] =	vst v5  }
0x473: {  	v5 =	vld [tilespmem:s3+$0x630];
	[tilespmem:s29+$0x5B0] =	vst v0  }
0x474: {  	v0 =	vld [tilespmem:s8+$0x630];
	[tilespmem:s29+$0x630] =	vst v1  }
0x475: {  	v1 =	vld [tilespmem:s10+$0x630];
	[tilespmem:s29+$0x6B0] =	vst v2  }
0x476: {  	v2 =	vld [tilespmem:s1+$0x630];
	[tilespmem:s29+$0x730] =	vst v3  }
0x477: {  	[tilespmem:s29+$0x440] =	vst v4;
	v3 =	vld [tilespmem:s30+$0x630]  }
0x478: {  	[tilespmem:s29+$0x4C0] =	vst v5;
	v4 =	vld [tilespmem:s31+$0x630]  }
0x479: {  	v5 =	vld [tilespmem:s11+$0x640];
	[tilespmem:s29+$0x540] =	vst v0  }
0x47a: {  	v0 =	vld [tilespmem:s3+$0x640];
	[tilespmem:s29+$0x5C0] =	vst v1  }
0x47b: {  	v1 =	vld [tilespmem:s8+$0x640];
	[tilespmem:s29+$0x640] =	vst v2  }
0x47c: {  	v2 =	vld [tilespmem:s10+$0x640];
	[tilespmem:s29+$0x6C0] =	vst v3  }
0x47d: {  	v3 =	vld [tilespmem:s1+$0x640];
	[tilespmem:s29+$0x740] =	vst v4  }
0x47e: {  	[tilespmem:s29+$0x450] =	vst v5;
	v4 =	vld [tilespmem:s30+$0x640]  }
0x47f: {  	[tilespmem:s29+$0x4D0] =	vst v0;
	v0 =	vld [tilespmem:s31+$0x640]  }
0x480: {  	v5 =	vld [tilespmem:s11+$0x650];
	[tilespmem:s29+$0x550] =	vst v1  }
0x481: {  	v1 =	vld [tilespmem:s3+$0x650];
	[tilespmem:s29+$0x5D0] =	vst v2  }
0x482: {  	v2 =	vld [tilespmem:s8+$0x650];
	[tilespmem:s29+$0x650] =	vst v3  }
0x483: {  	v6 =	vld [tilespmem:s10+$0x650];
	[tilespmem:s29+$0x6D0] =	vst v4  }
0x484: {  	v7 =	vld [tilespmem:s1+$0x650];
	[tilespmem:s29+$0x750] =	vst v0  }
0x485: {  	[tilespmem:s29+$0x460] =	vst v5;
	v5 =	vld [tilespmem:s30+$0x650]  }
.Ltmp9:
0x486: {  	[tilespmem:s29+$0x4E0] =	vst v1;
	v4 =	vld [tilespmem:s31+$0x650];
	(pc) =	sbr.rel @p1 .LBB2_12-.Ltmp9, $4  }
0x487: {  	v3 =	vld [tilespmem:s11+$0x660];
	[tilespmem:s29+$0x560] =	vst v2  }
0x488: {  	v1 =	vld [tilespmem:s3+$0x660];
	[tilespmem:s29+$0x5E0] =	vst v6  }
0x489: {  	v0 =	vld [tilespmem:s8+$0x660];
	[tilespmem:s29+$0x660] =	vst v7  }
0x48a: {  	s15 =	sadd.s32 $0x8, s15;
	v2 =	vld [tilespmem:s10+$0x660];
	[tilespmem:s29+$0x6E0] =	vst v5  }
0x48b: {  	v5 =	vld [tilespmem:s1+$0x660];
	[tilespmem:s29+$0x760] =	vst v4  }
0x48c: {  	v62 =	vld [tilespmem:s30+$0x660];
	[tilespmem:s29+$0x470] =	vst v3  }
0x48d: {  	v63 =	vld [tilespmem:s31+$0x660];
	[tilespmem:s29+$0x4F0] =	vst v1  }
0x48e: {  	[tilespmem:s29+$0x570] =	vst v0  }
0x48f: {  	[tilespmem:s29+$0x5F0] =	vst v2  }
0x490: {  	s0 =	smul.u32 $0xA00, s0;
	[tilespmem:s29+$0x670] =	vst v5  }
0x491: {  	[tilespmem:s29+$0x6F0] =	vst v62  }
0x492: {  	s0 =	sadd.s32 s2, s0;
	[tilespmem:s29+$0x770] =	vst v63  }
0x493: {  	[hbm4b:s0+s4] =	stream.linear.scatter [tilespmem:s19], [sflag:$0x4], $0x5000, $0x38;
	[tilespmem:$0x1B470] =	vst v63  }
.LBB2_14:
0x494: {  	s0 =	sor.u32 $0x3, s28  }
0x495: {  	p1 =	sge.u32 s0, s6  }
.Ltmp10:
0x496: {  	_ = 	snop;
	(pc) =	sbr.rel @p1 .LBB2_18-.Ltmp10, $1  }
0x497: {  	_ =	sdelay $0x3  }
0x498: {  	s1 =	simm.s32 @!p0 $0x5  }
0x499: {  	s3 =	sadd.s32 s7, s0;
	_ =	swait.ge @!p0 [sflag:s1], $0x5000  }
0x49a: {  	s3 =	sshll.u32 s3, $0x7;
	[sflag:s1] =	ssyncset.done @!p0 $0x0  }
0x49b: {  	[sflag:s1] =	ssyncadd.s32 @!p0 $0xFFFFB000;
	s1 =	sand.u32 $0x3FFFFF80, s3  }
0x49c: {  	v0 =	vld [tilespmem:s1+$0x5C70];
	_ =	sdelay $0x4  }
0x49d: {  	v0 =	vshll.u32 v0, $0x8  }
0x49e: {  	(v2sf) =	vpush v0, $0x0  }
0x49f: {  	(v2sf) =	vpush v0, $0x1  }
0x4a0: {  	(v2sf) =	vpush v0, $0x2  }
0x4a1: {  	(v2sf) =	vpush v0, $0x3  }
0x4a2: {  	(v2sf) =	vpush v0, $0x4  }
0x4a3: {  	(v2sf) =	vpush v0, $0x5  }
0x4a4: {  	(v2sf) =	vpush v0, $0x6  }
0x4a5: {  	(v2sf) =	vpush v0, $0x7  }
0x4a6: {  	(v2sf) =	vpush v0, $0x8  }
0x4a7: {  	(v2sf) =	vpush v0, $0x9  }
0x4a8: {  	v1 =	vld [tilespmem:s1+$0x5C80];
	(v2sf) =	vpush v0, $0xA  }
0x4a9: {  	(v2sf) =	vpush v0, $0xB  }
0x4aa: {  	(v2sf) =	vpush v0, $0xC  }
0x4ab: {  	(v2sf) =	vpush v0, $0xD  }
0x4ac: {  	(v2sf) =	vpush v0, $0xE  }
0x4ad: {  	s15 =	spop (v2sf);
	(v2sf) =	vpush v0, $0xF;
	v0 =	vshll.u32 v1, $0x8  }
0x4ae: {  	[smem:$0x0] =	sst s15;
	s31 =	spop (v2sf);
	(v2sf) =	vpush v0, $0x0  }
0x4af: {  	[smem:$0x1] =	sst s31;
	s8 =	spop (v2sf);
	(v2sf) =	vpush v0, $0x1  }
0x4b0: {  	[smem:$0x2] =	sst s8;
	s10 =	spop (v2sf);
	(v2sf) =	vpush v0, $0x2  }
0x4b1: {  	[smem:$0x3] =	sst s10;
	s11 =	spop (v2sf);
	(v2sf) =	vpush v0, $0x3  }
0x4b2: {  	[smem:$0x4] =	sst s11;
	s12 =	spop (v2sf);
	(v2sf) =	vpush v0, $0x4  }
0x4b3: {  	[smem:$0x5] =	sst s12;
	s13 =	spop (v2sf);
	(v2sf) =	vpush v0, $0x5  }
0x4b4: {  	[smem:$0x6] =	sst s13;
	s15 =	spop (v2sf);
	(v2sf) =	vpush v0, $0x6  }
0x4b5: {  	[smem:$0x7] =	sst s15;
	s31 =	spop (v2sf);
	(v2sf) =	vpush v0, $0x7  }
0x4b6: {  	[smem:$0x8] =	sst s31;
	s8 =	spop (v2sf);
	(v2sf) =	vpush v0, $0x8  }
0x4b7: {  	[smem:$0x9] =	sst s8;
	s10 =	spop (v2sf);
	(v2sf) =	vpush v0, $0x9  }
0x4b8: {  	v1 =	vld [tilespmem:s1+$0x5C90];
	[smem:$0xA] =	sst s10;
	s11 =	spop (v2sf);
	(v2sf) =	vpush v0, $0xA  }
0x4b9: {  	[smem:$0xB] =	sst s11;
	s12 =	spop (v2sf);
	(v2sf) =	vpush v0, $0xB  }
0x4ba: {  	[smem:$0xC] =	sst s12;
	s13 =	spop (v2sf);
	(v2sf) =	vpush v0, $0xC  }
0x4bb: {  	[smem:$0xD] =	sst s13;
	s15 =	spop (v2sf);
	(v2sf) =	vpush v0, $0xD  }
0x4bc: {  	[smem:$0xE] =	sst s15;
	s31 =	spop (v2sf);
	(v2sf) =	vpush v0, $0xE  }
0x4bd: {  	[smem:$0xF] =	sst s31;
	s8 =	spop (v2sf);
	(v2sf) =	vpush v0, $0xF;
	v0 =	vshll.u32 v1, $0x8  }
0x4be: {  	[smem:$0x10] =	sst s8;
	s10 =	spop (v2sf);
	(v2sf) =	vpush v0, $0x0  }
0x4bf: {  	[smem:$0x11] =	sst s10;
	s11 =	spop (v2sf);
	(v2sf) =	vpush v0, $0x1  }
0x4c0: {  	[smem:$0x12] =	sst s11;
	s12 =	spop (v2sf);
	(v2sf) =	vpush v0, $0x2  }
0x4c1: {  	[smem:$0x13] =	sst s12;
	s13 =	spop (v2sf);
	(v2sf) =	vpush v0, $0x3  }
0x4c2: {  	[smem:$0x14] =	sst s13;
	s15 =	spop (v2sf);
	(v2sf) =	vpush v0, $0x4  }
0x4c3: {  	[smem:$0x15] =	sst s15;
	s31 =	spop (v2sf);
	(v2sf) =	vpush v0, $0x5  }
0x4c4: {  	[smem:$0x16] =	sst s31;
	s8 =	spop (v2sf);
	(v2sf) =	vpush v0, $0x6  }
0x4c5: {  	[smem:$0x17] =	sst s8;
	s10 =	spop (v2sf);
	(v2sf) =	vpush v0, $0x7  }
0x4c6: {  	[smem:$0x18] =	sst s10;
	s11 =	spop (v2sf);
	(v2sf) =	vpush v0, $0x8  }
0x4c7: {  	[smem:$0x19] =	sst s11;
	s12 =	spop (v2sf);
	(v2sf) =	vpush v0, $0x9  }
0x4c8: {  	v1 =	vld [tilespmem:s1+$0x5CA0];
	[smem:$0x1A] =	sst s12;
	s13 =	spop (v2sf);
	(v2sf) =	vpush v0, $0xA  }
0x4c9: {  	[smem:$0x1B] =	sst s13;
	s15 =	spop (v2sf);
	(v2sf) =	vpush v0, $0xB  }
0x4ca: {  	[smem:$0x1C] =	sst s15;
	s31 =	spop (v2sf);
	(v2sf) =	vpush v0, $0xC  }
0x4cb: {  	[smem:$0x1D] =	sst s31;
	s8 =	spop (v2sf);
	(v2sf) =	vpush v0, $0xD  }
0x4cc: {  	[smem:$0x1E] =	sst s8;
	s10 =	spop (v2sf);
	(v2sf) =	vpush v0, $0xE  }
0x4cd: {  	[smem:$0x1F] =	sst s10;
	s11 =	spop (v2sf);
	(v2sf) =	vpush v0, $0xF;
	v0 =	vshll.u32 v1, $0x8  }
0x4ce: {  	[smem:$0x20] =	sst s11;
	s12 =	spop (v2sf);
	(v2sf) =	vpush v0, $0x0  }
0x4cf: {  	[smem:$0x21] =	sst s12;
	s13 =	spop (v2sf);
	(v2sf) =	vpush v0, $0x1  }
0x4d0: {  	[smem:$0x22] =	sst s13;
	s15 =	spop (v2sf);
	(v2sf) =	vpush v0, $0x2  }
0x4d1: {  	[smem:$0x23] =	sst s15;
	s31 =	spop (v2sf);
	(v2sf) =	vpush v0, $0x3  }
0x4d2: {  	[smem:$0x24] =	sst s31;
	s8 =	spop (v2sf);
	(v2sf) =	vpush v0, $0x4  }
0x4d3: {  	[smem:$0x25] =	sst s8;
	s10 =	spop (v2sf);
	(v2sf) =	vpush v0, $0x5  }
0x4d4: {  	[smem:$0x26] =	sst s10;
	s11 =	spop (v2sf);
	(v2sf) =	vpush v0, $0x6  }
0x4d5: {  	[smem:$0x27] =	sst s11;
	s12 =	spop (v2sf);
	(v2sf) =	vpush v0, $0x7  }
0x4d6: {  	[smem:$0x28] =	sst s12;
	s13 =	spop (v2sf);
	(v2sf) =	vpush v0, $0x8  }
0x4d7: {  	[smem:$0x29] =	sst s13;
	s15 =	spop (v2sf);
	(v2sf) =	vpush v0, $0x9  }
0x4d8: {  	v1 =	vld [tilespmem:s1+$0x5CB0];
	[smem:$0x2A] =	sst s15;
	s31 =	spop (v2sf);
	(v2sf) =	vpush v0, $0xA  }
0x4d9: {  	[smem:$0x2B] =	sst s31;
	s8 =	spop (v2sf);
	(v2sf) =	vpush v0, $0xB  }
0x4da: {  	[smem:$0x2C] =	sst s8;
	s10 =	spop (v2sf);
	(v2sf) =	vpush v0, $0xC  }
0x4db: {  	[smem:$0x2D] =	sst s10;
	s11 =	spop (v2sf);
	(v2sf) =	vpush v0, $0xD  }
0x4dc: {  	[smem:$0x2E] =	sst s11;
	s12 =	spop (v2sf);
	(v2sf) =	vpush v0, $0xE  }
0x4dd: {  	[smem:$0x2F] =	sst s12;
	s13 =	spop (v2sf);
	(v2sf) =	vpush v0, $0xF;
	v0 =	vshll.u32 v1, $0x8  }
0x4de: {  	[smem:$0x30] =	sst s13;
	s15 =	spop (v2sf);
	(v2sf) =	vpush v0, $0x0  }
0x4df: {  	[smem:$0x31] =	sst s15;
	s31 =	spop (v2sf);
	(v2sf) =	vpush v0, $0x1  }
0x4e0: {  	[smem:$0x32] =	sst s31;
	s3 =	spop (v2sf);
	(v2sf) =	vpush v0, $0x2  }
0x4e1: {  	[smem:$0x33] =	sst s3;
	s8 =	spop (v2sf);
	(v2sf) =	vpush v0, $0x3  }
0x4e2: {  	[smem:$0x34] =	sst s8;
	s10 =	spop (v2sf);
	(v2sf) =	vpush v0, $0x4  }
0x4e3: {  	[smem:$0x35] =	sst s10;
	s11 =	spop (v2sf);
	(v2sf) =	vpush v0, $0x5  }
0x4e4: {  	[smem:$0x36] =	sst s11;
	s12 =	spop (v2sf);
	(v2sf) =	vpush v0, $0x6  }
0x4e5: {  	[smem:$0x37] =	sst s12;
	s13 =	spop (v2sf);
	(v2sf) =	vpush v0, $0x7  }
0x4e6: {  	[smem:$0x38] =	sst s13;
	s15 =	spop (v2sf);
	(v2sf) =	vpush v0, $0x8  }
0x4e7: {  	[smem:$0x39] =	sst s15;
	s31 =	spop (v2sf);
	(v2sf) =	vpush v0, $0x9  }
0x4e8: {  	[smem:$0x3A] =	sst s31;
	s3 =	spop (v2sf);
	(v2sf) =	vpush v0, $0xA  }
0x4e9: {  	[smem:$0x3B] =	sst s3;
	s8 =	spop (v2sf);
	(v2sf) =	vpush v0, $0xB  }
0x4ea: {  	[smem:$0x3C] =	sst s8;
	s10 =	spop (v2sf);
	(v2sf) =	vpush v0, $0xC  }
0x4eb: {  	[smem:$0x3D] =	sst s10;
	s11 =	spop (v2sf);
	(v2sf) =	vpush v0, $0xD  }
0x4ec: {  	[smem:$0x3E] =	sst s11;
	s12 =	spop (v2sf);
	(v2sf) =	vpush v0, $0xE  }
0x4ed: {  	[smem:$0x3F] =	sst s12;
	s13 =	spop (v2sf);
	(v2sf) =	vpush v0, $0xF  }
0x4ee: {  	s15 =	spop (v2sf);
	[smem:$0x40] =	sst s13  }
0x4ef: {  	s31 =	spop (v2sf);
	[smem:$0x41] =	sst s15  }
0x4f0: {  	s8 =	spop (v2sf);
	[smem:$0x42] =	sst s31  }
0x4f1: {  	s10 =	spop (v2sf);
	[smem:$0x43] =	sst s8  }
0x4f2: {  	s11 =	spop (v2sf);
	[smem:$0x44] =	sst s10  }
0x4f3: {  	s12 =	spop (v2sf);
	[smem:$0x45] =	sst s11  }
0x4f4: {  	s13 =	spop (v2sf);
	[smem:$0x46] =	sst s12  }
0x4f5: {  	s15 =	spop (v2sf);
	[smem:$0x47] =	sst s13  }
0x4f6: {  	s31 =	spop (v2sf);
	[smem:$0x48] =	sst s15  }
0x4f7: {  	s8 =	spop (v2sf);
	[smem:$0x49] =	sst s31  }
0x4f8: {  	s10 =	spop (v2sf);
	[smem:$0x4A] =	sst s8  }
0x4f9: {  	s11 =	spop (v2sf);
	[smem:$0x4B] =	sst s10  }
0x4fa: {  	s12 =	spop (v2sf);
	[smem:$0x4C] =	sst s11  }
0x4fb: {  	s13 =	spop (v2sf);
	[smem:$0x4D] =	sst s12  }
0x4fc: {  	[smem:$0x4E] =	sst s13;
	s15 =	spop (v2sf)  }
0x4fd: {  	[smem:$0x4F] =	sst s15  }
0x4fe: {  	s12 =	sld [smem:$0x7]  }
0x4ff: {  	s10 =	sld [smem:$0x1]  }
0x500: {  	s8 =	sld [smem:$0x2]  }
0x501: {  	s31 =	sld [smem:$0x3];
	v0 =	vld [tilespmem:s12+$0x570]  }
0x502: {  	v1 =	vld [tilespmem:s10+$0x570];
	s1 =	sld [smem:$0x4]  }
0x503: {  	v2 =	vld [tilespmem:s8+$0x570];
	s29 =	sld [smem:$0x5]  }
0x504: {  	v3 =	vld [tilespmem:s31+$0x570];
	s30 =	sld [smem:$0x6]  }
0x505: {  	s28 =	simm.s32 $0x16470;
	s11 =	sld [smem:$0x0];
	v4 =	vld [tilespmem:s1+$0x570]  }
0x506: {  	v5 =	vld [tilespmem:s29+$0x570];
	[tilespmem:s28+$0x380] =	vst v0  }
0x507: {  	[tilespmem:s28+$0x80] =	vst v1;
	v0 =	vld [tilespmem:s12+$0x580]  }
0x508: {  	v1 =	vld [tilespmem:s11+$0x570];
	[tilespmem:s28+$0x100] =	vst v2  }
0x509: {  	v2 =	vld [tilespmem:s30+$0x570];
	[tilespmem:s28+$0x180] =	vst v3  }
0x50a: {  	v3 =	vld [tilespmem:s10+$0x580];
	[tilespmem:s28+$0x200] =	vst v4  }
0x50b: {  	v4 =	vld [tilespmem:s8+$0x580];
	[tilespmem:s28+$0x280] =	vst v5  }
0x50c: {  	v5 =	vld [tilespmem:s31+$0x580];
	[tilespmem:s28+$0x390] =	vst v0  }
0x50d: {  	[tilespmem:s28+$0x0] =	vst v1;
	v0 =	vld [tilespmem:s12+$0x590]  }
0x50e: {  	[tilespmem:s28+$0x300] =	vst v2;
	v2 =	vld [tilespmem:s1+$0x580]  }
0x50f: {  	v1 =	vld [tilespmem:s11+$0x580];
	[tilespmem:s28+$0x90] =	vst v3  }
0x510: {  	v3 =	vld [tilespmem:s29+$0x580];
	[tilespmem:s28+$0x110] =	vst v4  }
0x511: {  	v4 =	vld [tilespmem:s30+$0x580];
	[tilespmem:s28+$0x190] =	vst v5  }
0x512: {  	v5 =	vld [tilespmem:s10+$0x590];
	[tilespmem:s28+$0x3A0] =	vst v0  }
0x513: {  	[tilespmem:s28+$0x210] =	vst v2;
	v0 =	vld [tilespmem:s12+$0x5A0]  }
0x514: {  	v2 =	vld [tilespmem:s8+$0x590];
	[tilespmem:s28+$0x10] =	vst v1  }
0x515: {  	[tilespmem:s28+$0x290] =	vst v3;
	v1 =	vld [tilespmem:s11+$0x590]  }
0x516: {  	v3 =	vld [tilespmem:s31+$0x590];
	[tilespmem:s28+$0x310] =	vst v4  }
0x517: {  	v4 =	vld [tilespmem:s1+$0x590];
	[tilespmem:s28+$0xA0] =	vst v5  }
0x518: {  	v5 =	vld [tilespmem:s29+$0x590];
	[tilespmem:s28+$0x3B0] =	vst v0  }
0x519: {  	[tilespmem:s28+$0x120] =	vst v2;
	v0 =	vld [tilespmem:s12+$0x5B0]  }
0x51a: {  	[tilespmem:s28+$0x20] =	vst v1;
	v1 =	vld [tilespmem:s30+$0x590]  }
0x51b: {  	[tilespmem:s28+$0x1A0] =	vst v3;
	v3 =	vld [tilespmem:s10+$0x5A0]  }
0x51c: {  	[tilespmem:s28+$0x220] =	vst v4;
	v2 =	vld [tilespmem:s11+$0x5A0]  }
0x51d: {  	v4 =	vld [tilespmem:s8+$0x5A0];
	[tilespmem:s28+$0x2A0] =	vst v5  }
0x51e: {  	v5 =	vld [tilespmem:s31+$0x5A0];
	[tilespmem:s28+$0x3C0] =	vst v0  }
0x51f: {  	[tilespmem:s28+$0x320] =	vst v1;
	v1 =	vld [tilespmem:s1+$0x5A0]  }
0x520: {  	[tilespmem:s28+$0xB0] =	vst v3;
	v0 =	vld [tilespmem:s12+$0x5C0]  }
0x521: {  	[tilespmem:s28+$0x30] =	vst v2;
	v2 =	vld [tilespmem:s29+$0x5A0]  }
0x522: {  	[tilespmem:s28+$0x130] =	vst v4;
	v3 =	vld [tilespmem:s30+$0x5A0]  }
0x523: {  	[tilespmem:s28+$0x1B0] =	vst v5;
	v5 =	vld [tilespmem:s10+$0x5B0]  }
0x524: {  	v4 =	vld [tilespmem:s11+$0x5B0];
	[tilespmem:s28+$0x230] =	vst v1  }
0x525: {  	v1 =	vld [tilespmem:s8+$0x5B0];
	[tilespmem:s28+$0x3D0] =	vst v0  }
0x526: {  	[tilespmem:s28+$0x2B0] =	vst v2;
	v2 =	vld [tilespmem:s31+$0x5B0]  }
0x527: {  	[tilespmem:s28+$0x330] =	vst v3;
	v3 =	vld [tilespmem:s1+$0x5B0]  }
0x528: {  	[tilespmem:s28+$0xC0] =	vst v5;
	v0 =	vld [tilespmem:s12+$0x5D0]  }
0x529: {  	[tilespmem:s28+$0x40] =	vst v4;
	v4 =	vld [tilespmem:s29+$0x5B0]  }
0x52a: {  	v5 =	vld [tilespmem:s30+$0x5B0];
	[tilespmem:s28+$0x140] =	vst v1  }
0x52b: {  	v1 =	vld [tilespmem:s11+$0x5C0];
	[tilespmem:s28+$0x1C0] =	vst v2  }
0x52c: {  	v2 =	vld [tilespmem:s10+$0x5C0];
	[tilespmem:s28+$0x240] =	vst v3  }
0x52d: {  	v3 =	vld [tilespmem:s8+$0x5C0];
	[tilespmem:s28+$0x3E0] =	vst v0  }
0x52e: {  	[tilespmem:s28+$0x2C0] =	vst v4;
	v4 =	vld [tilespmem:s31+$0x5C0]  }
0x52f: {  	[tilespmem:s28+$0x340] =	vst v5;
	v0 =	vld [tilespmem:s12+$0x5E0]  }
0x530: {  	v5 =	vld [tilespmem:s1+$0x5C0];
	[tilespmem:s28+$0x50] =	vst v1  }
0x531: {  	v1 =	vld [tilespmem:s29+$0x5C0];
	[tilespmem:s28+$0xD0] =	vst v2  }
0x532: {  	[tilespmem:s28+$0x150] =	vst v3;
	v2 =	vld [tilespmem:s30+$0x5C0]  }
0x533: {  	v3 =	vld [tilespmem:s11+$0x5D0];
	[tilespmem:s28+$0x1D0] =	vst v4  }
0x534: {  	v4 =	vld [tilespmem:s10+$0x5D0];
	[tilespmem:s28+$0x3F0] =	vst v0  }
0x535: {  	[tilespmem:s28+$0x250] =	vst v5;
	v0 =	vld [tilespmem:s12+$0x5F0]  }
0x536: {  	v5 =	vld [tilespmem:s8+$0x5D0];
	[tilespmem:s28+$0x2D0] =	vst v1  }
0x537: {  	v1 =	vld [tilespmem:s31+$0x5D0];
	[tilespmem:s28+$0x350] =	vst v2  }
0x538: {  	[tilespmem:s28+$0x60] =	vst v3;
	v2 =	vld [tilespmem:s1+$0x5D0]  }
0x539: {  	v3 =	vld [tilespmem:s29+$0x5D0];
	[tilespmem:s28+$0xE0] =	vst v4  }
0x53a: {  	v4 =	vld [tilespmem:s30+$0x5D0];
	[tilespmem:s28+$0x780] =	vst v0  }
0x53b: {  	[tilespmem:s28+$0x160] =	vst v5;
	v0 =	vld [tilespmem:s12+$0x600]  }
0x53c: {  	v5 =	vld [tilespmem:s11+$0x5E0];
	[tilespmem:s28+$0x1E0] =	vst v1  }
0x53d: {  	v1 =	vld [tilespmem:s10+$0x5E0];
	[tilespmem:s28+$0x260] =	vst v2  }
0x53e: {  	v2 =	vld [tilespmem:s8+$0x5E0];
	[tilespmem:s28+$0x2E0] =	vst v3  }
0x53f: {  	v3 =	vld [tilespmem:s31+$0x5E0];
	[tilespmem:s28+$0x360] =	vst v4  }
0x540: {  	v4 =	vld [tilespmem:s1+$0x5E0];
	[tilespmem:s28+$0x790] =	vst v0  }
0x541: {  	[tilespmem:s28+$0x70] =	vst v5;
	v0 =	vld [tilespmem:s12+$0x610]  }
0x542: {  	v5 =	vld [tilespmem:s29+$0x5E0];
	[tilespmem:s28+$0xF0] =	vst v1  }
0x543: {  	v1 =	vld [tilespmem:s30+$0x5E0];
	[tilespmem:s28+$0x170] =	vst v2  }
0x544: {  	v2 =	vld [tilespmem:s11+$0x5F0];
	[tilespmem:s28+$0x1F0] =	vst v3  }
0x545: {  	v3 =	vld [tilespmem:s10+$0x5F0];
	[tilespmem:s28+$0x270] =	vst v4  }
0x546: {  	v4 =	vld [tilespmem:s8+$0x5F0];
	[tilespmem:s28+$0x7A0] =	vst v0  }
0x547: {  	[tilespmem:s28+$0x2F0] =	vst v5;
	v0 =	vld [tilespmem:s12+$0x620]  }
0x548: {  	v5 =	vld [tilespmem:s31+$0x5F0];
	[tilespmem:s28+$0x370] =	vst v1  }
0x549: {  	v1 =	vld [tilespmem:s1+$0x5F0];
	[tilespmem:s28+$0x400] =	vst v2  }
0x54a: {  	[tilespmem:s28+$0x480] =	vst v3;
	v2 =	vld [tilespmem:s29+$0x5F0]  }
0x54b: {  	v3 =	vld [tilespmem:s30+$0x5F0];
	[tilespmem:s28+$0x500] =	vst v4  }
0x54c: {  	v4 =	vld [tilespmem:s11+$0x600];
	[tilespmem:s28+$0x7B0] =	vst v0  }
0x54d: {  	[tilespmem:s28+$0x580] =	vst v5;
	v0 =	vld [tilespmem:s12+$0x630]  }
0x54e: {  	v5 =	vld [tilespmem:s10+$0x600];
	[tilespmem:s28+$0x600] =	vst v1  }
0x54f: {  	v1 =	vld [tilespmem:s8+$0x600];
	[tilespmem:s28+$0x680] =	vst v2  }
0x550: {  	v2 =	vld [tilespmem:s31+$0x600];
	[tilespmem:s28+$0x700] =	vst v3  }
0x551: {  	v3 =	vld [tilespmem:s1+$0x600];
	[tilespmem:s28+$0x410] =	vst v4  }
0x552: {  	v4 =	vld [tilespmem:s29+$0x600];
	[tilespmem:s28+$0x7C0] =	vst v0  }
0x553: {  	[tilespmem:s28+$0x490] =	vst v5;
	v0 =	vld [tilespmem:s12+$0x640]  }
0x554: {  	v5 =	vld [tilespmem:s30+$0x600];
	[tilespmem:s28+$0x510] =	vst v1  }
0x555: {  	v1 =	vld [tilespmem:s11+$0x610];
	[tilespmem:s28+$0x590] =	vst v2  }
0x556: {  	v2 =	vld [tilespmem:s10+$0x610];
	[tilespmem:s28+$0x610] =	vst v3  }
0x557: {  	v3 =	vld [tilespmem:s8+$0x610];
	[tilespmem:s28+$0x690] =	vst v4  }
0x558: {  	v4 =	vld [tilespmem:s31+$0x610];
	[tilespmem:s28+$0x7D0] =	vst v0  }
0x559: {  	[tilespmem:s28+$0x710] =	vst v5;
	v0 =	vld [tilespmem:s12+$0x650]  }
0x55a: {  	v5 =	vld [tilespmem:s1+$0x610];
	[tilespmem:s28+$0x420] =	vst v1  }
0x55b: {  	v1 =	vld [tilespmem:s29+$0x610];
	[tilespmem:s28+$0x4A0] =	vst v2  }
0x55c: {  	[tilespmem:s28+$0x520] =	vst v3;
	v2 =	vld [tilespmem:s30+$0x610]  }
0x55d: {  	v3 =	vld [tilespmem:s11+$0x620];
	[tilespmem:s28+$0x5A0] =	vst v4  }
0x55e: {  	v4 =	vld [tilespmem:s10+$0x620];
	[tilespmem:s28+$0x7E0] =	vst v0  }
0x55f: {  	[tilespmem:s28+$0x620] =	vst v5;
	v0 =	vld [tilespmem:s12+$0x660]  }
0x560: {  	v5 =	vld [tilespmem:s8+$0x620];
	[tilespmem:s28+$0x6A0] =	vst v1  }
0x561: {  	v1 =	vld [tilespmem:s1+$0x620];
	[tilespmem:s28+$0x720] =	vst v2  }
0x562: {  	[tilespmem:s28+$0x430] =	vst v3;
	v2 =	vld [tilespmem:s29+$0x620]  }
0x563: {  	[tilespmem:s28+$0x4B0] =	vst v4;
	v3 =	vld [tilespmem:s30+$0x620]  }
0x564: {  	[tilespmem:s28+$0x7F0] =	vst v0;
	v0 =	vld [tilespmem:s31+$0x620]  }
0x565: {  	v4 =	vld [tilespmem:s11+$0x630];
	[tilespmem:s28+$0x530] =	vst v5  }
0x566: {  	v5 =	vld [tilespmem:s10+$0x630];
	[tilespmem:s28+$0x630] =	vst v1  }
0x567: {  	[tilespmem:s28+$0x6B0] =	vst v2;
	v2 =	vld [tilespmem:s1+$0x630]  }
0x568: {  	[tilespmem:s28+$0x730] =	vst v3;
	v3 =	vld [tilespmem:s29+$0x630]  }
0x569: {  	[tilespmem:s28+$0x5B0] =	vst v0;
	v0 =	vld [tilespmem:s8+$0x630]  }
0x56a: {  	[tilespmem:s28+$0x440] =	vst v4;
	v4 =	vld [tilespmem:s30+$0x630]  }
0x56b: {  	[tilespmem:s28+$0x4C0] =	vst v5;
	v1 =	vld [tilespmem:s31+$0x630]  }
0x56c: {  	v5 =	vld [tilespmem:s11+$0x640];
	[tilespmem:s28+$0x640] =	vst v2  }
0x56d: {  	[tilespmem:s28+$0x6C0] =	vst v3;
	v3 =	vld [tilespmem:s1+$0x640]  }
0x56e: {  	[tilespmem:s28+$0x540] =	vst v0;
	v0 =	vld [tilespmem:s10+$0x640]  }
0x56f: {  	[tilespmem:s28+$0x740] =	vst v4;
	v4 =	vld [tilespmem:s29+$0x640]  }
0x570: {  	[tilespmem:s28+$0x5C0] =	vst v1;
	v1 =	vld [tilespmem:s8+$0x640]  }
0x571: {  	[tilespmem:s28+$0x450] =	vst v5;
	v2 =	vld [tilespmem:s31+$0x640]  }
0x572: {  	v5 =	vld [tilespmem:s11+$0x650];
	[tilespmem:s28+$0x650] =	vst v3  }
0x573: {  	[tilespmem:s28+$0x4D0] =	vst v0;
	v0 =	vld [tilespmem:s30+$0x640]  }
0x574: {  	[tilespmem:s28+$0x6D0] =	vst v4;
	v7 =	vld [tilespmem:s1+$0x650]  }
0x575: {  	[tilespmem:s28+$0x550] =	vst v1;
	v1 =	vld [tilespmem:s10+$0x650]  }
0x576: {  	[tilespmem:s28+$0x5D0] =	vst v2;
	v2 =	vld [tilespmem:s8+$0x650]  }
0x577: {  	[tilespmem:s28+$0x460] =	vst v5;
	v6 =	vld [tilespmem:s31+$0x650]  }
0x578: {  	v5 =	vld [tilespmem:s29+$0x650];
	[tilespmem:s28+$0x750] =	vst v0  }
0x579: {  	[tilespmem:s28+$0x660] =	vst v7;
	v4 =	vld [tilespmem:s30+$0x650]  }
0x57a: {  	v3 =	vld [tilespmem:s11+$0x660];
	[tilespmem:s28+$0x4E0] =	vst v1  }
0x57b: {  	[tilespmem:s28+$0x560] =	vst v2;
	v1 =	vld [tilespmem:s10+$0x660]  }
0x57c: {  	[tilespmem:s28+$0x5E0] =	vst v6;
	v0 =	vld [tilespmem:s8+$0x660]  }
0x57d: {  	s0 =	sadd.s32 s5, s0;
	s13 =	simm.s32 $0x0;
	s15 =	simm.s32 $0xC;
	[tilespmem:s28+$0x6E0] =	vst v5;
	v2 =	vld [tilespmem:s31+$0x660]  }
.LBB2_16:
0x57e: {  	s12 =	sld [smem:s15+$0x3];
	s13 =	sadd.s32 $0x8, s13;
	v5 =	vld [tilespmem:s1+$0x660];
	[tilespmem:s28+$0x760] =	vst v4  }
0x57f: {  	s3 =	sld [smem:s15+$0xFFFFFFFD];
	p0 =	slt.u32 s13, $0x48;
	[tilespmem:s28+$0x470] =	vst v3;
	v3 =	vld [tilespmem:s29+$0x660]  }
0x580: {  	s8 =	sld [smem:s15+$0xFFFFFFFE];
	[tilespmem:s28+$0x4F0] =	vst v1;
	v1 =	vld [tilespmem:s30+$0x660]  }
0x581: {  	s10 =	sld [smem:s15+$0xFFFFFFFF];
	v4 =	vld [tilespmem:s12+$0x570];
	[tilespmem:s28+$0x570] =	vst v0  }
0x582: {  	v0 =	vld [tilespmem:s3+$0x570];
	s1 =	sld [smem:s15+$0x0];
	[tilespmem:s28+$0x5F0] =	vst v2  }
0x583: {  	v2 =	vld [tilespmem:s8+$0x570];
	s29 =	sld [smem:s15+$0x1];
	[tilespmem:s28+$0x670] =	vst v5  }
0x584: {  	v5 =	vld [tilespmem:s10+$0x570];
	s30 =	sld [smem:s15+$0x2];
	[tilespmem:s28+$0x6F0] =	vst v3  }
0x585: {  	s11 =	sld [smem:s15+$0xFFFFFFFC];
	v3 =	vld [tilespmem:s1+$0x570];
	[tilespmem:s28+$0x770] =	vst v1;
	s28 =	sadd.s32 $0x800, s28  }
0x586: {  	v1 =	vld [tilespmem:s29+$0x570];
	[tilespmem:s28+$0x380] =	vst v4  }
0x587: {  	[tilespmem:s28+$0x80] =	vst v0;
	v0 =	vld [tilespmem:s12+$0x580]  }
0x588: {  	v4 =	vld [tilespmem:s11+$0x570];
	[tilespmem:s28+$0x100] =	vst v2  }
0x589: {  	[tilespmem:s28+$0x180] =	vst v5;
	v2 =	vld [tilespmem:s30+$0x570]  }
0x58a: {  	v5 =	vld [tilespmem:s3+$0x580];
	[tilespmem:s28+$0x200] =	vst v3  }
0x58b: {  	v3 =	vld [tilespmem:s8+$0x580];
	[tilespmem:s28+$0x280] =	vst v1  }
0x58c: {  	v1 =	vld [tilespmem:s10+$0x580];
	[tilespmem:s28+$0x390] =	vst v0  }
0x58d: {  	[tilespmem:s28+$0x0] =	vst v4;
	v0 =	vld [tilespmem:s12+$0x590]  }
0x58e: {  	v4 =	vld [tilespmem:s11+$0x580];
	[tilespmem:s28+$0x300] =	vst v2  }
0x58f: {  	[tilespmem:s28+$0x90] =	vst v5;
	v2 =	vld [tilespmem:s1+$0x580]  }
0x590: {  	[tilespmem:s28+$0x110] =	vst v3;
	v3 =	vld [tilespmem:s29+$0x580]  }
0x591: {  	[tilespmem:s28+$0x190] =	vst v1;
	v1 =	vld [tilespmem:s30+$0x580]  }
0x592: {  	v5 =	vld [tilespmem:s3+$0x590];
	[tilespmem:s28+$0x3A0] =	vst v0  }
0x593: {  	[tilespmem:s28+$0x10] =	vst v4;
	v0 =	vld [tilespmem:s12+$0x5A0]  }
0x594: {  	v4 =	vld [tilespmem:s11+$0x590];
	[tilespmem:s28+$0x210] =	vst v2  }
0x595: {  	v2 =	vld [tilespmem:s8+$0x590];
	[tilespmem:s28+$0x290] =	vst v3  }
0x596: {  	v3 =	vld [tilespmem:s10+$0x590];
	[tilespmem:s28+$0x310] =	vst v1  }
0x597: {  	[tilespmem:s28+$0xA0] =	vst v5;
	v1 =	vld [tilespmem:s1+$0x590]  }
0x598: {  	v5 =	vld [tilespmem:s29+$0x590];
	[tilespmem:s28+$0x3B0] =	vst v0  }
0x599: {  	[tilespmem:s28+$0x20] =	vst v4;
	v0 =	vld [tilespmem:s12+$0x5B0]  }
0x59a: {  	[tilespmem:s28+$0x120] =	vst v2;
	v2 =	vld [tilespmem:s30+$0x590]  }
0x59b: {  	v4 =	vld [tilespmem:s11+$0x5A0];
	[tilespmem:s28+$0x1A0] =	vst v3  }
0x59c: {  	v3 =	vld [tilespmem:s3+$0x5A0];
	[tilespmem:s28+$0x220] =	vst v1  }
0x59d: {  	v1 =	vld [tilespmem:s8+$0x5A0];
	[tilespmem:s28+$0x2A0] =	vst v5  }
0x59e: {  	v5 =	vld [tilespmem:s10+$0x5A0];
	[tilespmem:s28+$0x3C0] =	vst v0  }
0x59f: {  	[tilespmem:s28+$0x320] =	vst v2;
	v0 =	vld [tilespmem:s12+$0x5C0]  }
0x5a0: {  	[tilespmem:s28+$0x30] =	vst v4;
	v2 =	vld [tilespmem:s1+$0x5A0]  }
0x5a1: {  	[tilespmem:s28+$0xB0] =	vst v3;
	v3 =	vld [tilespmem:s29+$0x5A0]  }
0x5a2: {  	[tilespmem:s28+$0x130] =	vst v1;
	v1 =	vld [tilespmem:s30+$0x5A0]  }
0x5a3: {  	v4 =	vld [tilespmem:s11+$0x5B0];
	[tilespmem:s28+$0x1B0] =	vst v5  }
0x5a4: {  	v5 =	vld [tilespmem:s3+$0x5B0];
	[tilespmem:s28+$0x3D0] =	vst v0  }
0x5a5: {  	[tilespmem:s28+$0x230] =	vst v2;
	v0 =	vld [tilespmem:s12+$0x5D0]  }
0x5a6: {  	v2 =	vld [tilespmem:s8+$0x5B0];
	[tilespmem:s28+$0x2B0] =	vst v3  }
0x5a7: {  	v3 =	vld [tilespmem:s10+$0x5B0];
	[tilespmem:s28+$0x330] =	vst v1  }
0x5a8: {  	[tilespmem:s28+$0x40] =	vst v4;
	v1 =	vld [tilespmem:s1+$0x5B0]  }
0x5a9: {  	[tilespmem:s28+$0xC0] =	vst v5;
	v4 =	vld [tilespmem:s29+$0x5B0]  }
0x5aa: {  	v5 =	vld [tilespmem:s30+$0x5B0];
	[tilespmem:s28+$0x3E0] =	vst v0  }
0x5ab: {  	[tilespmem:s28+$0x140] =	vst v2;
	v0 =	vld [tilespmem:s12+$0x5E0]  }
0x5ac: {  	v2 =	vld [tilespmem:s11+$0x5C0];
	[tilespmem:s28+$0x1C0] =	vst v3  }
0x5ad: {  	v3 =	vld [tilespmem:s3+$0x5C0];
	[tilespmem:s28+$0x240] =	vst v1  }
0x5ae: {  	v1 =	vld [tilespmem:s8+$0x5C0];
	[tilespmem:s28+$0x2C0] =	vst v4  }
0x5af: {  	v4 =	vld [tilespmem:s10+$0x5C0];
	[tilespmem:s28+$0x340] =	vst v5  }
0x5b0: {  	v5 =	vld [tilespmem:s1+$0x5C0];
	[tilespmem:s28+$0x3F0] =	vst v0  }
0x5b1: {  	[tilespmem:s28+$0x50] =	vst v2;
	v0 =	vld [tilespmem:s12+$0x5F0]  }
0x5b2: {  	[tilespmem:s28+$0xD0] =	vst v3;
	v2 =	vld [tilespmem:s29+$0x5C0]  }
0x5b3: {  	[tilespmem:s28+$0x150] =	vst v1;
	v1 =	vld [tilespmem:s30+$0x5C0]  }
0x5b4: {  	v3 =	vld [tilespmem:s11+$0x5D0];
	[tilespmem:s28+$0x1D0] =	vst v4  }
0x5b5: {  	v4 =	vld [tilespmem:s3+$0x5D0];
	[tilespmem:s28+$0x250] =	vst v5  }
0x5b6: {  	v5 =	vld [tilespmem:s8+$0x5D0];
	[tilespmem:s28+$0x780] =	vst v0  }
0x5b7: {  	[tilespmem:s28+$0x2D0] =	vst v2;
	v0 =	vld [tilespmem:s12+$0x600]  }
0x5b8: {  	v2 =	vld [tilespmem:s10+$0x5D0];
	[tilespmem:s28+$0x350] =	vst v1  }
0x5b9: {  	[tilespmem:s28+$0x60] =	vst v3;
	v1 =	vld [tilespmem:s1+$0x5D0]  }
0x5ba: {  	[tilespmem:s28+$0xE0] =	vst v4;
	v3 =	vld [tilespmem:s29+$0x5D0]  }
0x5bb: {  	[tilespmem:s28+$0x160] =	vst v5;
	v4 =	vld [tilespmem:s30+$0x5D0]  }
0x5bc: {  	v5 =	vld [tilespmem:s11+$0x5E0];
	[tilespmem:s28+$0x790] =	vst v0  }
0x5bd: {  	[tilespmem:s28+$0x1E0] =	vst v2;
	v0 =	vld [tilespmem:s12+$0x610]  }
0x5be: {  	v2 =	vld [tilespmem:s3+$0x5E0];
	[tilespmem:s28+$0x260] =	vst v1  }
0x5bf: {  	v1 =	vld [tilespmem:s8+$0x5E0];
	[tilespmem:s28+$0x2E0] =	vst v3  }
0x5c0: {  	v3 =	vld [tilespmem:s10+$0x5E0];
	[tilespmem:s28+$0x360] =	vst v4  }
0x5c1: {  	[tilespmem:s28+$0x70] =	vst v5;
	v4 =	vld [tilespmem:s1+$0x5E0]  }
0x5c2: {  	v5 =	vld [tilespmem:s29+$0x5E0];
	[tilespmem:s28+$0x7A0] =	vst v0  }
0x5c3: {  	[tilespmem:s28+$0xF0] =	vst v2;
	v0 =	vld [tilespmem:s12+$0x620]  }
0x5c4: {  	[tilespmem:s28+$0x170] =	vst v1;
	v1 =	vld [tilespmem:s30+$0x5E0]  }
0x5c5: {  	v2 =	vld [tilespmem:s11+$0x5F0];
	[tilespmem:s28+$0x1F0] =	vst v3  }
0x5c6: {  	v3 =	vld [tilespmem:s3+$0x5F0];
	[tilespmem:s28+$0x270] =	vst v4  }
0x5c7: {  	v4 =	vld [tilespmem:s8+$0x5F0];
	[tilespmem:s28+$0x2F0] =	vst v5  }
0x5c8: {  	v5 =	vld [tilespmem:s10+$0x5F0];
	[tilespmem:s28+$0x7B0] =	vst v0  }
0x5c9: {  	[tilespmem:s28+$0x370] =	vst v1;
	v0 =	vld [tilespmem:s12+$0x630]  }
0x5ca: {  	[tilespmem:s28+$0x400] =	vst v2;
	v1 =	vld [tilespmem:s1+$0x5F0]  }
0x5cb: {  	[tilespmem:s28+$0x480] =	vst v3;
	v2 =	vld [tilespmem:s29+$0x5F0]  }
0x5cc: {  	[tilespmem:s28+$0x500] =	vst v4;
	v3 =	vld [tilespmem:s30+$0x5F0]  }
0x5cd: {  	v4 =	vld [tilespmem:s11+$0x600];
	[tilespmem:s28+$0x580] =	vst v5  }
0x5ce: {  	v5 =	vld [tilespmem:s3+$0x600];
	[tilespmem:s28+$0x7C0] =	vst v0  }
0x5cf: {  	[tilespmem:s28+$0x600] =	vst v1;
	v0 =	vld [tilespmem:s12+$0x640]  }
0x5d0: {  	v1 =	vld [tilespmem:s8+$0x600];
	[tilespmem:s28+$0x680] =	vst v2  }
0x5d1: {  	v2 =	vld [tilespmem:s10+$0x600];
	[tilespmem:s28+$0x700] =	vst v3  }
0x5d2: {  	[tilespmem:s28+$0x410] =	vst v4;
	v3 =	vld [tilespmem:s1+$0x600]  }
0x5d3: {  	[tilespmem:s28+$0x490] =	vst v5;
	v4 =	vld [tilespmem:s29+$0x600]  }
0x5d4: {  	v5 =	vld [tilespmem:s30+$0x600];
	[tilespmem:s28+$0x7D0] =	vst v0  }
0x5d5: {  	[tilespmem:s28+$0x510] =	vst v1;
	v0 =	vld [tilespmem:s12+$0x650]  }
0x5d6: {  	v1 =	vld [tilespmem:s11+$0x610];
	[tilespmem:s28+$0x590] =	vst v2  }
0x5d7: {  	v2 =	vld [tilespmem:s3+$0x610];
	[tilespmem:s28+$0x610] =	vst v3  }
0x5d8: {  	v3 =	vld [tilespmem:s8+$0x610];
	[tilespmem:s28+$0x690] =	vst v4  }
0x5d9: {  	v4 =	vld [tilespmem:s10+$0x610];
	[tilespmem:s28+$0x710] =	vst v5  }
0x5da: {  	v5 =	vld [tilespmem:s1+$0x610];
	[tilespmem:s28+$0x7E0] =	vst v0  }
0x5db: {  	[tilespmem:s28+$0x420] =	vst v1;
	v0 =	vld [tilespmem:s12+$0x660]  }
0x5dc: {  	[tilespmem:s28+$0x4A0] =	vst v2;
	v1 =	vld [tilespmem:s29+$0x610]  }
0x5dd: {  	[tilespmem:s28+$0x520] =	vst v3;
	v2 =	vld [tilespmem:s30+$0x610]  }
0x5de: {  	v3 =	vld [tilespmem:s11+$0x620];
	[tilespmem:s28+$0x5A0] =	vst v4  }
0x5df: {  	v4 =	vld [tilespmem:s3+$0x620];
	[tilespmem:s28+$0x620] =	vst v5  }
0x5e0: {  	v5 =	vld [tilespmem:s8+$0x620];
	[tilespmem:s28+$0x7F0] =	vst v0  }
0x5e1: {  	v0 =	vld [tilespmem:s10+$0x620];
	[tilespmem:s28+$0x6A0] =	vst v1  }
0x5e2: {  	v1 =	vld [tilespmem:s1+$0x620];
	[tilespmem:s28+$0x720] =	vst v2  }
0x5e3: {  	[tilespmem:s28+$0x430] =	vst v3;
	v2 =	vld [tilespmem:s29+$0x620]  }
0x5e4: {  	[tilespmem:s28+$0x4B0] =	vst v4;
	v3 =	vld [tilespmem:s30+$0x620]  }
0x5e5: {  	v4 =	vld [tilespmem:s11+$0x630];
	[tilespmem:s28+$0x530] =	vst v5  }
0x5e6: {  	v5 =	vld [tilespmem:s3+$0x630];
	[tilespmem:s28+$0x5B0] =	vst v0  }
0x5e7: {  	v0 =	vld [tilespmem:s8+$0x630];
	[tilespmem:s28+$0x630] =	vst v1  }
0x5e8: {  	v1 =	vld [tilespmem:s10+$0x630];
	[tilespmem:s28+$0x6B0] =	vst v2  }
0x5e9: {  	v2 =	vld [tilespmem:s1+$0x630];
	[tilespmem:s28+$0x730] =	vst v3  }
0x5ea: {  	[tilespmem:s28+$0x440] =	vst v4;
	v3 =	vld [tilespmem:s29+$0x630]  }
0x5eb: {  	[tilespmem:s28+$0x4C0] =	vst v5;
	v4 =	vld [tilespmem:s30+$0x630]  }
0x5ec: {  	v5 =	vld [tilespmem:s11+$0x640];
	[tilespmem:s28+$0x540] =	vst v0  }
0x5ed: {  	v0 =	vld [tilespmem:s3+$0x640];
	[tilespmem:s28+$0x5C0] =	vst v1  }
0x5ee: {  	v1 =	vld [tilespmem:s8+$0x640];
	[tilespmem:s28+$0x640] =	vst v2  }
0x5ef: {  	v2 =	vld [tilespmem:s10+$0x640];
	[tilespmem:s28+$0x6C0] =	vst v3  }
0x5f0: {  	v3 =	vld [tilespmem:s1+$0x640];
	[tilespmem:s28+$0x740] =	vst v4  }
0x5f1: {  	[tilespmem:s28+$0x450] =	vst v5;
	v4 =	vld [tilespmem:s29+$0x640]  }
0x5f2: {  	[tilespmem:s28+$0x4D0] =	vst v0;
	v0 =	vld [tilespmem:s30+$0x640]  }
0x5f3: {  	v5 =	vld [tilespmem:s11+$0x650];
	[tilespmem:s28+$0x550] =	vst v1  }
0x5f4: {  	v1 =	vld [tilespmem:s3+$0x650];
	[tilespmem:s28+$0x5D0] =	vst v2  }
0x5f5: {  	v2 =	vld [tilespmem:s8+$0x650];
	[tilespmem:s28+$0x650] =	vst v3  }
0x5f6: {  	v6 =	vld [tilespmem:s10+$0x650];
	[tilespmem:s28+$0x6D0] =	vst v4  }
0x5f7: {  	v7 =	vld [tilespmem:s1+$0x650];
	[tilespmem:s28+$0x750] =	vst v0  }
0x5f8: {  	[tilespmem:s28+$0x460] =	vst v5;
	v5 =	vld [tilespmem:s29+$0x650]  }
.Ltmp11:
0x5f9: {  	[tilespmem:s28+$0x4E0] =	vst v1;
	v4 =	vld [tilespmem:s30+$0x650];
	(pc) =	sbr.rel @p0 .LBB2_16-.Ltmp11, $4  }
0x5fa: {  	v3 =	vld [tilespmem:s11+$0x660];
	[tilespmem:s28+$0x560] =	vst v2  }
0x5fb: {  	v1 =	vld [tilespmem:s3+$0x660];
	[tilespmem:s28+$0x5E0] =	vst v6  }
0x5fc: {  	v0 =	vld [tilespmem:s8+$0x660];
	[tilespmem:s28+$0x660] =	vst v7  }
0x5fd: {  	s15 =	sadd.s32 $0x8, s15;
	v2 =	vld [tilespmem:s10+$0x660];
	[tilespmem:s28+$0x6E0] =	vst v5  }
0x5fe: {  	v5 =	vld [tilespmem:s1+$0x660];
	[tilespmem:s28+$0x760] =	vst v4  }
0x5ff: {  	v62 =	vld [tilespmem:s29+$0x660];
	[tilespmem:s28+$0x470] =	vst v3  }
0x600: {  	v63 =	vld [tilespmem:s30+$0x660];
	[tilespmem:s28+$0x4F0] =	vst v1  }
0x601: {  	[tilespmem:s28+$0x570] =	vst v0  }
.Ltmp12:
0x602: {  	[tilespmem:s28+$0x5F0] =	vst v2;
	(pc) =	sbr.rel .LBB2_18-.Ltmp12, $4  }
0x603: {  	s0 =	smul.u32 $0xA00, s0;
	[tilespmem:s28+$0x670] =	vst v5  }
0x604: {  	[tilespmem:s28+$0x6F0] =	vst v62  }
0x605: {  	s0 =	sadd.s32 s2, s0;
	[tilespmem:s28+$0x770] =	vst v63  }
0x606: {  	[hbm4b:s0+s4] =	stream.linear.scatter [tilespmem:s20], [sflag:$0x5], $0x5000, $0x38;
	[tilespmem:$0x1B470] =	vst v63  }
.LBB2_20:
0x607: {  	_ =	sfence.sel $0x180000  }
0x608: {  	[bflag:$0x0] =	sbarrier.arrive $0xFFFF  }
0x609: {  	_ =	strace $0x90000047  }
0x60a: {  	s0 =	stileid.u32;
	[bflag:$0x2] =	sbarrier.arrive $0xFFFF  }
0x60b: {  	p0 =	sne.s32 s0, $0x0;
	s0 =	rddreg [dreg:$0x3]  }
0x60c: {  	s0 =	sadd.s32 @!p0 $0x100000, s0  }
0x60d: {  	[sflag:s0] =	ssyncadd.tile.s32 @!p0 $0x1;
	_ =	shalt  }
.Lfunc_end2:
_tile_overlayer_lowered:
.L_overlay_start_2:
0x60e: {  	(tag) =	ssettag $0x2  }
0x60f: {  	s0 =	rddreg [dreg:$0x0];
	s2 =	stileid.u32  }
0x610: {  	s1 =	rddreg [dreg:$0x1];
	p0 =	sne.s32 s2, $0x0  }
0x611: {  	s3 =	rddreg [dreg:$0x2];
	[bflag:$0x3] =	sbarrier.arrive $0xFFFF;
	s2 =	simm.s32 @!p0 $0x1C06  }
0x612: {  	[timem:s3], [sflag:s2] =	dma.local @!p0 [hbm:s0], s1  }
0x613: {  	s0 =	simm.s32 @!p0 $0x6  }
0x614: {  	_ =	swait.ge @!p0 [sflag:s0], s1  }
0x615: {  	s1 =	ssub.s32 @!p0 $0x0, s1;
	[sflag:s0] =	ssyncset.done @!p0 $0x0  }
0x616: {  	[sflag:s0] =	ssyncadd.s32 @!p0 s1  }
0x617: {  	[bflag:$0x3] =	sbarrier.arrive $0xFFFF  }
0x618: {  	_ =	shalt  }

</sc_bundles>
